<compile_context>
chip_gen: v7x
topology: tpu7x:2x2x1
jax: 0.10.2.dev20260603
libtpu: 0.0.44.dev20260713+nightly
codegen_flags: <defaults>
</compile_context>

<pallas_src>
import functools

import jax
import jax.numpy as jnp
from jax import lax
from jax.experimental import pallas as pl
from jax.experimental.pallas import tpu as pltpu
from jax.experimental.pallas import tpu_sc as plsc

_N = 10000
_D = 128
_H = 128
_G = 8
_GROUP = _N // _G
_GSTRIDE = 1264
_ACC_ROWS = _G * _GSTRIDE
_BLK = 64
_ROWS_PER_TILE = _ACC_ROWS // 16


def _proj_body(x_ref, wl_ref, bl_ref, wr_ref, br_ref, xl_ref, xr_ref):
    xv = x_ref[...]
    xl_ref[...] = jnp.dot(xv, wl_ref[...],
                          preferred_element_type=jnp.float32) + bl_ref[...]
    xr_ref[...] = jnp.dot(xv, wr_ref[...],
                          preferred_element_type=jnp.float32) + br_ref[...]


def _project(x, W_l, b_l, W_r, b_r):
    rb = _N // 10
    return pl.pallas_call(
        _proj_body,
        grid=(10,),
        in_specs=[
            pl.BlockSpec((rb, _D), lambda i: (i, 0)),
            pl.BlockSpec((_D, _H), lambda i: (0, 0)),
            pl.BlockSpec((1, _H), lambda i: (0, 0)),
            pl.BlockSpec((_D, _H), lambda i: (0, 0)),
            pl.BlockSpec((1, _H), lambda i: (0, 0)),
        ],
        out_specs=[
            pl.BlockSpec((rb, _H), lambda i: (i, 0)),
            pl.BlockSpec((rb, _H), lambda i: (i, 0)),
        ],
        out_shape=[
            jax.ShapeDtypeStruct((_N, _H), jnp.float32),
            jax.ShapeDtypeStruct((_N, _H), jnp.float32),
        ],
    )(x, W_l, b_l.reshape(1, _H), W_r, b_r.reshape(1, _H))


def _make_sc_kernel(nblk, ch):
    mesh = plsc.VectorSubcoreMesh(core_axis_name="c", subcore_axis_name="s")

    @functools.partial(
        pl.kernel,
        mesh=mesh,
        out_type=jax.ShapeDtypeStruct((2 * _ACC_ROWS, _H), jnp.float32),
        scratch_types=[
            pltpu.VMEM((2 * _BLK,), jnp.int32),
            pltpu.VMEM((_BLK,), jnp.int32),
            pltpu.VMEM((2 * _BLK,), jnp.int32),
            pltpu.VMEM((_BLK,), jnp.int32),
            pltpu.VMEM((_BLK, _H), jnp.float32),
            pltpu.VMEM((_BLK, _H), jnp.float32),
            pltpu.VMEM((_BLK, _H), jnp.float32),
            pltpu.VMEM((_BLK, _H), jnp.float32),
            pltpu.VMEM((_BLK, _H), jnp.float32),
            pltpu.VMEM((_BLK, _H), jnp.float32),
            pltpu.VMEM((_H,), jnp.float32),
            pltpu.VMEM_SHARED((_ACC_ROWS, _H), jnp.float32),
            pltpu.SemaphoreType.DMA,
            pltpu.SemaphoreType.DMA,
            pltpu.SemaphoreType.DMA,
            pltpu.SemaphoreType.DMA,
        ],
    )
    def gat_edges(xl_hbm, xr_hbm, sd_hbm, dstm_hbm, att_hbm,
                  out_hbm,
                  sda, didxa, sdb, didxb,
                  xlba, xrba, xlbb, xrbb, wrowa, wrowb,
                  attb, acc, sema, semb, ssema, ssemb):
        cid = lax.axis_index("c")
        sid = lax.axis_index("s")

        zro = jnp.zeros((16,), jnp.float32)

        def zrow(r, carry):
            for c in range(_H // 16):
                wrowa[r, pl.ds(c * 16, 16)] = zro
            return carry

        lax.fori_loop(0, _BLK, zrow, 0)
        base = sid * _ROWS_PER_TILE
        nfull = _ROWS_PER_TILE // _BLK
        for j in range(nfull):
            pltpu.sync_copy(wrowa, acc.at[pl.ds(base + j * _BLK, _BLK)])
        rem = _ROWS_PER_TILE - nfull * _BLK
        if rem:
            pltpu.sync_copy(wrowa.at[pl.ds(0, rem)],
                            acc.at[pl.ds(base + nfull * _BLK, rem)])
        plsc.subcore_barrier()

        pltpu.sync_copy(att_hbm, attb)
        att_vecs = [attb[pl.ds(c * 16, 16)] for c in range(8)]
        lanes = lax.iota(jnp.int32, 16)
        ebase = sid * ch

        bufa = (sda, didxa, xlba, xrba, sema, wrowa, ssema)
        bufb = (sdb, didxb, xlbb, xrbb, semb, wrowb, ssemb)

        def start_block(b, buf):
            sd, didx, xlb, xrb, sem = buf[:5]
            off = pl.multiple_of(ebase + b * _BLK, _BLK)
            off2 = pl.multiple_of((ebase + b * _BLK) * 2, 2 * _BLK)
            pltpu.sync_copy(sd_hbm.at[pl.ds(off2, 2 * _BLK)], sd)
            pltpu.sync_copy(dstm_hbm.at[pl.ds(off, _BLK)], didx)
            pltpu.async_copy(xl_hbm.at[sd.at[pl.ds(0, _BLK)]], xlb, sem)
            pltpu.async_copy(xr_hbm.at[sd.at[pl.ds(_BLK, _BLK)]], xrb, sem)

        def wait_block(buf):
            sd, didx, xlb, xrb, sem = buf[:5]
            pltpu.make_async_copy(
                xl_hbm.at[sd.at[pl.ds(0, _BLK)]], xlb, sem).wait()
            pltpu.make_async_copy(
                xr_hbm.at[sd.at[pl.ds(_BLK, _BLK)]], xrb, sem).wait()

        def wait_scatter(buf):
            didx, wrow, ssem = buf[1], buf[5], buf[6]
            pltpu.make_async_copy(wrow, acc.at[didx], ssem).wait()

        def edge_ex(xlb, xrb, e):
            accv = jnp.zeros((16,), jnp.float32)
            xs = []
            for c in range(8):
                xlc = xlb[e, pl.ds(c * 16, 16)]
                xrc = xrb[e, pl.ds(c * 16, 16)]
                xs.append(xlc)
                m = xlc + xrc
                m = jnp.maximum(m, 0.2 * m)
                accv = accv + m * att_vecs[c]
            t = accv
            for k in (8, 4, 2, 1):
                t = t + t.at[lanes ^ k].get(mode="promise_in_bounds")
            return jnp.exp(t), xs

        def compute_block(buf):
            sd, didx, xlb, xrb, sem, wrow, ssem = buf

            @pl.when(cid == 0)
            def _():
                def edge_feat(e2, c2):
                    for u in range(2):
                        e = e2 * 2 + u
                        ex, xs = edge_ex(xlb, xrb, e)
                        for c in range(8):
                            wrow[e, pl.ds(c * 16, 16)] = xs[c] * ex
                    return c2

                lax.fori_loop(0, _BLK // 2, edge_feat, 0)

            @pl.when(cid == 1)
            def _():
                def edge_den(e2, c2):
                    for u in range(2):
                        e = e2 * 2 + u
                        ex, _ = edge_ex(xlb, xrb, e)
                        for c in range(8):
                            wrow[e, pl.ds(c * 16, 16)] = ex
                    return c2

                lax.fori_loop(0, _BLK // 2, edge_den, 0)

            pltpu.async_copy(wrow, acc.at[didx], ssem, add=True)

        start_block(0, bufa)

        def pair_body(p, carry):
            b = p * 2

            @pl.when(p > 0)
            def _():
                wait_scatter(bufb)

            start_block(b + 1, bufb)
            wait_block(bufa)
            compute_block(bufa)
            wait_block(bufb)
            compute_block(bufb)
            wait_scatter(bufa)

            @pl.when(b + 2 < nblk)
            def _():
                start_block(b + 2, bufa)

            return carry

        lax.fori_loop(0, nblk // 2, pair_body, 0)
        wait_scatter(bufb)
        plsc.subcore_barrier()
        obase = cid * _ACC_ROWS + base
        pltpu.sync_copy(acc.at[pl.ds(base, _ROWS_PER_TILE)],
                        out_hbm.at[pl.ds(obase, _ROWS_PER_TILE)])

    return gat_edges


def _head_body(acc_ref, p_ref, bias_ref, wlin_ref, blin_ref,
               wpred_ref, bpred_ref, out_ref):
    num = acc_ref[0, 0][:_GROUP, :]
    den = acc_ref[1, 0][:_GROUP, 0:1]
    out = num / (den + 1e-16) + bias_ref[...]
    h = jnp.maximum(out, 0.001 * out)
    z = jnp.dot(p_ref[0], h, preferred_element_type=jnp.float32)
    z = jnp.dot(z, wlin_ref[...],
                preferred_element_type=jnp.float32) + blin_ref[...]
    z = jnp.maximum(z, 0.01 * z)
    r = jnp.dot(z, wpred_ref[...],
                preferred_element_type=jnp.float32) + bpred_ref[...]
    out_ref[0] = r


def _head(acc2, prototypes, bias, W_lin, b_lin, W_pred, b_pred):
    acc4 = acc2.reshape(2, _G, _GSTRIDE, _H)
    wpred_pad = jnp.zeros((_H // 2, _H), jnp.float32).at[:, :2].set(W_pred)
    bpred_pad = jnp.zeros((1, _H), jnp.float32).at[0, :2].set(b_pred)
    z3 = pl.pallas_call(
        _head_body,
        grid=(_G,),
        in_specs=[
            pl.BlockSpec((2, 1, _GSTRIDE, _H), lambda g: (0, g, 0, 0)),
            pl.BlockSpec((1, 1, _GROUP), lambda g: (g, 0, 0)),
            pl.BlockSpec((1, _H), lambda g: (0, 0)),
            pl.BlockSpec((_H, _H // 2), lambda g: (0, 0)),
            pl.BlockSpec((1, _H // 2), lambda g: (0, 0)),
            pl.BlockSpec((_H // 2, _H), lambda g: (0, 0)),
            pl.BlockSpec((1, _H), lambda g: (0, 0)),
        ],
        out_specs=pl.BlockSpec((1, 1, _H), lambda g: (g, 0, 0)),
        out_shape=jax.ShapeDtypeStruct((_G, 1, _H), jnp.float32),
    )(acc4, prototypes, bias.reshape(1, _H), W_lin,
      b_lin.reshape(1, _H // 2), wpred_pad, bpred_pad)
    return z3[:, 0, :2]


def kernel(x, edge_index, prototypes, W_l, b_l, W_r, b_r, att, bias,
           W_lin, b_lin, W_pred, b_pred):
    e2 = edge_index.shape[1] + _N
    nblk = -(-e2 // (16 * _BLK))
    nblk += nblk % 2
    ch = nblk * _BLK
    ep = 16 * ch
    pad = ep - e2

    loop = jnp.arange(_N, dtype=jnp.int32)
    zpad = jnp.zeros((pad,), jnp.int32)
    src = jnp.concatenate([edge_index[0], loop, zpad])
    dst = jnp.concatenate([edge_index[1], loop])
    dst0f = jnp.concatenate([dst, zpad])
    sd = jnp.concatenate([src.reshape(-1, 1, _BLK),
                          dst0f.reshape(-1, 1, _BLK)], axis=1).reshape(-1)
    dstm = (dst // _GROUP) * _GSTRIDE + dst % _GROUP
    dstm = jnp.concatenate(
        [dstm, jnp.full((pad,), _GROUP, jnp.int32)]).astype(jnp.int32)

    xl, xr = _project(x, W_l, b_l, W_r, b_r)
    acc2 = _make_sc_kernel(nblk, ch)(xl, xr, sd, dstm, att)
    return _head(acc2, prototypes, bias, W_lin, b_lin, W_pred, b_pred)

# --- scband reference (transcript-rebuilt; emitter-appended) ---
"""Pipeline reference for scband-gcn-7387343749683 (READ-ONLY COPY).

The authoritative reference and input builder live on the scoring server;
editing this copy changes nothing except your own understanding.
"""

import jax, jax.numpy as jnp
import numpy as np

N = 10000
E = 320000
D = 128
H = 128
G = 8

def setup_inputs(seed: int = 0) -> dict:
    key = jax.random.key(seed)
    ks = jax.random.split(key, 12)
    x = jax.random.normal(ks[0], (N, D), dtype=jnp.float32)
    edge_index = jax.random.randint(ks[1], (2, E), 0, N, dtype=jnp.int32)
    prototypes = jax.random.uniform(ks[2], (G, 1, N // G), dtype=jnp.float32)
    s_in = 1.0 / np.sqrt(D)
    s_h = 1.0 / np.sqrt(H)
    W_l = jax.random.normal(ks[3], (D, H), dtype=jnp.float32) * s_in
    b_l = jnp.zeros((H,), dtype=jnp.float32)
    W_r = jax.random.normal(ks[4], (D, H), dtype=jnp.float32) * s_in
    b_r = jnp.zeros((H,), dtype=jnp.float32)
    att = jax.random.normal(ks[5], (H,), dtype=jnp.float32) * s_h
    bias = jnp.zeros((H,), dtype=jnp.float32)
    W_lin = jax.random.normal(ks[6], (H, H // 2), dtype=jnp.float32) * s_h
    b_lin = jnp.zeros((H // 2,), dtype=jnp.float32)
    W_pred = jax.random.normal(ks[7], (H // 2, 2), dtype=jnp.float32) * (1.0 / np.sqrt(H // 2))
    b_pred = jnp.zeros((2,), dtype=jnp.float32)
    return {"x": x, "edge_index": edge_index, "prototypes": prototypes,
            "W_l": W_l, "b_l": b_l, "W_r": W_r, "b_r": b_r, "att": att, "bias": bias,
            "W_lin": W_lin, "b_lin": b_lin, "W_pred": W_pred, "b_pred": b_pred}

def reference(x, edge_index, prototypes, W_l, b_l, W_r, b_r, att, bias, W_lin, b_lin, W_pred, b_pred):
    # GATv2Conv (heads=1, add_self_loops=True, negative_slope=0.2)
    loop = jnp.arange(N, dtype=edge_index.dtype)
    src = jnp.concatenate([edge_index[0], loop])
    dst = jnp.concatenate([edge_index[1], loop])
    x_l = x @ W_l + b_l
    x_r = x @ W_r + b_r
    m = x_l[src] + x_r[dst]
    m = jnp.where(m > 0, m, 0.2 * m)
    alpha = m @ att
    amax = jax.ops.segment_max(alpha, dst, num_segments=N)
    amax = jnp.where(jnp.isfinite(amax), amax, 0.0)
    ex = jnp.exp(alpha - amax[dst])
    denom = jax.ops.segment_sum(ex, dst, num_segments=N)
    a = ex / (denom[dst] + 1e-16)
    out = jax.ops.segment_sum(x_l[src] * a[:, None], dst, num_segments=N) + bias
    # leaky_relu(x, 0.001)
    h = jnp.where(out > 0, out, 0.001 * out)
    h = h.reshape(G, -1, H)
    z = (prototypes @ h).squeeze(1)  # (G, H)
    z = z @ W_lin + b_lin
    # pred: LeakyReLU(0.01) + Linear
    z = jnp.where(z > 0, z, 0.01 * z)
    return z @ W_pred + b_pred

if __name__ == "__main__":
    import jax
    _d = setup_inputs()
    print(jax.jit(kernel)(*tuple(_d.values())))

</pallas_src>

<mosaic_0001>
#map = affine_map<(d0, d1) -> (0, 0)>
#map1 = affine_map<(d0, d1) -> (0)>
module attributes {stable_mosaic.version = 14 : i64} {
  func.func @gat_edges(%arg0: i32, %arg1: i32, %arg2: memref<10000x128xf32, #tpu.memory_space<hbm>>, %arg3: memref<10000x128xf32, #tpu.memory_space<hbm>>, %arg4: memref<663552xi32, #tpu.memory_space<hbm>>, %arg5: memref<331776xi32, #tpu.memory_space<hbm>>, %arg6: memref<128xf32, #tpu.memory_space<hbm>>, %arg7: memref<20224x128xf32, #tpu.memory_space<hbm>>, %arg8: memref<128xi32, #tpu.memory_space<vmem>>, %arg9: memref<64xi32, #tpu.memory_space<vmem>>, %arg10: memref<128xi32, #tpu.memory_space<vmem>>, %arg11: memref<64xi32, #tpu.memory_space<vmem>>, %arg12: memref<64x128xf32, #tpu.memory_space<vmem>>, %arg13: memref<64x128xf32, #tpu.memory_space<vmem>>, %arg14: memref<64x128xf32, #tpu.memory_space<vmem>>, %arg15: memref<64x128xf32, #tpu.memory_space<vmem>>, %arg16: memref<64x128xf32, #tpu.memory_space<vmem>>, %arg17: memref<64x128xf32, #tpu.memory_space<vmem>>, %arg18: memref<128xf32, #tpu.memory_space<vmem>>, %arg19: memref<10112x128xf32, #tpu.memory_space<vmem_shared>>, %arg20: memref<!tpu.dma_semaphore, #tpu.memory_space<semaphore_mem>>, %arg21: memref<!tpu.dma_semaphore, #tpu.memory_space<semaphore_mem>>, %arg22: memref<!tpu.dma_semaphore, #tpu.memory_space<semaphore_mem>>, %arg23: memref<!tpu.dma_semaphore, #tpu.memory_space<semaphore_mem>>) attributes {dimension_semantics = [#tpu.dimension_semantics<core_parallel>, #tpu.dimension_semantics<subcore_parallel>], iteration_bounds = array<i64: 2, 16>, scalar_prefetch = 0 : i64, scratch_operands = 16 : i64, tpu.core_type = #tpu.core_type<sc_vector_subcore>, window_params = [{transform_indices = #map}, {transform_indices = #map}, {transform_indices = #map1}, {transform_indices = #map1}, {transform_indices = #map1}, {transform_indices = #map}]} {
    %broadcast_in_dim3A = arith.constant 0.000000e+00 : f32
    %broadcast_in_dim3A_0 = vector.broadcast %broadcast_in_dim3A : f32 to vector<16xf32>
    %scan3A = arith.constant 0 : i32
    %scan3A_1 = arith.constant 0 : i32
    %scan3A_2 = arith.constant 64 : i32
    %scan3A_3 = arith.addi %scan3A_1, %scan3A_2 : i32
    %scan3A_4 = arith.constant 1 : i32
    scf.for %scan3A_79 = %scan3A_1 to %scan3A_3 step %scan3A_4  : i32 {
      %swap3A = arith.index_cast %scan3A_79 : i32 to index
      %swap3A_80 = arith.constant 0 : index
      %swap3A_81 = tpu.vector_load %arg16[%swap3A, %swap3A_80] {strides = array<i32>} : memref<64x128xf32, #tpu.memory_space<vmem>>, vector<1x16xf32>,
      %swap3A_82 = vector.shape_cast %swap3A_81 : vector<1x16xf32> to vector<16xf32>
      %swap3A_83 = vector.shape_cast %broadcast_in_dim3A_0 : vector<16xf32> to vector<1x16xf32>
      tpu.vector_store %arg16[%swap3A, %swap3A_80], %swap3A_83 {strides = array<i32>} : memref<64x128xf32, #tpu.memory_space<vmem>>, vector<1x16xf32>,
      %swap3A_84 = arith.index_cast %scan3A_79 : i32 to index
      %swap3A_85 = arith.constant 16 : index
      %swap3A_86 = tpu.vector_load %arg16[%swap3A_84, %swap3A_85] {strides = array<i32>} : memref<64x128xf32, #tpu.memory_space<vmem>>, vector<1x16xf32>,
      %swap3A_87 = vector.shape_cast %swap3A_86 : vector<1x16xf32> to vector<16xf32>
      %swap3A_88 = vector.shape_cast %broadcast_in_dim3A_0 : vector<16xf32> to vector<1x16xf32>
      tpu.vector_store %arg16[%swap3A_84, %swap3A_85], %swap3A_88 {strides = array<i32>} : memref<64x128xf32, #tpu.memory_space<vmem>>, vector<1x16xf32>,
      %swap3A_89 = arith.index_cast %scan3A_79 : i32 to index
      %swap3A_90 = arith.constant 32 : index
      %swap3A_91 = tpu.vector_load %arg16[%swap3A_89, %swap3A_90] {strides = array<i32>} : memref<64x128xf32, #tpu.memory_space<vmem>>, vector<1x16xf32>,
      %swap3A_92 = vector.shape_cast %swap3A_91 : vector<1x16xf32> to vector<16xf32>
      %swap3A_93 = vector.shape_cast %broadcast_in_dim3A_0 : vector<16xf32> to vector<1x16xf32>
      tpu.vector_store %arg16[%swap3A_89, %swap3A_90], %swap3A_93 {strides = array<i32>} : memref<64x128xf32, #tpu.memory_space<vmem>>, vector<1x16xf32>,
      %swap3A_94 = arith.index_cast %scan3A_79 : i32 to index
      %swap3A_95 = arith.constant 48 : index
      %swap3A_96 = tpu.vector_load %arg16[%swap3A_94, %swap3A_95] {strides = array<i32>} : memref<64x128xf32, #tpu.memory_space<vmem>>, vector<1x16xf32>,
      %swap3A_97 = vector.shape_cast %swap3A_96 : vector<1x16xf32> to vector<16xf32>
      %swap3A_98 = vector.shape_cast %broadcast_in_dim3A_0 : vector<16xf32> to vector<1x16xf32>
      tpu.vector_store %arg16[%swap3A_94, %swap3A_95], %swap3A_98 {strides = array<i32>} : memref<64x128xf32, #tpu.memory_space<vmem>>, vector<1x16xf32>,
      %swap3A_99 = arith.index_cast %scan3A_79 : i32 to index
      %swap3A_100 = arith.constant 64 : index
      %swap3A_101 = tpu.vector_load %arg16[%swap3A_99, %swap3A_100] {strides = array<i32>} : memref<64x128xf32, #tpu.memory_space<vmem>>, vector<1x16xf32>,
      %swap3A_102 = vector.shape_cast %swap3A_101 : vector<1x16xf32> to vector<16xf32>
      %swap3A_103 = vector.shape_cast %broadcast_in_dim3A_0 : vector<16xf32> to vector<1x16xf32>
      tpu.vector_store %arg16[%swap3A_99, %swap3A_100], %swap3A_103 {strides = array<i32>} : memref<64x128xf32, #tpu.memory_space<vmem>>, vector<1x16xf32>,
      %swap3A_104 = arith.index_cast %scan3A_79 : i32 to index
      %swap3A_105 = arith.constant 80 : index
      %swap3A_106 = tpu.vector_load %arg16[%swap3A_104, %swap3A_105] {strides = array<i32>} : memref<64x128xf32, #tpu.memory_space<vmem>>, vector<1x16xf32>,
      %swap3A_107 = vector.shape_cast %swap3A_106 : vector<1x16xf32> to vector<16xf32>
      %swap3A_108 = vector.shape_cast %broadcast_in_dim3A_0 : vector<16xf32> to vector<1x16xf32>
      tpu.vector_store %arg16[%swap3A_104, %swap3A_105], %swap3A_108 {strides = array<i32>} : memref<64x128xf32, #tpu.memory_space<vmem>>, vector<1x16xf32>,
      %swap3A_109 = arith.index_cast %scan3A_79 : i32 to index
      %swap3A_110 = arith.constant 96 : index
      %swap3A_111 = tpu.vector_load %arg16[%swap3A_109, %swap3A_110] {strides = array<i32>} : memref<64x128xf32, #tpu.memory_space<vmem>>, vector<1x16xf32>,
      %swap3A_112 = vector.shape_cast %swap3A_111 : vector<1x16xf32> to vector<16xf32>
      %swap3A_113 = vector.shape_cast %broadcast_in_dim3A_0 : vector<16xf32> to vector<1x16xf32>
      tpu.vector_store %arg16[%swap3A_109, %swap3A_110], %swap3A_113 {strides = array<i32>} : memref<64x128xf32, #tpu.memory_space<vmem>>, vector<1x16xf32>,
      %swap3A_114 = arith.index_cast %scan3A_79 : i32 to index
      %swap3A_115 = arith.constant 112 : index
      %swap3A_116 = tpu.vector_load %arg16[%swap3A_114, %swap3A_115] {strides = array<i32>} : memref<64x128xf32, #tpu.memory_space<vmem>>, vector<1x16xf32>,
      %swap3A_117 = vector.shape_cast %swap3A_116 : vector<1x16xf32> to vector<16xf32>
      %swap3A_118 = vector.shape_cast %broadcast_in_dim3A_0 : vector<16xf32> to vector<1x16xf32>
      tpu.vector_store %arg16[%swap3A_114, %swap3A_115], %swap3A_118 {strides = array<i32>} : memref<64x128xf32, #tpu.memory_space<vmem>>, vector<1x16xf32>,
    }
    %scan3A_5 = arith.constant 64 : i32
    %mul3A = arith.constant 632 : i32
    %mul3A_6 = arith.muli %arg1, %mul3A : i32
    %add3A = arith.constant 0 : i32
    %add3A_7 = arith.addi %mul3A_6, %add3A : i32
    "tpu.region"() ({
      %run_scoped3A = tpu.sem_alloc : memref<!tpu.dma_semaphore, #tpu.memory_space<semaphore_mem>>
      %dma_start3A_79 = arith.constant 0 : i32
      %dma_start3A_80 = tpu.memref_slice %arg19[%add3A_7, %dma_start3A_79] : memref<10112x128xf32, #tpu.memory_space<vmem_shared>> -> memref<64x128xf32, #tpu.memory_space<vmem_shared>>
      %dma_start3A_81 = arith.constant 0 : i32
      %dma_start3A_82 = tpu.memref_slice %arg19[%add3A_7, %dma_start3A_81] : memref<10112x128xf32, #tpu.memory_space<vmem_shared>> -> memref<64x128xf32, #tpu.memory_space<vmem_shared>>
      tpu.enqueue_dma source(%arg16 : memref<64x128xf32, #tpu.memory_space<vmem>>) target(%dma_start3A_82 : memref<64x128xf32, #tpu.memory_space<vmem_shared>>) target_semaphore(%run_scoped3A : memref<!tpu.dma_semaphore, #tpu.memory_space<semaphore_mem>>)
      %dma_wait3A_83 = arith.constant 0 : i32
      %dma_wait3A_84 = tpu.memref_slice %arg19[%add3A_7, %dma_wait3A_83] : memref<10112x128xf32, #tpu.memory_space<vmem_shared>> -> memref<64x128xf32, #tpu.memory_space<vmem_shared>>
      %dma_wait3A_85 = arith.constant 0 : i32
      %dma_wait3A_86 = tpu.memref_slice %arg19[%add3A_7, %dma_wait3A_85] : memref<10112x128xf32, #tpu.memory_space<vmem_shared>> -> memref<64x128xf32, #tpu.memory_space<vmem_shared>>
      tpu.wait_dma2 semaphore(%run_scoped3A : memref<!tpu.dma_semaphore, #tpu.memory_space<semaphore_mem>>) src(%arg16 : memref<64x128xf32, #tpu.memory_space<vmem>>) dst(%dma_wait3A_86 : memref<64x128xf32, #tpu.memory_space<vmem_shared>>)
      tpu.yield
    }) : () -> ()
    %add3A_8 = arith.constant 64 : i32
    %add3A_9 = arith.addi %mul3A_6, %add3A_8 : i32
    "tpu.region"() ({
      %run_scoped3A = tpu.sem_alloc : memref<!tpu.dma_semaphore, #tpu.memory_space<semaphore_mem>>
      %dma_start3A_79 = arith.constant 0 : i32
      %dma_start3A_80 = tpu.memref_slice %arg19[%add3A_9, %dma_start3A_79] : memref<10112x128xf32, #tpu.memory_space<vmem_shared>> -> memref<64x128xf32, #tpu.memory_space<vmem_shared>>
      %dma_start3A_81 = arith.constant 0 : i32
      %dma_start3A_82 = tpu.memref_slice %arg19[%add3A_9, %dma_start3A_81] : memref<10112x128xf32, #tpu.memory_space<vmem_shared>> -> memref<64x128xf32, #tpu.memory_space<vmem_shared>>
      tpu.enqueue_dma source(%arg16 : memref<64x128xf32, #tpu.memory_space<vmem>>) target(%dma_start3A_82 : memref<64x128xf32, #tpu.memory_space<vmem_shared>>) target_semaphore(%run_scoped3A : memref<!tpu.dma_semaphore, #tpu.memory_space<semaphore_mem>>)
      %dma_wait3A_83 = arith.constant 0 : i32
      %dma_wait3A_84 = tpu.memref_slice %arg19[%add3A_9, %dma_wait3A_83] : memref<10112x128xf32, #tpu.memory_space<vmem_shared>> -> memref<64x128xf32, #tpu.memory_space<vmem_shared>>
      %dma_wait3A_85 = arith.constant 0 : i32
      %dma_wait3A_86 = tpu.memref_slice %arg19[%add3A_9, %dma_wait3A_85] : memref<10112x128xf32, #tpu.memory_space<vmem_shared>> -> memref<64x128xf32, #tpu.memory_space<vmem_shared>>
      tpu.wait_dma2 semaphore(%run_scoped3A : memref<!tpu.dma_semaphore, #tpu.memory_space<semaphore_mem>>) src(%arg16 : memref<64x128xf32, #tpu.memory_space<vmem>>) dst(%dma_wait3A_86 : memref<64x128xf32, #tpu.memory_space<vmem_shared>>)
      tpu.yield
    }) : () -> ()
    %add3A_10 = arith.constant 128 : i32
    %add3A_11 = arith.addi %mul3A_6, %add3A_10 : i32
    "tpu.region"() ({
      %run_scoped3A = tpu.sem_alloc : memref<!tpu.dma_semaphore, #tpu.memory_space<semaphore_mem>>
      %dma_start3A_79 = arith.constant 0 : i32
      %dma_start3A_80 = tpu.memref_slice %arg19[%add3A_11, %dma_start3A_79] : memref<10112x128xf32, #tpu.memory_space<vmem_shared>> -> memref<64x128xf32, #tpu.memory_space<vmem_shared>>
      %dma_start3A_81 = arith.constant 0 : i32
      %dma_start3A_82 = tpu.memref_slice %arg19[%add3A_11, %dma_start3A_81] : memref<10112x128xf32, #tpu.memory_space<vmem_shared>> -> memref<64x128xf32, #tpu.memory_space<vmem_shared>>
      tpu.enqueue_dma source(%arg16 : memref<64x128xf32, #tpu.memory_space<vmem>>) target(%dma_start3A_82 : memref<64x128xf32, #tpu.memory_space<vmem_shared>>) target_semaphore(%run_scoped3A : memref<!tpu.dma_semaphore, #tpu.memory_space<semaphore_mem>>)
      %dma_wait3A_83 = arith.constant 0 : i32
      %dma_wait3A_84 = tpu.memref_slice %arg19[%add3A_11, %dma_wait3A_83] : memref<10112x128xf32, #tpu.memory_space<vmem_shared>> -> memref<64x128xf32, #tpu.memory_space<vmem_shared>>
      %dma_wait3A_85 = arith.constant 0 : i32
      %dma_wait3A_86 = tpu.memref_slice %arg19[%add3A_11, %dma_wait3A_85] : memref<10112x128xf32, #tpu.memory_space<vmem_shared>> -> memref<64x128xf32, #tpu.memory_space<vmem_shared>>
      tpu.wait_dma2 semaphore(%run_scoped3A : memref<!tpu.dma_semaphore, #tpu.memory_space<semaphore_mem>>) src(%arg16 : memref<64x128xf32, #tpu.memory_space<vmem>>) dst(%dma_wait3A_86 : memref<64x128xf32, #tpu.memory_space<vmem_shared>>)
      tpu.yield
    }) : () -> ()
    %add3A_12 = arith.constant 192 : i32
    %add3A_13 = arith.addi %mul3A_6, %add3A_12 : i32
    "tpu.region"() ({
      %run_scoped3A = tpu.sem_alloc : memref<!tpu.dma_semaphore, #tpu.memory_space<semaphore_mem>>
      %dma_start3A_79 = arith.constant 0 : i32
      %dma_start3A_80 = tpu.memref_slice %arg19[%add3A_13, %dma_start3A_79] : memref<10112x128xf32, #tpu.memory_space<vmem_shared>> -> memref<64x128xf32, #tpu.memory_space<vmem_shared>>
      %dma_start3A_81 = arith.constant 0 : i32
      %dma_start3A_82 = tpu.memref_slice %arg19[%add3A_13, %dma_start3A_81] : memref<10112x128xf32, #tpu.memory_space<vmem_shared>> -> memref<64x128xf32, #tpu.memory_space<vmem_shared>>
      tpu.enqueue_dma source(%arg16 : memref<64x128xf32, #tpu.memory_space<vmem>>) target(%dma_start3A_82 : memref<64x128xf32, #tpu.memory_space<vmem_shared>>) target_semaphore(%run_scoped3A : memref<!tpu.dma_semaphore, #tpu.memory_space<semaphore_mem>>)
      %dma_wait3A_83 = arith.constant 0 : i32
      %dma_wait3A_84 = tpu.memref_slice %arg19[%add3A_13, %dma_wait3A_83] : memref<10112x128xf32, #tpu.memory_space<vmem_shared>> -> memref<64x128xf32, #tpu.memory_space<vmem_shared>>
      %dma_wait3A_85 = arith.constant 0 : i32
      %dma_wait3A_86 = tpu.memref_slice %arg19[%add3A_13, %dma_wait3A_85] : memref<10112x128xf32, #tpu.memory_space<vmem_shared>> -> memref<64x128xf32, #tpu.memory_space<vmem_shared>>
      tpu.wait_dma2 semaphore(%run_scoped3A : memref<!tpu.dma_semaphore, #tpu.memory_space<semaphore_mem>>) src(%arg16 : memref<64x128xf32, #tpu.memory_space<vmem>>) dst(%dma_wait3A_86 : memref<64x128xf32, #tpu.memory_space<vmem_shared>>)
      tpu.yield
    }) : () -> ()
    %add3A_14 = arith.constant 256 : i32
    %add3A_15 = arith.addi %mul3A_6, %add3A_14 : i32
    "tpu.region"() ({
      %run_scoped3A = tpu.sem_alloc : memref<!tpu.dma_semaphore, #tpu.memory_space<semaphore_mem>>
      %dma_start3A_79 = arith.constant 0 : i32
      %dma_start3A_80 = tpu.memref_slice %arg19[%add3A_15, %dma_start3A_79] : memref<10112x128xf32, #tpu.memory_space<vmem_shared>> -> memref<64x128xf32, #tpu.memory_space<vmem_shared>>
      %dma_start3A_81 = arith.constant 0 : i32
      %dma_start3A_82 = tpu.memref_slice %arg19[%add3A_15, %dma_start3A_81] : memref<10112x128xf32, #tpu.memory_space<vmem_shared>> -> memref<64x128xf32, #tpu.memory_space<vmem_shared>>
      tpu.enqueue_dma source(%arg16 : memref<64x128xf32, #tpu.memory_space<vmem>>) target(%dma_start3A_82 : memref<64x128xf32, #tpu.memory_space<vmem_shared>>) target_semaphore(%run_scoped3A : memref<!tpu.dma_semaphore, #tpu.memory_space<semaphore_mem>>)
      %dma_wait3A_83 = arith.constant 0 : i32
      %dma_wait3A_84 = tpu.memref_slice %arg19[%add3A_15, %dma_wait3A_83] : memref<10112x128xf32, #tpu.memory_space<vmem_shared>> -> memref<64x128xf32, #tpu.memory_space<vmem_shared>>
      %dma_wait3A_85 = arith.constant 0 : i32
      %dma_wait3A_86 = tpu.memref_slice %arg19[%add3A_15, %dma_wait3A_85] : memref<10112x128xf32, #tpu.memory_space<vmem_shared>> -> memref<64x128xf32, #tpu.memory_space<vmem_shared>>
      tpu.wait_dma2 semaphore(%run_scoped3A : memref<!tpu.dma_semaphore, #tpu.memory_space<semaphore_mem>>) src(%arg16 : memref<64x128xf32, #tpu.memory_space<vmem>>) dst(%dma_wait3A_86 : memref<64x128xf32, #tpu.memory_space<vmem_shared>>)
      tpu.yield
    }) : () -> ()
    %add3A_16 = arith.constant 320 : i32
    %add3A_17 = arith.addi %mul3A_6, %add3A_16 : i32
    "tpu.region"() ({
      %run_scoped3A = tpu.sem_alloc : memref<!tpu.dma_semaphore, #tpu.memory_space<semaphore_mem>>
      %dma_start3A_79 = arith.constant 0 : i32
      %dma_start3A_80 = tpu.memref_slice %arg19[%add3A_17, %dma_start3A_79] : memref<10112x128xf32, #tpu.memory_space<vmem_shared>> -> memref<64x128xf32, #tpu.memory_space<vmem_shared>>
      %dma_start3A_81 = arith.constant 0 : i32
      %dma_start3A_82 = tpu.memref_slice %arg19[%add3A_17, %dma_start3A_81] : memref<10112x128xf32, #tpu.memory_space<vmem_shared>> -> memref<64x128xf32, #tpu.memory_space<vmem_shared>>
      tpu.enqueue_dma source(%arg16 : memref<64x128xf32, #tpu.memory_space<vmem>>) target(%dma_start3A_82 : memref<64x128xf32, #tpu.memory_space<vmem_shared>>) target_semaphore(%run_scoped3A : memref<!tpu.dma_semaphore, #tpu.memory_space<semaphore_mem>>)
      %dma_wait3A_83 = arith.constant 0 : i32
      %dma_wait3A_84 = tpu.memref_slice %arg19[%add3A_17, %dma_wait3A_83] : memref<10112x128xf32, #tpu.memory_space<vmem_shared>> -> memref<64x128xf32, #tpu.memory_space<vmem_shared>>
      %dma_wait3A_85 = arith.constant 0 : i32
      %dma_wait3A_86 = tpu.memref_slice %arg19[%add3A_17, %dma_wait3A_85] : memref<10112x128xf32, #tpu.memory_space<vmem_shared>> -> memref<64x128xf32, #tpu.memory_space<vmem_shared>>
      tpu.wait_dma2 semaphore(%run_scoped3A : memref<!tpu.dma_semaphore, #tpu.memory_space<semaphore_mem>>) src(%arg16 : memref<64x128xf32, #tpu.memory_space<vmem>>) dst(%dma_wait3A_86 : memref<64x128xf32, #tpu.memory_space<vmem_shared>>)
      tpu.yield
    }) : () -> ()
    %add3A_18 = arith.constant 384 : i32
    %add3A_19 = arith.addi %mul3A_6, %add3A_18 : i32
    "tpu.region"() ({
      %run_scoped3A = tpu.sem_alloc : memref<!tpu.dma_semaphore, #tpu.memory_space<semaphore_mem>>
      %dma_start3A_79 = arith.constant 0 : i32
      %dma_start3A_80 = tpu.memref_slice %arg19[%add3A_19, %dma_start3A_79] : memref<10112x128xf32, #tpu.memory_space<vmem_shared>> -> memref<64x128xf32, #tpu.memory_space<vmem_shared>>
      %dma_start3A_81 = arith.constant 0 : i32
      %dma_start3A_82 = tpu.memref_slice %arg19[%add3A_19, %dma_start3A_81] : memref<10112x128xf32, #tpu.memory_space<vmem_shared>> -> memref<64x128xf32, #tpu.memory_space<vmem_shared>>
      tpu.enqueue_dma source(%arg16 : memref<64x128xf32, #tpu.memory_space<vmem>>) target(%dma_start3A_82 : memref<64x128xf32, #tpu.memory_space<vmem_shared>>) target_semaphore(%run_scoped3A : memref<!tpu.dma_semaphore, #tpu.memory_space<semaphore_mem>>)
      %dma_wait3A_83 = arith.constant 0 : i32
      %dma_wait3A_84 = tpu.memref_slice %arg19[%add3A_19, %dma_wait3A_83] : memref<10112x128xf32, #tpu.memory_space<vmem_shared>> -> memref<64x128xf32, #tpu.memory_space<vmem_shared>>
      %dma_wait3A_85 = arith.constant 0 : i32
      %dma_wait3A_86 = tpu.memref_slice %arg19[%add3A_19, %dma_wait3A_85] : memref<10112x128xf32, #tpu.memory_space<vmem_shared>> -> memref<64x128xf32, #tpu.memory_space<vmem_shared>>
      tpu.wait_dma2 semaphore(%run_scoped3A : memref<!tpu.dma_semaphore, #tpu.memory_space<semaphore_mem>>) src(%arg16 : memref<64x128xf32, #tpu.memory_space<vmem>>) dst(%dma_wait3A_86 : memref<64x128xf32, #tpu.memory_space<vmem_shared>>)
      tpu.yield
    }) : () -> ()
    %add3A_20 = arith.constant 448 : i32
    %add3A_21 = arith.addi %mul3A_6, %add3A_20 : i32
    "tpu.region"() ({
      %run_scoped3A = tpu.sem_alloc : memref<!tpu.dma_semaphore, #tpu.memory_space<semaphore_mem>>
      %dma_start3A_79 = arith.constant 0 : i32
      %dma_start3A_80 = tpu.memref_slice %arg19[%add3A_21, %dma_start3A_79] : memref<10112x128xf32, #tpu.memory_space<vmem_shared>> -> memref<64x128xf32, #tpu.memory_space<vmem_shared>>
      %dma_start3A_81 = arith.constant 0 : i32
      %dma_start3A_82 = tpu.memref_slice %arg19[%add3A_21, %dma_start3A_81] : memref<10112x128xf32, #tpu.memory_space<vmem_shared>> -> memref<64x128xf32, #tpu.memory_space<vmem_shared>>
      tpu.enqueue_dma source(%arg16 : memref<64x128xf32, #tpu.memory_space<vmem>>) target(%dma_start3A_82 : memref<64x128xf32, #tpu.memory_space<vmem_shared>>) target_semaphore(%run_scoped3A : memref<!tpu.dma_semaphore, #tpu.memory_space<semaphore_mem>>)
      %dma_wait3A_83 = arith.constant 0 : i32
      %dma_wait3A_84 = tpu.memref_slice %arg19[%add3A_21, %dma_wait3A_83] : memref<10112x128xf32, #tpu.memory_space<vmem_shared>> -> memref<64x128xf32, #tpu.memory_space<vmem_shared>>
      %dma_wait3A_85 = arith.constant 0 : i32
      %dma_wait3A_86 = tpu.memref_slice %arg19[%add3A_21, %dma_wait3A_85] : memref<10112x128xf32, #tpu.memory_space<vmem_shared>> -> memref<64x128xf32, #tpu.memory_space<vmem_shared>>
      tpu.wait_dma2 semaphore(%run_scoped3A : memref<!tpu.dma_semaphore, #tpu.memory_space<semaphore_mem>>) src(%arg16 : memref<64x128xf32, #tpu.memory_space<vmem>>) dst(%dma_wait3A_86 : memref<64x128xf32, #tpu.memory_space<vmem_shared>>)
      tpu.yield
    }) : () -> ()
    %add3A_22 = arith.constant 512 : i32
    %add3A_23 = arith.addi %mul3A_6, %add3A_22 : i32
    "tpu.region"() ({
      %run_scoped3A = tpu.sem_alloc : memref<!tpu.dma_semaphore, #tpu.memory_space<semaphore_mem>>
      %dma_start3A_79 = arith.constant 0 : i32
      %dma_start3A_80 = tpu.memref_slice %arg19[%add3A_23, %dma_start3A_79] : memref<10112x128xf32, #tpu.memory_space<vmem_shared>> -> memref<64x128xf32, #tpu.memory_space<vmem_shared>>
      %dma_start3A_81 = arith.constant 0 : i32
      %dma_start3A_82 = tpu.memref_slice %arg19[%add3A_23, %dma_start3A_81] : memref<10112x128xf32, #tpu.memory_space<vmem_shared>> -> memref<64x128xf32, #tpu.memory_space<vmem_shared>>
      tpu.enqueue_dma source(%arg16 : memref<64x128xf32, #tpu.memory_space<vmem>>) target(%dma_start3A_82 : memref<64x128xf32, #tpu.memory_space<vmem_shared>>) target_semaphore(%run_scoped3A : memref<!tpu.dma_semaphore, #tpu.memory_space<semaphore_mem>>)
      %dma_wait3A_83 = arith.constant 0 : i32
      %dma_wait3A_84 = tpu.memref_slice %arg19[%add3A_23, %dma_wait3A_83] : memref<10112x128xf32, #tpu.memory_space<vmem_shared>> -> memref<64x128xf32, #tpu.memory_space<vmem_shared>>
      %dma_wait3A_85 = arith.constant 0 : i32
      %dma_wait3A_86 = tpu.memref_slice %arg19[%add3A_23, %dma_wait3A_85] : memref<10112x128xf32, #tpu.memory_space<vmem_shared>> -> memref<64x128xf32, #tpu.memory_space<vmem_shared>>
      tpu.wait_dma2 semaphore(%run_scoped3A : memref<!tpu.dma_semaphore, #tpu.memory_space<semaphore_mem>>) src(%arg16 : memref<64x128xf32, #tpu.memory_space<vmem>>) dst(%dma_wait3A_86 : memref<64x128xf32, #tpu.memory_space<vmem_shared>>)
      tpu.yield
    }) : () -> ()
    %add3A_24 = arith.constant 576 : i32
    %add3A_25 = arith.addi %mul3A_6, %add3A_24 : i32
    "tpu.region"() ({
      %run_scoped3A = tpu.sem_alloc : memref<!tpu.dma_semaphore, #tpu.memory_space<semaphore_mem>>
      %dma_start3A_79 = arith.constant 0 : i32
      %dma_start3A_80 = arith.constant 0 : i32
      %dma_start3A_81 = tpu.memref_slice %arg16[%dma_start3A_79, %dma_start3A_80] : memref<64x128xf32, #tpu.memory_space<vmem>> -> memref<56x128xf32, #tpu.memory_space<vmem>>
      %dma_start3A_82 = arith.constant 0 : i32
      %dma_start3A_83 = tpu.memref_slice %arg19[%add3A_25, %dma_start3A_82] : memref<10112x128xf32, #tpu.memory_space<vmem_shared>> -> memref<56x128xf32, #tpu.memory_space<vmem_shared>>
      %dma_start3A_84 = arith.constant 0 : i32
      %dma_start3A_85 = tpu.memref_slice %arg19[%add3A_25, %dma_start3A_84] : memref<10112x128xf32, #tpu.memory_space<vmem_shared>> -> memref<56x128xf32, #tpu.memory_space<vmem_shared>>
      %dma_start3A_86 = arith.constant 0 : i32
      %dma_start3A_87 = arith.constant 0 : i32
      %dma_start3A_88 = tpu.memref_slice %arg16[%dma_start3A_86, %dma_start3A_87] : memref<64x128xf32, #tpu.memory_space<vmem>> -> memref<56x128xf32, #tpu.memory_space<vmem>>
      tpu.enqueue_dma source(%dma_start3A_88 : memref<56x128xf32, #tpu.memory_space<vmem>>) target(%dma_start3A_85 : memref<56x128xf32, #tpu.memory_space<vmem_shared>>) target_semaphore(%run_scoped3A : memref<!tpu.dma_semaphore, #tpu.memory_space<semaphore_mem>>)
      %dma_wait3A_89 = arith.constant 0 : i32
      %dma_wait3A_90 = arith.constant 0 : i32
      %dma_wait3A_91 = tpu.memref_slice %arg16[%dma_wait3A_89, %dma_wait3A_90] : memref<64x128xf32, #tpu.memory_space<vmem>> -> memref<56x128xf32, #tpu.memory_space<vmem>>
      %dma_wait3A_92 = arith.constant 0 : i32
      %dma_wait3A_93 = tpu.memref_slice %arg19[%add3A_25, %dma_wait3A_92] : memref<10112x128xf32, #tpu.memory_space<vmem_shared>> -> memref<56x128xf32, #tpu.memory_space<vmem_shared>>
      %dma_wait3A_94 = arith.constant 0 : i32
      %dma_wait3A_95 = tpu.memref_slice %arg19[%add3A_25, %dma_wait3A_94] : memref<10112x128xf32, #tpu.memory_space<vmem_shared>> -> memref<56x128xf32, #tpu.memory_space<vmem_shared>>
      %dma_wait3A_96 = arith.constant 0 : i32
      %dma_wait3A_97 = arith.constant 0 : i32
      %dma_wait3A_98 = tpu.memref_slice %arg16[%dma_wait3A_96, %dma_wait3A_97] : memref<64x128xf32, #tpu.memory_space<vmem>> -> memref<56x128xf32, #tpu.memory_space<vmem>>
      tpu.wait_dma2 semaphore(%run_scoped3A : memref<!tpu.dma_semaphore, #tpu.memory_space<semaphore_mem>>) src(%dma_wait3A_98 : memref<56x128xf32, #tpu.memory_space<vmem>>) dst(%dma_wait3A_95 : memref<56x128xf32, #tpu.memory_space<vmem_shared>>)
      tpu.yield
    }) : () -> ()
    %barrier3A = arith.constant 0 : index
    tpu.barrier barrier_id(%barrier3A)
    "tpu.region"() ({
      %run_scoped3A = tpu.sem_alloc : memref<!tpu.dma_semaphore, #tpu.memory_space<semaphore_mem>>
      tpu.enqueue_dma source(%arg6 : memref<128xf32, #tpu.memory_space<hbm>>) target(%arg18 : memref<128xf32, #tpu.memory_space<vmem>>) target_semaphore(%run_scoped3A : memref<!tpu.dma_semaphore, #tpu.memory_space<semaphore_mem>>)
      tpu.wait_dma2 semaphore(%run_scoped3A : memref<!tpu.dma_semaphore, #tpu.memory_space<semaphore_mem>>) src(%arg6 : memref<128xf32, #tpu.memory_space<hbm>>) dst(%arg18 : memref<128xf32, #tpu.memory_space<vmem>>)
      tpu.yield
    }) : () -> ()
    %get3A = arith.constant 0 : index
    %get3A_26 = tpu.vector_load %arg18[%get3A] {strides = array<i32>} : memref<128xf32, #tpu.memory_space<vmem>>, vector<16xf32>,
    %get3A_27 = vector.shape_cast %get3A_26 : vector<16xf32> to vector<16xf32>
    %get3A_28 = arith.constant 16 : index
    %get3A_29 = tpu.vector_load %arg18[%get3A_28] {strides = array<i32>} : memref<128xf32, #tpu.memory_space<vmem>>, vector<16xf32>,
    %get3A_30 = vector.shape_cast %get3A_29 : vector<16xf32> to vector<16xf32>
    %get3A_31 = arith.constant 32 : index
    %get3A_32 = tpu.vector_load %arg18[%get3A_31] {strides = array<i32>} : memref<128xf32, #tpu.memory_space<vmem>>, vector<16xf32>,
    %get3A_33 = vector.shape_cast %get3A_32 : vector<16xf32> to vector<16xf32>
    %get3A_34 = arith.constant 48 : index
    %get3A_35 = tpu.vector_load %arg18[%get3A_34] {strides = array<i32>} : memref<128xf32, #tpu.memory_space<vmem>>, vector<16xf32>,
    %get3A_36 = vector.shape_cast %get3A_35 : vector<16xf32> to vector<16xf32>
    %get3A_37 = arith.constant 64 : index
    %get3A_38 = tpu.vector_load %arg18[%get3A_37] {strides = array<i32>} : memref<128xf32, #tpu.memory_space<vmem>>, vector<16xf32>,
    %get3A_39 = vector.shape_cast %get3A_38 : vector<16xf32> to vector<16xf32>
    %get3A_40 = arith.constant 80 : index
    %get3A_41 = tpu.vector_load %arg18[%get3A_40] {strides = array<i32>} : memref<128xf32, #tpu.memory_space<vmem>>, vector<16xf32>,
    %get3A_42 = vector.shape_cast %get3A_41 : vector<16xf32> to vector<16xf32>
    %get3A_43 = arith.constant 96 : index
    %get3A_44 = tpu.vector_load %arg18[%get3A_43] {strides = array<i32>} : memref<128xf32, #tpu.memory_space<vmem>>, vector<16xf32>,
    %get3A_45 = vector.shape_cast %get3A_44 : vector<16xf32> to vector<16xf32>
    %get3A_46 = arith.constant 112 : index
    %get3A_47 = tpu.vector_load %arg18[%get3A_46] {strides = array<i32>} : memref<128xf32, #tpu.memory_space<vmem>>, vector<16xf32>,
    %get3A_48 = vector.shape_cast %get3A_47 : vector<16xf32> to vector<16xf32>
    %iota3A = tpu.iota {dimensions = array<i32: 0>} : vector<16xi32>
    %mul3A_49 = arith.constant 20736 : i32
    %mul3A_50 = arith.muli %arg1, %mul3A_49 : i32
    %add3A_51 = arith.constant 0 : i32
    %add3A_52 = arith.addi %mul3A_50, %add3A_51 : i32
    %multiple_of3A = tpu.assume_multiple %add3A_52, 64 : i32
    %add3A_53 = arith.constant 0 : i32
    %add3A_54 = arith.addi %mul3A_50, %add3A_53 : i32
    %mul3A_55 = arith.constant 2 : i32
    %mul3A_56 = arith.muli %add3A_54, %mul3A_55 : i32
    %multiple_of3A_57 = tpu.assume_multiple %mul3A_56, 128 : i32
    "tpu.region"() ({
      %run_scoped3A = tpu.sem_alloc : memref<!tpu.dma_semaphore, #tpu.memory_space<semaphore_mem>>
      %dma_start3A_79 = tpu.memref_slice %arg4[%multiple_of3A_57] : memref<663552xi32, #tpu.memory_space<hbm>> -> memref<128xi32, #tpu.memory_space<hbm>>
      %dma_start3A_80 = tpu.memref_slice %arg4[%multiple_of3A_57] : memref<663552xi32, #tpu.memory_space<hbm>> -> memref<128xi32, #tpu.memory_space<hbm>>
      tpu.enqueue_dma source(%dma_start3A_80 : memref<128xi32, #tpu.memory_space<hbm>>) target(%arg8 : memref<128xi32, #tpu.memory_space<vmem>>) target_semaphore(%run_scoped3A : memref<!tpu.dma_semaphore, #tpu.memory_space<semaphore_mem>>)
      %dma_wait3A_81 = tpu.memref_slice %arg4[%multiple_of3A_57] : memref<663552xi32, #tpu.memory_space<hbm>> -> memref<128xi32, #tpu.memory_space<hbm>>
      %dma_wait3A_82 = tpu.memref_slice %arg4[%multiple_of3A_57] : memref<663552xi32, #tpu.memory_space<hbm>> -> memref<128xi32, #tpu.memory_space<hbm>>
      tpu.wait_dma2 semaphore(%run_scoped3A : memref<!tpu.dma_semaphore, #tpu.memory_space<semaphore_mem>>) src(%dma_wait3A_82 : memref<128xi32, #tpu.memory_space<hbm>>) dst(%arg8 : memref<128xi32, #tpu.memory_space<vmem>>)
      tpu.yield
    }) : () -> ()
    "tpu.region"() ({
      %run_scoped3A = tpu.sem_alloc : memref<!tpu.dma_semaphore, #tpu.memory_space<semaphore_mem>>
      %dma_start3A_79 = tpu.memref_slice %arg5[%multiple_of3A] : memref<331776xi32, #tpu.memory_space<hbm>> -> memref<64xi32, #tpu.memory_space<hbm>>
      %dma_start3A_80 = tpu.memref_slice %arg5[%multiple_of3A] : memref<331776xi32, #tpu.memory_space<hbm>> -> memref<64xi32, #tpu.memory_space<hbm>>
      tpu.enqueue_dma source(%dma_start3A_80 : memref<64xi32, #tpu.memory_space<hbm>>) target(%arg9 : memref<64xi32, #tpu.memory_space<vmem>>) target_semaphore(%run_scoped3A : memref<!tpu.dma_semaphore, #tpu.memory_space<semaphore_mem>>)
      %dma_wait3A_81 = tpu.memref_slice %arg5[%multiple_of3A] : memref<331776xi32, #tpu.memory_space<hbm>> -> memref<64xi32, #tpu.memory_space<hbm>>
      %dma_wait3A_82 = tpu.memref_slice %arg5[%multiple_of3A] : memref<331776xi32, #tpu.memory_space<hbm>> -> memref<64xi32, #tpu.memory_space<hbm>>
      tpu.wait_dma2 semaphore(%run_scoped3A : memref<!tpu.dma_semaphore, #tpu.memory_space<semaphore_mem>>) src(%dma_wait3A_82 : memref<64xi32, #tpu.memory_space<hbm>>) dst(%arg9 : memref<64xi32, #tpu.memory_space<vmem>>)
      tpu.yield
    }) : () -> ()
    %dma_start3A = arith.constant 0 : i32
    %dma_start3A_58 = tpu.memref_slice %arg8[%dma_start3A] : memref<128xi32, #tpu.memory_space<vmem>> -> memref<64xi32, #tpu.memory_space<vmem>>
    %dma_start3A_59 = arith.constant 0 : i32
    %dma_start3A_60 = arith.constant 0 : i32
    %dma_start3A_61 = tpu.memref_slice %arg2[%dma_start3A_59, %dma_start3A_60] : memref<10000x128xf32, #tpu.memory_space<hbm>> -> memref<10000x128xf32, #tpu.memory_space<hbm>>
    tpu.enqueue_indirect_dma source(%dma_start3A_61 : memref<10000x128xf32, #tpu.memory_space<hbm>>) target(%arg12 : memref<64x128xf32, #tpu.memory_space<vmem>>) offsets(%dma_start3A_58 : memref<64xi32, #tpu.memory_space<vmem>>) semaphore(%arg20 : memref<!tpu.dma_semaphore, #tpu.memory_space<semaphore_mem>>)
    %dma_start3A_62 = arith.constant 64 : i32
    %dma_start3A_63 = tpu.memref_slice %arg8[%dma_start3A_62] : memref<128xi32, #tpu.memory_space<vmem>> -> memref<64xi32, #tpu.memory_space<vmem>>
    %dma_start3A_64 = arith.constant 0 : i32
    %dma_start3A_65 = arith.constant 0 : i32
    %dma_start3A_66 = tpu.memref_slice %arg3[%dma_start3A_64, %dma_start3A_65] : memref<10000x128xf32, #tpu.memory_space<hbm>> -> memref<10000x128xf32, #tpu.memory_space<hbm>>
    tpu.enqueue_indirect_dma source(%dma_start3A_66 : memref<10000x128xf32, #tpu.memory_space<hbm>>) target(%arg13 : memref<64x128xf32, #tpu.memory_space<vmem>>) offsets(%dma_start3A_63 : memref<64xi32, #tpu.memory_space<vmem>>) semaphore(%arg20 : memref<!tpu.dma_semaphore, #tpu.memory_space<semaphore_mem>>)
    %scan3A_67 = arith.constant 0 : i32
    %scan3A_68 = arith.constant 0 : i32
    %scan3A_69 = arith.constant 162 : i32
    %scan3A_70 = arith.addi %scan3A_68, %scan3A_69 : i32
    %scan3A_71 = arith.constant 1 : i32
    scf.for %scan3A_79 = %scan3A_68 to %scan3A_70 step %scan3A_71  : i32 {
      %mul3A_80 = arith.constant 2 : i32
      %mul3A_81 = arith.muli %scan3A_79, %mul3A_80 : i32
      %gt3A = arith.constant 0 : i32
      %gt3A_82 = arith.cmpi sgt, %scan3A_79, %gt3A : i32
      %convert_element_type3A = arith.extui %gt3A_82 : i1 to i32
      %cond3A = arith.constant 0 : i32
      %cond3A_83 = arith.cmpi ne, %convert_element_type3A, %cond3A : i32
      scf.if %cond3A_83 {
        %dma_wait3A_160 = arith.constant 0 : i32
        %dma_wait3A_161 = arith.constant 0 : i32
        %dma_wait3A_162 = tpu.memref_slice %arg19[%dma_wait3A_160, %dma_wait3A_161] : memref<10112x128xf32, #tpu.memory_space<vmem_shared>> -> memref<10112x128xf32, #tpu.memory_space<vmem_shared>>
        tpu.wait_indirect_dma semaphore(%arg23 : memref<!tpu.dma_semaphore, #tpu.memory_space<semaphore_mem>>) src(%arg17 : memref<64x128xf32, #tpu.memory_space<vmem>>) dst(%dma_wait3A_162 : memref<10112x128xf32, #tpu.memory_space<vmem_shared>>)
      } else {
      }
      %add3A_84 = arith.constant 1 : i32
      %add3A_85 = arith.addi %mul3A_81, %add3A_84 : i32
      %mul3A_86 = arith.constant 64 : i32
      %mul3A_87 = arith.muli %add3A_85, %mul3A_86 : i32
      %add3A_88 = arith.addi %mul3A_50, %mul3A_87 : i32
      %multiple_of3A_89 = tpu.assume_multiple %add3A_88, 64 : i32
      %mul3A_90 = arith.constant 64 : i32
      %mul3A_91 = arith.muli %add3A_85, %mul3A_90 : i32
      %add3A_92 = arith.addi %mul3A_50, %mul3A_91 : i32
      %mul3A_93 = arith.constant 2 : i32
      %mul3A_94 = arith.muli %add3A_92, %mul3A_93 : i32
      %multiple_of3A_95 = tpu.assume_multiple %mul3A_94, 128 : i32
      "tpu.region"() ({
        %run_scoped3A = tpu.sem_alloc : memref<!tpu.dma_semaphore, #tpu.memory_space<semaphore_mem>>
        %dma_start3A_160 = tpu.memref_slice %arg4[%multiple_of3A_95] : memref<663552xi32, #tpu.memory_space<hbm>> -> memref<128xi32, #tpu.memory_space<hbm>>
        %dma_start3A_161 = tpu.memref_slice %arg4[%multiple_of3A_95] : memref<663552xi32, #tpu.memory_space<hbm>> -> memref<128xi32, #tpu.memory_space<hbm>>
        tpu.enqueue_dma source(%dma_start3A_161 : memref<128xi32, #tpu.memory_space<hbm>>) target(%arg10 : memref<128xi32, #tpu.memory_space<vmem>>) target_semaphore(%run_scoped3A : memref<!tpu.dma_semaphore, #tpu.memory_space<semaphore_mem>>)
        %dma_wait3A_162 = tpu.memref_slice %arg4[%multiple_of3A_95] : memref<663552xi32, #tpu.memory_space<hbm>> -> memref<128xi32, #tpu.memory_space<hbm>>
        %dma_wait3A_163 = tpu.memref_slice %arg4[%multiple_of3A_95] : memref<663552xi32, #tpu.memory_space<hbm>> -> memref<128xi32, #tpu.memory_space<hbm>>
        tpu.wait_dma2 semaphore(%run_scoped3A : memref<!tpu.dma_semaphore, #tpu.memory_space<semaphore_mem>>) src(%dma_wait3A_163 : memref<128xi32, #tpu.memory_space<hbm>>) dst(%arg10 : memref<128xi32, #tpu.memory_space<vmem>>)
        tpu.yield
      }) : () -> ()
      "tpu.region"() ({
        %run_scoped3A = tpu.sem_alloc : memref<!tpu.dma_semaphore, #tpu.memory_space<semaphore_mem>>
        %dma_start3A_160 = tpu.memref_slice %arg5[%multiple_of3A_89] : memref<331776xi32, #tpu.memory_space<hbm>> -> memref<64xi32, #tpu.memory_space<hbm>>
        %dma_start3A_161 = tpu.memref_slice %arg5[%multiple_of3A_89] : memref<331776xi32, #tpu.memory_space<hbm>> -> memref<64xi32, #tpu.memory_space<hbm>>
        tpu.enqueue_dma source(%dma_start3A_161 : memref<64xi32, #tpu.memory_space<hbm>>) target(%arg11 : memref<64xi32, #tpu.memory_space<vmem>>) target_semaphore(%run_scoped3A : memref<!tpu.dma_semaphore, #tpu.memory_space<semaphore_mem>>)
        %dma_wait3A_162 = tpu.memref_slice %arg5[%multiple_of3A_89] : memref<331776xi32, #tpu.memory_space<hbm>> -> memref<64xi32, #tpu.memory_space<hbm>>
        %dma_wait3A_163 = tpu.memref_slice %arg5[%multiple_of3A_89] : memref<331776xi32, #tpu.memory_space<hbm>> -> memref<64xi32, #tpu.memory_space<hbm>>
        tpu.wait_dma2 semaphore(%run_scoped3A : memref<!tpu.dma_semaphore, #tpu.memory_space<semaphore_mem>>) src(%dma_wait3A_163 : memref<64xi32, #tpu.memory_space<hbm>>) dst(%arg11 : memref<64xi32, #tpu.memory_space<vmem>>)
        tpu.yield
      }) : () -> ()
      %dma_start3A_96 = arith.constant 0 : i32
      %dma_start3A_97 = tpu.memref_slice %arg10[%dma_start3A_96] : memref<128xi32, #tpu.memory_space<vmem>> -> memref<64xi32, #tpu.memory_space<vmem>>
      %dma_start3A_98 = arith.constant 0 : i32
      %dma_start3A_99 = arith.constant 0 : i32
      %dma_start3A_100 = tpu.memref_slice %arg2[%dma_start3A_98, %dma_start3A_99] : memref<10000x128xf32, #tpu.memory_space<hbm>> -> memref<10000x128xf32, #tpu.memory_space<hbm>>
      tpu.enqueue_indirect_dma source(%dma_start3A_100 : memref<10000x128xf32, #tpu.memory_space<hbm>>) target(%arg14 : memref<64x128xf32, #tpu.memory_space<vmem>>) offsets(%dma_start3A_97 : memref<64xi32, #tpu.memory_space<vmem>>) semaphore(%arg21 : memref<!tpu.dma_semaphore, #tpu.memory_space<semaphore_mem>>)
      %dma_start3A_101 = arith.constant 64 : i32
      %dma_start3A_102 = tpu.memref_slice %arg10[%dma_start3A_101] : memref<128xi32, #tpu.memory_space<vmem>> -> memref<64xi32, #tpu.memory_space<vmem>>
      %dma_start3A_103 = arith.constant 0 : i32
      %dma_start3A_104 = arith.constant 0 : i32
      %dma_start3A_105 = tpu.memref_slice %arg3[%dma_start3A_103, %dma_start3A_104] : memref<10000x128xf32, #tpu.memory_space<hbm>> -> memref<10000x128xf32, #tpu.memory_space<hbm>>
      tpu.enqueue_indirect_dma source(%dma_start3A_105 : memref<10000x128xf32, #tpu.memory_space<hbm>>) target(%arg15 : memref<64x128xf32, #tpu.memory_space<vmem>>) offsets(%dma_start3A_102 : memref<64xi32, #tpu.memory_space<vmem>>) semaphore(%arg21 : memref<!tpu.dma_semaphore, #tpu.memory_space<semaphore_mem>>)
      %dma_wait3A_106 = arith.constant 0 : i32
      %dma_wait3A_107 = tpu.memref_slice %arg8[%dma_wait3A_106] : memref<128xi32, #tpu.memory_space<vmem>> -> memref<64xi32, #tpu.memory_space<vmem>>
      %dma_wait3A_108 = arith.constant 0 : i32
      %dma_wait3A_109 = arith.constant 0 : i32
      %dma_wait3A_110 = tpu.memref_slice %arg2[%dma_wait3A_108, %dma_wait3A_109] : memref<10000x128xf32, #tpu.memory_space<hbm>> -> memref<10000x128xf32, #tpu.memory_space<hbm>>
      tpu.wait_indirect_dma semaphore(%arg20 : memref<!tpu.dma_semaphore, #tpu.memory_space<semaphore_mem>>) src(%dma_wait3A_110 : memref<10000x128xf32, #tpu.memory_space<hbm>>) dst(%arg12 : memref<64x128xf32, #tpu.memory_space<vmem>>)
      %dma_wait3A_111 = arith.constant 64 : i32
      %dma_wait3A_112 = tpu.memref_slice %arg8[%dma_wait3A_111] : memref<128xi32, #tpu.memory_space<vmem>> -> memref<64xi32, #tpu.memory_space<vmem>>
      %dma_wait3A_113 = arith.constant 0 : i32
      %dma_wait3A_114 = arith.constant 0 : i32
      %dma_wait3A_115 = tpu.memref_slice %arg3[%dma_wait3A_113, %dma_wait3A_114] : memref<10000x128xf32, #tpu.memory_space<hbm>> -> memref<10000x128xf32, #tpu.memory_space<hbm>>
      tpu.wait_indirect_dma semaphore(%arg20 : memref<!tpu.dma_semaphore, #tpu.memory_space<semaphore_mem>>) src(%dma_wait3A_115 : memref<10000x128xf32, #tpu.memory_space<hbm>>) dst(%arg13 : memref<64x128xf32, #tpu.memory_space<vmem>>)
      %eq3A = arith.constant 0 : i32
      %eq3A_116 = arith.cmpi eq, %arg0, %eq3A : i32
      %convert_element_type3A_117 = arith.extui %eq3A_116 : i1 to i32
      %cond3A_118 = arith.constant 0 : i32
      %cond3A_119 = arith.cmpi ne, %convert_element_type3A_117, %cond3A_118 : i32
      scf.if %cond3A_119 {
        %scan3A_160 = arith.constant 0 : i32
        %scan3A_161 = arith.constant 0 : i32
        %scan3A_162 = arith.constant 32 : i32
        %scan3A_163 = arith.addi %scan3A_161, %scan3A_162 : i32
        %scan3A_164 = arith.constant 1 : i32
        scf.for %scan3A_166 = %scan3A_161 to %scan3A_163 step %scan3A_164  : i32 {
          %mul3A_167 = arith.constant 2 : i32
          %mul3A_168 = arith.muli %scan3A_166, %mul3A_167 : i32
          %add3A_169 = arith.constant 0 : i32
          %add3A_170 = arith.addi %mul3A_168, %add3A_169 : i32
          %broadcast_in_dim3A_171 = arith.constant 0.000000e+00 : f32
          %broadcast_in_dim3A_172 = vector.broadcast %broadcast_in_dim3A_171 : f32 to vector<16xf32>
          %get3A_173 = arith.index_cast %add3A_170 : i32 to index
          %get3A_174 = arith.constant 0 : index
          %get3A_175 = tpu.vector_load %arg12[%get3A_173, %get3A_174] {strides = array<i32>} : memref<64x128xf32, #tpu.memory_space<vmem>>, vector<1x16xf32>,
          %get3A_176 = vector.shape_cast %get3A_175 : vector<1x16xf32> to vector<16xf32>
          %get3A_177 = arith.index_cast %add3A_170 : i32 to index
          %get3A_178 = arith.constant 0 : index
          %get3A_179 = tpu.vector_load %arg13[%get3A_177, %get3A_178] {strides = array<i32>} : memref<64x128xf32, #tpu.memory_space<vmem>>, vector<1x16xf32>,
          %get3A_180 = vector.shape_cast %get3A_179 : vector<1x16xf32> to vector<16xf32>
          %add3A_181 = arith.addf %get3A_176, %get3A_180 : vector<16xf32>
          %mul3A_182 = arith.constant 2.000000e-01 : f32
          %mul3A_183 = vector.broadcast %mul3A_182 : f32 to vector<16xf32>
          %mul3A_184 = arith.mulf %mul3A_183, %add3A_181 : vector<16xf32>
          %max3A = arith.maximumf %add3A_181, %mul3A_184 : vector<16xf32>
          %mul3A_185 = arith.mulf %max3A, %get3A_27 : vector<16xf32>
          %add3A_186 = arith.addf %broadcast_in_dim3A_172, %mul3A_185 : vector<16xf32>
          %get3A_187 = arith.index_cast %add3A_170 : i32 to index
          %get3A_188 = arith.constant 16 : index
          %get3A_189 = tpu.vector_load %arg12[%get3A_187, %get3A_188] {strides = array<i32>} : memref<64x128xf32, #tpu.memory_space<vmem>>, vector<1x16xf32>,
          %get3A_190 = vector.shape_cast %get3A_189 : vector<1x16xf32> to vector<16xf32>
          %get3A_191 = arith.index_cast %add3A_170 : i32 to index
          %get3A_192 = arith.constant 16 : index
          %get3A_193 = tpu.vector_load %arg13[%get3A_191, %get3A_192] {strides = array<i32>} : memref<64x128xf32, #tpu.memory_space<vmem>>, vector<1x16xf32>,
          %get3A_194 = vector.shape_cast %get3A_193 : vector<1x16xf32> to vector<16xf32>
          %add3A_195 = arith.addf %get3A_190, %get3A_194 : vector<16xf32>
          %mul3A_196 = arith.constant 2.000000e-01 : f32
          %mul3A_197 = vector.broadcast %mul3A_196 : f32 to vector<16xf32>
          %mul3A_198 = arith.mulf %mul3A_197, %add3A_195 : vector<16xf32>
          %max3A_199 = arith.maximumf %add3A_195, %mul3A_198 : vector<16xf32>
          %mul3A_200 = arith.mulf %max3A_199, %get3A_30 : vector<16xf32>
          %add3A_201 = arith.addf %add3A_186, %mul3A_200 : vector<16xf32>
          %get3A_202 = arith.index_cast %add3A_170 : i32 to index
          %get3A_203 = arith.constant 32 : index
          %get3A_204 = tpu.vector_load %arg12[%get3A_202, %get3A_203] {strides = array<i32>} : memref<64x128xf32, #tpu.memory_space<vmem>>, vector<1x16xf32>,
          %get3A_205 = vector.shape_cast %get3A_204 : vector<1x16xf32> to vector<16xf32>
          %get3A_206 = arith.index_cast %add3A_170 : i32 to index
          %get3A_207 = arith.constant 32 : index
          %get3A_208 = tpu.vector_load %arg13[%get3A_206, %get3A_207] {strides = array<i32>} : memref<64x128xf32, #tpu.memory_space<vmem>>, vector<1x16xf32>,
          %get3A_209 = vector.shape_cast %get3A_208 : vector<1x16xf32> to vector<16xf32>
          %add3A_210 = arith.addf %get3A_205, %get3A_209 : vector<16xf32>
          %mul3A_211 = arith.constant 2.000000e-01 : f32
          %mul3A_212 = vector.broadcast %mul3A_211 : f32 to vector<16xf32>
          %mul3A_213 = arith.mulf %mul3A_212, %add3A_210 : vector<16xf32>
          %max3A_214 = arith.maximumf %add3A_210, %mul3A_213 : vector<16xf32>
          %mul3A_215 = arith.mulf %max3A_214, %get3A_33 : vector<16xf32>
          %add3A_216 = arith.addf %add3A_201, %mul3A_215 : vector<16xf32>
          %get3A_217 = arith.index_cast %add3A_170 : i32 to index
          %get3A_218 = arith.constant 48 : index
          %get3A_219 = tpu.vector_load %arg12[%get3A_217, %get3A_218] {strides = array<i32>} : memref<64x128xf32, #tpu.memory_space<vmem>>, vector<1x16xf32>,
          %get3A_220 = vector.shape_cast %get3A_219 : vector<1x16xf32> to vector<16xf32>
          %get3A_221 = arith.index_cast %add3A_170 : i32 to index
          %get3A_222 = arith.constant 48 : index
          %get3A_223 = tpu.vector_load %arg13[%get3A_221, %get3A_222] {strides = array<i32>} : memref<64x128xf32, #tpu.memory_space<vmem>>, vector<1x16xf32>,
          %get3A_224 = vector.shape_cast %get3A_223 : vector<1x16xf32> to vector<16xf32>
          %add3A_225 = arith.addf %get3A_220, %get3A_224 : vector<16xf32>
          %mul3A_226 = arith.constant 2.000000e-01 : f32
          %mul3A_227 = vector.broadcast %mul3A_226 : f32 to vector<16xf32>
          %mul3A_228 = arith.mulf %mul3A_227, %add3A_225 : vector<16xf32>
          %max3A_229 = arith.maximumf %add3A_225, %mul3A_228 : vector<16xf32>
          %mul3A_230 = arith.mulf %max3A_229, %get3A_36 : vector<16xf32>
          %add3A_231 = arith.addf %add3A_216, %mul3A_230 : vector<16xf32>
          %get3A_232 = arith.index_cast %add3A_170 : i32 to index
          %get3A_233 = arith.constant 64 : index
          %get3A_234 = tpu.vector_load %arg12[%get3A_232, %get3A_233] {strides = array<i32>} : memref<64x128xf32, #tpu.memory_space<vmem>>, vector<1x16xf32>,
          %get3A_235 = vector.shape_cast %get3A_234 : vector<1x16xf32> to vector<16xf32>
          %get3A_236 = arith.index_cast %add3A_170 : i32 to index
          %get3A_237 = arith.constant 64 : index
          %get3A_238 = tpu.vector_load %arg13[%get3A_236, %get3A_237] {strides = array<i32>} : memref<64x128xf32, #tpu.memory_space<vmem>>, vector<1x16xf32>,
          %get3A_239 = vector.shape_cast %get3A_238 : vector<1x16xf32> to vector<16xf32>
          %add3A_240 = arith.addf %get3A_235, %get3A_239 : vector<16xf32>
          %mul3A_241 = arith.constant 2.000000e-01 : f32
          %mul3A_242 = vector.broadcast %mul3A_241 : f32 to vector<16xf32>
          %mul3A_243 = arith.mulf %mul3A_242, %add3A_240 : vector<16xf32>
          %max3A_244 = arith.maximumf %add3A_240, %mul3A_243 : vector<16xf32>
          %mul3A_245 = arith.mulf %max3A_244, %get3A_39 : vector<16xf32>
          %add3A_246 = arith.addf %add3A_231, %mul3A_245 : vector<16xf32>
          %get3A_247 = arith.index_cast %add3A_170 : i32 to index
          %get3A_248 = arith.constant 80 : index
          %get3A_249 = tpu.vector_load %arg12[%get3A_247, %get3A_248] {strides = array<i32>} : memref<64x128xf32, #tpu.memory_space<vmem>>, vector<1x16xf32>,
          %get3A_250 = vector.shape_cast %get3A_249 : vector<1x16xf32> to vector<16xf32>
          %get3A_251 = arith.index_cast %add3A_170 : i32 to index
          %get3A_252 = arith.constant 80 : index
          %get3A_253 = tpu.vector_load %arg13[%get3A_251, %get3A_252] {strides = array<i32>} : memref<64x128xf32, #tpu.memory_space<vmem>>, vector<1x16xf32>,
          %get3A_254 = vector.shape_cast %get3A_253 : vector<1x16xf32> to vector<16xf32>
          %add3A_255 = arith.addf %get3A_250, %get3A_254 : vector<16xf32>
          %mul3A_256 = arith.constant 2.000000e-01 : f32
          %mul3A_257 = vector.broadcast %mul3A_256 : f32 to vector<16xf32>
          %mul3A_258 = arith.mulf %mul3A_257, %add3A_255 : vector<16xf32>
          %max3A_259 = arith.maximumf %add3A_255, %mul3A_258 : vector<16xf32>
          %mul3A_260 = arith.mulf %max3A_259, %get3A_42 : vector<16xf32>
          %add3A_261 = arith.addf %add3A_246, %mul3A_260 : vector<16xf32>
          %get3A_262 = arith.index_cast %add3A_170 : i32 to index
          %get3A_263 = arith.constant 96 : index
          %get3A_264 = tpu.vector_load %arg12[%get3A_262, %get3A_263] {strides = array<i32>} : memref<64x128xf32, #tpu.memory_space<vmem>>, vector<1x16xf32>,
          %get3A_265 = vector.shape_cast %get3A_264 : vector<1x16xf32> to vector<16xf32>
          %get3A_266 = arith.index_cast %add3A_170 : i32 to index
          %get3A_267 = arith.constant 96 : index
          %get3A_268 = tpu.vector_load %arg13[%get3A_266, %get3A_267] {strides = array<i32>} : memref<64x128xf32, #tpu.memory_space<vmem>>, vector<1x16xf32>,
          %get3A_269 = vector.shape_cast %get3A_268 : vector<1x16xf32> to vector<16xf32>
          %add3A_270 = arith.addf %get3A_265, %get3A_269 : vector<16xf32>
          %mul3A_271 = arith.constant 2.000000e-01 : f32
          %mul3A_272 = vector.broadcast %mul3A_271 : f32 to vector<16xf32>
          %mul3A_273 = arith.mulf %mul3A_272, %add3A_270 : vector<16xf32>
          %max3A_274 = arith.maximumf %add3A_270, %mul3A_273 : vector<16xf32>
          %mul3A_275 = arith.mulf %max3A_274, %get3A_45 : vector<16xf32>
          %add3A_276 = arith.addf %add3A_261, %mul3A_275 : vector<16xf32>
          %get3A_277 = arith.index_cast %add3A_170 : i32 to index
          %get3A_278 = arith.constant 112 : index
          %get3A_279 = tpu.vector_load %arg12[%get3A_277, %get3A_278] {strides = array<i32>} : memref<64x128xf32, #tpu.memory_space<vmem>>, vector<1x16xf32>,
          %get3A_280 = vector.shape_cast %get3A_279 : vector<1x16xf32> to vector<16xf32>
          %get3A_281 = arith.index_cast %add3A_170 : i32 to index
          %get3A_282 = arith.constant 112 : index
          %get3A_283 = tpu.vector_load %arg13[%get3A_281, %get3A_282] {strides = array<i32>} : memref<64x128xf32, #tpu.memory_space<vmem>>, vector<1x16xf32>,
          %get3A_284 = vector.shape_cast %get3A_283 : vector<1x16xf32> to vector<16xf32>
          %add3A_285 = arith.addf %get3A_280, %get3A_284 : vector<16xf32>
          %mul3A_286 = arith.constant 2.000000e-01 : f32
          %mul3A_287 = vector.broadcast %mul3A_286 : f32 to vector<16xf32>
          %mul3A_288 = arith.mulf %mul3A_287, %add3A_285 : vector<16xf32>
          %max3A_289 = arith.maximumf %add3A_285, %mul3A_288 : vector<16xf32>
          %mul3A_290 = arith.mulf %max3A_289, %get3A_48 : vector<16xf32>
          %add3A_291 = arith.addf %add3A_276, %mul3A_290 : vector<16xf32>
          %xor3A = arith.constant 8 : i32
          %xor3A_292 = vector.broadcast %xor3A : i32 to vector<16xi32>
          %xor3A_293 = arith.xori %iota3A, %xor3A_292 : vector<16xi32>
          %lt3A_294 = arith.constant 0 : i32
          %lt3A_295 = vector.broadcast %lt3A_294 : i32 to vector<16xi32>
          %lt3A_296 = arith.cmpi slt, %xor3A_293, %lt3A_295 : vector<16xi32>
          %add3A_297 = arith.constant 16 : i32
          %add3A_298 = vector.broadcast %add3A_297 : i32 to vector<16xi32>
          %add3A_299 = arith.addi %xor3A_293, %add3A_298 : vector<16xi32>
          %select_n3A = arith.select %lt3A_296, %add3A_299, %xor3A_293 : vector<16xi1>, vector<16xi32>
          %broadcast_in_dim3A_300 = vector.shape_cast %select_n3A : vector<16xi32> to vector<16x1xi32>
          %gather3A = vector.shape_cast %broadcast_in_dim3A_300 : vector<16x1xi32> to vector<16xi32>
          %gather3A_301 = tpu.dynamic_gather %add3A_291[%gather3A] in [0] : vector<16xf32>, vector<16xi32> -> vector<16xf32>
          %add3A_302 = arith.addf %add3A_291, %gather3A_301 : vector<16xf32>
          %xor3A_303 = arith.constant 4 : i32
          %xor3A_304 = vector.broadcast %xor3A_303 : i32 to vector<16xi32>
          %xor3A_305 = arith.xori %iota3A, %xor3A_304 : vector<16xi32>
          %lt3A_306 = arith.constant 0 : i32
          %lt3A_307 = vector.broadcast %lt3A_306 : i32 to vector<16xi32>
          %lt3A_308 = arith.cmpi slt, %xor3A_305, %lt3A_307 : vector<16xi32>
          %add3A_309 = arith.constant 16 : i32
          %add3A_310 = vector.broadcast %add3A_309 : i32 to vector<16xi32>
          %add3A_311 = arith.addi %xor3A_305, %add3A_310 : vector<16xi32>
          %select_n3A_312 = arith.select %lt3A_308, %add3A_311, %xor3A_305 : vector<16xi1>, vector<16xi32>
          %broadcast_in_dim3A_313 = vector.shape_cast %select_n3A_312 : vector<16xi32> to vector<16x1xi32>
          %gather3A_314 = vector.shape_cast %broadcast_in_dim3A_313 : vector<16x1xi32> to vector<16xi32>
          %gather3A_315 = tpu.dynamic_gather %add3A_302[%gather3A_314] in [0] : vector<16xf32>, vector<16xi32> -> vector<16xf32>
          %add3A_316 = arith.addf %add3A_302, %gather3A_315 : vector<16xf32>
          %xor3A_317 = arith.constant 2 : i32
          %xor3A_318 = vector.broadcast %xor3A_317 : i32 to vector<16xi32>
          %xor3A_319 = arith.xori %iota3A, %xor3A_318 : vector<16xi32>
          %lt3A_320 = arith.constant 0 : i32
          %lt3A_321 = vector.broadcast %lt3A_320 : i32 to vector<16xi32>
          %lt3A_322 = arith.cmpi slt, %xor3A_319, %lt3A_321 : vector<16xi32>
          %add3A_323 = arith.constant 16 : i32
          %add3A_324 = vector.broadcast %add3A_323 : i32 to vector<16xi32>
          %add3A_325 = arith.addi %xor3A_319, %add3A_324 : vector<16xi32>
          %select_n3A_326 = arith.select %lt3A_322, %add3A_325, %xor3A_319 : vector<16xi1>, vector<16xi32>
          %broadcast_in_dim3A_327 = vector.shape_cast %select_n3A_326 : vector<16xi32> to vector<16x1xi32>
          %gather3A_328 = vector.shape_cast %broadcast_in_dim3A_327 : vector<16x1xi32> to vector<16xi32>
          %gather3A_329 = tpu.dynamic_gather %add3A_316[%gather3A_328] in [0] : vector<16xf32>, vector<16xi32> -> vector<16xf32>
          %add3A_330 = arith.addf %add3A_316, %gather3A_329 : vector<16xf32>
          %xor3A_331 = arith.constant 1 : i32
          %xor3A_332 = vector.broadcast %xor3A_331 : i32 to vector<16xi32>
          %xor3A_333 = arith.xori %iota3A, %xor3A_332 : vector<16xi32>
          %lt3A_334 = arith.constant 0 : i32
          %lt3A_335 = vector.broadcast %lt3A_334 : i32 to vector<16xi32>
          %lt3A_336 = arith.cmpi slt, %xor3A_333, %lt3A_335 : vector<16xi32>
          %add3A_337 = arith.constant 16 : i32
          %add3A_338 = vector.broadcast %add3A_337 : i32 to vector<16xi32>
          %add3A_339 = arith.addi %xor3A_333, %add3A_338 : vector<16xi32>
          %select_n3A_340 = arith.select %lt3A_336, %add3A_339, %xor3A_333 : vector<16xi1>, vector<16xi32>
          %broadcast_in_dim3A_341 = vector.shape_cast %select_n3A_340 : vector<16xi32> to vector<16x1xi32>
          %gather3A_342 = vector.shape_cast %broadcast_in_dim3A_341 : vector<16x1xi32> to vector<16xi32>
          %gather3A_343 = tpu.dynamic_gather %add3A_330[%gather3A_342] in [0] : vector<16xf32>, vector<16xi32> -> vector<16xf32>
          %add3A_344 = arith.addf %add3A_330, %gather3A_343 : vector<16xf32>
          %exp3A = math.exp %add3A_344 : vector<16xf32>
          %mul3A_345 = arith.mulf %get3A_176, %exp3A : vector<16xf32>
          %swap3A = arith.index_cast %add3A_170 : i32 to index
          %swap3A_346 = arith.constant 0 : index
          %swap3A_347 = tpu.vector_load %arg16[%swap3A, %swap3A_346] {strides = array<i32>} : memref<64x128xf32, #tpu.memory_space<vmem>>, vector<1x16xf32>,
          %swap3A_348 = vector.shape_cast %swap3A_347 : vector<1x16xf32> to vector<16xf32>
          %swap3A_349 = vector.shape_cast %mul3A_345 : vector<16xf32> to vector<1x16xf32>
          tpu.vector_store %arg16[%swap3A, %swap3A_346], %swap3A_349 {strides = array<i32>} : memref<64x128xf32, #tpu.memory_space<vmem>>, vector<1x16xf32>,
          %mul3A_350 = arith.mulf %get3A_190, %exp3A : vector<16xf32>
          %swap3A_351 = arith.index_cast %add3A_170 : i32 to index
          %swap3A_352 = arith.constant 16 : index
          %swap3A_353 = tpu.vector_load %arg16[%swap3A_351, %swap3A_352] {strides = array<i32>} : memref<64x128xf32, #tpu.memory_space<vmem>>, vector<1x16xf32>,
          %swap3A_354 = vector.shape_cast %swap3A_353 : vector<1x16xf32> to vector<16xf32>
          %swap3A_355 = vector.shape_cast %mul3A_350 : vector<16xf32> to vector<1x16xf32>
          tpu.vector_store %arg16[%swap3A_351, %swap3A_352], %swap3A_355 {strides = array<i32>} : memref<64x128xf32, #tpu.memory_space<vmem>>, vector<1x16xf32>,
          %mul3A_356 = arith.mulf %get3A_205, %exp3A : vector<16xf32>
          %swap3A_357 = arith.index_cast %add3A_170 : i32 to index
          %swap3A_358 = arith.constant 32 : index
          %swap3A_359 = tpu.vector_load %arg16[%swap3A_357, %swap3A_358] {strides = array<i32>} : memref<64x128xf32, #tpu.memory_space<vmem>>, vector<1x16xf32>,
          %swap3A_360 = vector.shape_cast %swap3A_359 : vector<1x16xf32> to vector<16xf32>
          %swap3A_361 = vector.shape_cast %mul3A_356 : vector<16xf32> to vector<1x16xf32>
          tpu.vector_store %arg16[%swap3A_357, %swap3A_358], %swap3A_361 {strides = array<i32>} : memref<64x128xf32, #tpu.memory_space<vmem>>, vector<1x16xf32>,
          %mul3A_362 = arith.mulf %get3A_220, %exp3A : vector<16xf32>
          %swap3A_363 = arith.index_cast %add3A_170 : i32 to index
          %swap3A_364 = arith.constant 48 : index
          %swap3A_365 = tpu.vector_load %arg16[%swap3A_363, %swap3A_364] {strides = array<i32>} : memref<64x128xf32, #tpu.memory_space<vmem>>, vector<1x16xf32>,
          %swap3A_366 = vector.shape_cast %swap3A_365 : vector<1x16xf32> to vector<16xf32>
          %swap3A_367 = vector.shape_cast %mul3A_362 : vector<16xf32> to vector<1x16xf32>
          tpu.vector_store %arg16[%swap3A_363, %swap3A_364], %swap3A_367 {strides = array<i32>} : memref<64x128xf32, #tpu.memory_space<vmem>>, vector<1x16xf32>,
          %mul3A_368 = arith.mulf %get3A_235, %exp3A : vector<16xf32>
          %swap3A_369 = arith.index_cast %add3A_170 : i32 to index
          %swap3A_370 = arith.constant 64 : index
          %swap3A_371 = tpu.vector_load %arg16[%swap3A_369, %swap3A_370] {strides = array<i32>} : memref<64x128xf32, #tpu.memory_space<vmem>>, vector<1x16xf32>,
          %swap3A_372 = vector.shape_cast %swap3A_371 : vector<1x16xf32> to vector<16xf32>
          %swap3A_373 = vector.shape_cast %mul3A_368 : vector<16xf32> to vector<1x16xf32>
          tpu.vector_store %arg16[%swap3A_369, %swap3A_370], %swap3A_373 {strides = array<i32>} : memref<64x128xf32, #tpu.memory_space<vmem>>, vector<1x16xf32>,
          %mul3A_374 = arith.mulf %get3A_250, %exp3A : vector<16xf32>
          %swap3A_375 = arith.index_cast %add3A_170 : i32 to index
          %swap3A_376 = arith.constant 80 : index
          %swap3A_377 = tpu.vector_load %arg16[%swap3A_375, %swap3A_376] {strides = array<i32>} : memref<64x128xf32, #tpu.memory_space<vmem>>, vector<1x16xf32>,
          %swap3A_378 = vector.shape_cast %swap3A_377 : vector<1x16xf32> to vector<16xf32>
          %swap3A_379 = vector.shape_cast %mul3A_374 : vector<16xf32> to vector<1x16xf32>
          tpu.vector_store %arg16[%swap3A_375, %swap3A_376], %swap3A_379 {strides = array<i32>} : memref<64x128xf32, #tpu.memory_space<vmem>>, vector<1x16xf32>,
          %mul3A_380 = arith.mulf %get3A_265, %exp3A : vector<16xf32>
          %swap3A_381 = arith.index_cast %add3A_170 : i32 to index
          %swap3A_382 = arith.constant 96 : index
          %swap3A_383 = tpu.vector_load %arg16[%swap3A_381, %swap3A_382] {strides = array<i32>} : memref<64x128xf32, #tpu.memory_space<vmem>>, vector<1x16xf32>,
          %swap3A_384 = vector.shape_cast %swap3A_383 : vector<1x16xf32> to vector<16xf32>
          %swap3A_385 = vector.shape_cast %mul3A_380 : vector<16xf32> to vector<1x16xf32>
          tpu.vector_store %arg16[%swap3A_381, %swap3A_382], %swap3A_385 {strides = array<i32>} : memref<64x128xf32, #tpu.memory_space<vmem>>, vector<1x16xf32>,
          %mul3A_386 = arith.mulf %get3A_280, %exp3A : vector<16xf32>
          %swap3A_387 = arith.index_cast %add3A_170 : i32 to index
          %swap3A_388 = arith.constant 112 : index
          %swap3A_389 = tpu.vector_load %arg16[%swap3A_387, %swap3A_388] {strides = array<i32>} : memref<64x128xf32, #tpu.memory_space<vmem>>, vector<1x16xf32>,
          %swap3A_390 = vector.shape_cast %swap3A_389 : vector<1x16xf32> to vector<16xf32>
          %swap3A_391 = vector.shape_cast %mul3A_386 : vector<16xf32> to vector<1x16xf32>
          tpu.vector_store %arg16[%swap3A_387, %swap3A_388], %swap3A_391 {strides = array<i32>} : memref<64x128xf32, #tpu.memory_space<vmem>>, vector<1x16xf32>,
          %mul3A_392 = arith.constant 2 : i32
          %mul3A_393 = arith.muli %scan3A_166, %mul3A_392 : i32
          %add3A_394 = arith.constant 1 : i32
          %add3A_395 = arith.addi %mul3A_393, %add3A_394 : i32
          %broadcast_in_dim3A_396 = arith.constant 0.000000e+00 : f32
          %broadcast_in_dim3A_397 = vector.broadcast %broadcast_in_dim3A_396 : f32 to vector<16xf32>
          %get3A_398 = arith.index_cast %add3A_395 : i32 to index
          %get3A_399 = arith.constant 0 : index
          %get3A_400 = tpu.vector_load %arg12[%get3A_398, %get3A_399] {strides = array<i32>} : memref<64x128xf32, #tpu.memory_space<vmem>>, vector<1x16xf32>,
          %get3A_401 = vector.shape_cast %get3A_400 : vector<1x16xf32> to vector<16xf32>
          %get3A_402 = arith.index_cast %add3A_395 : i32 to index
          %get3A_403 = arith.constant 0 : index
          %get3A_404 = tpu.vector_load %arg13[%get3A_402, %get3A_403] {strides = array<i32>} : memref<64x128xf32, #tpu.memory_space<vmem>>, vector<1x16xf32>,
          %get3A_405 = vector.shape_cast %get3A_404 : vector<1x16xf32> to vector<16xf32>
          %add3A_406 = arith.addf %get3A_401, %get3A_405 : vector<16xf32>
          %mul3A_407 = arith.constant 2.000000e-01 : f32
          %mul3A_408 = vector.broadcast %mul3A_407 : f32 to vector<16xf32>
          %mul3A_409 = arith.mulf %mul3A_408, %add3A_406 : vector<16xf32>
          %max3A_410 = arith.maximumf %add3A_406, %mul3A_409 : vector<16xf32>
          %mul3A_411 = arith.mulf %max3A_410, %get3A_27 : vector<16xf32>
          %add3A_412 = arith.addf %broadcast_in_dim3A_397, %mul3A_411 : vector<16xf32>
          %get3A_413 = arith.index_cast %add3A_395 : i32 to index
          %get3A_414 = arith.constant 16 : index
          %get3A_415 = tpu.vector_load %arg12[%get3A_413, %get3A_414] {strides = array<i32>} : memref<64x128xf32, #tpu.memory_space<vmem>>, vector<1x16xf32>,
          %get3A_416 = vector.shape_cast %get3A_415 : vector<1x16xf32> to vector<16xf32>
          %get3A_417 = arith.index_cast %add3A_395 : i32 to index
          %get3A_418 = arith.constant 16 : index
          %get3A_419 = tpu.vector_load %arg13[%get3A_417, %get3A_418] {strides = array<i32>} : memref<64x128xf32, #tpu.memory_space<vmem>>, vector<1x16xf32>,
          %get3A_420 = vector.shape_cast %get3A_419 : vector<1x16xf32> to vector<16xf32>
          %add3A_421 = arith.addf %get3A_416, %get3A_420 : vector<16xf32>
          %mul3A_422 = arith.constant 2.000000e-01 : f32
          %mul3A_423 = vector.broadcast %mul3A_422 : f32 to vector<16xf32>
          %mul3A_424 = arith.mulf %mul3A_423, %add3A_421 : vector<16xf32>
          %max3A_425 = arith.maximumf %add3A_421, %mul3A_424 : vector<16xf32>
          %mul3A_426 = arith.mulf %max3A_425, %get3A_30 : vector<16xf32>
          %add3A_427 = arith.addf %add3A_412, %mul3A_426 : vector<16xf32>
          %get3A_428 = arith.index_cast %add3A_395 : i32 to index
          %get3A_429 = arith.constant 32 : index
          %get3A_430 = tpu.vector_load %arg12[%get3A_428, %get3A_429] {strides = array<i32>} : memref<64x128xf32, #tpu.memory_space<vmem>>, vector<1x16xf32>,
          %get3A_431 = vector.shape_cast %get3A_430 : vector<1x16xf32> to vector<16xf32>
          %get3A_432 = arith.index_cast %add3A_395 : i32 to index
          %get3A_433 = arith.constant 32 : index
          %get3A_434 = tpu.vector_load %arg13[%get3A_432, %get3A_433] {strides = array<i32>} : memref<64x128xf32, #tpu.memory_space<vmem>>, vector<1x16xf32>,
          %get3A_435 = vector.shape_cast %get3A_434 : vector<1x16xf32> to vector<16xf32>
          %add3A_436 = arith.addf %get3A_431, %get3A_435 : vector<16xf32>
          %mul3A_437 = arith.constant 2.000000e-01 : f32
          %mul3A_438 = vector.broadcast %mul3A_437 : f32 to vector<16xf32>
          %mul3A_439 = arith.mulf %mul3A_438, %add3A_436 : vector<16xf32>
          %max3A_440 = arith.maximumf %add3A_436, %mul3A_439 : vector<16xf32>
          %mul3A_441 = arith.mulf %max3A_440, %get3A_33 : vector<16xf32>
          %add3A_442 = arith.addf %add3A_427, %mul3A_441 : vector<16xf32>
          %get3A_443 = arith.index_cast %add3A_395 : i32 to index
          %get3A_444 = arith.constant 48 : index
          %get3A_445 = tpu.vector_load %arg12[%get3A_443, %get3A_444] {strides = array<i32>} : memref<64x128xf32, #tpu.memory_space<vmem>>, vector<1x16xf32>,
          %get3A_446 = vector.shape_cast %get3A_445 : vector<1x16xf32> to vector<16xf32>
          %get3A_447 = arith.index_cast %add3A_395 : i32 to index
          %get3A_448 = arith.constant 48 : index
          %get3A_449 = tpu.vector_load %arg13[%get3A_447, %get3A_448] {strides = array<i32>} : memref<64x128xf32, #tpu.memory_space<vmem>>, vector<1x16xf32>,
          %get3A_450 = vector.shape_cast %get3A_449 : vector<1x16xf32> to vector<16xf32>
          %add3A_451 = arith.addf %get3A_446, %get3A_450 : vector<16xf32>
          %mul3A_452 = arith.constant 2.000000e-01 : f32
          %mul3A_453 = vector.broadcast %mul3A_452 : f32 to vector<16xf32>
          %mul3A_454 = arith.mulf %mul3A_453, %add3A_451 : vector<16xf32>
          %max3A_455 = arith.maximumf %add3A_451, %mul3A_454 : vector<16xf32>
          %mul3A_456 = arith.mulf %max3A_455, %get3A_36 : vector<16xf32>
          %add3A_457 = arith.addf %add3A_442, %mul3A_456 : vector<16xf32>
          %get3A_458 = arith.index_cast %add3A_395 : i32 to index
          %get3A_459 = arith.constant 64 : index
          %get3A_460 = tpu.vector_load %arg12[%get3A_458, %get3A_459] {strides = array<i32>} : memref<64x128xf32, #tpu.memory_space<vmem>>, vector<1x16xf32>,
          %get3A_461 = vector.shape_cast %get3A_460 : vector<1x16xf32> to vector<16xf32>
          %get3A_462 = arith.index_cast %add3A_395 : i32 to index
          %get3A_463 = arith.constant 64 : index
          %get3A_464 = tpu.vector_load %arg13[%get3A_462, %get3A_463] {strides = array<i32>} : memref<64x128xf32, #tpu.memory_space<vmem>>, vector<1x16xf32>,
          %get3A_465 = vector.shape_cast %get3A_464 : vector<1x16xf32> to vector<16xf32>
          %add3A_466 = arith.addf %get3A_461, %get3A_465 : vector<16xf32>
          %mul3A_467 = arith.constant 2.000000e-01 : f32
          %mul3A_468 = vector.broadcast %mul3A_467 : f32 to vector<16xf32>
          %mul3A_469 = arith.mulf %mul3A_468, %add3A_466 : vector<16xf32>
          %max3A_470 = arith.maximumf %add3A_466, %mul3A_469 : vector<16xf32>
          %mul3A_471 = arith.mulf %max3A_470, %get3A_39 : vector<16xf32>
          %add3A_472 = arith.addf %add3A_457, %mul3A_471 : vector<16xf32>
          %get3A_473 = arith.index_cast %add3A_395 : i32 to index
          %get3A_474 = arith.constant 80 : index
          %get3A_475 = tpu.vector_load %arg12[%get3A_473, %get3A_474] {strides = array<i32>} : memref<64x128xf32, #tpu.memory_space<vmem>>, vector<1x16xf32>,
          %get3A_476 = vector.shape_cast %get3A_475 : vector<1x16xf32> to vector<16xf32>
          %get3A_477 = arith.index_cast %add3A_395 : i32 to index
          %get3A_478 = arith.constant 80 : index
          %get3A_479 = tpu.vector_load %arg13[%get3A_477, %get3A_478] {strides = array<i32>} : memref<64x128xf32, #tpu.memory_space<vmem>>, vector<1x16xf32>,
          %get3A_480 = vector.shape_cast %get3A_479 : vector<1x16xf32> to vector<16xf32>
          %add3A_481 = arith.addf %get3A_476, %get3A_480 : vector<16xf32>
          %mul3A_482 = arith.constant 2.000000e-01 : f32
          %mul3A_483 = vector.broadcast %mul3A_482 : f32 to vector<16xf32>
          %mul3A_484 = arith.mulf %mul3A_483, %add3A_481 : vector<16xf32>
          %max3A_485 = arith.maximumf %add3A_481, %mul3A_484 : vector<16xf32>
          %mul3A_486 = arith.mulf %max3A_485, %get3A_42 : vector<16xf32>
          %add3A_487 = arith.addf %add3A_472, %mul3A_486 : vector<16xf32>
          %get3A_488 = arith.index_cast %add3A_395 : i32 to index
          %get3A_489 = arith.constant 96 : index
          %get3A_490 = tpu.vector_load %arg12[%get3A_488, %get3A_489] {strides = array<i32>} : memref<64x128xf32, #tpu.memory_space<vmem>>, vector<1x16xf32>,
          %get3A_491 = vector.shape_cast %get3A_490 : vector<1x16xf32> to vector<16xf32>
          %get3A_492 = arith.index_cast %add3A_395 : i32 to index
          %get3A_493 = arith.constant 96 : index
          %get3A_494 = tpu.vector_load %arg13[%get3A_492, %get3A_493] {strides = array<i32>} : memref<64x128xf32, #tpu.memory_space<vmem>>, vector<1x16xf32>,
          %get3A_495 = vector.shape_cast %get3A_494 : vector<1x16xf32> to vector<16xf32>
          %add3A_496 = arith.addf %get3A_491, %get3A_495 : vector<16xf32>
          %mul3A_497 = arith.constant 2.000000e-01 : f32
          %mul3A_498 = vector.broadcast %mul3A_497 : f32 to vector<16xf32>
          %mul3A_499 = arith.mulf %mul3A_498, %add3A_496 : vector<16xf32>
          %max3A_500 = arith.maximumf %add3A_496, %mul3A_499 : vector<16xf32>
          %mul3A_501 = arith.mulf %max3A_500, %get3A_45 : vector<16xf32>
          %add3A_502 = arith.addf %add3A_487, %mul3A_501 : vector<16xf32>
          %get3A_503 = arith.index_cast %add3A_395 : i32 to index
          %get3A_504 = arith.constant 112 : index
          %get3A_505 = tpu.vector_load %arg12[%get3A_503, %get3A_504] {strides = array<i32>} : memref<64x128xf32, #tpu.memory_space<vmem>>, vector<1x16xf32>,
          %get3A_506 = vector.shape_cast %get3A_505 : vector<1x16xf32> to vector<16xf32>
          %get3A_507 = arith.index_cast %add3A_395 : i32 to index
          %get3A_508 = arith.constant 112 : index
          %get3A_509 = tpu.vector_load %arg13[%get3A_507, %get3A_508] {strides = array<i32>} : memref<64x128xf32, #tpu.memory_space<vmem>>, vector<1x16xf32>,
          %get3A_510 = vector.shape_cast %get3A_509 : vector<1x16xf32> to vector<16xf32>
          %add3A_511 = arith.addf %get3A_506, %get3A_510 : vector<16xf32>
          %mul3A_512 = arith.constant 2.000000e-01 : f32
          %mul3A_513 = vector.broadcast %mul3A_512 : f32 to vector<16xf32>
          %mul3A_514 = arith.mulf %mul3A_513, %add3A_511 : vector<16xf32>
          %max3A_515 = arith.maximumf %add3A_511, %mul3A_514 : vector<16xf32>
          %mul3A_516 = arith.mulf %max3A_515, %get3A_48 : vector<16xf32>
          %add3A_517 = arith.addf %add3A_502, %mul3A_516 : vector<16xf32>
          %xor3A_518 = arith.constant 8 : i32
          %xor3A_519 = vector.broadcast %xor3A_518 : i32 to vector<16xi32>
          %xor3A_520 = arith.xori %iota3A, %xor3A_519 : vector<16xi32>
          %lt3A_521 = arith.constant 0 : i32
          %lt3A_522 = vector.broadcast %lt3A_521 : i32 to vector<16xi32>
          %lt3A_523 = arith.cmpi slt, %xor3A_520, %lt3A_522 : vector<16xi32>
          %add3A_524 = arith.constant 16 : i32
          %add3A_525 = vector.broadcast %add3A_524 : i32 to vector<16xi32>
          %add3A_526 = arith.addi %xor3A_520, %add3A_525 : vector<16xi32>
          %select_n3A_527 = arith.select %lt3A_523, %add3A_526, %xor3A_520 : vector<16xi1>, vector<16xi32>
          %broadcast_in_dim3A_528 = vector.shape_cast %select_n3A_527 : vector<16xi32> to vector<16x1xi32>
          %gather3A_529 = vector.shape_cast %broadcast_in_dim3A_528 : vector<16x1xi32> to vector<16xi32>
          %gather3A_530 = tpu.dynamic_gather %add3A_517[%gather3A_529] in [0] : vector<16xf32>, vector<16xi32> -> vector<16xf32>
          %add3A_531 = arith.addf %add3A_517, %gather3A_530 : vector<16xf32>
          %xor3A_532 = arith.constant 4 : i32
          %xor3A_533 = vector.broadcast %xor3A_532 : i32 to vector<16xi32>
          %xor3A_534 = arith.xori %iota3A, %xor3A_533 : vector<16xi32>
          %lt3A_535 = arith.constant 0 : i32
          %lt3A_536 = vector.broadcast %lt3A_535 : i32 to vector<16xi32>
          %lt3A_537 = arith.cmpi slt, %xor3A_534, %lt3A_536 : vector<16xi32>
          %add3A_538 = arith.constant 16 : i32
          %add3A_539 = vector.broadcast %add3A_538 : i32 to vector<16xi32>
          %add3A_540 = arith.addi %xor3A_534, %add3A_539 : vector<16xi32>
          %select_n3A_541 = arith.select %lt3A_537, %add3A_540, %xor3A_534 : vector<16xi1>, vector<16xi32>
          %broadcast_in_dim3A_542 = vector.shape_cast %select_n3A_541 : vector<16xi32> to vector<16x1xi32>
          %gather3A_543 = vector.shape_cast %broadcast_in_dim3A_542 : vector<16x1xi32> to vector<16xi32>
          %gather3A_544 = tpu.dynamic_gather %add3A_531[%gather3A_543] in [0] : vector<16xf32>, vector<16xi32> -> vector<16xf32>
          %add3A_545 = arith.addf %add3A_531, %gather3A_544 : vector<16xf32>
          %xor3A_546 = arith.constant 2 : i32
          %xor3A_547 = vector.broadcast %xor3A_546 : i32 to vector<16xi32>
          %xor3A_548 = arith.xori %iota3A, %xor3A_547 : vector<16xi32>
          %lt3A_549 = arith.constant 0 : i32
          %lt3A_550 = vector.broadcast %lt3A_549 : i32 to vector<16xi32>
          %lt3A_551 = arith.cmpi slt, %xor3A_548, %lt3A_550 : vector<16xi32>
          %add3A_552 = arith.constant 16 : i32
          %add3A_553 = vector.broadcast %add3A_552 : i32 to vector<16xi32>
          %add3A_554 = arith.addi %xor3A_548, %add3A_553 : vector<16xi32>
          %select_n3A_555 = arith.select %lt3A_551, %add3A_554, %xor3A_548 : vector<16xi1>, vector<16xi32>
          %broadcast_in_dim3A_556 = vector.shape_cast %select_n3A_555 : vector<16xi32> to vector<16x1xi32>
          %gather3A_557 = vector.shape_cast %broadcast_in_dim3A_556 : vector<16x1xi32> to vector<16xi32>
          %gather3A_558 = tpu.dynamic_gather %add3A_545[%gather3A_557] in [0] : vector<16xf32>, vector<16xi32> -> vector<16xf32>
          %add3A_559 = arith.addf %add3A_545, %gather3A_558 : vector<16xf32>
          %xor3A_560 = arith.constant 1 : i32
          %xor3A_561 = vector.broadcast %xor3A_560 : i32 to vector<16xi32>
          %xor3A_562 = arith.xori %iota3A, %xor3A_561 : vector<16xi32>
          %lt3A_563 = arith.constant 0 : i32
          %lt3A_564 = vector.broadcast %lt3A_563 : i32 to vector<16xi32>
          %lt3A_565 = arith.cmpi slt, %xor3A_562, %lt3A_564 : vector<16xi32>
          %add3A_566 = arith.constant 16 : i32
          %add3A_567 = vector.broadcast %add3A_566 : i32 to vector<16xi32>
          %add3A_568 = arith.addi %xor3A_562, %add3A_567 : vector<16xi32>
          %select_n3A_569 = arith.select %lt3A_565, %add3A_568, %xor3A_562 : vector<16xi1>, vector<16xi32>
          %broadcast_in_dim3A_570 = vector.shape_cast %select_n3A_569 : vector<16xi32> to vector<16x1xi32>
          %gather3A_571 = vector.shape_cast %broadcast_in_dim3A_570 : vector<16x1xi32> to vector<16xi32>
          %gather3A_572 = tpu.dynamic_gather %add3A_559[%gather3A_571] in [0] : vector<16xf32>, vector<16xi32> -> vector<16xf32>
          %add3A_573 = arith.addf %add3A_559, %gather3A_572 : vector<16xf32>
          %exp3A_574 = math.exp %add3A_573 : vector<16xf32>
          %mul3A_575 = arith.mulf %get3A_401, %exp3A_574 : vector<16xf32>
          %swap3A_576 = arith.index_cast %add3A_395 : i32 to index
          %swap3A_577 = arith.constant 0 : index
          %swap3A_578 = tpu.vector_load %arg16[%swap3A_576, %swap3A_577] {strides = array<i32>} : memref<64x128xf32, #tpu.memory_space<vmem>>, vector<1x16xf32>,
          %swap3A_579 = vector.shape_cast %swap3A_578 : vector<1x16xf32> to vector<16xf32>
          %swap3A_580 = vector.shape_cast %mul3A_575 : vector<16xf32> to vector<1x16xf32>
          tpu.vector_store %arg16[%swap3A_576, %swap3A_577], %swap3A_580 {strides = array<i32>} : memref<64x128xf32, #tpu.memory_space<vmem>>, vector<1x16xf32>,
          %mul3A_581 = arith.mulf %get3A_416, %exp3A_574 : vector<16xf32>
          %swap3A_582 = arith.index_cast %add3A_395 : i32 to index
          %swap3A_583 = arith.constant 16 : index
          %swap3A_584 = tpu.vector_load %arg16[%swap3A_582, %swap3A_583] {strides = array<i32>} : memref<64x128xf32, #tpu.memory_space<vmem>>, vector<1x16xf32>,
          %swap3A_585 = vector.shape_cast %swap3A_584 : vector<1x16xf32> to vector<16xf32>
          %swap3A_586 = vector.shape_cast %mul3A_581 : vector<16xf32> to vector<1x16xf32>
          tpu.vector_store %arg16[%swap3A_582, %swap3A_583], %swap3A_586 {strides = array<i32>} : memref<64x128xf32, #tpu.memory_space<vmem>>, vector<1x16xf32>,
          %mul3A_587 = arith.mulf %get3A_431, %exp3A_574 : vector<16xf32>
          %swap3A_588 = arith.index_cast %add3A_395 : i32 to index
          %swap3A_589 = arith.constant 32 : index
          %swap3A_590 = tpu.vector_load %arg16[%swap3A_588, %swap3A_589] {strides = array<i32>} : memref<64x128xf32, #tpu.memory_space<vmem>>, vector<1x16xf32>,
          %swap3A_591 = vector.shape_cast %swap3A_590 : vector<1x16xf32> to vector<16xf32>
          %swap3A_592 = vector.shape_cast %mul3A_587 : vector<16xf32> to vector<1x16xf32>
          tpu.vector_store %arg16[%swap3A_588, %swap3A_589], %swap3A_592 {strides = array<i32>} : memref<64x128xf32, #tpu.memory_space<vmem>>, vector<1x16xf32>,
          %mul3A_593 = arith.mulf %get3A_446, %exp3A_574 : vector<16xf32>
          %swap3A_594 = arith.index_cast %add3A_395 : i32 to index
          %swap3A_595 = arith.constant 48 : index
          %swap3A_596 = tpu.vector_load %arg16[%swap3A_594, %swap3A_595] {strides = array<i32>} : memref<64x128xf32, #tpu.memory_space<vmem>>, vector<1x16xf32>,
          %swap3A_597 = vector.shape_cast %swap3A_596 : vector<1x16xf32> to vector<16xf32>
          %swap3A_598 = vector.shape_cast %mul3A_593 : vector<16xf32> to vector<1x16xf32>
          tpu.vector_store %arg16[%swap3A_594, %swap3A_595], %swap3A_598 {strides = array<i32>} : memref<64x128xf32, #tpu.memory_space<vmem>>, vector<1x16xf32>,
          %mul3A_599 = arith.mulf %get3A_461, %exp3A_574 : vector<16xf32>
          %swap3A_600 = arith.index_cast %add3A_395 : i32 to index
          %swap3A_601 = arith.constant 64 : index
          %swap3A_602 = tpu.vector_load %arg16[%swap3A_600, %swap3A_601] {strides = array<i32>} : memref<64x128xf32, #tpu.memory_space<vmem>>, vector<1x16xf32>,
          %swap3A_603 = vector.shape_cast %swap3A_602 : vector<1x16xf32> to vector<16xf32>
          %swap3A_604 = vector.shape_cast %mul3A_599 : vector<16xf32> to vector<1x16xf32>
          tpu.vector_store %arg16[%swap3A_600, %swap3A_601], %swap3A_604 {strides = array<i32>} : memref<64x128xf32, #tpu.memory_space<vmem>>, vector<1x16xf32>,
          %mul3A_605 = arith.mulf %get3A_476, %exp3A_574 : vector<16xf32>
          %swap3A_606 = arith.index_cast %add3A_395 : i32 to index
          %swap3A_607 = arith.constant 80 : index
          %swap3A_608 = tpu.vector_load %arg16[%swap3A_606, %swap3A_607] {strides = array<i32>} : memref<64x128xf32, #tpu.memory_space<vmem>>, vector<1x16xf32>,
          %swap3A_609 = vector.shape_cast %swap3A_608 : vector<1x16xf32> to vector<16xf32>
          %swap3A_610 = vector.shape_cast %mul3A_605 : vector<16xf32> to vector<1x16xf32>
          tpu.vector_store %arg16[%swap3A_606, %swap3A_607], %swap3A_610 {strides = array<i32>} : memref<64x128xf32, #tpu.memory_space<vmem>>, vector<1x16xf32>,
          %mul3A_611 = arith.mulf %get3A_491, %exp3A_574 : vector<16xf32>
          %swap3A_612 = arith.index_cast %add3A_395 : i32 to index
          %swap3A_613 = arith.constant 96 : index
          %swap3A_614 = tpu.vector_load %arg16[%swap3A_612, %swap3A_613] {strides = array<i32>} : memref<64x128xf32, #tpu.memory_space<vmem>>, vector<1x16xf32>,
          %swap3A_615 = vector.shape_cast %swap3A_614 : vector<1x16xf32> to vector<16xf32>
          %swap3A_616 = vector.shape_cast %mul3A_611 : vector<16xf32> to vector<1x16xf32>
          tpu.vector_store %arg16[%swap3A_612, %swap3A_613], %swap3A_616 {strides = array<i32>} : memref<64x128xf32, #tpu.memory_space<vmem>>, vector<1x16xf32>,
          %mul3A_617 = arith.mulf %get3A_506, %exp3A_574 : vector<16xf32>
          %swap3A_618 = arith.index_cast %add3A_395 : i32 to index
          %swap3A_619 = arith.constant 112 : index
          %swap3A_620 = tpu.vector_load %arg16[%swap3A_618, %swap3A_619] {strides = array<i32>} : memref<64x128xf32, #tpu.memory_space<vmem>>, vector<1x16xf32>,
          %swap3A_621 = vector.shape_cast %swap3A_620 : vector<1x16xf32> to vector<16xf32>
          %swap3A_622 = vector.shape_cast %mul3A_617 : vector<16xf32> to vector<1x16xf32>
          tpu.vector_store %arg16[%swap3A_618, %swap3A_619], %swap3A_622 {strides = array<i32>} : memref<64x128xf32, #tpu.memory_space<vmem>>, vector<1x16xf32>,
        }
        %scan3A_165 = arith.constant 32 : i32
      } else {
      }
      %eq3A_120 = arith.constant 1 : i32
      %eq3A_121 = arith.cmpi eq, %arg0, %eq3A_120 : i32
      %convert_element_type3A_122 = arith.extui %eq3A_121 : i1 to i32
      %cond3A_123 = arith.constant 0 : i32
      %cond3A_124 = arith.cmpi ne, %convert_element_type3A_122, %cond3A_123 : i32
      scf.if %cond3A_124 {
        %scan3A_160 = arith.constant 0 : i32
        %scan3A_161 = arith.constant 0 : i32
        %scan3A_162 = arith.constant 32 : i32
        %scan3A_163 = arith.addi %scan3A_161, %scan3A_162 : i32
        %scan3A_164 = arith.constant 1 : i32
        scf.for %scan3A_166 = %scan3A_161 to %scan3A_163 step %scan3A_164  : i32 {
          %mul3A_167 = arith.constant 2 : i32
          %mul3A_168 = arith.muli %scan3A_166, %mul3A_167 : i32
          %add3A_169 = arith.constant 0 : i32
          %add3A_170 = arith.addi %mul3A_168, %add3A_169 : i32
          %broadcast_in_dim3A_171 = arith.constant 0.000000e+00 : f32
          %broadcast_in_dim3A_172 = vector.broadcast %broadcast_in_dim3A_171 : f32 to vector<16xf32>
          %get3A_173 = arith.index_cast %add3A_170 : i32 to index
          %get3A_174 = arith.constant 0 : index
          %get3A_175 = tpu.vector_load %arg12[%get3A_173, %get3A_174] {strides = array<i32>} : memref<64x128xf32, #tpu.memory_space<vmem>>, vector<1x16xf32>,
          %get3A_176 = vector.shape_cast %get3A_175 : vector<1x16xf32> to vector<16xf32>
          %get3A_177 = arith.index_cast %add3A_170 : i32 to index
          %get3A_178 = arith.constant 0 : index
          %get3A_179 = tpu.vector_load %arg13[%get3A_177, %get3A_178] {strides = array<i32>} : memref<64x128xf32, #tpu.memory_space<vmem>>, vector<1x16xf32>,
          %get3A_180 = vector.shape_cast %get3A_179 : vector<1x16xf32> to vector<16xf32>
          %add3A_181 = arith.addf %get3A_176, %get3A_180 : vector<16xf32>
          %mul3A_182 = arith.constant 2.000000e-01 : f32
          %mul3A_183 = vector.broadcast %mul3A_182 : f32 to vector<16xf32>
          %mul3A_184 = arith.mulf %mul3A_183, %add3A_181 : vector<16xf32>
          %max3A = arith.maximumf %add3A_181, %mul3A_184 : vector<16xf32>
          %mul3A_185 = arith.mulf %max3A, %get3A_27 : vector<16xf32>
          %add3A_186 = arith.addf %broadcast_in_dim3A_172, %mul3A_185 : vector<16xf32>
          %get3A_187 = arith.index_cast %add3A_170 : i32 to index
          %get3A_188 = arith.constant 16 : index
          %get3A_189 = tpu.vector_load %arg12[%get3A_187, %get3A_188] {strides = array<i32>} : memref<64x128xf32, #tpu.memory_space<vmem>>, vector<1x16xf32>,
          %get3A_190 = vector.shape_cast %get3A_189 : vector<1x16xf32> to vector<16xf32>
          %get3A_191 = arith.index_cast %add3A_170 : i32 to index
          %get3A_192 = arith.constant 16 : index
          %get3A_193 = tpu.vector_load %arg13[%get3A_191, %get3A_192] {strides = array<i32>} : memref<64x128xf32, #tpu.memory_space<vmem>>, vector<1x16xf32>,
          %get3A_194 = vector.shape_cast %get3A_193 : vector<1x16xf32> to vector<16xf32>
          %add3A_195 = arith.addf %get3A_190, %get3A_194 : vector<16xf32>
          %mul3A_196 = arith.constant 2.000000e-01 : f32
          %mul3A_197 = vector.broadcast %mul3A_196 : f32 to vector<16xf32>
          %mul3A_198 = arith.mulf %mul3A_197, %add3A_195 : vector<16xf32>
          %max3A_199 = arith.maximumf %add3A_195, %mul3A_198 : vector<16xf32>
          %mul3A_200 = arith.mulf %max3A_199, %get3A_30 : vector<16xf32>
          %add3A_201 = arith.addf %add3A_186, %mul3A_200 : vector<16xf32>
          %get3A_202 = arith.index_cast %add3A_170 : i32 to index
          %get3A_203 = arith.constant 32 : index
          %get3A_204 = tpu.vector_load %arg12[%get3A_202, %get3A_203] {strides = array<i32>} : memref<64x128xf32, #tpu.memory_space<vmem>>, vector<1x16xf32>,
          %get3A_205 = vector.shape_cast %get3A_204 : vector<1x16xf32> to vector<16xf32>
          %get3A_206 = arith.index_cast %add3A_170 : i32 to index
          %get3A_207 = arith.constant 32 : index
          %get3A_208 = tpu.vector_load %arg13[%get3A_206, %get3A_207] {strides = array<i32>} : memref<64x128xf32, #tpu.memory_space<vmem>>, vector<1x16xf32>,
          %get3A_209 = vector.shape_cast %get3A_208 : vector<1x16xf32> to vector<16xf32>
          %add3A_210 = arith.addf %get3A_205, %get3A_209 : vector<16xf32>
          %mul3A_211 = arith.constant 2.000000e-01 : f32
          %mul3A_212 = vector.broadcast %mul3A_211 : f32 to vector<16xf32>
          %mul3A_213 = arith.mulf %mul3A_212, %add3A_210 : vector<16xf32>
          %max3A_214 = arith.maximumf %add3A_210, %mul3A_213 : vector<16xf32>
          %mul3A_215 = arith.mulf %max3A_214, %get3A_33 : vector<16xf32>
          %add3A_216 = arith.addf %add3A_201, %mul3A_215 : vector<16xf32>
          %get3A_217 = arith.index_cast %add3A_170 : i32 to index
          %get3A_218 = arith.constant 48 : index
          %get3A_219 = tpu.vector_load %arg12[%get3A_217, %get3A_218] {strides = array<i32>} : memref<64x128xf32, #tpu.memory_space<vmem>>, vector<1x16xf32>,
          %get3A_220 = vector.shape_cast %get3A_219 : vector<1x16xf32> to vector<16xf32>
          %get3A_221 = arith.index_cast %add3A_170 : i32 to index
          %get3A_222 = arith.constant 48 : index
          %get3A_223 = tpu.vector_load %arg13[%get3A_221, %get3A_222] {strides = array<i32>} : memref<64x128xf32, #tpu.memory_space<vmem>>, vector<1x16xf32>,
          %get3A_224 = vector.shape_cast %get3A_223 : vector<1x16xf32> to vector<16xf32>
          %add3A_225 = arith.addf %get3A_220, %get3A_224 : vector<16xf32>
          %mul3A_226 = arith.constant 2.000000e-01 : f32
          %mul3A_227 = vector.broadcast %mul3A_226 : f32 to vector<16xf32>
          %mul3A_228 = arith.mulf %mul3A_227, %add3A_225 : vector<16xf32>
          %max3A_229 = arith.maximumf %add3A_225, %mul3A_228 : vector<16xf32>
          %mul3A_230 = arith.mulf %max3A_229, %get3A_36 : vector<16xf32>
          %add3A_231 = arith.addf %add3A_216, %mul3A_230 : vector<16xf32>
          %get3A_232 = arith.index_cast %add3A_170 : i32 to index
          %get3A_233 = arith.constant 64 : index
          %get3A_234 = tpu.vector_load %arg12[%get3A_232, %get3A_233] {strides = array<i32>} : memref<64x128xf32, #tpu.memory_space<vmem>>, vector<1x16xf32>,
          %get3A_235 = vector.shape_cast %get3A_234 : vector<1x16xf32> to vector<16xf32>
          %get3A_236 = arith.index_cast %add3A_170 : i32 to index
          %get3A_237 = arith.constant 64 : index
          %get3A_238 = tpu.vector_load %arg13[%get3A_236, %get3A_237] {strides = array<i32>} : memref<64x128xf32, #tpu.memory_space<vmem>>, vector<1x16xf32>,
          %get3A_239 = vector.shape_cast %get3A_238 : vector<1x16xf32> to vector<16xf32>
          %add3A_240 = arith.addf %get3A_235, %get3A_239 : vector<16xf32>
          %mul3A_241 = arith.constant 2.000000e-01 : f32
          %mul3A_242 = vector.broadcast %mul3A_241 : f32 to vector<16xf32>
          %mul3A_243 = arith.mulf %mul3A_242, %add3A_240 : vector<16xf32>
          %max3A_244 = arith.maximumf %add3A_240, %mul3A_243 : vector<16xf32>
          %mul3A_245 = arith.mulf %max3A_244, %get3A_39 : vector<16xf32>
          %add3A_246 = arith.addf %add3A_231, %mul3A_245 : vector<16xf32>
          %get3A_247 = arith.index_cast %add3A_170 : i32 to index
          %get3A_248 = arith.constant 80 : index
          %get3A_249 = tpu.vector_load %arg12[%get3A_247, %get3A_248] {strides = array<i32>} : memref<64x128xf32, #tpu.memory_space<vmem>>, vector<1x16xf32>,
          %get3A_250 = vector.shape_cast %get3A_249 : vector<1x16xf32> to vector<16xf32>
          %get3A_251 = arith.index_cast %add3A_170 : i32 to index
          %get3A_252 = arith.constant 80 : index
          %get3A_253 = tpu.vector_load %arg13[%get3A_251, %get3A_252] {strides = array<i32>} : memref<64x128xf32, #tpu.memory_space<vmem>>, vector<1x16xf32>,
          %get3A_254 = vector.shape_cast %get3A_253 : vector<1x16xf32> to vector<16xf32>
          %add3A_255 = arith.addf %get3A_250, %get3A_254 : vector<16xf32>
          %mul3A_256 = arith.constant 2.000000e-01 : f32
          %mul3A_257 = vector.broadcast %mul3A_256 : f32 to vector<16xf32>
          %mul3A_258 = arith.mulf %mul3A_257, %add3A_255 : vector<16xf32>
          %max3A_259 = arith.maximumf %add3A_255, %mul3A_258 : vector<16xf32>
          %mul3A_260 = arith.mulf %max3A_259, %get3A_42 : vector<16xf32>
          %add3A_261 = arith.addf %add3A_246, %mul3A_260 : vector<16xf32>
          %get3A_262 = arith.index_cast %add3A_170 : i32 to index
          %get3A_263 = arith.constant 96 : index
          %get3A_264 = tpu.vector_load %arg12[%get3A_262, %get3A_263] {strides = array<i32>} : memref<64x128xf32, #tpu.memory_space<vmem>>, vector<1x16xf32>,
          %get3A_265 = vector.shape_cast %get3A_264 : vector<1x16xf32> to vector<16xf32>
          %get3A_266 = arith.index_cast %add3A_170 : i32 to index
          %get3A_267 = arith.constant 96 : index
          %get3A_268 = tpu.vector_load %arg13[%get3A_266, %get3A_267] {strides = array<i32>} : memref<64x128xf32, #tpu.memory_space<vmem>>, vector<1x16xf32>,
          %get3A_269 = vector.shape_cast %get3A_268 : vector<1x16xf32> to vector<16xf32>
          %add3A_270 = arith.addf %get3A_265, %get3A_269 : vector<16xf32>
          %mul3A_271 = arith.constant 2.000000e-01 : f32
          %mul3A_272 = vector.broadcast %mul3A_271 : f32 to vector<16xf32>
          %mul3A_273 = arith.mulf %mul3A_272, %add3A_270 : vector<16xf32>
          %max3A_274 = arith.maximumf %add3A_270, %mul3A_273 : vector<16xf32>
          %mul3A_275 = arith.mulf %max3A_274, %get3A_45 : vector<16xf32>
          %add3A_276 = arith.addf %add3A_261, %mul3A_275 : vector<16xf32>
          %get3A_277 = arith.index_cast %add3A_170 : i32 to index
          %get3A_278 = arith.constant 112 : index
          %get3A_279 = tpu.vector_load %arg12[%get3A_277, %get3A_278] {strides = array<i32>} : memref<64x128xf32, #tpu.memory_space<vmem>>, vector<1x16xf32>,
          %get3A_280 = vector.shape_cast %get3A_279 : vector<1x16xf32> to vector<16xf32>
          %get3A_281 = arith.index_cast %add3A_170 : i32 to index
          %get3A_282 = arith.constant 112 : index
          %get3A_283 = tpu.vector_load %arg13[%get3A_281, %get3A_282] {strides = array<i32>} : memref<64x128xf32, #tpu.memory_space<vmem>>, vector<1x16xf32>,
          %get3A_284 = vector.shape_cast %get3A_283 : vector<1x16xf32> to vector<16xf32>
          %add3A_285 = arith.addf %get3A_280, %get3A_284 : vector<16xf32>
          %mul3A_286 = arith.constant 2.000000e-01 : f32
          %mul3A_287 = vector.broadcast %mul3A_286 : f32 to vector<16xf32>
          %mul3A_288 = arith.mulf %mul3A_287, %add3A_285 : vector<16xf32>
          %max3A_289 = arith.maximumf %add3A_285, %mul3A_288 : vector<16xf32>
          %mul3A_290 = arith.mulf %max3A_289, %get3A_48 : vector<16xf32>
          %add3A_291 = arith.addf %add3A_276, %mul3A_290 : vector<16xf32>
          %xor3A = arith.constant 8 : i32
          %xor3A_292 = vector.broadcast %xor3A : i32 to vector<16xi32>
          %xor3A_293 = arith.xori %iota3A, %xor3A_292 : vector<16xi32>
          %lt3A_294 = arith.constant 0 : i32
          %lt3A_295 = vector.broadcast %lt3A_294 : i32 to vector<16xi32>
          %lt3A_296 = arith.cmpi slt, %xor3A_293, %lt3A_295 : vector<16xi32>
          %add3A_297 = arith.constant 16 : i32
          %add3A_298 = vector.broadcast %add3A_297 : i32 to vector<16xi32>
          %add3A_299 = arith.addi %xor3A_293, %add3A_298 : vector<16xi32>
          %select_n3A = arith.select %lt3A_296, %add3A_299, %xor3A_293 : vector<16xi1>, vector<16xi32>
          %broadcast_in_dim3A_300 = vector.shape_cast %select_n3A : vector<16xi32> to vector<16x1xi32>
          %gather3A = vector.shape_cast %broadcast_in_dim3A_300 : vector<16x1xi32> to vector<16xi32>
          %gather3A_301 = tpu.dynamic_gather %add3A_291[%gather3A] in [0] : vector<16xf32>, vector<16xi32> -> vector<16xf32>
          %add3A_302 = arith.addf %add3A_291, %gather3A_301 : vector<16xf32>
          %xor3A_303 = arith.constant 4 : i32
          %xor3A_304 = vector.broadcast %xor3A_303 : i32 to vector<16xi32>
          %xor3A_305 = arith.xori %iota3A, %xor3A_304 : vector<16xi32>
          %lt3A_306 = arith.constant 0 : i32
          %lt3A_307 = vector.broadcast %lt3A_306 : i32 to vector<16xi32>
          %lt3A_308 = arith.cmpi slt, %xor3A_305, %lt3A_307 : vector<16xi32>
          %add3A_309 = arith.constant 16 : i32
          %add3A_310 = vector.broadcast %add3A_309 : i32 to vector<16xi32>
          %add3A_311 = arith.addi %xor3A_305, %add3A_310 : vector<16xi32>
          %select_n3A_312 = arith.select %lt3A_308, %add3A_311, %xor3A_305 : vector<16xi1>, vector<16xi32>
          %broadcast_in_dim3A_313 = vector.shape_cast %select_n3A_312 : vector<16xi32> to vector<16x1xi32>
          %gather3A_314 = vector.shape_cast %broadcast_in_dim3A_313 : vector<16x1xi32> to vector<16xi32>
          %gather3A_315 = tpu.dynamic_gather %add3A_302[%gather3A_314] in [0] : vector<16xf32>, vector<16xi32> -> vector<16xf32>
          %add3A_316 = arith.addf %add3A_302, %gather3A_315 : vector<16xf32>
          %xor3A_317 = arith.constant 2 : i32
          %xor3A_318 = vector.broadcast %xor3A_317 : i32 to vector<16xi32>
          %xor3A_319 = arith.xori %iota3A, %xor3A_318 : vector<16xi32>
          %lt3A_320 = arith.constant 0 : i32
          %lt3A_321 = vector.broadcast %lt3A_320 : i32 to vector<16xi32>
          %lt3A_322 = arith.cmpi slt, %xor3A_319, %lt3A_321 : vector<16xi32>
          %add3A_323 = arith.constant 16 : i32
          %add3A_324 = vector.broadcast %add3A_323 : i32 to vector<16xi32>
          %add3A_325 = arith.addi %xor3A_319, %add3A_324 : vector<16xi32>
          %select_n3A_326 = arith.select %lt3A_322, %add3A_325, %xor3A_319 : vector<16xi1>, vector<16xi32>
          %broadcast_in_dim3A_327 = vector.shape_cast %select_n3A_326 : vector<16xi32> to vector<16x1xi32>
          %gather3A_328 = vector.shape_cast %broadcast_in_dim3A_327 : vector<16x1xi32> to vector<16xi32>
          %gather3A_329 = tpu.dynamic_gather %add3A_316[%gather3A_328] in [0] : vector<16xf32>, vector<16xi32> -> vector<16xf32>
          %add3A_330 = arith.addf %add3A_316, %gather3A_329 : vector<16xf32>
          %xor3A_331 = arith.constant 1 : i32
          %xor3A_332 = vector.broadcast %xor3A_331 : i32 to vector<16xi32>
          %xor3A_333 = arith.xori %iota3A, %xor3A_332 : vector<16xi32>
          %lt3A_334 = arith.constant 0 : i32
          %lt3A_335 = vector.broadcast %lt3A_334 : i32 to vector<16xi32>
          %lt3A_336 = arith.cmpi slt, %xor3A_333, %lt3A_335 : vector<16xi32>
          %add3A_337 = arith.constant 16 : i32
          %add3A_338 = vector.broadcast %add3A_337 : i32 to vector<16xi32>
          %add3A_339 = arith.addi %xor3A_333, %add3A_338 : vector<16xi32>
          %select_n3A_340 = arith.select %lt3A_336, %add3A_339, %xor3A_333 : vector<16xi1>, vector<16xi32>
          %broadcast_in_dim3A_341 = vector.shape_cast %select_n3A_340 : vector<16xi32> to vector<16x1xi32>
          %gather3A_342 = vector.shape_cast %broadcast_in_dim3A_341 : vector<16x1xi32> to vector<16xi32>
          %gather3A_343 = tpu.dynamic_gather %add3A_330[%gather3A_342] in [0] : vector<16xf32>, vector<16xi32> -> vector<16xf32>
          %add3A_344 = arith.addf %add3A_330, %gather3A_343 : vector<16xf32>
          %exp3A = math.exp %add3A_344 : vector<16xf32>
          %swap3A = arith.index_cast %add3A_170 : i32 to index
          %swap3A_345 = arith.constant 0 : index
          %swap3A_346 = tpu.vector_load %arg16[%swap3A, %swap3A_345] {strides = array<i32>} : memref<64x128xf32, #tpu.memory_space<vmem>>, vector<1x16xf32>,
          %swap3A_347 = vector.shape_cast %swap3A_346 : vector<1x16xf32> to vector<16xf32>
          %swap3A_348 = vector.shape_cast %exp3A : vector<16xf32> to vector<1x16xf32>
          tpu.vector_store %arg16[%swap3A, %swap3A_345], %swap3A_348 {strides = array<i32>} : memref<64x128xf32, #tpu.memory_space<vmem>>, vector<1x16xf32>,
          %swap3A_349 = arith.index_cast %add3A_170 : i32 to index
          %swap3A_350 = arith.constant 16 : index
          %swap3A_351 = tpu.vector_load %arg16[%swap3A_349, %swap3A_350] {strides = array<i32>} : memref<64x128xf32, #tpu.memory_space<vmem>>, vector<1x16xf32>,
          %swap3A_352 = vector.shape_cast %swap3A_351 : vector<1x16xf32> to vector<16xf32>
          %swap3A_353 = vector.shape_cast %exp3A : vector<16xf32> to vector<1x16xf32>
          tpu.vector_store %arg16[%swap3A_349, %swap3A_350], %swap3A_353 {strides = array<i32>} : memref<64x128xf32, #tpu.memory_space<vmem>>, vector<1x16xf32>,
          %swap3A_354 = arith.index_cast %add3A_170 : i32 to index
          %swap3A_355 = arith.constant 32 : index
          %swap3A_356 = tpu.vector_load %arg16[%swap3A_354, %swap3A_355] {strides = array<i32>} : memref<64x128xf32, #tpu.memory_space<vmem>>, vector<1x16xf32>,
          %swap3A_357 = vector.shape_cast %swap3A_356 : vector<1x16xf32> to vector<16xf32>
          %swap3A_358 = vector.shape_cast %exp3A : vector<16xf32> to vector<1x16xf32>
          tpu.vector_store %arg16[%swap3A_354, %swap3A_355], %swap3A_358 {strides = array<i32>} : memref<64x128xf32, #tpu.memory_space<vmem>>, vector<1x16xf32>,
          %swap3A_359 = arith.index_cast %add3A_170 : i32 to index
          %swap3A_360 = arith.constant 48 : index
          %swap3A_361 = tpu.vector_load %arg16[%swap3A_359, %swap3A_360] {strides = array<i32>} : memref<64x128xf32, #tpu.memory_space<vmem>>, vector<1x16xf32>,
          %swap3A_362 = vector.shape_cast %swap3A_361 : vector<1x16xf32> to vector<16xf32>
          %swap3A_363 = vector.shape_cast %exp3A : vector<16xf32> to vector<1x16xf32>
          tpu.vector_store %arg16[%swap3A_359, %swap3A_360], %swap3A_363 {strides = array<i32>} : memref<64x128xf32, #tpu.memory_space<vmem>>, vector<1x16xf32>,
          %swap3A_364 = arith.index_cast %add3A_170 : i32 to index
          %swap3A_365 = arith.constant 64 : index
          %swap3A_366 = tpu.vector_load %arg16[%swap3A_364, %swap3A_365] {strides = array<i32>} : memref<64x128xf32, #tpu.memory_space<vmem>>, vector<1x16xf32>,
          %swap3A_367 = vector.shape_cast %swap3A_366 : vector<1x16xf32> to vector<16xf32>
          %swap3A_368 = vector.shape_cast %exp3A : vector<16xf32> to vector<1x16xf32>
          tpu.vector_store %arg16[%swap3A_364, %swap3A_365], %swap3A_368 {strides = array<i32>} : memref<64x128xf32, #tpu.memory_space<vmem>>, vector<1x16xf32>,
          %swap3A_369 = arith.index_cast %add3A_170 : i32 to index
          %swap3A_370 = arith.constant 80 : index
          %swap3A_371 = tpu.vector_load %arg16[%swap3A_369, %swap3A_370] {strides = array<i32>} : memref<64x128xf32, #tpu.memory_space<vmem>>, vector<1x16xf32>,
          %swap3A_372 = vector.shape_cast %swap3A_371 : vector<1x16xf32> to vector<16xf32>
          %swap3A_373 = vector.shape_cast %exp3A : vector<16xf32> to vector<1x16xf32>
          tpu.vector_store %arg16[%swap3A_369, %swap3A_370], %swap3A_373 {strides = array<i32>} : memref<64x128xf32, #tpu.memory_space<vmem>>, vector<1x16xf32>,
          %swap3A_374 = arith.index_cast %add3A_170 : i32 to index
          %swap3A_375 = arith.constant 96 : index
          %swap3A_376 = tpu.vector_load %arg16[%swap3A_374, %swap3A_375] {strides = array<i32>} : memref<64x128xf32, #tpu.memory_space<vmem>>, vector<1x16xf32>,
          %swap3A_377 = vector.shape_cast %swap3A_376 : vector<1x16xf32> to vector<16xf32>
          %swap3A_378 = vector.shape_cast %exp3A : vector<16xf32> to vector<1x16xf32>
          tpu.vector_store %arg16[%swap3A_374, %swap3A_375], %swap3A_378 {strides = array<i32>} : memref<64x128xf32, #tpu.memory_space<vmem>>, vector<1x16xf32>,
          %swap3A_379 = arith.index_cast %add3A_170 : i32 to index
          %swap3A_380 = arith.constant 112 : index
          %swap3A_381 = tpu.vector_load %arg16[%swap3A_379, %swap3A_380] {strides = array<i32>} : memref<64x128xf32, #tpu.memory_space<vmem>>, vector<1x16xf32>,
          %swap3A_382 = vector.shape_cast %swap3A_381 : vector<1x16xf32> to vector<16xf32>
          %swap3A_383 = vector.shape_cast %exp3A : vector<16xf32> to vector<1x16xf32>
          tpu.vector_store %arg16[%swap3A_379, %swap3A_380], %swap3A_383 {strides = array<i32>} : memref<64x128xf32, #tpu.memory_space<vmem>>, vector<1x16xf32>,
          %mul3A_384 = arith.constant 2 : i32
          %mul3A_385 = arith.muli %scan3A_166, %mul3A_384 : i32
          %add3A_386 = arith.constant 1 : i32
          %add3A_387 = arith.addi %mul3A_385, %add3A_386 : i32
          %broadcast_in_dim3A_388 = arith.constant 0.000000e+00 : f32
          %broadcast_in_dim3A_389 = vector.broadcast %broadcast_in_dim3A_388 : f32 to vector<16xf32>
          %get3A_390 = arith.index_cast %add3A_387 : i32 to index
          %get3A_391 = arith.constant 0 : index
          %get3A_392 = tpu.vector_load %arg12[%get3A_390, %get3A_391] {strides = array<i32>} : memref<64x128xf32, #tpu.memory_space<vmem>>, vector<1x16xf32>,
          %get3A_393 = vector.shape_cast %get3A_392 : vector<1x16xf32> to vector<16xf32>
          %get3A_394 = arith.index_cast %add3A_387 : i32 to index
          %get3A_395 = arith.constant 0 : index
          %get3A_396 = tpu.vector_load %arg13[%get3A_394, %get3A_395] {strides = array<i32>} : memref<64x128xf32, #tpu.memory_space<vmem>>, vector<1x16xf32>,
          %get3A_397 = vector.shape_cast %get3A_396 : vector<1x16xf32> to vector<16xf32>
          %add3A_398 = arith.addf %get3A_393, %get3A_397 : vector<16xf32>
          %mul3A_399 = arith.constant 2.000000e-01 : f32
          %mul3A_400 = vector.broadcast %mul3A_399 : f32 to vector<16xf32>
          %mul3A_401 = arith.mulf %mul3A_400, %add3A_398 : vector<16xf32>
          %max3A_402 = arith.maximumf %add3A_398, %mul3A_401 : vector<16xf32>
          %mul3A_403 = arith.mulf %max3A_402, %get3A_27 : vector<16xf32>
          %add3A_404 = arith.addf %broadcast_in_dim3A_389, %mul3A_403 : vector<16xf32>
          %get3A_405 = arith.index_cast %add3A_387 : i32 to index
          %get3A_406 = arith.constant 16 : index
          %get3A_407 = tpu.vector_load %arg12[%get3A_405, %get3A_406] {strides = array<i32>} : memref<64x128xf32, #tpu.memory_space<vmem>>, vector<1x16xf32>,
          %get3A_408 = vector.shape_cast %get3A_407 : vector<1x16xf32> to vector<16xf32>
          %get3A_409 = arith.index_cast %add3A_387 : i32 to index
          %get3A_410 = arith.constant 16 : index
          %get3A_411 = tpu.vector_load %arg13[%get3A_409, %get3A_410] {strides = array<i32>} : memref<64x128xf32, #tpu.memory_space<vmem>>, vector<1x16xf32>,
          %get3A_412 = vector.shape_cast %get3A_411 : vector<1x16xf32> to vector<16xf32>
          %add3A_413 = arith.addf %get3A_408, %get3A_412 : vector<16xf32>
          %mul3A_414 = arith.constant 2.000000e-01 : f32
          %mul3A_415 = vector.broadcast %mul3A_414 : f32 to vector<16xf32>
          %mul3A_416 = arith.mulf %mul3A_415, %add3A_413 : vector<16xf32>
          %max3A_417 = arith.maximumf %add3A_413, %mul3A_416 : vector<16xf32>
          %mul3A_418 = arith.mulf %max3A_417, %get3A_30 : vector<16xf32>
          %add3A_419 = arith.addf %add3A_404, %mul3A_418 : vector<16xf32>
          %get3A_420 = arith.index_cast %add3A_387 : i32 to index
          %get3A_421 = arith.constant 32 : index
          %get3A_422 = tpu.vector_load %arg12[%get3A_420, %get3A_421] {strides = array<i32>} : memref<64x128xf32, #tpu.memory_space<vmem>>, vector<1x16xf32>,
          %get3A_423 = vector.shape_cast %get3A_422 : vector<1x16xf32> to vector<16xf32>
          %get3A_424 = arith.index_cast %add3A_387 : i32 to index
          %get3A_425 = arith.constant 32 : index
          %get3A_426 = tpu.vector_load %arg13[%get3A_424, %get3A_425] {strides = array<i32>} : memref<64x128xf32, #tpu.memory_space<vmem>>, vector<1x16xf32>,
          %get3A_427 = vector.shape_cast %get3A_426 : vector<1x16xf32> to vector<16xf32>
          %add3A_428 = arith.addf %get3A_423, %get3A_427 : vector<16xf32>
          %mul3A_429 = arith.constant 2.000000e-01 : f32
          %mul3A_430 = vector.broadcast %mul3A_429 : f32 to vector<16xf32>
          %mul3A_431 = arith.mulf %mul3A_430, %add3A_428 : vector<16xf32>
          %max3A_432 = arith.maximumf %add3A_428, %mul3A_431 : vector<16xf32>
          %mul3A_433 = arith.mulf %max3A_432, %get3A_33 : vector<16xf32>
          %add3A_434 = arith.addf %add3A_419, %mul3A_433 : vector<16xf32>
          %get3A_435 = arith.index_cast %add3A_387 : i32 to index
          %get3A_436 = arith.constant 48 : index
          %get3A_437 = tpu.vector_load %arg12[%get3A_435, %get3A_436] {strides = array<i32>} : memref<64x128xf32, #tpu.memory_space<vmem>>, vector<1x16xf32>,
          %get3A_438 = vector.shape_cast %get3A_437 : vector<1x16xf32> to vector<16xf32>
          %get3A_439 = arith.index_cast %add3A_387 : i32 to index
          %get3A_440 = arith.constant 48 : index
          %get3A_441 = tpu.vector_load %arg13[%get3A_439, %get3A_440] {strides = array<i32>} : memref<64x128xf32, #tpu.memory_space<vmem>>, vector<1x16xf32>,
          %get3A_442 = vector.shape_cast %get3A_441 : vector<1x16xf32> to vector<16xf32>
          %add3A_443 = arith.addf %get3A_438, %get3A_442 : vector<16xf32>
          %mul3A_444 = arith.constant 2.000000e-01 : f32
          %mul3A_445 = vector.broadcast %mul3A_444 : f32 to vector<16xf32>
          %mul3A_446 = arith.mulf %mul3A_445, %add3A_443 : vector<16xf32>
          %max3A_447 = arith.maximumf %add3A_443, %mul3A_446 : vector<16xf32>
          %mul3A_448 = arith.mulf %max3A_447, %get3A_36 : vector<16xf32>
          %add3A_449 = arith.addf %add3A_434, %mul3A_448 : vector<16xf32>
          %get3A_450 = arith.index_cast %add3A_387 : i32 to index
          %get3A_451 = arith.constant 64 : index
          %get3A_452 = tpu.vector_load %arg12[%get3A_450, %get3A_451] {strides = array<i32>} : memref<64x128xf32, #tpu.memory_space<vmem>>, vector<1x16xf32>,
          %get3A_453 = vector.shape_cast %get3A_452 : vector<1x16xf32> to vector<16xf32>
          %get3A_454 = arith.index_cast %add3A_387 : i32 to index
          %get3A_455 = arith.constant 64 : index
          %get3A_456 = tpu.vector_load %arg13[%get3A_454, %get3A_455] {strides = array<i32>} : memref<64x128xf32, #tpu.memory_space<vmem>>, vector<1x16xf32>,
          %get3A_457 = vector.shape_cast %get3A_456 : vector<1x16xf32> to vector<16xf32>
          %add3A_458 = arith.addf %get3A_453, %get3A_457 : vector<16xf32>
          %mul3A_459 = arith.constant 2.000000e-01 : f32
          %mul3A_460 = vector.broadcast %mul3A_459 : f32 to vector<16xf32>
          %mul3A_461 = arith.mulf %mul3A_460, %add3A_458 : vector<16xf32>
          %max3A_462 = arith.maximumf %add3A_458, %mul3A_461 : vector<16xf32>
          %mul3A_463 = arith.mulf %max3A_462, %get3A_39 : vector<16xf32>
          %add3A_464 = arith.addf %add3A_449, %mul3A_463 : vector<16xf32>
          %get3A_465 = arith.index_cast %add3A_387 : i32 to index
          %get3A_466 = arith.constant 80 : index
          %get3A_467 = tpu.vector_load %arg12[%get3A_465, %get3A_466] {strides = array<i32>} : memref<64x128xf32, #tpu.memory_space<vmem>>, vector<1x16xf32>,
          %get3A_468 = vector.shape_cast %get3A_467 : vector<1x16xf32> to vector<16xf32>
          %get3A_469 = arith.index_cast %add3A_387 : i32 to index
          %get3A_470 = arith.constant 80 : index
          %get3A_471 = tpu.vector_load %arg13[%get3A_469, %get3A_470] {strides = array<i32>} : memref<64x128xf32, #tpu.memory_space<vmem>>, vector<1x16xf32>,
          %get3A_472 = vector.shape_cast %get3A_471 : vector<1x16xf32> to vector<16xf32>
          %add3A_473 = arith.addf %get3A_468, %get3A_472 : vector<16xf32>
          %mul3A_474 = arith.constant 2.000000e-01 : f32
          %mul3A_475 = vector.broadcast %mul3A_474 : f32 to vector<16xf32>
          %mul3A_476 = arith.mulf %mul3A_475, %add3A_473 : vector<16xf32>
          %max3A_477 = arith.maximumf %add3A_473, %mul3A_476 : vector<16xf32>
          %mul3A_478 = arith.mulf %max3A_477, %get3A_42 : vector<16xf32>
          %add3A_479 = arith.addf %add3A_464, %mul3A_478 : vector<16xf32>
          %get3A_480 = arith.index_cast %add3A_387 : i32 to index
          %get3A_481 = arith.constant 96 : index
          %get3A_482 = tpu.vector_load %arg12[%get3A_480, %get3A_481] {strides = array<i32>} : memref<64x128xf32, #tpu.memory_space<vmem>>, vector<1x16xf32>,
          %get3A_483 = vector.shape_cast %get3A_482 : vector<1x16xf32> to vector<16xf32>
          %get3A_484 = arith.index_cast %add3A_387 : i32 to index
          %get3A_485 = arith.constant 96 : index
          %get3A_486 = tpu.vector_load %arg13[%get3A_484, %get3A_485] {strides = array<i32>} : memref<64x128xf32, #tpu.memory_space<vmem>>, vector<1x16xf32>,
          %get3A_487 = vector.shape_cast %get3A_486 : vector<1x16xf32> to vector<16xf32>
          %add3A_488 = arith.addf %get3A_483, %get3A_487 : vector<16xf32>
          %mul3A_489 = arith.constant 2.000000e-01 : f32
          %mul3A_490 = vector.broadcast %mul3A_489 : f32 to vector<16xf32>
          %mul3A_491 = arith.mulf %mul3A_490, %add3A_488 : vector<16xf32>
          %max3A_492 = arith.maximumf %add3A_488, %mul3A_491 : vector<16xf32>
          %mul3A_493 = arith.mulf %max3A_492, %get3A_45 : vector<16xf32>
          %add3A_494 = arith.addf %add3A_479, %mul3A_493 : vector<16xf32>
          %get3A_495 = arith.index_cast %add3A_387 : i32 to index
          %get3A_496 = arith.constant 112 : index
          %get3A_497 = tpu.vector_load %arg12[%get3A_495, %get3A_496] {strides = array<i32>} : memref<64x128xf32, #tpu.memory_space<vmem>>, vector<1x16xf32>,
          %get3A_498 = vector.shape_cast %get3A_497 : vector<1x16xf32> to vector<16xf32>
          %get3A_499 = arith.index_cast %add3A_387 : i32 to index
          %get3A_500 = arith.constant 112 : index
          %get3A_501 = tpu.vector_load %arg13[%get3A_499, %get3A_500] {strides = array<i32>} : memref<64x128xf32, #tpu.memory_space<vmem>>, vector<1x16xf32>,
          %get3A_502 = vector.shape_cast %get3A_501 : vector<1x16xf32> to vector<16xf32>
          %add3A_503 = arith.addf %get3A_498, %get3A_502 : vector<16xf32>
          %mul3A_504 = arith.constant 2.000000e-01 : f32
          %mul3A_505 = vector.broadcast %mul3A_504 : f32 to vector<16xf32>
          %mul3A_506 = arith.mulf %mul3A_505, %add3A_503 : vector<16xf32>
          %max3A_507 = arith.maximumf %add3A_503, %mul3A_506 : vector<16xf32>
          %mul3A_508 = arith.mulf %max3A_507, %get3A_48 : vector<16xf32>
          %add3A_509 = arith.addf %add3A_494, %mul3A_508 : vector<16xf32>
          %xor3A_510 = arith.constant 8 : i32
          %xor3A_511 = vector.broadcast %xor3A_510 : i32 to vector<16xi32>
          %xor3A_512 = arith.xori %iota3A, %xor3A_511 : vector<16xi32>
          %lt3A_513 = arith.constant 0 : i32
          %lt3A_514 = vector.broadcast %lt3A_513 : i32 to vector<16xi32>
          %lt3A_515 = arith.cmpi slt, %xor3A_512, %lt3A_514 : vector<16xi32>
          %add3A_516 = arith.constant 16 : i32
          %add3A_517 = vector.broadcast %add3A_516 : i32 to vector<16xi32>
          %add3A_518 = arith.addi %xor3A_512, %add3A_517 : vector<16xi32>
          %select_n3A_519 = arith.select %lt3A_515, %add3A_518, %xor3A_512 : vector<16xi1>, vector<16xi32>
          %broadcast_in_dim3A_520 = vector.shape_cast %select_n3A_519 : vector<16xi32> to vector<16x1xi32>
          %gather3A_521 = vector.shape_cast %broadcast_in_dim3A_520 : vector<16x1xi32> to vector<16xi32>
          %gather3A_522 = tpu.dynamic_gather %add3A_509[%gather3A_521] in [0] : vector<16xf32>, vector<16xi32> -> vector<16xf32>
          %add3A_523 = arith.addf %add3A_509, %gather3A_522 : vector<16xf32>
          %xor3A_524 = arith.constant 4 : i32
          %xor3A_525 = vector.broadcast %xor3A_524 : i32 to vector<16xi32>
          %xor3A_526 = arith.xori %iota3A, %xor3A_525 : vector<16xi32>
          %lt3A_527 = arith.constant 0 : i32
          %lt3A_528 = vector.broadcast %lt3A_527 : i32 to vector<16xi32>
          %lt3A_529 = arith.cmpi slt, %xor3A_526, %lt3A_528 : vector<16xi32>
          %add3A_530 = arith.constant 16 : i32
          %add3A_531 = vector.broadcast %add3A_530 : i32 to vector<16xi32>
          %add3A_532 = arith.addi %xor3A_526, %add3A_531 : vector<16xi32>
          %select_n3A_533 = arith.select %lt3A_529, %add3A_532, %xor3A_526 : vector<16xi1>, vector<16xi32>
          %broadcast_in_dim3A_534 = vector.shape_cast %select_n3A_533 : vector<16xi32> to vector<16x1xi32>
          %gather3A_535 = vector.shape_cast %broadcast_in_dim3A_534 : vector<16x1xi32> to vector<16xi32>
          %gather3A_536 = tpu.dynamic_gather %add3A_523[%gather3A_535] in [0] : vector<16xf32>, vector<16xi32> -> vector<16xf32>
          %add3A_537 = arith.addf %add3A_523, %gather3A_536 : vector<16xf32>
          %xor3A_538 = arith.constant 2 : i32
          %xor3A_539 = vector.broadcast %xor3A_538 : i32 to vector<16xi32>
          %xor3A_540 = arith.xori %iota3A, %xor3A_539 : vector<16xi32>
          %lt3A_541 = arith.constant 0 : i32
          %lt3A_542 = vector.broadcast %lt3A_541 : i32 to vector<16xi32>
          %lt3A_543 = arith.cmpi slt, %xor3A_540, %lt3A_542 : vector<16xi32>
          %add3A_544 = arith.constant 16 : i32
          %add3A_545 = vector.broadcast %add3A_544 : i32 to vector<16xi32>
          %add3A_546 = arith.addi %xor3A_540, %add3A_545 : vector<16xi32>
          %select_n3A_547 = arith.select %lt3A_543, %add3A_546, %xor3A_540 : vector<16xi1>, vector<16xi32>
          %broadcast_in_dim3A_548 = vector.shape_cast %select_n3A_547 : vector<16xi32> to vector<16x1xi32>
          %gather3A_549 = vector.shape_cast %broadcast_in_dim3A_548 : vector<16x1xi32> to vector<16xi32>
          %gather3A_550 = tpu.dynamic_gather %add3A_537[%gather3A_549] in [0] : vector<16xf32>, vector<16xi32> -> vector<16xf32>
          %add3A_551 = arith.addf %add3A_537, %gather3A_550 : vector<16xf32>
          %xor3A_552 = arith.constant 1 : i32
          %xor3A_553 = vector.broadcast %xor3A_552 : i32 to vector<16xi32>
          %xor3A_554 = arith.xori %iota3A, %xor3A_553 : vector<16xi32>
          %lt3A_555 = arith.constant 0 : i32
          %lt3A_556 = vector.broadcast %lt3A_555 : i32 to vector<16xi32>
          %lt3A_557 = arith.cmpi slt, %xor3A_554, %lt3A_556 : vector<16xi32>
          %add3A_558 = arith.constant 16 : i32
          %add3A_559 = vector.broadcast %add3A_558 : i32 to vector<16xi32>
          %add3A_560 = arith.addi %xor3A_554, %add3A_559 : vector<16xi32>
          %select_n3A_561 = arith.select %lt3A_557, %add3A_560, %xor3A_554 : vector<16xi1>, vector<16xi32>
          %broadcast_in_dim3A_562 = vector.shape_cast %select_n3A_561 : vector<16xi32> to vector<16x1xi32>
          %gather3A_563 = vector.shape_cast %broadcast_in_dim3A_562 : vector<16x1xi32> to vector<16xi32>
          %gather3A_564 = tpu.dynamic_gather %add3A_551[%gather3A_563] in [0] : vector<16xf32>, vector<16xi32> -> vector<16xf32>
          %add3A_565 = arith.addf %add3A_551, %gather3A_564 : vector<16xf32>
          %exp3A_566 = math.exp %add3A_565 : vector<16xf32>
          %swap3A_567 = arith.index_cast %add3A_387 : i32 to index
          %swap3A_568 = arith.constant 0 : index
          %swap3A_569 = tpu.vector_load %arg16[%swap3A_567, %swap3A_568] {strides = array<i32>} : memref<64x128xf32, #tpu.memory_space<vmem>>, vector<1x16xf32>,
          %swap3A_570 = vector.shape_cast %swap3A_569 : vector<1x16xf32> to vector<16xf32>
          %swap3A_571 = vector.shape_cast %exp3A_566 : vector<16xf32> to vector<1x16xf32>
          tpu.vector_store %arg16[%swap3A_567, %swap3A_568], %swap3A_571 {strides = array<i32>} : memref<64x128xf32, #tpu.memory_space<vmem>>, vector<1x16xf32>,
          %swap3A_572 = arith.index_cast %add3A_387 : i32 to index
          %swap3A_573 = arith.constant 16 : index
          %swap3A_574 = tpu.vector_load %arg16[%swap3A_572, %swap3A_573] {strides = array<i32>} : memref<64x128xf32, #tpu.memory_space<vmem>>, vector<1x16xf32>,
          %swap3A_575 = vector.shape_cast %swap3A_574 : vector<1x16xf32> to vector<16xf32>
          %swap3A_576 = vector.shape_cast %exp3A_566 : vector<16xf32> to vector<1x16xf32>
          tpu.vector_store %arg16[%swap3A_572, %swap3A_573], %swap3A_576 {strides = array<i32>} : memref<64x128xf32, #tpu.memory_space<vmem>>, vector<1x16xf32>,
          %swap3A_577 = arith.index_cast %add3A_387 : i32 to index
          %swap3A_578 = arith.constant 32 : index
          %swap3A_579 = tpu.vector_load %arg16[%swap3A_577, %swap3A_578] {strides = array<i32>} : memref<64x128xf32, #tpu.memory_space<vmem>>, vector<1x16xf32>,
          %swap3A_580 = vector.shape_cast %swap3A_579 : vector<1x16xf32> to vector<16xf32>
          %swap3A_581 = vector.shape_cast %exp3A_566 : vector<16xf32> to vector<1x16xf32>
          tpu.vector_store %arg16[%swap3A_577, %swap3A_578], %swap3A_581 {strides = array<i32>} : memref<64x128xf32, #tpu.memory_space<vmem>>, vector<1x16xf32>,
          %swap3A_582 = arith.index_cast %add3A_387 : i32 to index
          %swap3A_583 = arith.constant 48 : index
          %swap3A_584 = tpu.vector_load %arg16[%swap3A_582, %swap3A_583] {strides = array<i32>} : memref<64x128xf32, #tpu.memory_space<vmem>>, vector<1x16xf32>,
          %swap3A_585 = vector.shape_cast %swap3A_584 : vector<1x16xf32> to vector<16xf32>
          %swap3A_586 = vector.shape_cast %exp3A_566 : vector<16xf32> to vector<1x16xf32>
          tpu.vector_store %arg16[%swap3A_582, %swap3A_583], %swap3A_586 {strides = array<i32>} : memref<64x128xf32, #tpu.memory_space<vmem>>, vector<1x16xf32>,
          %swap3A_587 = arith.index_cast %add3A_387 : i32 to index
          %swap3A_588 = arith.constant 64 : index
          %swap3A_589 = tpu.vector_load %arg16[%swap3A_587, %swap3A_588] {strides = array<i32>} : memref<64x128xf32, #tpu.memory_space<vmem>>, vector<1x16xf32>,
          %swap3A_590 = vector.shape_cast %swap3A_589 : vector<1x16xf32> to vector<16xf32>
          %swap3A_591 = vector.shape_cast %exp3A_566 : vector<16xf32> to vector<1x16xf32>
          tpu.vector_store %arg16[%swap3A_587, %swap3A_588], %swap3A_591 {strides = array<i32>} : memref<64x128xf32, #tpu.memory_space<vmem>>, vector<1x16xf32>,
          %swap3A_592 = arith.index_cast %add3A_387 : i32 to index
          %swap3A_593 = arith.constant 80 : index
          %swap3A_594 = tpu.vector_load %arg16[%swap3A_592, %swap3A_593] {strides = array<i32>} : memref<64x128xf32, #tpu.memory_space<vmem>>, vector<1x16xf32>,
          %swap3A_595 = vector.shape_cast %swap3A_594 : vector<1x16xf32> to vector<16xf32>
          %swap3A_596 = vector.shape_cast %exp3A_566 : vector<16xf32> to vector<1x16xf32>
          tpu.vector_store %arg16[%swap3A_592, %swap3A_593], %swap3A_596 {strides = array<i32>} : memref<64x128xf32, #tpu.memory_space<vmem>>, vector<1x16xf32>,
          %swap3A_597 = arith.index_cast %add3A_387 : i32 to index
          %swap3A_598 = arith.constant 96 : index
          %swap3A_599 = tpu.vector_load %arg16[%swap3A_597, %swap3A_598] {strides = array<i32>} : memref<64x128xf32, #tpu.memory_space<vmem>>, vector<1x16xf32>,
          %swap3A_600 = vector.shape_cast %swap3A_599 : vector<1x16xf32> to vector<16xf32>
          %swap3A_601 = vector.shape_cast %exp3A_566 : vector<16xf32> to vector<1x16xf32>
          tpu.vector_store %arg16[%swap3A_597, %swap3A_598], %swap3A_601 {strides = array<i32>} : memref<64x128xf32, #tpu.memory_space<vmem>>, vector<1x16xf32>,
          %swap3A_602 = arith.index_cast %add3A_387 : i32 to index
          %swap3A_603 = arith.constant 112 : index
          %swap3A_604 = tpu.vector_load %arg16[%swap3A_602, %swap3A_603] {strides = array<i32>} : memref<64x128xf32, #tpu.memory_space<vmem>>, vector<1x16xf32>,
          %swap3A_605 = vector.shape_cast %swap3A_604 : vector<1x16xf32> to vector<16xf32>
          %swap3A_606 = vector.shape_cast %exp3A_566 : vector<16xf32> to vector<1x16xf32>
          tpu.vector_store %arg16[%swap3A_602, %swap3A_603], %swap3A_606 {strides = array<i32>} : memref<64x128xf32, #tpu.memory_space<vmem>>, vector<1x16xf32>,
        }
        %scan3A_165 = arith.constant 32 : i32
      } else {
      }
      %dma_start3A_125 = arith.constant 0 : i32
      %dma_start3A_126 = arith.constant 0 : i32
      %dma_start3A_127 = tpu.memref_slice %arg19[%dma_start3A_125, %dma_start3A_126] : memref<10112x128xf32, #tpu.memory_space<vmem_shared>> -> memref<10112x128xf32, #tpu.memory_space<vmem_shared>>
      tpu.enqueue_indirect_dma source(%arg16 : memref<64x128xf32, #tpu.memory_space<vmem>>) target(%dma_start3A_127 : memref<10112x128xf32, #tpu.memory_space<vmem_shared>>) offsets(%arg9 : memref<64xi32, #tpu.memory_space<vmem>>) semaphore(%arg22 : memref<!tpu.dma_semaphore, #tpu.memory_space<semaphore_mem>>) {add = true}
      %dma_wait3A_128 = arith.constant 0 : i32
      %dma_wait3A_129 = tpu.memref_slice %arg10[%dma_wait3A_128] : memref<128xi32, #tpu.memory_space<vmem>> -> memref<64xi32, #tpu.memory_space<vmem>>
      %dma_wait3A_130 = arith.constant 0 : i32
      %dma_wait3A_131 = arith.constant 0 : i32
      %dma_wait3A_132 = tpu.memref_slice %arg2[%dma_wait3A_130, %dma_wait3A_131] : memref<10000x128xf32, #tpu.memory_space<hbm>> -> memref<10000x128xf32, #tpu.memory_space<hbm>>
      tpu.wait_indirect_dma semaphore(%arg21 : memref<!tpu.dma_semaphore, #tpu.memory_space<semaphore_mem>>) src(%dma_wait3A_132 : memref<10000x128xf32, #tpu.memory_space<hbm>>) dst(%arg14 : memref<64x128xf32, #tpu.memory_space<vmem>>)
      %dma_wait3A_133 = arith.constant 64 : i32
      %dma_wait3A_134 = tpu.memref_slice %arg10[%dma_wait3A_133] : memref<128xi32, #tpu.memory_space<vmem>> -> memref<64xi32, #tpu.memory_space<vmem>>
      %dma_wait3A_135 = arith.constant 0 : i32
      %dma_wait3A_136 = arith.constant 0 : i32
      %dma_wait3A_137 = tpu.memref_slice %arg3[%dma_wait3A_135, %dma_wait3A_136] : memref<10000x128xf32, #tpu.memory_space<hbm>> -> memref<10000x128xf32, #tpu.memory_space<hbm>>
      tpu.wait_indirect_dma semaphore(%arg21 : memref<!tpu.dma_semaphore, #tpu.memory_space<semaphore_mem>>) src(%dma_wait3A_137 : memref<10000x128xf32, #tpu.memory_space<hbm>>) dst(%arg15 : memref<64x128xf32, #tpu.memory_space<vmem>>)
      %eq3A_138 = arith.constant 0 : i32
      %eq3A_139 = arith.cmpi eq, %arg0, %eq3A_138 : i32
      %convert_element_type3A_140 = arith.extui %eq3A_139 : i1 to i32
      %cond3A_141 = arith.constant 0 : i32
      %cond3A_142 = arith.cmpi ne, %convert_element_type3A_140, %cond3A_141 : i32
      scf.if %cond3A_142 {
        %scan3A_160 = arith.constant 0 : i32
        %scan3A_161 = arith.constant 0 : i32
        %scan3A_162 = arith.constant 32 : i32
        %scan3A_163 = arith.addi %scan3A_161, %scan3A_162 : i32
        %scan3A_164 = arith.constant 1 : i32
        scf.for %scan3A_166 = %scan3A_161 to %scan3A_163 step %scan3A_164  : i32 {
          %mul3A_167 = arith.constant 2 : i32
          %mul3A_168 = arith.muli %scan3A_166, %mul3A_167 : i32
          %add3A_169 = arith.constant 0 : i32
          %add3A_170 = arith.addi %mul3A_168, %add3A_169 : i32
          %broadcast_in_dim3A_171 = arith.constant 0.000000e+00 : f32
          %broadcast_in_dim3A_172 = vector.broadcast %broadcast_in_dim3A_171 : f32 to vector<16xf32>
          %get3A_173 = arith.index_cast %add3A_170 : i32 to index
          %get3A_174 = arith.constant 0 : index
          %get3A_175 = tpu.vector_load %arg14[%get3A_173, %get3A_174] {strides = array<i32>} : memref<64x128xf32, #tpu.memory_space<vmem>>, vector<1x16xf32>,
          %get3A_176 = vector.shape_cast %get3A_175 : vector<1x16xf32> to vector<16xf32>
          %get3A_177 = arith.index_cast %add3A_170 : i32 to index
          %get3A_178 = arith.constant 0 : index
          %get3A_179 = tpu.vector_load %arg15[%get3A_177, %get3A_178] {strides = array<i32>} : memref<64x128xf32, #tpu.memory_space<vmem>>, vector<1x16xf32>,
          %get3A_180 = vector.shape_cast %get3A_179 : vector<1x16xf32> to vector<16xf32>
          %add3A_181 = arith.addf %get3A_176, %get3A_180 : vector<16xf32>
          %mul3A_182 = arith.constant 2.000000e-01 : f32
          %mul3A_183 = vector.broadcast %mul3A_182 : f32 to vector<16xf32>
          %mul3A_184 = arith.mulf %mul3A_183, %add3A_181 : vector<16xf32>
          %max3A = arith.maximumf %add3A_181, %mul3A_184 : vector<16xf32>
          %mul3A_185 = arith.mulf %max3A, %get3A_27 : vector<16xf32>
          %add3A_186 = arith.addf %broadcast_in_dim3A_172, %mul3A_185 : vector<16xf32>
          %get3A_187 = arith.index_cast %add3A_170 : i32 to index
          %get3A_188 = arith.constant 16 : index
          %get3A_189 = tpu.vector_load %arg14[%get3A_187, %get3A_188] {strides = array<i32>} : memref<64x128xf32, #tpu.memory_space<vmem>>, vector<1x16xf32>,
          %get3A_190 = vector.shape_cast %get3A_189 : vector<1x16xf32> to vector<16xf32>
          %get3A_191 = arith.index_cast %add3A_170 : i32 to index
          %get3A_192 = arith.constant 16 : index
          %get3A_193 = tpu.vector_load %arg15[%get3A_191, %get3A_192] {strides = array<i32>} : memref<64x128xf32, #tpu.memory_space<vmem>>, vector<1x16xf32>,
          %get3A_194 = vector.shape_cast %get3A_193 : vector<1x16xf32> to vector<16xf32>
          %add3A_195 = arith.addf %get3A_190, %get3A_194 : vector<16xf32>
          %mul3A_196 = arith.constant 2.000000e-01 : f32
          %mul3A_197 = vector.broadcast %mul3A_196 : f32 to vector<16xf32>
          %mul3A_198 = arith.mulf %mul3A_197, %add3A_195 : vector<16xf32>
          %max3A_199 = arith.maximumf %add3A_195, %mul3A_198 : vector<16xf32>
          %mul3A_200 = arith.mulf %max3A_199, %get3A_30 : vector<16xf32>
          %add3A_201 = arith.addf %add3A_186, %mul3A_200 : vector<16xf32>
          %get3A_202 = arith.index_cast %add3A_170 : i32 to index
          %get3A_203 = arith.constant 32 : index
          %get3A_204 = tpu.vector_load %arg14[%get3A_202, %get3A_203] {strides = array<i32>} : memref<64x128xf32, #tpu.memory_space<vmem>>, vector<1x16xf32>,
          %get3A_205 = vector.shape_cast %get3A_204 : vector<1x16xf32> to vector<16xf32>
          %get3A_206 = arith.index_cast %add3A_170 : i32 to index
          %get3A_207 = arith.constant 32 : index
          %get3A_208 = tpu.vector_load %arg15[%get3A_206, %get3A_207] {strides = array<i32>} : memref<64x128xf32, #tpu.memory_space<vmem>>, vector<1x16xf32>,
          %get3A_209 = vector.shape_cast %get3A_208 : vector<1x16xf32> to vector<16xf32>
          %add3A_210 = arith.addf %get3A_205, %get3A_209 : vector<16xf32>
          %mul3A_211 = arith.constant 2.000000e-01 : f32
          %mul3A_212 = vector.broadcast %mul3A_211 : f32 to vector<16xf32>
          %mul3A_213 = arith.mulf %mul3A_212, %add3A_210 : vector<16xf32>
          %max3A_214 = arith.maximumf %add3A_210, %mul3A_213 : vector<16xf32>
          %mul3A_215 = arith.mulf %max3A_214, %get3A_33 : vector<16xf32>
          %add3A_216 = arith.addf %add3A_201, %mul3A_215 : vector<16xf32>
          %get3A_217 = arith.index_cast %add3A_170 : i32 to index
          %get3A_218 = arith.constant 48 : index
          %get3A_219 = tpu.vector_load %arg14[%get3A_217, %get3A_218] {strides = array<i32>} : memref<64x128xf32, #tpu.memory_space<vmem>>, vector<1x16xf32>,
          %get3A_220 = vector.shape_cast %get3A_219 : vector<1x16xf32> to vector<16xf32>
          %get3A_221 = arith.index_cast %add3A_170 : i32 to index
          %get3A_222 = arith.constant 48 : index
          %get3A_223 = tpu.vector_load %arg15[%get3A_221, %get3A_222] {strides = array<i32>} : memref<64x128xf32, #tpu.memory_space<vmem>>, vector<1x16xf32>,
          %get3A_224 = vector.shape_cast %get3A_223 : vector<1x16xf32> to vector<16xf32>
          %add3A_225 = arith.addf %get3A_220, %get3A_224 : vector<16xf32>
          %mul3A_226 = arith.constant 2.000000e-01 : f32
          %mul3A_227 = vector.broadcast %mul3A_226 : f32 to vector<16xf32>
          %mul3A_228 = arith.mulf %mul3A_227, %add3A_225 : vector<16xf32>
          %max3A_229 = arith.maximumf %add3A_225, %mul3A_228 : vector<16xf32>
          %mul3A_230 = arith.mulf %max3A_229, %get3A_36 : vector<16xf32>
          %add3A_231 = arith.addf %add3A_216, %mul3A_230 : vector<16xf32>
          %get3A_232 = arith.index_cast %add3A_170 : i32 to index
          %get3A_233 = arith.constant 64 : index
          %get3A_234 = tpu.vector_load %arg14[%get3A_232, %get3A_233] {strides = array<i32>} : memref<64x128xf32, #tpu.memory_space<vmem>>, vector<1x16xf32>,
          %get3A_235 = vector.shape_cast %get3A_234 : vector<1x16xf32> to vector<16xf32>
          %get3A_236 = arith.index_cast %add3A_170 : i32 to index
          %get3A_237 = arith.constant 64 : index
          %get3A_238 = tpu.vector_load %arg15[%get3A_236, %get3A_237] {strides = array<i32>} : memref<64x128xf32, #tpu.memory_space<vmem>>, vector<1x16xf32>,
          %get3A_239 = vector.shape_cast %get3A_238 : vector<1x16xf32> to vector<16xf32>
          %add3A_240 = arith.addf %get3A_235, %get3A_239 : vector<16xf32>
          %mul3A_241 = arith.constant 2.000000e-01 : f32
          %mul3A_242 = vector.broadcast %mul3A_241 : f32 to vector<16xf32>
          %mul3A_243 = arith.mulf %mul3A_242, %add3A_240 : vector<16xf32>
          %max3A_244 = arith.maximumf %add3A_240, %mul3A_243 : vector<16xf32>
          %mul3A_245 = arith.mulf %max3A_244, %get3A_39 : vector<16xf32>
          %add3A_246 = arith.addf %add3A_231, %mul3A_245 : vector<16xf32>
          %get3A_247 = arith.index_cast %add3A_170 : i32 to index
          %get3A_248 = arith.constant 80 : index
          %get3A_249 = tpu.vector_load %arg14[%get3A_247, %get3A_248] {strides = array<i32>} : memref<64x128xf32, #tpu.memory_space<vmem>>, vector<1x16xf32>,
          %get3A_250 = vector.shape_cast %get3A_249 : vector<1x16xf32> to vector<16xf32>
          %get3A_251 = arith.index_cast %add3A_170 : i32 to index
          %get3A_252 = arith.constant 80 : index
          %get3A_253 = tpu.vector_load %arg15[%get3A_251, %get3A_252] {strides = array<i32>} : memref<64x128xf32, #tpu.memory_space<vmem>>, vector<1x16xf32>,
          %get3A_254 = vector.shape_cast %get3A_253 : vector<1x16xf32> to vector<16xf32>
          %add3A_255 = arith.addf %get3A_250, %get3A_254 : vector<16xf32>
          %mul3A_256 = arith.constant 2.000000e-01 : f32
          %mul3A_257 = vector.broadcast %mul3A_256 : f32 to vector<16xf32>
          %mul3A_258 = arith.mulf %mul3A_257, %add3A_255 : vector<16xf32>
          %max3A_259 = arith.maximumf %add3A_255, %mul3A_258 : vector<16xf32>
          %mul3A_260 = arith.mulf %max3A_259, %get3A_42 : vector<16xf32>
          %add3A_261 = arith.addf %add3A_246, %mul3A_260 : vector<16xf32>
          %get3A_262 = arith.index_cast %add3A_170 : i32 to index
          %get3A_263 = arith.constant 96 : index
          %get3A_264 = tpu.vector_load %arg14[%get3A_262, %get3A_263] {strides = array<i32>} : memref<64x128xf32, #tpu.memory_space<vmem>>, vector<1x16xf32>,
          %get3A_265 = vector.shape_cast %get3A_264 : vector<1x16xf32> to vector<16xf32>
          %get3A_266 = arith.index_cast %add3A_170 : i32 to index
          %get3A_267 = arith.constant 96 : index
          %get3A_268 = tpu.vector_load %arg15[%get3A_266, %get3A_267] {strides = array<i32>} : memref<64x128xf32, #tpu.memory_space<vmem>>, vector<1x16xf32>,
          %get3A_269 = vector.shape_cast %get3A_268 : vector<1x16xf32> to vector<16xf32>
          %add3A_270 = arith.addf %get3A_265, %get3A_269 : vector<16xf32>
          %mul3A_271 = arith.constant 2.000000e-01 : f32
          %mul3A_272 = vector.broadcast %mul3A_271 : f32 to vector<16xf32>
          %mul3A_273 = arith.mulf %mul3A_272, %add3A_270 : vector<16xf32>
          %max3A_274 = arith.maximumf %add3A_270, %mul3A_273 : vector<16xf32>
          %mul3A_275 = arith.mulf %max3A_274, %get3A_45 : vector<16xf32>
          %add3A_276 = arith.addf %add3A_261, %mul3A_275 : vector<16xf32>
          %get3A_277 = arith.index_cast %add3A_170 : i32 to index
          %get3A_278 = arith.constant 112 : index
          %get3A_279 = tpu.vector_load %arg14[%get3A_277, %get3A_278] {strides = array<i32>} : memref<64x128xf32, #tpu.memory_space<vmem>>, vector<1x16xf32>,
          %get3A_280 = vector.shape_cast %get3A_279 : vector<1x16xf32> to vector<16xf32>
          %get3A_281 = arith.index_cast %add3A_170 : i32 to index
          %get3A_282 = arith.constant 112 : index
          %get3A_283 = tpu.vector_load %arg15[%get3A_281, %get3A_282] {strides = array<i32>} : memref<64x128xf32, #tpu.memory_space<vmem>>, vector<1x16xf32>,
          %get3A_284 = vector.shape_cast %get3A_283 : vector<1x16xf32> to vector<16xf32>
          %add3A_285 = arith.addf %get3A_280, %get3A_284 : vector<16xf32>
          %mul3A_286 = arith.constant 2.000000e-01 : f32
          %mul3A_287 = vector.broadcast %mul3A_286 : f32 to vector<16xf32>
          %mul3A_288 = arith.mulf %mul3A_287, %add3A_285 : vector<16xf32>
          %max3A_289 = arith.maximumf %add3A_285, %mul3A_288 : vector<16xf32>
          %mul3A_290 = arith.mulf %max3A_289, %get3A_48 : vector<16xf32>
          %add3A_291 = arith.addf %add3A_276, %mul3A_290 : vector<16xf32>
          %xor3A = arith.constant 8 : i32
          %xor3A_292 = vector.broadcast %xor3A : i32 to vector<16xi32>
          %xor3A_293 = arith.xori %iota3A, %xor3A_292 : vector<16xi32>
          %lt3A_294 = arith.constant 0 : i32
          %lt3A_295 = vector.broadcast %lt3A_294 : i32 to vector<16xi32>
          %lt3A_296 = arith.cmpi slt, %xor3A_293, %lt3A_295 : vector<16xi32>
          %add3A_297 = arith.constant 16 : i32
          %add3A_298 = vector.broadcast %add3A_297 : i32 to vector<16xi32>
          %add3A_299 = arith.addi %xor3A_293, %add3A_298 : vector<16xi32>
          %select_n3A = arith.select %lt3A_296, %add3A_299, %xor3A_293 : vector<16xi1>, vector<16xi32>
          %broadcast_in_dim3A_300 = vector.shape_cast %select_n3A : vector<16xi32> to vector<16x1xi32>
          %gather3A = vector.shape_cast %broadcast_in_dim3A_300 : vector<16x1xi32> to vector<16xi32>
          %gather3A_301 = tpu.dynamic_gather %add3A_291[%gather3A] in [0] : vector<16xf32>, vector<16xi32> -> vector<16xf32>
          %add3A_302 = arith.addf %add3A_291, %gather3A_301 : vector<16xf32>
          %xor3A_303 = arith.constant 4 : i32
          %xor3A_304 = vector.broadcast %xor3A_303 : i32 to vector<16xi32>
          %xor3A_305 = arith.xori %iota3A, %xor3A_304 : vector<16xi32>
          %lt3A_306 = arith.constant 0 : i32
          %lt3A_307 = vector.broadcast %lt3A_306 : i32 to vector<16xi32>
          %lt3A_308 = arith.cmpi slt, %xor3A_305, %lt3A_307 : vector<16xi32>
          %add3A_309 = arith.constant 16 : i32
          %add3A_310 = vector.broadcast %add3A_309 : i32 to vector<16xi32>
          %add3A_311 = arith.addi %xor3A_305, %add3A_310 : vector<16xi32>
          %select_n3A_312 = arith.select %lt3A_308, %add3A_311, %xor3A_305 : vector<16xi1>, vector<16xi32>
          %broadcast_in_dim3A_313 = vector.shape_cast %select_n3A_312 : vector<16xi32> to vector<16x1xi32>
          %gather3A_314 = vector.shape_cast %broadcast_in_dim3A_313 : vector<16x1xi32> to vector<16xi32>
          %gather3A_315 = tpu.dynamic_gather %add3A_302[%gather3A_314] in [0] : vector<16xf32>, vector<16xi32> -> vector<16xf32>
          %add3A_316 = arith.addf %add3A_302, %gather3A_315 : vector<16xf32>
          %xor3A_317 = arith.constant 2 : i32
          %xor3A_318 = vector.broadcast %xor3A_317 : i32 to vector<16xi32>
          %xor3A_319 = arith.xori %iota3A, %xor3A_318 : vector<16xi32>
          %lt3A_320 = arith.constant 0 : i32
          %lt3A_321 = vector.broadcast %lt3A_320 : i32 to vector<16xi32>
          %lt3A_322 = arith.cmpi slt, %xor3A_319, %lt3A_321 : vector<16xi32>
          %add3A_323 = arith.constant 16 : i32
          %add3A_324 = vector.broadcast %add3A_323 : i32 to vector<16xi32>
          %add3A_325 = arith.addi %xor3A_319, %add3A_324 : vector<16xi32>
          %select_n3A_326 = arith.select %lt3A_322, %add3A_325, %xor3A_319 : vector<16xi1>, vector<16xi32>
          %broadcast_in_dim3A_327 = vector.shape_cast %select_n3A_326 : vector<16xi32> to vector<16x1xi32>
          %gather3A_328 = vector.shape_cast %broadcast_in_dim3A_327 : vector<16x1xi32> to vector<16xi32>
          %gather3A_329 = tpu.dynamic_gather %add3A_316[%gather3A_328] in [0] : vector<16xf32>, vector<16xi32> -> vector<16xf32>
          %add3A_330 = arith.addf %add3A_316, %gather3A_329 : vector<16xf32>
          %xor3A_331 = arith.constant 1 : i32
          %xor3A_332 = vector.broadcast %xor3A_331 : i32 to vector<16xi32>
          %xor3A_333 = arith.xori %iota3A, %xor3A_332 : vector<16xi32>
          %lt3A_334 = arith.constant 0 : i32
          %lt3A_335 = vector.broadcast %lt3A_334 : i32 to vector<16xi32>
          %lt3A_336 = arith.cmpi slt, %xor3A_333, %lt3A_335 : vector<16xi32>
          %add3A_337 = arith.constant 16 : i32
          %add3A_338 = vector.broadcast %add3A_337 : i32 to vector<16xi32>
          %add3A_339 = arith.addi %xor3A_333, %add3A_338 : vector<16xi32>
          %select_n3A_340 = arith.select %lt3A_336, %add3A_339, %xor3A_333 : vector<16xi1>, vector<16xi32>
          %broadcast_in_dim3A_341 = vector.shape_cast %select_n3A_340 : vector<16xi32> to vector<16x1xi32>
          %gather3A_342 = vector.shape_cast %broadcast_in_dim3A_341 : vector<16x1xi32> to vector<16xi32>
          %gather3A_343 = tpu.dynamic_gather %add3A_330[%gather3A_342] in [0] : vector<16xf32>, vector<16xi32> -> vector<16xf32>
          %add3A_344 = arith.addf %add3A_330, %gather3A_343 : vector<16xf32>
          %exp3A = math.exp %add3A_344 : vector<16xf32>
          %mul3A_345 = arith.mulf %get3A_176, %exp3A : vector<16xf32>
          %swap3A = arith.index_cast %add3A_170 : i32 to index
          %swap3A_346 = arith.constant 0 : index
          %swap3A_347 = tpu.vector_load %arg17[%swap3A, %swap3A_346] {strides = array<i32>} : memref<64x128xf32, #tpu.memory_space<vmem>>, vector<1x16xf32>,
          %swap3A_348 = vector.shape_cast %swap3A_347 : vector<1x16xf32> to vector<16xf32>
          %swap3A_349 = vector.shape_cast %mul3A_345 : vector<16xf32> to vector<1x16xf32>
          tpu.vector_store %arg17[%swap3A, %swap3A_346], %swap3A_349 {strides = array<i32>} : memref<64x128xf32, #tpu.memory_space<vmem>>, vector<1x16xf32>,
          %mul3A_350 = arith.mulf %get3A_190, %exp3A : vector<16xf32>
          %swap3A_351 = arith.index_cast %add3A_170 : i32 to index
          %swap3A_352 = arith.constant 16 : index
          %swap3A_353 = tpu.vector_load %arg17[%swap3A_351, %swap3A_352] {strides = array<i32>} : memref<64x128xf32, #tpu.memory_space<vmem>>, vector<1x16xf32>,
          %swap3A_354 = vector.shape_cast %swap3A_353 : vector<1x16xf32> to vector<16xf32>
          %swap3A_355 = vector.shape_cast %mul3A_350 : vector<16xf32> to vector<1x16xf32>
          tpu.vector_store %arg17[%swap3A_351, %swap3A_352], %swap3A_355 {strides = array<i32>} : memref<64x128xf32, #tpu.memory_space<vmem>>, vector<1x16xf32>,
          %mul3A_356 = arith.mulf %get3A_205, %exp3A : vector<16xf32>
          %swap3A_357 = arith.index_cast %add3A_170 : i32 to index
          %swap3A_358 = arith.constant 32 : index
          %swap3A_359 = tpu.vector_load %arg17[%swap3A_357, %swap3A_358] {strides = array<i32>} : memref<64x128xf32, #tpu.memory_space<vmem>>, vector<1x16xf32>,
          %swap3A_360 = vector.shape_cast %swap3A_359 : vector<1x16xf32> to vector<16xf32>
          %swap3A_361 = vector.shape_cast %mul3A_356 : vector<16xf32> to vector<1x16xf32>
          tpu.vector_store %arg17[%swap3A_357, %swap3A_358], %swap3A_361 {strides = array<i32>} : memref<64x128xf32, #tpu.memory_space<vmem>>, vector<1x16xf32>,
          %mul3A_362 = arith.mulf %get3A_220, %exp3A : vector<16xf32>
          %swap3A_363 = arith.index_cast %add3A_170 : i32 to index
          %swap3A_364 = arith.constant 48 : index
          %swap3A_365 = tpu.vector_load %arg17[%swap3A_363, %swap3A_364] {strides = array<i32>} : memref<64x128xf32, #tpu.memory_space<vmem>>, vector<1x16xf32>,
          %swap3A_366 = vector.shape_cast %swap3A_365 : vector<1x16xf32> to vector<16xf32>
          %swap3A_367 = vector.shape_cast %mul3A_362 : vector<16xf32> to vector<1x16xf32>
          tpu.vector_store %arg17[%swap3A_363, %swap3A_364], %swap3A_367 {strides = array<i32>} : memref<64x128xf32, #tpu.memory_space<vmem>>, vector<1x16xf32>,
          %mul3A_368 = arith.mulf %get3A_235, %exp3A : vector<16xf32>
          %swap3A_369 = arith.index_cast %add3A_170 : i32 to index
          %swap3A_370 = arith.constant 64 : index
          %swap3A_371 = tpu.vector_load %arg17[%swap3A_369, %swap3A_370] {strides = array<i32>} : memref<64x128xf32, #tpu.memory_space<vmem>>, vector<1x16xf32>,
          %swap3A_372 = vector.shape_cast %swap3A_371 : vector<1x16xf32> to vector<16xf32>
          %swap3A_373 = vector.shape_cast %mul3A_368 : vector<16xf32> to vector<1x16xf32>
          tpu.vector_store %arg17[%swap3A_369, %swap3A_370], %swap3A_373 {strides = array<i32>} : memref<64x128xf32, #tpu.memory_space<vmem>>, vector<1x16xf32>,
          %mul3A_374 = arith.mulf %get3A_250, %exp3A : vector<16xf32>
          %swap3A_375 = arith.index_cast %add3A_170 : i32 to index
          %swap3A_376 = arith.constant 80 : index
          %swap3A_377 = tpu.vector_load %arg17[%swap3A_375, %swap3A_376] {strides = array<i32>} : memref<64x128xf32, #tpu.memory_space<vmem>>, vector<1x16xf32>,
          %swap3A_378 = vector.shape_cast %swap3A_377 : vector<1x16xf32> to vector<16xf32>
          %swap3A_379 = vector.shape_cast %mul3A_374 : vector<16xf32> to vector<1x16xf32>
          tpu.vector_store %arg17[%swap3A_375, %swap3A_376], %swap3A_379 {strides = array<i32>} : memref<64x128xf32, #tpu.memory_space<vmem>>, vector<1x16xf32>,
          %mul3A_380 = arith.mulf %get3A_265, %exp3A : vector<16xf32>
          %swap3A_381 = arith.index_cast %add3A_170 : i32 to index
          %swap3A_382 = arith.constant 96 : index
          %swap3A_383 = tpu.vector_load %arg17[%swap3A_381, %swap3A_382] {strides = array<i32>} : memref<64x128xf32, #tpu.memory_space<vmem>>, vector<1x16xf32>,
          %swap3A_384 = vector.shape_cast %swap3A_383 : vector<1x16xf32> to vector<16xf32>
          %swap3A_385 = vector.shape_cast %mul3A_380 : vector<16xf32> to vector<1x16xf32>
          tpu.vector_store %arg17[%swap3A_381, %swap3A_382], %swap3A_385 {strides = array<i32>} : memref<64x128xf32, #tpu.memory_space<vmem>>, vector<1x16xf32>,
          %mul3A_386 = arith.mulf %get3A_280, %exp3A : vector<16xf32>
          %swap3A_387 = arith.index_cast %add3A_170 : i32 to index
          %swap3A_388 = arith.constant 112 : index
          %swap3A_389 = tpu.vector_load %arg17[%swap3A_387, %swap3A_388] {strides = array<i32>} : memref<64x128xf32, #tpu.memory_space<vmem>>, vector<1x16xf32>,
          %swap3A_390 = vector.shape_cast %swap3A_389 : vector<1x16xf32> to vector<16xf32>
          %swap3A_391 = vector.shape_cast %mul3A_386 : vector<16xf32> to vector<1x16xf32>
          tpu.vector_store %arg17[%swap3A_387, %swap3A_388], %swap3A_391 {strides = array<i32>} : memref<64x128xf32, #tpu.memory_space<vmem>>, vector<1x16xf32>,
          %mul3A_392 = arith.constant 2 : i32
          %mul3A_393 = arith.muli %scan3A_166, %mul3A_392 : i32
          %add3A_394 = arith.constant 1 : i32
          %add3A_395 = arith.addi %mul3A_393, %add3A_394 : i32
          %broadcast_in_dim3A_396 = arith.constant 0.000000e+00 : f32
          %broadcast_in_dim3A_397 = vector.broadcast %broadcast_in_dim3A_396 : f32 to vector<16xf32>
          %get3A_398 = arith.index_cast %add3A_395 : i32 to index
          %get3A_399 = arith.constant 0 : index
          %get3A_400 = tpu.vector_load %arg14[%get3A_398, %get3A_399] {strides = array<i32>} : memref<64x128xf32, #tpu.memory_space<vmem>>, vector<1x16xf32>,
          %get3A_401 = vector.shape_cast %get3A_400 : vector<1x16xf32> to vector<16xf32>
          %get3A_402 = arith.index_cast %add3A_395 : i32 to index
          %get3A_403 = arith.constant 0 : index
          %get3A_404 = tpu.vector_load %arg15[%get3A_402, %get3A_403] {strides = array<i32>} : memref<64x128xf32, #tpu.memory_space<vmem>>, vector<1x16xf32>,
          %get3A_405 = vector.shape_cast %get3A_404 : vector<1x16xf32> to vector<16xf32>
          %add3A_406 = arith.addf %get3A_401, %get3A_405 : vector<16xf32>
          %mul3A_407 = arith.constant 2.000000e-01 : f32
          %mul3A_408 = vector.broadcast %mul3A_407 : f32 to vector<16xf32>
          %mul3A_409 = arith.mulf %mul3A_408, %add3A_406 : vector<16xf32>
          %max3A_410 = arith.maximumf %add3A_406, %mul3A_409 : vector<16xf32>
          %mul3A_411 = arith.mulf %max3A_410, %get3A_27 : vector<16xf32>
          %add3A_412 = arith.addf %broadcast_in_dim3A_397, %mul3A_411 : vector<16xf32>
          %get3A_413 = arith.index_cast %add3A_395 : i32 to index
          %get3A_414 = arith.constant 16 : index
          %get3A_415 = tpu.vector_load %arg14[%get3A_413, %get3A_414] {strides = array<i32>} : memref<64x128xf32, #tpu.memory_space<vmem>>, vector<1x16xf32>,
          %get3A_416 = vector.shape_cast %get3A_415 : vector<1x16xf32> to vector<16xf32>
          %get3A_417 = arith.index_cast %add3A_395 : i32 to index
          %get3A_418 = arith.constant 16 : index
          %get3A_419 = tpu.vector_load %arg15[%get3A_417, %get3A_418] {strides = array<i32>} : memref<64x128xf32, #tpu.memory_space<vmem>>, vector<1x16xf32>,
          %get3A_420 = vector.shape_cast %get3A_419 : vector<1x16xf32> to vector<16xf32>
          %add3A_421 = arith.addf %get3A_416, %get3A_420 : vector<16xf32>
          %mul3A_422 = arith.constant 2.000000e-01 : f32
          %mul3A_423 = vector.broadcast %mul3A_422 : f32 to vector<16xf32>
          %mul3A_424 = arith.mulf %mul3A_423, %add3A_421 : vector<16xf32>
          %max3A_425 = arith.maximumf %add3A_421, %mul3A_424 : vector<16xf32>
          %mul3A_426 = arith.mulf %max3A_425, %get3A_30 : vector<16xf32>
          %add3A_427 = arith.addf %add3A_412, %mul3A_426 : vector<16xf32>
          %get3A_428 = arith.index_cast %add3A_395 : i32 to index
          %get3A_429 = arith.constant 32 : index
          %get3A_430 = tpu.vector_load %arg14[%get3A_428, %get3A_429] {strides = array<i32>} : memref<64x128xf32, #tpu.memory_space<vmem>>, vector<1x16xf32>,
          %get3A_431 = vector.shape_cast %get3A_430 : vector<1x16xf32> to vector<16xf32>
          %get3A_432 = arith.index_cast %add3A_395 : i32 to index
          %get3A_433 = arith.constant 32 : index
          %get3A_434 = tpu.vector_load %arg15[%get3A_432, %get3A_433] {strides = array<i32>} : memref<64x128xf32, #tpu.memory_space<vmem>>, vector<1x16xf32>,
          %get3A_435 = vector.shape_cast %get3A_434 : vector<1x16xf32> to vector<16xf32>
          %add3A_436 = arith.addf %get3A_431, %get3A_435 : vector<16xf32>
          %mul3A_437 = arith.constant 2.000000e-01 : f32
          %mul3A_438 = vector.broadcast %mul3A_437 : f32 to vector<16xf32>
          %mul3A_439 = arith.mulf %mul3A_438, %add3A_436 : vector<16xf32>
          %max3A_440 = arith.maximumf %add3A_436, %mul3A_439 : vector<16xf32>
          %mul3A_441 = arith.mulf %max3A_440, %get3A_33 : vector<16xf32>
          %add3A_442 = arith.addf %add3A_427, %mul3A_441 : vector<16xf32>
          %get3A_443 = arith.index_cast %add3A_395 : i32 to index
          %get3A_444 = arith.constant 48 : index
          %get3A_445 = tpu.vector_load %arg14[%get3A_443, %get3A_444] {strides = array<i32>} : memref<64x128xf32, #tpu.memory_space<vmem>>, vector<1x16xf32>,
          %get3A_446 = vector.shape_cast %get3A_445 : vector<1x16xf32> to vector<16xf32>
          %get3A_447 = arith.index_cast %add3A_395 : i32 to index
          %get3A_448 = arith.constant 48 : index
          %get3A_449 = tpu.vector_load %arg15[%get3A_447, %get3A_448] {strides = array<i32>} : memref<64x128xf32, #tpu.memory_space<vmem>>, vector<1x16xf32>,
          %get3A_450 = vector.shape_cast %get3A_449 : vector<1x16xf32> to vector<16xf32>
          %add3A_451 = arith.addf %get3A_446, %get3A_450 : vector<16xf32>
          %mul3A_452 = arith.constant 2.000000e-01 : f32
          %mul3A_453 = vector.broadcast %mul3A_452 : f32 to vector<16xf32>
          %mul3A_454 = arith.mulf %mul3A_453, %add3A_451 : vector<16xf32>
          %max3A_455 = arith.maximumf %add3A_451, %mul3A_454 : vector<16xf32>
          %mul3A_456 = arith.mulf %max3A_455, %get3A_36 : vector<16xf32>
          %add3A_457 = arith.addf %add3A_442, %mul3A_456 : vector<16xf32>
          %get3A_458 = arith.index_cast %add3A_395 : i32 to index
          %get3A_459 = arith.constant 64 : index
          %get3A_460 = tpu.vector_load %arg14[%get3A_458, %get3A_459] {strides = array<i32>} : memref<64x128xf32, #tpu.memory_space<vmem>>, vector<1x16xf32>,
          %get3A_461 = vector.shape_cast %get3A_460 : vector<1x16xf32> to vector<16xf32>
          %get3A_462 = arith.index_cast %add3A_395 : i32 to index
          %get3A_463 = arith.constant 64 : index
          %get3A_464 = tpu.vector_load %arg15[%get3A_462, %get3A_463] {strides = array<i32>} : memref<64x128xf32, #tpu.memory_space<vmem>>, vector<1x16xf32>,
          %get3A_465 = vector.shape_cast %get3A_464 : vector<1x16xf32> to vector<16xf32>
          %add3A_466 = arith.addf %get3A_461, %get3A_465 : vector<16xf32>
          %mul3A_467 = arith.constant 2.000000e-01 : f32
          %mul3A_468 = vector.broadcast %mul3A_467 : f32 to vector<16xf32>
          %mul3A_469 = arith.mulf %mul3A_468, %add3A_466 : vector<16xf32>
          %max3A_470 = arith.maximumf %add3A_466, %mul3A_469 : vector<16xf32>
          %mul3A_471 = arith.mulf %max3A_470, %get3A_39 : vector<16xf32>
          %add3A_472 = arith.addf %add3A_457, %mul3A_471 : vector<16xf32>
          %get3A_473 = arith.index_cast %add3A_395 : i32 to index
          %get3A_474 = arith.constant 80 : index
          %get3A_475 = tpu.vector_load %arg14[%get3A_473, %get3A_474] {strides = array<i32>} : memref<64x128xf32, #tpu.memory_space<vmem>>, vector<1x16xf32>,
          %get3A_476 = vector.shape_cast %get3A_475 : vector<1x16xf32> to vector<16xf32>
          %get3A_477 = arith.index_cast %add3A_395 : i32 to index
          %get3A_478 = arith.constant 80 : index
          %get3A_479 = tpu.vector_load %arg15[%get3A_477, %get3A_478] {strides = array<i32>} : memref<64x128xf32, #tpu.memory_space<vmem>>, vector<1x16xf32>,
          %get3A_480 = vector.shape_cast %get3A_479 : vector<1x16xf32> to vector<16xf32>
          %add3A_481 = arith.addf %get3A_476, %get3A_480 : vector<16xf32>
          %mul3A_482 = arith.constant 2.000000e-01 : f32
          %mul3A_483 = vector.broadcast %mul3A_482 : f32 to vector<16xf32>
          %mul3A_484 = arith.mulf %mul3A_483, %add3A_481 : vector<16xf32>
          %max3A_485 = arith.maximumf %add3A_481, %mul3A_484 : vector<16xf32>
          %mul3A_486 = arith.mulf %max3A_485, %get3A_42 : vector<16xf32>
          %add3A_487 = arith.addf %add3A_472, %mul3A_486 : vector<16xf32>
          %get3A_488 = arith.index_cast %add3A_395 : i32 to index
          %get3A_489 = arith.constant 96 : index
          %get3A_490 = tpu.vector_load %arg14[%get3A_488, %get3A_489] {strides = array<i32>} : memref<64x128xf32, #tpu.memory_space<vmem>>, vector<1x16xf32>,
          %get3A_491 = vector.shape_cast %get3A_490 : vector<1x16xf32> to vector<16xf32>
          %get3A_492 = arith.index_cast %add3A_395 : i32 to index
          %get3A_493 = arith.constant 96 : index
          %get3A_494 = tpu.vector_load %arg15[%get3A_492, %get3A_493] {strides = array<i32>} : memref<64x128xf32, #tpu.memory_space<vmem>>, vector<1x16xf32>,
          %get3A_495 = vector.shape_cast %get3A_494 : vector<1x16xf32> to vector<16xf32>
          %add3A_496 = arith.addf %get3A_491, %get3A_495 : vector<16xf32>
          %mul3A_497 = arith.constant 2.000000e-01 : f32
          %mul3A_498 = vector.broadcast %mul3A_497 : f32 to vector<16xf32>
          %mul3A_499 = arith.mulf %mul3A_498, %add3A_496 : vector<16xf32>
          %max3A_500 = arith.maximumf %add3A_496, %mul3A_499 : vector<16xf32>
          %mul3A_501 = arith.mulf %max3A_500, %get3A_45 : vector<16xf32>
          %add3A_502 = arith.addf %add3A_487, %mul3A_501 : vector<16xf32>
          %get3A_503 = arith.index_cast %add3A_395 : i32 to index
          %get3A_504 = arith.constant 112 : index
          %get3A_505 = tpu.vector_load %arg14[%get3A_503, %get3A_504] {strides = array<i32>} : memref<64x128xf32, #tpu.memory_space<vmem>>, vector<1x16xf32>,
          %get3A_506 = vector.shape_cast %get3A_505 : vector<1x16xf32> to vector<16xf32>
          %get3A_507 = arith.index_cast %add3A_395 : i32 to index
          %get3A_508 = arith.constant 112 : index
          %get3A_509 = tpu.vector_load %arg15[%get3A_507, %get3A_508] {strides = array<i32>} : memref<64x128xf32, #tpu.memory_space<vmem>>, vector<1x16xf32>,
          %get3A_510 = vector.shape_cast %get3A_509 : vector<1x16xf32> to vector<16xf32>
          %add3A_511 = arith.addf %get3A_506, %get3A_510 : vector<16xf32>
          %mul3A_512 = arith.constant 2.000000e-01 : f32
          %mul3A_513 = vector.broadcast %mul3A_512 : f32 to vector<16xf32>
          %mul3A_514 = arith.mulf %mul3A_513, %add3A_511 : vector<16xf32>
          %max3A_515 = arith.maximumf %add3A_511, %mul3A_514 : vector<16xf32>
          %mul3A_516 = arith.mulf %max3A_515, %get3A_48 : vector<16xf32>
          %add3A_517 = arith.addf %add3A_502, %mul3A_516 : vector<16xf32>
          %xor3A_518 = arith.constant 8 : i32
          %xor3A_519 = vector.broadcast %xor3A_518 : i32 to vector<16xi32>
          %xor3A_520 = arith.xori %iota3A, %xor3A_519 : vector<16xi32>
          %lt3A_521 = arith.constant 0 : i32
          %lt3A_522 = vector.broadcast %lt3A_521 : i32 to vector<16xi32>
          %lt3A_523 = arith.cmpi slt, %xor3A_520, %lt3A_522 : vector<16xi32>
          %add3A_524 = arith.constant 16 : i32
          %add3A_525 = vector.broadcast %add3A_524 : i32 to vector<16xi32>
          %add3A_526 = arith.addi %xor3A_520, %add3A_525 : vector<16xi32>
          %select_n3A_527 = arith.select %lt3A_523, %add3A_526, %xor3A_520 : vector<16xi1>, vector<16xi32>
          %broadcast_in_dim3A_528 = vector.shape_cast %select_n3A_527 : vector<16xi32> to vector<16x1xi32>
          %gather3A_529 = vector.shape_cast %broadcast_in_dim3A_528 : vector<16x1xi32> to vector<16xi32>
          %gather3A_530 = tpu.dynamic_gather %add3A_517[%gather3A_529] in [0] : vector<16xf32>, vector<16xi32> -> vector<16xf32>
          %add3A_531 = arith.addf %add3A_517, %gather3A_530 : vector<16xf32>
          %xor3A_532 = arith.constant 4 : i32
          %xor3A_533 = vector.broadcast %xor3A_532 : i32 to vector<16xi32>
          %xor3A_534 = arith.xori %iota3A, %xor3A_533 : vector<16xi32>
          %lt3A_535 = arith.constant 0 : i32
          %lt3A_536 = vector.broadcast %lt3A_535 : i32 to vector<16xi32>
          %lt3A_537 = arith.cmpi slt, %xor3A_534, %lt3A_536 : vector<16xi32>
          %add3A_538 = arith.constant 16 : i32
          %add3A_539 = vector.broadcast %add3A_538 : i32 to vector<16xi32>
          %add3A_540 = arith.addi %xor3A_534, %add3A_539 : vector<16xi32>
          %select_n3A_541 = arith.select %lt3A_537, %add3A_540, %xor3A_534 : vector<16xi1>, vector<16xi32>
          %broadcast_in_dim3A_542 = vector.shape_cast %select_n3A_541 : vector<16xi32> to vector<16x1xi32>
          %gather3A_543 = vector.shape_cast %broadcast_in_dim3A_542 : vector<16x1xi32> to vector<16xi32>
          %gather3A_544 = tpu.dynamic_gather %add3A_531[%gather3A_543] in [0] : vector<16xf32>, vector<16xi32> -> vector<16xf32>
          %add3A_545 = arith.addf %add3A_531, %gather3A_544 : vector<16xf32>
          %xor3A_546 = arith.constant 2 : i32
          %xor3A_547 = vector.broadcast %xor3A_546 : i32 to vector<16xi32>
          %xor3A_548 = arith.xori %iota3A, %xor3A_547 : vector<16xi32>
          %lt3A_549 = arith.constant 0 : i32
          %lt3A_550 = vector.broadcast %lt3A_549 : i32 to vector<16xi32>
          %lt3A_551 = arith.cmpi slt, %xor3A_548, %lt3A_550 : vector<16xi32>
          %add3A_552 = arith.constant 16 : i32
          %add3A_553 = vector.broadcast %add3A_552 : i32 to vector<16xi32>
          %add3A_554 = arith.addi %xor3A_548, %add3A_553 : vector<16xi32>
          %select_n3A_555 = arith.select %lt3A_551, %add3A_554, %xor3A_548 : vector<16xi1>, vector<16xi32>
          %broadcast_in_dim3A_556 = vector.shape_cast %select_n3A_555 : vector<16xi32> to vector<16x1xi32>
          %gather3A_557 = vector.shape_cast %broadcast_in_dim3A_556 : vector<16x1xi32> to vector<16xi32>
          %gather3A_558 = tpu.dynamic_gather %add3A_545[%gather3A_557] in [0] : vector<16xf32>, vector<16xi32> -> vector<16xf32>
          %add3A_559 = arith.addf %add3A_545, %gather3A_558 : vector<16xf32>
          %xor3A_560 = arith.constant 1 : i32
          %xor3A_561 = vector.broadcast %xor3A_560 : i32 to vector<16xi32>
          %xor3A_562 = arith.xori %iota3A, %xor3A_561 : vector<16xi32>
          %lt3A_563 = arith.constant 0 : i32
          %lt3A_564 = vector.broadcast %lt3A_563 : i32 to vector<16xi32>
          %lt3A_565 = arith.cmpi slt, %xor3A_562, %lt3A_564 : vector<16xi32>
          %add3A_566 = arith.constant 16 : i32
          %add3A_567 = vector.broadcast %add3A_566 : i32 to vector<16xi32>
          %add3A_568 = arith.addi %xor3A_562, %add3A_567 : vector<16xi32>
          %select_n3A_569 = arith.select %lt3A_565, %add3A_568, %xor3A_562 : vector<16xi1>, vector<16xi32>
          %broadcast_in_dim3A_570 = vector.shape_cast %select_n3A_569 : vector<16xi32> to vector<16x1xi32>
          %gather3A_571 = vector.shape_cast %broadcast_in_dim3A_570 : vector<16x1xi32> to vector<16xi32>
          %gather3A_572 = tpu.dynamic_gather %add3A_559[%gather3A_571] in [0] : vector<16xf32>, vector<16xi32> -> vector<16xf32>
          %add3A_573 = arith.addf %add3A_559, %gather3A_572 : vector<16xf32>
          %exp3A_574 = math.exp %add3A_573 : vector<16xf32>
          %mul3A_575 = arith.mulf %get3A_401, %exp3A_574 : vector<16xf32>
          %swap3A_576 = arith.index_cast %add3A_395 : i32 to index
          %swap3A_577 = arith.constant 0 : index
          %swap3A_578 = tpu.vector_load %arg17[%swap3A_576, %swap3A_577] {strides = array<i32>} : memref<64x128xf32, #tpu.memory_space<vmem>>, vector<1x16xf32>,
          %swap3A_579 = vector.shape_cast %swap3A_578 : vector<1x16xf32> to vector<16xf32>
          %swap3A_580 = vector.shape_cast %mul3A_575 : vector<16xf32> to vector<1x16xf32>
          tpu.vector_store %arg17[%swap3A_576, %swap3A_577], %swap3A_580 {strides = array<i32>} : memref<64x128xf32, #tpu.memory_space<vmem>>, vector<1x16xf32>,
          %mul3A_581 = arith.mulf %get3A_416, %exp3A_574 : vector<16xf32>
          %swap3A_582 = arith.index_cast %add3A_395 : i32 to index
          %swap3A_583 = arith.constant 16 : index
          %swap3A_584 = tpu.vector_load %arg17[%swap3A_582, %swap3A_583] {strides = array<i32>} : memref<64x128xf32, #tpu.memory_space<vmem>>, vector<1x16xf32>,
          %swap3A_585 = vector.shape_cast %swap3A_584 : vector<1x16xf32> to vector<16xf32>
          %swap3A_586 = vector.shape_cast %mul3A_581 : vector<16xf32> to vector<1x16xf32>
          tpu.vector_store %arg17[%swap3A_582, %swap3A_583], %swap3A_586 {strides = array<i32>} : memref<64x128xf32, #tpu.memory_space<vmem>>, vector<1x16xf32>,
          %mul3A_587 = arith.mulf %get3A_431, %exp3A_574 : vector<16xf32>
          %swap3A_588 = arith.index_cast %add3A_395 : i32 to index
          %swap3A_589 = arith.constant 32 : index
          %swap3A_590 = tpu.vector_load %arg17[%swap3A_588, %swap3A_589] {strides = array<i32>} : memref<64x128xf32, #tpu.memory_space<vmem>>, vector<1x16xf32>,
          %swap3A_591 = vector.shape_cast %swap3A_590 : vector<1x16xf32> to vector<16xf32>
          %swap3A_592 = vector.shape_cast %mul3A_587 : vector<16xf32> to vector<1x16xf32>
          tpu.vector_store %arg17[%swap3A_588, %swap3A_589], %swap3A_592 {strides = array<i32>} : memref<64x128xf32, #tpu.memory_space<vmem>>, vector<1x16xf32>,
          %mul3A_593 = arith.mulf %get3A_446, %exp3A_574 : vector<16xf32>
          %swap3A_594 = arith.index_cast %add3A_395 : i32 to index
          %swap3A_595 = arith.constant 48 : index
          %swap3A_596 = tpu.vector_load %arg17[%swap3A_594, %swap3A_595] {strides = array<i32>} : memref<64x128xf32, #tpu.memory_space<vmem>>, vector<1x16xf32>,
          %swap3A_597 = vector.shape_cast %swap3A_596 : vector<1x16xf32> to vector<16xf32>
          %swap3A_598 = vector.shape_cast %mul3A_593 : vector<16xf32> to vector<1x16xf32>
          tpu.vector_store %arg17[%swap3A_594, %swap3A_595], %swap3A_598 {strides = array<i32>} : memref<64x128xf32, #tpu.memory_space<vmem>>, vector<1x16xf32>,
          %mul3A_599 = arith.mulf %get3A_461, %exp3A_574 : vector<16xf32>
          %swap3A_600 = arith.index_cast %add3A_395 : i32 to index
          %swap3A_601 = arith.constant 64 : index
          %swap3A_602 = tpu.vector_load %arg17[%swap3A_600, %swap3A_601] {strides = array<i32>} : memref<64x128xf32, #tpu.memory_space<vmem>>, vector<1x16xf32>,
          %swap3A_603 = vector.shape_cast %swap3A_602 : vector<1x16xf32> to vector<16xf32>
          %swap3A_604 = vector.shape_cast %mul3A_599 : vector<16xf32> to vector<1x16xf32>
          tpu.vector_store %arg17[%swap3A_600, %swap3A_601], %swap3A_604 {strides = array<i32>} : memref<64x128xf32, #tpu.memory_space<vmem>>, vector<1x16xf32>,
          %mul3A_605 = arith.mulf %get3A_476, %exp3A_574 : vector<16xf32>
          %swap3A_606 = arith.index_cast %add3A_395 : i32 to index
          %swap3A_607 = arith.constant 80 : index
          %swap3A_608 = tpu.vector_load %arg17[%swap3A_606, %swap3A_607] {strides = array<i32>} : memref<64x128xf32, #tpu.memory_space<vmem>>, vector<1x16xf32>,
          %swap3A_609 = vector.shape_cast %swap3A_608 : vector<1x16xf32> to vector<16xf32>
          %swap3A_610 = vector.shape_cast %mul3A_605 : vector<16xf32> to vector<1x16xf32>
          tpu.vector_store %arg17[%swap3A_606, %swap3A_607], %swap3A_610 {strides = array<i32>} : memref<64x128xf32, #tpu.memory_space<vmem>>, vector<1x16xf32>,
          %mul3A_611 = arith.mulf %get3A_491, %exp3A_574 : vector<16xf32>
          %swap3A_612 = arith.index_cast %add3A_395 : i32 to index
          %swap3A_613 = arith.constant 96 : index
          %swap3A_614 = tpu.vector_load %arg17[%swap3A_612, %swap3A_613] {strides = array<i32>} : memref<64x128xf32, #tpu.memory_space<vmem>>, vector<1x16xf32>,
          %swap3A_615 = vector.shape_cast %swap3A_614 : vector<1x16xf32> to vector<16xf32>
          %swap3A_616 = vector.shape_cast %mul3A_611 : vector<16xf32> to vector<1x16xf32>
          tpu.vector_store %arg17[%swap3A_612, %swap3A_613], %swap3A_616 {strides = array<i32>} : memref<64x128xf32, #tpu.memory_space<vmem>>, vector<1x16xf32>,
          %mul3A_617 = arith.mulf %get3A_506, %exp3A_574 : vector<16xf32>
          %swap3A_618 = arith.index_cast %add3A_395 : i32 to index
          %swap3A_619 = arith.constant 112 : index
          %swap3A_620 = tpu.vector_load %arg17[%swap3A_618, %swap3A_619] {strides = array<i32>} : memref<64x128xf32, #tpu.memory_space<vmem>>, vector<1x16xf32>,
          %swap3A_621 = vector.shape_cast %swap3A_620 : vector<1x16xf32> to vector<16xf32>
          %swap3A_622 = vector.shape_cast %mul3A_617 : vector<16xf32> to vector<1x16xf32>
          tpu.vector_store %arg17[%swap3A_618, %swap3A_619], %swap3A_622 {strides = array<i32>} : memref<64x128xf32, #tpu.memory_space<vmem>>, vector<1x16xf32>,
        }
        %scan3A_165 = arith.constant 32 : i32
      } else {
      }
      %eq3A_143 = arith.constant 1 : i32
      %eq3A_144 = arith.cmpi eq, %arg0, %eq3A_143 : i32
      %convert_element_type3A_145 = arith.extui %eq3A_144 : i1 to i32
      %cond3A_146 = arith.constant 0 : i32
      %cond3A_147 = arith.cmpi ne, %convert_element_type3A_145, %cond3A_146 : i32
      scf.if %cond3A_147 {
        %scan3A_160 = arith.constant 0 : i32
        %scan3A_161 = arith.constant 0 : i32
        %scan3A_162 = arith.constant 32 : i32
        %scan3A_163 = arith.addi %scan3A_161, %scan3A_162 : i32
        %scan3A_164 = arith.constant 1 : i32
        scf.for %scan3A_166 = %scan3A_161 to %scan3A_163 step %scan3A_164  : i32 {
          %mul3A_167 = arith.constant 2 : i32
          %mul3A_168 = arith.muli %scan3A_166, %mul3A_167 : i32
          %add3A_169 = arith.constant 0 : i32
          %add3A_170 = arith.addi %mul3A_168, %add3A_169 : i32
          %broadcast_in_dim3A_171 = arith.constant 0.000000e+00 : f32
          %broadcast_in_dim3A_172 = vector.broadcast %broadcast_in_dim3A_171 : f32 to vector<16xf32>
          %get3A_173 = arith.index_cast %add3A_170 : i32 to index
          %get3A_174 = arith.constant 0 : index
          %get3A_175 = tpu.vector_load %arg14[%get3A_173, %get3A_174] {strides = array<i32>} : memref<64x128xf32, #tpu.memory_space<vmem>>, vector<1x16xf32>,
          %get3A_176 = vector.shape_cast %get3A_175 : vector<1x16xf32> to vector<16xf32>
          %get3A_177 = arith.index_cast %add3A_170 : i32 to index
          %get3A_178 = arith.constant 0 : index
          %get3A_179 = tpu.vector_load %arg15[%get3A_177, %get3A_178] {strides = array<i32>} : memref<64x128xf32, #tpu.memory_space<vmem>>, vector<1x16xf32>,
          %get3A_180 = vector.shape_cast %get3A_179 : vector<1x16xf32> to vector<16xf32>
          %add3A_181 = arith.addf %get3A_176, %get3A_180 : vector<16xf32>
          %mul3A_182 = arith.constant 2.000000e-01 : f32
          %mul3A_183 = vector.broadcast %mul3A_182 : f32 to vector<16xf32>
          %mul3A_184 = arith.mulf %mul3A_183, %add3A_181 : vector<16xf32>
          %max3A = arith.maximumf %add3A_181, %mul3A_184 : vector<16xf32>
          %mul3A_185 = arith.mulf %max3A, %get3A_27 : vector<16xf32>
          %add3A_186 = arith.addf %broadcast_in_dim3A_172, %mul3A_185 : vector<16xf32>
          %get3A_187 = arith.index_cast %add3A_170 : i32 to index
          %get3A_188 = arith.constant 16 : index
          %get3A_189 = tpu.vector_load %arg14[%get3A_187, %get3A_188] {strides = array<i32>} : memref<64x128xf32, #tpu.memory_space<vmem>>, vector<1x16xf32>,
          %get3A_190 = vector.shape_cast %get3A_189 : vector<1x16xf32> to vector<16xf32>
          %get3A_191 = arith.index_cast %add3A_170 : i32 to index
          %get3A_192 = arith.constant 16 : index
          %get3A_193 = tpu.vector_load %arg15[%get3A_191, %get3A_192] {strides = array<i32>} : memref<64x128xf32, #tpu.memory_space<vmem>>, vector<1x16xf32>,
          %get3A_194 = vector.shape_cast %get3A_193 : vector<1x16xf32> to vector<16xf32>
          %add3A_195 = arith.addf %get3A_190, %get3A_194 : vector<16xf32>
          %mul3A_196 = arith.constant 2.000000e-01 : f32
          %mul3A_197 = vector.broadcast %mul3A_196 : f32 to vector<16xf32>
          %mul3A_198 = arith.mulf %mul3A_197, %add3A_195 : vector<16xf32>
          %max3A_199 = arith.maximumf %add3A_195, %mul3A_198 : vector<16xf32>
          %mul3A_200 = arith.mulf %max3A_199, %get3A_30 : vector<16xf32>
          %add3A_201 = arith.addf %add3A_186, %mul3A_200 : vector<16xf32>
          %get3A_202 = arith.index_cast %add3A_170 : i32 to index
          %get3A_203 = arith.constant 32 : index
          %get3A_204 = tpu.vector_load %arg14[%get3A_202, %get3A_203] {strides = array<i32>} : memref<64x128xf32, #tpu.memory_space<vmem>>, vector<1x16xf32>,
          %get3A_205 = vector.shape_cast %get3A_204 : vector<1x16xf32> to vector<16xf32>
          %get3A_206 = arith.index_cast %add3A_170 : i32 to index
          %get3A_207 = arith.constant 32 : index
          %get3A_208 = tpu.vector_load %arg15[%get3A_206, %get3A_207] {strides = array<i32>} : memref<64x128xf32, #tpu.memory_space<vmem>>, vector<1x16xf32>,
          %get3A_209 = vector.shape_cast %get3A_208 : vector<1x16xf32> to vector<16xf32>
          %add3A_210 = arith.addf %get3A_205, %get3A_209 : vector<16xf32>
          %mul3A_211 = arith.constant 2.000000e-01 : f32
          %mul3A_212 = vector.broadcast %mul3A_211 : f32 to vector<16xf32>
          %mul3A_213 = arith.mulf %mul3A_212, %add3A_210 : vector<16xf32>
          %max3A_214 = arith.maximumf %add3A_210, %mul3A_213 : vector<16xf32>
          %mul3A_215 = arith.mulf %max3A_214, %get3A_33 : vector<16xf32>
          %add3A_216 = arith.addf %add3A_201, %mul3A_215 : vector<16xf32>
          %get3A_217 = arith.index_cast %add3A_170 : i32 to index
          %get3A_218 = arith.constant 48 : index
          %get3A_219 = tpu.vector_load %arg14[%get3A_217, %get3A_218] {strides = array<i32>} : memref<64x128xf32, #tpu.memory_space<vmem>>, vector<1x16xf32>,
          %get3A_220 = vector.shape_cast %get3A_219 : vector<1x16xf32> to vector<16xf32>
          %get3A_221 = arith.index_cast %add3A_170 : i32 to index
          %get3A_222 = arith.constant 48 : index
          %get3A_223 = tpu.vector_load %arg15[%get3A_221, %get3A_222] {strides = array<i32>} : memref<64x128xf32, #tpu.memory_space<vmem>>, vector<1x16xf32>,
          %get3A_224 = vector.shape_cast %get3A_223 : vector<1x16xf32> to vector<16xf32>
          %add3A_225 = arith.addf %get3A_220, %get3A_224 : vector<16xf32>
          %mul3A_226 = arith.constant 2.000000e-01 : f32
          %mul3A_227 = vector.broadcast %mul3A_226 : f32 to vector<16xf32>
          %mul3A_228 = arith.mulf %mul3A_227, %add3A_225 : vector<16xf32>
          %max3A_229 = arith.maximumf %add3A_225, %mul3A_228 : vector<16xf32>
          %mul3A_230 = arith.mulf %max3A_229, %get3A_36 : vector<16xf32>
          %add3A_231 = arith.addf %add3A_216, %mul3A_230 : vector<16xf32>
          %get3A_232 = arith.index_cast %add3A_170 : i32 to index
          %get3A_233 = arith.constant 64 : index
          %get3A_234 = tpu.vector_load %arg14[%get3A_232, %get3A_233] {strides = array<i32>} : memref<64x128xf32, #tpu.memory_space<vmem>>, vector<1x16xf32>,
          %get3A_235 = vector.shape_cast %get3A_234 : vector<1x16xf32> to vector<16xf32>
          %get3A_236 = arith.index_cast %add3A_170 : i32 to index
          %get3A_237 = arith.constant 64 : index
          %get3A_238 = tpu.vector_load %arg15[%get3A_236, %get3A_237] {strides = array<i32>} : memref<64x128xf32, #tpu.memory_space<vmem>>, vector<1x16xf32>,
          %get3A_239 = vector.shape_cast %get3A_238 : vector<1x16xf32> to vector<16xf32>
          %add3A_240 = arith.addf %get3A_235, %get3A_239 : vector<16xf32>
          %mul3A_241 = arith.constant 2.000000e-01 : f32
          %mul3A_242 = vector.broadcast %mul3A_241 : f32 to vector<16xf32>
          %mul3A_243 = arith.mulf %mul3A_242, %add3A_240 : vector<16xf32>
          %max3A_244 = arith.maximumf %add3A_240, %mul3A_243 : vector<16xf32>
          %mul3A_245 = arith.mulf %max3A_244, %get3A_39 : vector<16xf32>
          %add3A_246 = arith.addf %add3A_231, %mul3A_245 : vector<16xf32>
          %get3A_247 = arith.index_cast %add3A_170 : i32 to index
          %get3A_248 = arith.constant 80 : index
          %get3A_249 = tpu.vector_load %arg14[%get3A_247, %get3A_248] {strides = array<i32>} : memref<64x128xf32, #tpu.memory_space<vmem>>, vector<1x16xf32>,
          %get3A_250 = vector.shape_cast %get3A_249 : vector<1x16xf32> to vector<16xf32>
          %get3A_251 = arith.index_cast %add3A_170 : i32 to index
          %get3A_252 = arith.constant 80 : index
          %get3A_253 = tpu.vector_load %arg15[%get3A_251, %get3A_252] {strides = array<i32>} : memref<64x128xf32, #tpu.memory_space<vmem>>, vector<1x16xf32>,
          %get3A_254 = vector.shape_cast %get3A_253 : vector<1x16xf32> to vector<16xf32>
          %add3A_255 = arith.addf %get3A_250, %get3A_254 : vector<16xf32>
          %mul3A_256 = arith.constant 2.000000e-01 : f32
          %mul3A_257 = vector.broadcast %mul3A_256 : f32 to vector<16xf32>
          %mul3A_258 = arith.mulf %mul3A_257, %add3A_255 : vector<16xf32>
          %max3A_259 = arith.maximumf %add3A_255, %mul3A_258 : vector<16xf32>
          %mul3A_260 = arith.mulf %max3A_259, %get3A_42 : vector<16xf32>
          %add3A_261 = arith.addf %add3A_246, %mul3A_260 : vector<16xf32>
          %get3A_262 = arith.index_cast %add3A_170 : i32 to index
          %get3A_263 = arith.constant 96 : index
          %get3A_264 = tpu.vector_load %arg14[%get3A_262, %get3A_263] {strides = array<i32>} : memref<64x128xf32, #tpu.memory_space<vmem>>, vector<1x16xf32>,
          %get3A_265 = vector.shape_cast %get3A_264 : vector<1x16xf32> to vector<16xf32>
          %get3A_266 = arith.index_cast %add3A_170 : i32 to index
          %get3A_267 = arith.constant 96 : index
          %get3A_268 = tpu.vector_load %arg15[%get3A_266, %get3A_267] {strides = array<i32>} : memref<64x128xf32, #tpu.memory_space<vmem>>, vector<1x16xf32>,
          %get3A_269 = vector.shape_cast %get3A_268 : vector<1x16xf32> to vector<16xf32>
          %add3A_270 = arith.addf %get3A_265, %get3A_269 : vector<16xf32>
          %mul3A_271 = arith.constant 2.000000e-01 : f32
          %mul3A_272 = vector.broadcast %mul3A_271 : f32 to vector<16xf32>
          %mul3A_273 = arith.mulf %mul3A_272, %add3A_270 : vector<16xf32>
          %max3A_274 = arith.maximumf %add3A_270, %mul3A_273 : vector<16xf32>
          %mul3A_275 = arith.mulf %max3A_274, %get3A_45 : vector<16xf32>
          %add3A_276 = arith.addf %add3A_261, %mul3A_275 : vector<16xf32>
          %get3A_277 = arith.index_cast %add3A_170 : i32 to index
          %get3A_278 = arith.constant 112 : index
          %get3A_279 = tpu.vector_load %arg14[%get3A_277, %get3A_278] {strides = array<i32>} : memref<64x128xf32, #tpu.memory_space<vmem>>, vector<1x16xf32>,
          %get3A_280 = vector.shape_cast %get3A_279 : vector<1x16xf32> to vector<16xf32>
          %get3A_281 = arith.index_cast %add3A_170 : i32 to index
          %get3A_282 = arith.constant 112 : index
          %get3A_283 = tpu.vector_load %arg15[%get3A_281, %get3A_282] {strides = array<i32>} : memref<64x128xf32, #tpu.memory_space<vmem>>, vector<1x16xf32>,
          %get3A_284 = vector.shape_cast %get3A_283 : vector<1x16xf32> to vector<16xf32>
          %add3A_285 = arith.addf %get3A_280, %get3A_284 : vector<16xf32>
          %mul3A_286 = arith.constant 2.000000e-01 : f32
          %mul3A_287 = vector.broadcast %mul3A_286 : f32 to vector<16xf32>
          %mul3A_288 = arith.mulf %mul3A_287, %add3A_285 : vector<16xf32>
          %max3A_289 = arith.maximumf %add3A_285, %mul3A_288 : vector<16xf32>
          %mul3A_290 = arith.mulf %max3A_289, %get3A_48 : vector<16xf32>
          %add3A_291 = arith.addf %add3A_276, %mul3A_290 : vector<16xf32>
          %xor3A = arith.constant 8 : i32
          %xor3A_292 = vector.broadcast %xor3A : i32 to vector<16xi32>
          %xor3A_293 = arith.xori %iota3A, %xor3A_292 : vector<16xi32>
          %lt3A_294 = arith.constant 0 : i32
          %lt3A_295 = vector.broadcast %lt3A_294 : i32 to vector<16xi32>
          %lt3A_296 = arith.cmpi slt, %xor3A_293, %lt3A_295 : vector<16xi32>
          %add3A_297 = arith.constant 16 : i32
          %add3A_298 = vector.broadcast %add3A_297 : i32 to vector<16xi32>
          %add3A_299 = arith.addi %xor3A_293, %add3A_298 : vector<16xi32>
          %select_n3A = arith.select %lt3A_296, %add3A_299, %xor3A_293 : vector<16xi1>, vector<16xi32>
          %broadcast_in_dim3A_300 = vector.shape_cast %select_n3A : vector<16xi32> to vector<16x1xi32>
          %gather3A = vector.shape_cast %broadcast_in_dim3A_300 : vector<16x1xi32> to vector<16xi32>
          %gather3A_301 = tpu.dynamic_gather %add3A_291[%gather3A] in [0] : vector<16xf32>, vector<16xi32> -> vector<16xf32>
          %add3A_302 = arith.addf %add3A_291, %gather3A_301 : vector<16xf32>
          %xor3A_303 = arith.constant 4 : i32
          %xor3A_304 = vector.broadcast %xor3A_303 : i32 to vector<16xi32>
          %xor3A_305 = arith.xori %iota3A, %xor3A_304 : vector<16xi32>
          %lt3A_306 = arith.constant 0 : i32
          %lt3A_307 = vector.broadcast %lt3A_306 : i32 to vector<16xi32>
          %lt3A_308 = arith.cmpi slt, %xor3A_305, %lt3A_307 : vector<16xi32>
          %add3A_309 = arith.constant 16 : i32
          %add3A_310 = vector.broadcast %add3A_309 : i32 to vector<16xi32>
          %add3A_311 = arith.addi %xor3A_305, %add3A_310 : vector<16xi32>
          %select_n3A_312 = arith.select %lt3A_308, %add3A_311, %xor3A_305 : vector<16xi1>, vector<16xi32>
          %broadcast_in_dim3A_313 = vector.shape_cast %select_n3A_312 : vector<16xi32> to vector<16x1xi32>
          %gather3A_314 = vector.shape_cast %broadcast_in_dim3A_313 : vector<16x1xi32> to vector<16xi32>
          %gather3A_315 = tpu.dynamic_gather %add3A_302[%gather3A_314] in [0] : vector<16xf32>, vector<16xi32> -> vector<16xf32>
          %add3A_316 = arith.addf %add3A_302, %gather3A_315 : vector<16xf32>
          %xor3A_317 = arith.constant 2 : i32
          %xor3A_318 = vector.broadcast %xor3A_317 : i32 to vector<16xi32>
          %xor3A_319 = arith.xori %iota3A, %xor3A_318 : vector<16xi32>
          %lt3A_320 = arith.constant 0 : i32
          %lt3A_321 = vector.broadcast %lt3A_320 : i32 to vector<16xi32>
          %lt3A_322 = arith.cmpi slt, %xor3A_319, %lt3A_321 : vector<16xi32>
          %add3A_323 = arith.constant 16 : i32
          %add3A_324 = vector.broadcast %add3A_323 : i32 to vector<16xi32>
          %add3A_325 = arith.addi %xor3A_319, %add3A_324 : vector<16xi32>
          %select_n3A_326 = arith.select %lt3A_322, %add3A_325, %xor3A_319 : vector<16xi1>, vector<16xi32>
          %broadcast_in_dim3A_327 = vector.shape_cast %select_n3A_326 : vector<16xi32> to vector<16x1xi32>
          %gather3A_328 = vector.shape_cast %broadcast_in_dim3A_327 : vector<16x1xi32> to vector<16xi32>
          %gather3A_329 = tpu.dynamic_gather %add3A_316[%gather3A_328] in [0] : vector<16xf32>, vector<16xi32> -> vector<16xf32>
          %add3A_330 = arith.addf %add3A_316, %gather3A_329 : vector<16xf32>
          %xor3A_331 = arith.constant 1 : i32
          %xor3A_332 = vector.broadcast %xor3A_331 : i32 to vector<16xi32>
          %xor3A_333 = arith.xori %iota3A, %xor3A_332 : vector<16xi32>
          %lt3A_334 = arith.constant 0 : i32
          %lt3A_335 = vector.broadcast %lt3A_334 : i32 to vector<16xi32>
          %lt3A_336 = arith.cmpi slt, %xor3A_333, %lt3A_335 : vector<16xi32>
          %add3A_337 = arith.constant 16 : i32
          %add3A_338 = vector.broadcast %add3A_337 : i32 to vector<16xi32>
          %add3A_339 = arith.addi %xor3A_333, %add3A_338 : vector<16xi32>
          %select_n3A_340 = arith.select %lt3A_336, %add3A_339, %xor3A_333 : vector<16xi1>, vector<16xi32>
          %broadcast_in_dim3A_341 = vector.shape_cast %select_n3A_340 : vector<16xi32> to vector<16x1xi32>
          %gather3A_342 = vector.shape_cast %broadcast_in_dim3A_341 : vector<16x1xi32> to vector<16xi32>
          %gather3A_343 = tpu.dynamic_gather %add3A_330[%gather3A_342] in [0] : vector<16xf32>, vector<16xi32> -> vector<16xf32>
          %add3A_344 = arith.addf %add3A_330, %gather3A_343 : vector<16xf32>
          %exp3A = math.exp %add3A_344 : vector<16xf32>
          %swap3A = arith.index_cast %add3A_170 : i32 to index
          %swap3A_345 = arith.constant 0 : index
          %swap3A_346 = tpu.vector_load %arg17[%swap3A, %swap3A_345] {strides = array<i32>} : memref<64x128xf32, #tpu.memory_space<vmem>>, vector<1x16xf32>,
          %swap3A_347 = vector.shape_cast %swap3A_346 : vector<1x16xf32> to vector<16xf32>
          %swap3A_348 = vector.shape_cast %exp3A : vector<16xf32> to vector<1x16xf32>
          tpu.vector_store %arg17[%swap3A, %swap3A_345], %swap3A_348 {strides = array<i32>} : memref<64x128xf32, #tpu.memory_space<vmem>>, vector<1x16xf32>,
          %swap3A_349 = arith.index_cast %add3A_170 : i32 to index
          %swap3A_350 = arith.constant 16 : index
          %swap3A_351 = tpu.vector_load %arg17[%swap3A_349, %swap3A_350] {strides = array<i32>} : memref<64x128xf32, #tpu.memory_space<vmem>>, vector<1x16xf32>,
          %swap3A_352 = vector.shape_cast %swap3A_351 : vector<1x16xf32> to vector<16xf32>
          %swap3A_353 = vector.shape_cast %exp3A : vector<16xf32> to vector<1x16xf32>
          tpu.vector_store %arg17[%swap3A_349, %swap3A_350], %swap3A_353 {strides = array<i32>} : memref<64x128xf32, #tpu.memory_space<vmem>>, vector<1x16xf32>,
          %swap3A_354 = arith.index_cast %add3A_170 : i32 to index
          %swap3A_355 = arith.constant 32 : index
          %swap3A_356 = tpu.vector_load %arg17[%swap3A_354, %swap3A_355] {strides = array<i32>} : memref<64x128xf32, #tpu.memory_space<vmem>>, vector<1x16xf32>,
          %swap3A_357 = vector.shape_cast %swap3A_356 : vector<1x16xf32> to vector<16xf32>
          %swap3A_358 = vector.shape_cast %exp3A : vector<16xf32> to vector<1x16xf32>
          tpu.vector_store %arg17[%swap3A_354, %swap3A_355], %swap3A_358 {strides = array<i32>} : memref<64x128xf32, #tpu.memory_space<vmem>>, vector<1x16xf32>,
          %swap3A_359 = arith.index_cast %add3A_170 : i32 to index
          %swap3A_360 = arith.constant 48 : index
          %swap3A_361 = tpu.vector_load %arg17[%swap3A_359, %swap3A_360] {strides = array<i32>} : memref<64x128xf32, #tpu.memory_space<vmem>>, vector<1x16xf32>,
          %swap3A_362 = vector.shape_cast %swap3A_361 : vector<1x16xf32> to vector<16xf32>
          %swap3A_363 = vector.shape_cast %exp3A : vector<16xf32> to vector<1x16xf32>
          tpu.vector_store %arg17[%swap3A_359, %swap3A_360], %swap3A_363 {strides = array<i32>} : memref<64x128xf32, #tpu.memory_space<vmem>>, vector<1x16xf32>,
          %swap3A_364 = arith.index_cast %add3A_170 : i32 to index
          %swap3A_365 = arith.constant 64 : index
          %swap3A_366 = tpu.vector_load %arg17[%swap3A_364, %swap3A_365] {strides = array<i32>} : memref<64x128xf32, #tpu.memory_space<vmem>>, vector<1x16xf32>,
          %swap3A_367 = vector.shape_cast %swap3A_366 : vector<1x16xf32> to vector<16xf32>
          %swap3A_368 = vector.shape_cast %exp3A : vector<16xf32> to vector<1x16xf32>
          tpu.vector_store %arg17[%swap3A_364, %swap3A_365], %swap3A_368 {strides = array<i32>} : memref<64x128xf32, #tpu.memory_space<vmem>>, vector<1x16xf32>,
          %swap3A_369 = arith.index_cast %add3A_170 : i32 to index
          %swap3A_370 = arith.constant 80 : index
          %swap3A_371 = tpu.vector_load %arg17[%swap3A_369, %swap3A_370] {strides = array<i32>} : memref<64x128xf32, #tpu.memory_space<vmem>>, vector<1x16xf32>,
          %swap3A_372 = vector.shape_cast %swap3A_371 : vector<1x16xf32> to vector<16xf32>
          %swap3A_373 = vector.shape_cast %exp3A : vector<16xf32> to vector<1x16xf32>
          tpu.vector_store %arg17[%swap3A_369, %swap3A_370], %swap3A_373 {strides = array<i32>} : memref<64x128xf32, #tpu.memory_space<vmem>>, vector<1x16xf32>,
          %swap3A_374 = arith.index_cast %add3A_170 : i32 to index
          %swap3A_375 = arith.constant 96 : index
          %swap3A_376 = tpu.vector_load %arg17[%swap3A_374, %swap3A_375] {strides = array<i32>} : memref<64x128xf32, #tpu.memory_space<vmem>>, vector<1x16xf32>,
          %swap3A_377 = vector.shape_cast %swap3A_376 : vector<1x16xf32> to vector<16xf32>
          %swap3A_378 = vector.shape_cast %exp3A : vector<16xf32> to vector<1x16xf32>
          tpu.vector_store %arg17[%swap3A_374, %swap3A_375], %swap3A_378 {strides = array<i32>} : memref<64x128xf32, #tpu.memory_space<vmem>>, vector<1x16xf32>,
          %swap3A_379 = arith.index_cast %add3A_170 : i32 to index
          %swap3A_380 = arith.constant 112 : index
          %swap3A_381 = tpu.vector_load %arg17[%swap3A_379, %swap3A_380] {strides = array<i32>} : memref<64x128xf32, #tpu.memory_space<vmem>>, vector<1x16xf32>,
          %swap3A_382 = vector.shape_cast %swap3A_381 : vector<1x16xf32> to vector<16xf32>
          %swap3A_383 = vector.shape_cast %exp3A : vector<16xf32> to vector<1x16xf32>
          tpu.vector_store %arg17[%swap3A_379, %swap3A_380], %swap3A_383 {strides = array<i32>} : memref<64x128xf32, #tpu.memory_space<vmem>>, vector<1x16xf32>,
          %mul3A_384 = arith.constant 2 : i32
          %mul3A_385 = arith.muli %scan3A_166, %mul3A_384 : i32
          %add3A_386 = arith.constant 1 : i32
          %add3A_387 = arith.addi %mul3A_385, %add3A_386 : i32
          %broadcast_in_dim3A_388 = arith.constant 0.000000e+00 : f32
          %broadcast_in_dim3A_389 = vector.broadcast %broadcast_in_dim3A_388 : f32 to vector<16xf32>
          %get3A_390 = arith.index_cast %add3A_387 : i32 to index
          %get3A_391 = arith.constant 0 : index
          %get3A_392 = tpu.vector_load %arg14[%get3A_390, %get3A_391] {strides = array<i32>} : memref<64x128xf32, #tpu.memory_space<vmem>>, vector<1x16xf32>,
          %get3A_393 = vector.shape_cast %get3A_392 : vector<1x16xf32> to vector<16xf32>
          %get3A_394 = arith.index_cast %add3A_387 : i32 to index
          %get3A_395 = arith.constant 0 : index
          %get3A_396 = tpu.vector_load %arg15[%get3A_394, %get3A_395] {strides = array<i32>} : memref<64x128xf32, #tpu.memory_space<vmem>>, vector<1x16xf32>,
          %get3A_397 = vector.shape_cast %get3A_396 : vector<1x16xf32> to vector<16xf32>
          %add3A_398 = arith.addf %get3A_393, %get3A_397 : vector<16xf32>
          %mul3A_399 = arith.constant 2.000000e-01 : f32
          %mul3A_400 = vector.broadcast %mul3A_399 : f32 to vector<16xf32>
          %mul3A_401 = arith.mulf %mul3A_400, %add3A_398 : vector<16xf32>
          %max3A_402 = arith.maximumf %add3A_398, %mul3A_401 : vector<16xf32>
          %mul3A_403 = arith.mulf %max3A_402, %get3A_27 : vector<16xf32>
          %add3A_404 = arith.addf %broadcast_in_dim3A_389, %mul3A_403 : vector<16xf32>
          %get3A_405 = arith.index_cast %add3A_387 : i32 to index
          %get3A_406 = arith.constant 16 : index
          %get3A_407 = tpu.vector_load %arg14[%get3A_405, %get3A_406] {strides = array<i32>} : memref<64x128xf32, #tpu.memory_space<vmem>>, vector<1x16xf32>,
          %get3A_408 = vector.shape_cast %get3A_407 : vector<1x16xf32> to vector<16xf32>
          %get3A_409 = arith.index_cast %add3A_387 : i32 to index
          %get3A_410 = arith.constant 16 : index
          %get3A_411 = tpu.vector_load %arg15[%get3A_409, %get3A_410] {strides = array<i32>} : memref<64x128xf32, #tpu.memory_space<vmem>>, vector<1x16xf32>,
          %get3A_412 = vector.shape_cast %get3A_411 : vector<1x16xf32> to vector<16xf32>
          %add3A_413 = arith.addf %get3A_408, %get3A_412 : vector<16xf32>
          %mul3A_414 = arith.constant 2.000000e-01 : f32
          %mul3A_415 = vector.broadcast %mul3A_414 : f32 to vector<16xf32>
          %mul3A_416 = arith.mulf %mul3A_415, %add3A_413 : vector<16xf32>
          %max3A_417 = arith.maximumf %add3A_413, %mul3A_416 : vector<16xf32>
          %mul3A_418 = arith.mulf %max3A_417, %get3A_30 : vector<16xf32>
          %add3A_419 = arith.addf %add3A_404, %mul3A_418 : vector<16xf32>
          %get3A_420 = arith.index_cast %add3A_387 : i32 to index
          %get3A_421 = arith.constant 32 : index
          %get3A_422 = tpu.vector_load %arg14[%get3A_420, %get3A_421] {strides = array<i32>} : memref<64x128xf32, #tpu.memory_space<vmem>>, vector<1x16xf32>,
          %get3A_423 = vector.shape_cast %get3A_422 : vector<1x16xf32> to vector<16xf32>
          %get3A_424 = arith.index_cast %add3A_387 : i32 to index
          %get3A_425 = arith.constant 32 : index
          %get3A_426 = tpu.vector_load %arg15[%get3A_424, %get3A_425] {strides = array<i32>} : memref<64x128xf32, #tpu.memory_space<vmem>>, vector<1x16xf32>,
          %get3A_427 = vector.shape_cast %get3A_426 : vector<1x16xf32> to vector<16xf32>
          %add3A_428 = arith.addf %get3A_423, %get3A_427 : vector<16xf32>
          %mul3A_429 = arith.constant 2.000000e-01 : f32
          %mul3A_430 = vector.broadcast %mul3A_429 : f32 to vector<16xf32>
          %mul3A_431 = arith.mulf %mul3A_430, %add3A_428 : vector<16xf32>
          %max3A_432 = arith.maximumf %add3A_428, %mul3A_431 : vector<16xf32>
          %mul3A_433 = arith.mulf %max3A_432, %get3A_33 : vector<16xf32>
          %add3A_434 = arith.addf %add3A_419, %mul3A_433 : vector<16xf32>
          %get3A_435 = arith.index_cast %add3A_387 : i32 to index
          %get3A_436 = arith.constant 48 : index
          %get3A_437 = tpu.vector_load %arg14[%get3A_435, %get3A_436] {strides = array<i32>} : memref<64x128xf32, #tpu.memory_space<vmem>>, vector<1x16xf32>,
          %get3A_438 = vector.shape_cast %get3A_437 : vector<1x16xf32> to vector<16xf32>
          %get3A_439 = arith.index_cast %add3A_387 : i32 to index
          %get3A_440 = arith.constant 48 : index
          %get3A_441 = tpu.vector_load %arg15[%get3A_439, %get3A_440] {strides = array<i32>} : memref<64x128xf32, #tpu.memory_space<vmem>>, vector<1x16xf32>,
          %get3A_442 = vector.shape_cast %get3A_441 : vector<1x16xf32> to vector<16xf32>
          %add3A_443 = arith.addf %get3A_438, %get3A_442 : vector<16xf32>
          %mul3A_444 = arith.constant 2.000000e-01 : f32
          %mul3A_445 = vector.broadcast %mul3A_444 : f32 to vector<16xf32>
          %mul3A_446 = arith.mulf %mul3A_445, %add3A_443 : vector<16xf32>
          %max3A_447 = arith.maximumf %add3A_443, %mul3A_446 : vector<16xf32>
          %mul3A_448 = arith.mulf %max3A_447, %get3A_36 : vector<16xf32>
          %add3A_449 = arith.addf %add3A_434, %mul3A_448 : vector<16xf32>
          %get3A_450 = arith.index_cast %add3A_387 : i32 to index
          %get3A_451 = arith.constant 64 : index
          %get3A_452 = tpu.vector_load %arg14[%get3A_450, %get3A_451] {strides = array<i32>} : memref<64x128xf32, #tpu.memory_space<vmem>>, vector<1x16xf32>,
          %get3A_453 = vector.shape_cast %get3A_452 : vector<1x16xf32> to vector<16xf32>
          %get3A_454 = arith.index_cast %add3A_387 : i32 to index
          %get3A_455 = arith.constant 64 : index
          %get3A_456 = tpu.vector_load %arg15[%get3A_454, %get3A_455] {strides = array<i32>} : memref<64x128xf32, #tpu.memory_space<vmem>>, vector<1x16xf32>,
          %get3A_457 = vector.shape_cast %get3A_456 : vector<1x16xf32> to vector<16xf32>
          %add3A_458 = arith.addf %get3A_453, %get3A_457 : vector<16xf32>
          %mul3A_459 = arith.constant 2.000000e-01 : f32
          %mul3A_460 = vector.broadcast %mul3A_459 : f32 to vector<16xf32>
          %mul3A_461 = arith.mulf %mul3A_460, %add3A_458 : vector<16xf32>
          %max3A_462 = arith.maximumf %add3A_458, %mul3A_461 : vector<16xf32>
          %mul3A_463 = arith.mulf %max3A_462, %get3A_39 : vector<16xf32>
          %add3A_464 = arith.addf %add3A_449, %mul3A_463 : vector<16xf32>
          %get3A_465 = arith.index_cast %add3A_387 : i32 to index
          %get3A_466 = arith.constant 80 : index
          %get3A_467 = tpu.vector_load %arg14[%get3A_465, %get3A_466] {strides = array<i32>} : memref<64x128xf32, #tpu.memory_space<vmem>>, vector<1x16xf32>,
          %get3A_468 = vector.shape_cast %get3A_467 : vector<1x16xf32> to vector<16xf32>
          %get3A_469 = arith.index_cast %add3A_387 : i32 to index
          %get3A_470 = arith.constant 80 : index
          %get3A_471 = tpu.vector_load %arg15[%get3A_469, %get3A_470] {strides = array<i32>} : memref<64x128xf32, #tpu.memory_space<vmem>>, vector<1x16xf32>,
          %get3A_472 = vector.shape_cast %get3A_471 : vector<1x16xf32> to vector<16xf32>
          %add3A_473 = arith.addf %get3A_468, %get3A_472 : vector<16xf32>
          %mul3A_474 = arith.constant 2.000000e-01 : f32
          %mul3A_475 = vector.broadcast %mul3A_474 : f32 to vector<16xf32>
          %mul3A_476 = arith.mulf %mul3A_475, %add3A_473 : vector<16xf32>
          %max3A_477 = arith.maximumf %add3A_473, %mul3A_476 : vector<16xf32>
          %mul3A_478 = arith.mulf %max3A_477, %get3A_42 : vector<16xf32>
          %add3A_479 = arith.addf %add3A_464, %mul3A_478 : vector<16xf32>
          %get3A_480 = arith.index_cast %add3A_387 : i32 to index
          %get3A_481 = arith.constant 96 : index
          %get3A_482 = tpu.vector_load %arg14[%get3A_480, %get3A_481] {strides = array<i32>} : memref<64x128xf32, #tpu.memory_space<vmem>>, vector<1x16xf32>,
          %get3A_483 = vector.shape_cast %get3A_482 : vector<1x16xf32> to vector<16xf32>
          %get3A_484 = arith.index_cast %add3A_387 : i32 to index
          %get3A_485 = arith.constant 96 : index
          %get3A_486 = tpu.vector_load %arg15[%get3A_484, %get3A_485] {strides = array<i32>} : memref<64x128xf32, #tpu.memory_space<vmem>>, vector<1x16xf32>,
          %get3A_487 = vector.shape_cast %get3A_486 : vector<1x16xf32> to vector<16xf32>
          %add3A_488 = arith.addf %get3A_483, %get3A_487 : vector<16xf32>
          %mul3A_489 = arith.constant 2.000000e-01 : f32
          %mul3A_490 = vector.broadcast %mul3A_489 : f32 to vector<16xf32>
          %mul3A_491 = arith.mulf %mul3A_490, %add3A_488 : vector<16xf32>
          %max3A_492 = arith.maximumf %add3A_488, %mul3A_491 : vector<16xf32>
          %mul3A_493 = arith.mulf %max3A_492, %get3A_45 : vector<16xf32>
          %add3A_494 = arith.addf %add3A_479, %mul3A_493 : vector<16xf32>
          %get3A_495 = arith.index_cast %add3A_387 : i32 to index
          %get3A_496 = arith.constant 112 : index
          %get3A_497 = tpu.vector_load %arg14[%get3A_495, %get3A_496] {strides = array<i32>} : memref<64x128xf32, #tpu.memory_space<vmem>>, vector<1x16xf32>,
          %get3A_498 = vector.shape_cast %get3A_497 : vector<1x16xf32> to vector<16xf32>
          %get3A_499 = arith.index_cast %add3A_387 : i32 to index
          %get3A_500 = arith.constant 112 : index
          %get3A_501 = tpu.vector_load %arg15[%get3A_499, %get3A_500] {strides = array<i32>} : memref<64x128xf32, #tpu.memory_space<vmem>>, vector<1x16xf32>,
          %get3A_502 = vector.shape_cast %get3A_501 : vector<1x16xf32> to vector<16xf32>
          %add3A_503 = arith.addf %get3A_498, %get3A_502 : vector<16xf32>
          %mul3A_504 = arith.constant 2.000000e-01 : f32
          %mul3A_505 = vector.broadcast %mul3A_504 : f32 to vector<16xf32>
          %mul3A_506 = arith.mulf %mul3A_505, %add3A_503 : vector<16xf32>
          %max3A_507 = arith.maximumf %add3A_503, %mul3A_506 : vector<16xf32>
          %mul3A_508 = arith.mulf %max3A_507, %get3A_48 : vector<16xf32>
          %add3A_509 = arith.addf %add3A_494, %mul3A_508 : vector<16xf32>
          %xor3A_510 = arith.constant 8 : i32
          %xor3A_511 = vector.broadcast %xor3A_510 : i32 to vector<16xi32>
          %xor3A_512 = arith.xori %iota3A, %xor3A_511 : vector<16xi32>
          %lt3A_513 = arith.constant 0 : i32
          %lt3A_514 = vector.broadcast %lt3A_513 : i32 to vector<16xi32>
          %lt3A_515 = arith.cmpi slt, %xor3A_512, %lt3A_514 : vector<16xi32>
          %add3A_516 = arith.constant 16 : i32
          %add3A_517 = vector.broadcast %add3A_516 : i32 to vector<16xi32>
          %add3A_518 = arith.addi %xor3A_512, %add3A_517 : vector<16xi32>
          %select_n3A_519 = arith.select %lt3A_515, %add3A_518, %xor3A_512 : vector<16xi1>, vector<16xi32>
          %broadcast_in_dim3A_520 = vector.shape_cast %select_n3A_519 : vector<16xi32> to vector<16x1xi32>
          %gather3A_521 = vector.shape_cast %broadcast_in_dim3A_520 : vector<16x1xi32> to vector<16xi32>
          %gather3A_522 = tpu.dynamic_gather %add3A_509[%gather3A_521] in [0] : vector<16xf32>, vector<16xi32> -> vector<16xf32>
          %add3A_523 = arith.addf %add3A_509, %gather3A_522 : vector<16xf32>
          %xor3A_524 = arith.constant 4 : i32
          %xor3A_525 = vector.broadcast %xor3A_524 : i32 to vector<16xi32>
          %xor3A_526 = arith.xori %iota3A, %xor3A_525 : vector<16xi32>
          %lt3A_527 = arith.constant 0 : i32
          %lt3A_528 = vector.broadcast %lt3A_527 : i32 to vector<16xi32>
          %lt3A_529 = arith.cmpi slt, %xor3A_526, %lt3A_528 : vector<16xi32>
          %add3A_530 = arith.constant 16 : i32
          %add3A_531 = vector.broadcast %add3A_530 : i32 to vector<16xi32>
          %add3A_532 = arith.addi %xor3A_526, %add3A_531 : vector<16xi32>
          %select_n3A_533 = arith.select %lt3A_529, %add3A_532, %xor3A_526 : vector<16xi1>, vector<16xi32>
          %broadcast_in_dim3A_534 = vector.shape_cast %select_n3A_533 : vector<16xi32> to vector<16x1xi32>
          %gather3A_535 = vector.shape_cast %broadcast_in_dim3A_534 : vector<16x1xi32> to vector<16xi32>
          %gather3A_536 = tpu.dynamic_gather %add3A_523[%gather3A_535] in [0] : vector<16xf32>, vector<16xi32> -> vector<16xf32>
          %add3A_537 = arith.addf %add3A_523, %gather3A_536 : vector<16xf32>
          %xor3A_538 = arith.constant 2 : i32
          %xor3A_539 = vector.broadcast %xor3A_538 : i32 to vector<16xi32>
          %xor3A_540 = arith.xori %iota3A, %xor3A_539 : vector<16xi32>
          %lt3A_541 = arith.constant 0 : i32
          %lt3A_542 = vector.broadcast %lt3A_541 : i32 to vector<16xi32>
          %lt3A_543 = arith.cmpi slt, %xor3A_540, %lt3A_542 : vector<16xi32>
          %add3A_544 = arith.constant 16 : i32
          %add3A_545 = vector.broadcast %add3A_544 : i32 to vector<16xi32>
          %add3A_546 = arith.addi %xor3A_540, %add3A_545 : vector<16xi32>
          %select_n3A_547 = arith.select %lt3A_543, %add3A_546, %xor3A_540 : vector<16xi1>, vector<16xi32>
          %broadcast_in_dim3A_548 = vector.shape_cast %select_n3A_547 : vector<16xi32> to vector<16x1xi32>
          %gather3A_549 = vector.shape_cast %broadcast_in_dim3A_548 : vector<16x1xi32> to vector<16xi32>
          %gather3A_550 = tpu.dynamic_gather %add3A_537[%gather3A_549] in [0] : vector<16xf32>, vector<16xi32> -> vector<16xf32>
          %add3A_551 = arith.addf %add3A_537, %gather3A_550 : vector<16xf32>
          %xor3A_552 = arith.constant 1 : i32
          %xor3A_553 = vector.broadcast %xor3A_552 : i32 to vector<16xi32>
          %xor3A_554 = arith.xori %iota3A, %xor3A_553 : vector<16xi32>
          %lt3A_555 = arith.constant 0 : i32
          %lt3A_556 = vector.broadcast %lt3A_555 : i32 to vector<16xi32>
          %lt3A_557 = arith.cmpi slt, %xor3A_554, %lt3A_556 : vector<16xi32>
          %add3A_558 = arith.constant 16 : i32
          %add3A_559 = vector.broadcast %add3A_558 : i32 to vector<16xi32>
          %add3A_560 = arith.addi %xor3A_554, %add3A_559 : vector<16xi32>
          %select_n3A_561 = arith.select %lt3A_557, %add3A_560, %xor3A_554 : vector<16xi1>, vector<16xi32>
          %broadcast_in_dim3A_562 = vector.shape_cast %select_n3A_561 : vector<16xi32> to vector<16x1xi32>
          %gather3A_563 = vector.shape_cast %broadcast_in_dim3A_562 : vector<16x1xi32> to vector<16xi32>
          %gather3A_564 = tpu.dynamic_gather %add3A_551[%gather3A_563] in [0] : vector<16xf32>, vector<16xi32> -> vector<16xf32>
          %add3A_565 = arith.addf %add3A_551, %gather3A_564 : vector<16xf32>
          %exp3A_566 = math.exp %add3A_565 : vector<16xf32>
          %swap3A_567 = arith.index_cast %add3A_387 : i32 to index
          %swap3A_568 = arith.constant 0 : index
          %swap3A_569 = tpu.vector_load %arg17[%swap3A_567, %swap3A_568] {strides = array<i32>} : memref<64x128xf32, #tpu.memory_space<vmem>>, vector<1x16xf32>,
          %swap3A_570 = vector.shape_cast %swap3A_569 : vector<1x16xf32> to vector<16xf32>
          %swap3A_571 = vector.shape_cast %exp3A_566 : vector<16xf32> to vector<1x16xf32>
          tpu.vector_store %arg17[%swap3A_567, %swap3A_568], %swap3A_571 {strides = array<i32>} : memref<64x128xf32, #tpu.memory_space<vmem>>, vector<1x16xf32>,
          %swap3A_572 = arith.index_cast %add3A_387 : i32 to index
          %swap3A_573 = arith.constant 16 : index
          %swap3A_574 = tpu.vector_load %arg17[%swap3A_572, %swap3A_573] {strides = array<i32>} : memref<64x128xf32, #tpu.memory_space<vmem>>, vector<1x16xf32>,
          %swap3A_575 = vector.shape_cast %swap3A_574 : vector<1x16xf32> to vector<16xf32>
          %swap3A_576 = vector.shape_cast %exp3A_566 : vector<16xf32> to vector<1x16xf32>
          tpu.vector_store %arg17[%swap3A_572, %swap3A_573], %swap3A_576 {strides = array<i32>} : memref<64x128xf32, #tpu.memory_space<vmem>>, vector<1x16xf32>,
          %swap3A_577 = arith.index_cast %add3A_387 : i32 to index
          %swap3A_578 = arith.constant 32 : index
          %swap3A_579 = tpu.vector_load %arg17[%swap3A_577, %swap3A_578] {strides = array<i32>} : memref<64x128xf32, #tpu.memory_space<vmem>>, vector<1x16xf32>,
          %swap3A_580 = vector.shape_cast %swap3A_579 : vector<1x16xf32> to vector<16xf32>
          %swap3A_581 = vector.shape_cast %exp3A_566 : vector<16xf32> to vector<1x16xf32>
          tpu.vector_store %arg17[%swap3A_577, %swap3A_578], %swap3A_581 {strides = array<i32>} : memref<64x128xf32, #tpu.memory_space<vmem>>, vector<1x16xf32>,
          %swap3A_582 = arith.index_cast %add3A_387 : i32 to index
          %swap3A_583 = arith.constant 48 : index
          %swap3A_584 = tpu.vector_load %arg17[%swap3A_582, %swap3A_583] {strides = array<i32>} : memref<64x128xf32, #tpu.memory_space<vmem>>, vector<1x16xf32>,
          %swap3A_585 = vector.shape_cast %swap3A_584 : vector<1x16xf32> to vector<16xf32>
          %swap3A_586 = vector.shape_cast %exp3A_566 : vector<16xf32> to vector<1x16xf32>
          tpu.vector_store %arg17[%swap3A_582, %swap3A_583], %swap3A_586 {strides = array<i32>} : memref<64x128xf32, #tpu.memory_space<vmem>>, vector<1x16xf32>,
          %swap3A_587 = arith.index_cast %add3A_387 : i32 to index
          %swap3A_588 = arith.constant 64 : index
          %swap3A_589 = tpu.vector_load %arg17[%swap3A_587, %swap3A_588] {strides = array<i32>} : memref<64x128xf32, #tpu.memory_space<vmem>>, vector<1x16xf32>,
          %swap3A_590 = vector.shape_cast %swap3A_589 : vector<1x16xf32> to vector<16xf32>
          %swap3A_591 = vector.shape_cast %exp3A_566 : vector<16xf32> to vector<1x16xf32>
          tpu.vector_store %arg17[%swap3A_587, %swap3A_588], %swap3A_591 {strides = array<i32>} : memref<64x128xf32, #tpu.memory_space<vmem>>, vector<1x16xf32>,
          %swap3A_592 = arith.index_cast %add3A_387 : i32 to index
          %swap3A_593 = arith.constant 80 : index
          %swap3A_594 = tpu.vector_load %arg17[%swap3A_592, %swap3A_593] {strides = array<i32>} : memref<64x128xf32, #tpu.memory_space<vmem>>, vector<1x16xf32>,
          %swap3A_595 = vector.shape_cast %swap3A_594 : vector<1x16xf32> to vector<16xf32>
          %swap3A_596 = vector.shape_cast %exp3A_566 : vector<16xf32> to vector<1x16xf32>
          tpu.vector_store %arg17[%swap3A_592, %swap3A_593], %swap3A_596 {strides = array<i32>} : memref<64x128xf32, #tpu.memory_space<vmem>>, vector<1x16xf32>,
          %swap3A_597 = arith.index_cast %add3A_387 : i32 to index
          %swap3A_598 = arith.constant 96 : index
          %swap3A_599 = tpu.vector_load %arg17[%swap3A_597, %swap3A_598] {strides = array<i32>} : memref<64x128xf32, #tpu.memory_space<vmem>>, vector<1x16xf32>,
          %swap3A_600 = vector.shape_cast %swap3A_599 : vector<1x16xf32> to vector<16xf32>
          %swap3A_601 = vector.shape_cast %exp3A_566 : vector<16xf32> to vector<1x16xf32>
          tpu.vector_store %arg17[%swap3A_597, %swap3A_598], %swap3A_601 {strides = array<i32>} : memref<64x128xf32, #tpu.memory_space<vmem>>, vector<1x16xf32>,
          %swap3A_602 = arith.index_cast %add3A_387 : i32 to index
          %swap3A_603 = arith.constant 112 : index
          %swap3A_604 = tpu.vector_load %arg17[%swap3A_602, %swap3A_603] {strides = array<i32>} : memref<64x128xf32, #tpu.memory_space<vmem>>, vector<1x16xf32>,
          %swap3A_605 = vector.shape_cast %swap3A_604 : vector<1x16xf32> to vector<16xf32>
          %swap3A_606 = vector.shape_cast %exp3A_566 : vector<16xf32> to vector<1x16xf32>
          tpu.vector_store %arg17[%swap3A_602, %swap3A_603], %swap3A_606 {strides = array<i32>} : memref<64x128xf32, #tpu.memory_space<vmem>>, vector<1x16xf32>,
        }
        %scan3A_165 = arith.constant 32 : i32
      } else {
      }
      %dma_start3A_148 = arith.constant 0 : i32
      %dma_start3A_149 = arith.constant 0 : i32
      %dma_start3A_150 = tpu.memref_slice %arg19[%dma_start3A_148, %dma_start3A_149] : memref<10112x128xf32, #tpu.memory_space<vmem_shared>> -> memref<10112x128xf32, #tpu.memory_space<vmem_shared>>
      tpu.enqueue_indirect_dma source(%arg17 : memref<64x128xf32, #tpu.memory_space<vmem>>) target(%dma_start3A_150 : memref<10112x128xf32, #tpu.memory_space<vmem_shared>>) offsets(%arg11 : memref<64xi32, #tpu.memory_space<vmem>>) semaphore(%arg23 : memref<!tpu.dma_semaphore, #tpu.memory_space<semaphore_mem>>) {add = true}
      %dma_wait3A_151 = arith.constant 0 : i32
      %dma_wait3A_152 = arith.constant 0 : i32
      %dma_wait3A_153 = tpu.memref_slice %arg19[%dma_wait3A_151, %dma_wait3A_152] : memref<10112x128xf32, #tpu.memory_space<vmem_shared>> -> memref<10112x128xf32, #tpu.memory_space<vmem_shared>>
      tpu.wait_indirect_dma semaphore(%arg22 : memref<!tpu.dma_semaphore, #tpu.memory_space<semaphore_mem>>) src(%arg16 : memref<64x128xf32, #tpu.memory_space<vmem>>) dst(%dma_wait3A_153 : memref<10112x128xf32, #tpu.memory_space<vmem_shared>>)
      %add3A_154 = arith.constant 2 : i32
      %add3A_155 = arith.addi %mul3A_81, %add3A_154 : i32
      %lt3A = arith.constant 324 : i32
      %lt3A_156 = arith.cmpi slt, %add3A_155, %lt3A : i32
      %convert_element_type3A_157 = arith.extui %lt3A_156 : i1 to i32
      %cond3A_158 = arith.constant 0 : i32
      %cond3A_159 = arith.cmpi ne, %convert_element_type3A_157, %cond3A_158 : i32
      scf.if %cond3A_159 {
        %add3A_160 = arith.constant 2 : i32
        %add3A_161 = arith.addi %mul3A_81, %add3A_160 : i32
        %mul3A_162 = arith.constant 64 : i32
        %mul3A_163 = arith.muli %add3A_161, %mul3A_162 : i32
        %add3A_164 = arith.addi %mul3A_50, %mul3A_163 : i32
        %multiple_of3A_165 = tpu.assume_multiple %add3A_164, 64 : i32
        %mul3A_166 = arith.constant 64 : i32
        %mul3A_167 = arith.muli %add3A_161, %mul3A_166 : i32
        %add3A_168 = arith.addi %mul3A_50, %mul3A_167 : i32
        %mul3A_169 = arith.constant 2 : i32
        %mul3A_170 = arith.muli %add3A_168, %mul3A_169 : i32
        %multiple_of3A_171 = tpu.assume_multiple %mul3A_170, 128 : i32
        "tpu.region"() ({
          %run_scoped3A = tpu.sem_alloc : memref<!tpu.dma_semaphore, #tpu.memory_space<semaphore_mem>>
          %dma_start3A_182 = tpu.memref_slice %arg4[%multiple_of3A_171] : memref<663552xi32, #tpu.memory_space<hbm>> -> memref<128xi32, #tpu.memory_space<hbm>>
          %dma_start3A_183 = tpu.memref_slice %arg4[%multiple_of3A_171] : memref<663552xi32, #tpu.memory_space<hbm>> -> memref<128xi32, #tpu.memory_space<hbm>>
          tpu.enqueue_dma source(%dma_start3A_183 : memref<128xi32, #tpu.memory_space<hbm>>) target(%arg8 : memref<128xi32, #tpu.memory_space<vmem>>) target_semaphore(%run_scoped3A : memref<!tpu.dma_semaphore, #tpu.memory_space<semaphore_mem>>)
          %dma_wait3A_184 = tpu.memref_slice %arg4[%multiple_of3A_171] : memref<663552xi32, #tpu.memory_space<hbm>> -> memref<128xi32, #tpu.memory_space<hbm>>
          %dma_wait3A_185 = tpu.memref_slice %arg4[%multiple_of3A_171] : memref<663552xi32, #tpu.memory_space<hbm>> -> memref<128xi32, #tpu.memory_space<hbm>>
          tpu.wait_dma2 semaphore(%run_scoped3A : memref<!tpu.dma_semaphore, #tpu.memory_space<semaphore_mem>>) src(%dma_wait3A_185 : memref<128xi32, #tpu.memory_space<hbm>>) dst(%arg8 : memref<128xi32, #tpu.memory_space<vmem>>)
          tpu.yield
        }) : () -> ()
        "tpu.region"() ({
          %run_scoped3A = tpu.sem_alloc : memref<!tpu.dma_semaphore, #tpu.memory_space<semaphore_mem>>
          %dma_start3A_182 = tpu.memref_slice %arg5[%multiple_of3A_165] : memref<331776xi32, #tpu.memory_space<hbm>> -> memref<64xi32, #tpu.memory_space<hbm>>
          %dma_start3A_183 = tpu.memref_slice %arg5[%multiple_of3A_165] : memref<331776xi32, #tpu.memory_space<hbm>> -> memref<64xi32, #tpu.memory_space<hbm>>
          tpu.enqueue_dma source(%dma_start3A_183 : memref<64xi32, #tpu.memory_space<hbm>>) target(%arg9 : memref<64xi32, #tpu.memory_space<vmem>>) target_semaphore(%run_scoped3A : memref<!tpu.dma_semaphore, #tpu.memory_space<semaphore_mem>>)
          %dma_wait3A_184 = tpu.memref_slice %arg5[%multiple_of3A_165] : memref<331776xi32, #tpu.memory_space<hbm>> -> memref<64xi32, #tpu.memory_space<hbm>>
          %dma_wait3A_185 = tpu.memref_slice %arg5[%multiple_of3A_165] : memref<331776xi32, #tpu.memory_space<hbm>> -> memref<64xi32, #tpu.memory_space<hbm>>
          tpu.wait_dma2 semaphore(%run_scoped3A : memref<!tpu.dma_semaphore, #tpu.memory_space<semaphore_mem>>) src(%dma_wait3A_185 : memref<64xi32, #tpu.memory_space<hbm>>) dst(%arg9 : memref<64xi32, #tpu.memory_space<vmem>>)
          tpu.yield
        }) : () -> ()
        %dma_start3A_172 = arith.constant 0 : i32
        %dma_start3A_173 = tpu.memref_slice %arg8[%dma_start3A_172] : memref<128xi32, #tpu.memory_space<vmem>> -> memref<64xi32, #tpu.memory_space<vmem>>
        %dma_start3A_174 = arith.constant 0 : i32
        %dma_start3A_175 = arith.constant 0 : i32
        %dma_start3A_176 = tpu.memref_slice %arg2[%dma_start3A_174, %dma_start3A_175] : memref<10000x128xf32, #tpu.memory_space<hbm>> -> memref<10000x128xf32, #tpu.memory_space<hbm>>
        tpu.enqueue_indirect_dma source(%dma_start3A_176 : memref<10000x128xf32, #tpu.memory_space<hbm>>) target(%arg12 : memref<64x128xf32, #tpu.memory_space<vmem>>) offsets(%dma_start3A_173 : memref<64xi32, #tpu.memory_space<vmem>>) semaphore(%arg20 : memref<!tpu.dma_semaphore, #tpu.memory_space<semaphore_mem>>)
        %dma_start3A_177 = arith.constant 64 : i32
        %dma_start3A_178 = tpu.memref_slice %arg8[%dma_start3A_177] : memref<128xi32, #tpu.memory_space<vmem>> -> memref<64xi32, #tpu.memory_space<vmem>>
        %dma_start3A_179 = arith.constant 0 : i32
        %dma_start3A_180 = arith.constant 0 : i32
        %dma_start3A_181 = tpu.memref_slice %arg3[%dma_start3A_179, %dma_start3A_180] : memref<10000x128xf32, #tpu.memory_space<hbm>> -> memref<10000x128xf32, #tpu.memory_space<hbm>>
        tpu.enqueue_indirect_dma source(%dma_start3A_181 : memref<10000x128xf32, #tpu.memory_space<hbm>>) target(%arg13 : memref<64x128xf32, #tpu.memory_space<vmem>>) offsets(%dma_start3A_178 : memref<64xi32, #tpu.memory_space<vmem>>) semaphore(%arg20 : memref<!tpu.dma_semaphore, #tpu.memory_space<semaphore_mem>>)
      } else {
      }
    }
    %scan3A_72 = arith.constant 162 : i32
    %dma_wait3A = arith.constant 0 : i32
    %dma_wait3A_73 = arith.constant 0 : i32
    %dma_wait3A_74 = tpu.memref_slice %arg19[%dma_wait3A, %dma_wait3A_73] : memref<10112x128xf32, #tpu.memory_space<vmem_shared>> -> memref<10112x128xf32, #tpu.memory_space<vmem_shared>>
    tpu.wait_indirect_dma semaphore(%arg23 : memref<!tpu.dma_semaphore, #tpu.memory_space<semaphore_mem>>) src(%arg17 : memref<64x128xf32, #tpu.memory_space<vmem>>) dst(%dma_wait3A_74 : memref<10112x128xf32, #tpu.memory_space<vmem_shared>>)
    %barrier3A_75 = arith.constant 0 : index
    tpu.barrier barrier_id(%barrier3A_75)
    %mul3A_76 = arith.constant 10112 : i32
    %mul3A_77 = arith.muli %arg0, %mul3A_76 : i32
    %add3A_78 = arith.addi %mul3A_77, %mul3A_6 : i32
    "tpu.region"() ({
      %run_scoped3A = tpu.sem_alloc : memref<!tpu.dma_semaphore, #tpu.memory_space<semaphore_mem>>
      %dma_start3A_79 = arith.constant 0 : i32
      %dma_start3A_80 = tpu.memref_slice %arg7[%add3A_78, %dma_start3A_79] : memref<20224x128xf32, #tpu.memory_space<hbm>> -> memref<632x128xf32, #tpu.memory_space<hbm>>
      %dma_start3A_81 = arith.constant 0 : i32
      %dma_start3A_82 = tpu.memref_slice %arg19[%mul3A_6, %dma_start3A_81] : memref<10112x128xf32, #tpu.memory_space<vmem_shared>> -> memref<632x128xf32, #tpu.memory_space<vmem_shared>>
      tpu.enqueue_dma source(%dma_start3A_82 : memref<632x128xf32, #tpu.memory_space<vmem_shared>>) target(%dma_start3A_80 : memref<632x128xf32, #tpu.memory_space<hbm>>) target_semaphore(%run_scoped3A : memref<!tpu.dma_semaphore, #tpu.memory_space<semaphore_mem>>)
      %dma_wait3A_83 = arith.constant 0 : i32
      %dma_wait3A_84 = tpu.memref_slice %arg7[%add3A_78, %dma_wait3A_83] : memref<20224x128xf32, #tpu.memory_space<hbm>> -> memref<632x128xf32, #tpu.memory_space<hbm>>
      %dma_wait3A_85 = arith.constant 0 : i32
      %dma_wait3A_86 = tpu.memref_slice %arg19[%mul3A_6, %dma_wait3A_85] : memref<10112x128xf32, #tpu.memory_space<vmem_shared>> -> memref<632x128xf32, #tpu.memory_space<vmem_shared>>
      tpu.wait_dma2 semaphore(%run_scoped3A : memref<!tpu.dma_semaphore, #tpu.memory_space<semaphore_mem>>) src(%dma_wait3A_86 : memref<632x128xf32, #tpu.memory_space<vmem_shared>>) dst(%dma_wait3A_84 : memref<632x128xf32, #tpu.memory_space<hbm>>)
      tpu.yield
    }) : () -> ()
    return
  }
}

module attributes {stable_mosaic.version = 14 : i64} {
  func.func @_proj_body(%arg0: i32, %arg1: memref<1000x128xf32, #tpu.memory_space<vmem>>, %arg2: memref<128x128xf32, #tpu.memory_space<vmem>>, %arg3: memref<1x128xf32, #tpu.memory_space<vmem>>, %arg4: memref<128x128xf32, #tpu.memory_space<vmem>>, %arg5: memref<1x128xf32, #tpu.memory_space<vmem>>, %arg6: memref<1000x128xf32, #tpu.memory_space<vmem>>, %arg7: memref<1000x128xf32, #tpu.memory_space<vmem>>) attributes {dimension_semantics = [#tpu.dimension_semantics<arbitrary>], iteration_bounds = array<i64: 10>, scalar_prefetch = 0 : i64, scratch_operands = 0 : i64, tpu.core_type = #tpu.core_type<tc>, window_params = [{transform_indices = @transform_0, window_bounds = array<i64: 1000, 128>}, {pipeline_mode = #tpu.pipeline_mode<synchronous>, transform_indices = @transform_1, window_bounds = array<i64: 128, 128>}, {pipeline_mode = #tpu.pipeline_mode<synchronous>, transform_indices = @transform_2, window_bounds = array<i64: 1, 128>}, {pipeline_mode = #tpu.pipeline_mode<synchronous>, transform_indices = @transform_3, window_bounds = array<i64: 128, 128>}, {pipeline_mode = #tpu.pipeline_mode<synchronous>, transform_indices = @transform_4, window_bounds = array<i64: 1, 128>}, {transform_indices = @transform_5, window_bounds = array<i64: 1000, 128>}, {transform_indices = @transform_6, window_bounds = array<i64: 1000, 128>}]} {
    %get3A = arith.constant 0 : index
    %get3A_0 = arith.constant 0 : index
    %get3A_1 = vector.load %arg1[%get3A, %get3A_0] : memref<1000x128xf32, #tpu.memory_space<vmem>>, vector<1000x128xf32>
    %get3A_2 = arith.constant 0 : index
    %get3A_3 = arith.constant 0 : index
    %get3A_4 = vector.load %arg2[%get3A_2, %get3A_3] : memref<128x128xf32, #tpu.memory_space<vmem>>, vector<128x128xf32>
    %dot_general3A = arith.constant dense<0.000000e+00> : vector<1000x128xf32>
    %dot_general3A_5 = tpu.matmul %get3A_1, %get3A_4, %dot_general3A {dimension_numbers = #tpu.dot_dimension_numbers<[1], [0], [0], [1], [0, 0, 1, 1], [], []>, transpose_lhs_hint = false} : vector<1000x128xf32>, vector<128x128xf32>, vector<1000x128xf32> -> vector<1000x128xf32>
    %get3A_6 = arith.constant 0 : index
    %get3A_7 = arith.constant 0 : index
    %get3A_8 = vector.load %arg3[%get3A_6, %get3A_7] : memref<1x128xf32, #tpu.memory_space<vmem>>, vector<1x128xf32>
    %add3A = vector.broadcast %get3A_8 : vector<1x128xf32> to vector<1000x128xf32>
    %add3A_9 = arith.addf %dot_general3A_5, %add3A : vector<1000x128xf32>
    %swap3A = arith.constant 0 : index
    %swap3A_10 = arith.constant 0 : index
    %swap3A_11 = vector.load %arg6[%swap3A, %swap3A_10] : memref<1000x128xf32, #tpu.memory_space<vmem>>, vector<1000x128xf32>
    tpu.vector_store %arg6[%swap3A, %swap3A_10], %add3A_9 {strides = array<i32>} : memref<1000x128xf32, #tpu.memory_space<vmem>>, vector<1000x128xf32>,
    %get3A_12 = arith.constant 0 : index
    %get3A_13 = arith.constant 0 : index
    %get3A_14 = vector.load %arg4[%get3A_12, %get3A_13] : memref<128x128xf32, #tpu.memory_space<vmem>>, vector<128x128xf32>
    %dot_general3A_15 = arith.constant dense<0.000000e+00> : vector<1000x128xf32>
    %dot_general3A_16 = tpu.matmul %get3A_1, %get3A_14, %dot_general3A_15 {dimension_numbers = #tpu.dot_dimension_numbers<[1], [0], [0], [1], [0, 0, 1, 1], [], []>, transpose_lhs_hint = false} : vector<1000x128xf32>, vector<128x128xf32>, vector<1000x128xf32> -> vector<1000x128xf32>
    %get3A_17 = arith.constant 0 : index
    %get3A_18 = arith.constant 0 : index
    %get3A_19 = vector.load %arg5[%get3A_17, %get3A_18] : memref<1x128xf32, #tpu.memory_space<vmem>>, vector<1x128xf32>
    %add3A_20 = vector.broadcast %get3A_19 : vector<1x128xf32> to vector<1000x128xf32>
    %add3A_21 = arith.addf %dot_general3A_16, %add3A_20 : vector<1000x128xf32>
    %swap3A_22 = arith.constant 0 : index
    %swap3A_23 = arith.constant 0 : index
    %swap3A_24 = vector.load %arg7[%swap3A_22, %swap3A_23] : memref<1000x128xf32, #tpu.memory_space<vmem>>, vector<1000x128xf32>
    tpu.vector_store %arg7[%swap3A_22, %swap3A_23], %add3A_21 {strides = array<i32>} : memref<1000x128xf32, #tpu.memory_space<vmem>>, vector<1000x128xf32>,
    return
  }
  func.func @transform_0(%arg0: i32) -> (i32, i32) {
    %c0_i32 = arith.constant 0 : i32
    %c0_i32_0 = arith.constant 0 : i32
    return %arg0, %c0_i32 : i32, i32
  }
  func.func @transform_1(%arg0: i32) -> (i32, i32) {
    %c0_i32 = arith.constant 0 : i32
    %c0_i32_0 = arith.constant 0 : i32
    %c0_i32_1 = arith.constant 0 : i32
    return %c0_i32, %c0_i32_0 : i32, i32
  }
  func.func @transform_2(%arg0: i32) -> (i32, i32) {
    %c0_i32 = arith.constant 0 : i32
    %c0_i32_0 = arith.constant 0 : i32
    %c0_i32_1 = arith.constant 0 : i32
    return %c0_i32, %c0_i32_0 : i32, i32
  }
  func.func @transform_3(%arg0: i32) -> (i32, i32) {
    %c0_i32 = arith.constant 0 : i32
    %c0_i32_0 = arith.constant 0 : i32
    %c0_i32_1 = arith.constant 0 : i32
    return %c0_i32, %c0_i32_0 : i32, i32
  }
  func.func @transform_4(%arg0: i32) -> (i32, i32) {
    %c0_i32 = arith.constant 0 : i32
    %c0_i32_0 = arith.constant 0 : i32
    %c0_i32_1 = arith.constant 0 : i32
    return %c0_i32, %c0_i32_0 : i32, i32
  }
  func.func @transform_5(%arg0: i32) -> (i32, i32) {
    %c0_i32 = arith.constant 0 : i32
    %c0_i32_0 = arith.constant 0 : i32
    return %arg0, %c0_i32 : i32, i32
  }
  func.func @transform_6(%arg0: i32) -> (i32, i32) {
    %c0_i32 = arith.constant 0 : i32
    %c0_i32_0 = arith.constant 0 : i32
    return %arg0, %c0_i32 : i32, i32
  }
}

module attributes {stable_mosaic.version = 14 : i64} {
  func.func @_head_body(%arg0: i32, %arg1: memref<2x1x1264x128xf32, #tpu.memory_space<vmem>>, %arg2: memref<1x1x1250xf32, #tpu.memory_space<vmem>>, %arg3: memref<1x128xf32, #tpu.memory_space<vmem>>, %arg4: memref<128x64xf32, #tpu.memory_space<vmem>>, %arg5: memref<1x64xf32, #tpu.memory_space<vmem>>, %arg6: memref<64x128xf32, #tpu.memory_space<vmem>>, %arg7: memref<1x128xf32, #tpu.memory_space<vmem>>, %arg8: memref<1x1x128xf32, #tpu.memory_space<vmem>>) attributes {dimension_semantics = [#tpu.dimension_semantics<arbitrary>], iteration_bounds = array<i64: 8>, scalar_prefetch = 0 : i64, scratch_operands = 0 : i64, tpu.core_type = #tpu.core_type<tc>, window_params = [{transform_indices = @transform_0, window_bounds = array<i64: 2, 1, 1264, 128>}, {transform_indices = @transform_1, window_bounds = array<i64: 1, 1, 1250>}, {pipeline_mode = #tpu.pipeline_mode<synchronous>, transform_indices = @transform_2, window_bounds = array<i64: 1, 128>}, {pipeline_mode = #tpu.pipeline_mode<synchronous>, transform_indices = @transform_3, window_bounds = array<i64: 128, 64>}, {pipeline_mode = #tpu.pipeline_mode<synchronous>, transform_indices = @transform_4, window_bounds = array<i64: 1, 64>}, {pipeline_mode = #tpu.pipeline_mode<synchronous>, transform_indices = @transform_5, window_bounds = array<i64: 64, 128>}, {pipeline_mode = #tpu.pipeline_mode<synchronous>, transform_indices = @transform_6, window_bounds = array<i64: 1, 128>}, {transform_indices = @transform_7, window_bounds = array<i64: 1, 1, 128>}]} {
    %get3A = arith.constant 0 : index
    %get3A_0 = arith.constant 0 : index
    %get3A_1 = arith.constant 0 : index
    %get3A_2 = arith.constant 0 : index
    %get3A_3 = vector.load %arg1[%get3A, %get3A_0, %get3A_1, %get3A_2] : memref<2x1x1264x128xf32, #tpu.memory_space<vmem>>, vector<1x1x1264x128xf32>
    %get3A_4 = vector.shape_cast %get3A_3 : vector<1x1x1264x128xf32> to vector<1264x128xf32>
    %slice3A = vector.extract_strided_slice %get3A_4 {offsets = [0, 0], sizes = [1250, 128], strides = [1, 1]} : vector<1264x128xf32> to vector<1250x128xf32>
    %get3A_5 = arith.constant 1 : index
    %get3A_6 = arith.constant 0 : index
    %get3A_7 = arith.constant 0 : index
    %get3A_8 = arith.constant 0 : index
    %get3A_9 = vector.load %arg1[%get3A_5, %get3A_6, %get3A_7, %get3A_8] : memref<2x1x1264x128xf32, #tpu.memory_space<vmem>>, vector<1x1x1264x128xf32>
    %get3A_10 = vector.shape_cast %get3A_9 : vector<1x1x1264x128xf32> to vector<1264x128xf32>
    %slice3A_11 = vector.extract_strided_slice %get3A_10 {offsets = [0, 0], sizes = [1250, 1], strides = [1, 1]} : vector<1264x128xf32> to vector<1250x1xf32>
    %add3A = arith.constant 1.000000e-16 : f32
    %add3A_12 = vector.broadcast %add3A : f32 to vector<1250x1xf32>
    %add3A_13 = arith.addf %slice3A_11, %add3A_12 : vector<1250x1xf32>
    %div3A = vector.broadcast %add3A_13 : vector<1250x1xf32> to vector<1250x128xf32>
    %div3A_14 = arith.divf %slice3A, %div3A : vector<1250x128xf32>
    %get3A_15 = arith.constant 0 : index
    %get3A_16 = arith.constant 0 : index
    %get3A_17 = vector.load %arg3[%get3A_15, %get3A_16] : memref<1x128xf32, #tpu.memory_space<vmem>>, vector<1x128xf32>
    %add3A_18 = vector.broadcast %get3A_17 : vector<1x128xf32> to vector<1250x128xf32>
    %add3A_19 = arith.addf %div3A_14, %add3A_18 : vector<1250x128xf32>
    %mul3A = arith.constant 1.000000e-03 : f32
    %mul3A_20 = vector.broadcast %mul3A : f32 to vector<1250x128xf32>
    %mul3A_21 = arith.mulf %mul3A_20, %add3A_19 : vector<1250x128xf32>
    %max3A = arith.maximumf %add3A_19, %mul3A_21 : vector<1250x128xf32>
    %get3A_22 = arith.constant 0 : index
    %get3A_23 = arith.constant 0 : index
    %get3A_24 = arith.constant 0 : index
    %get3A_25 = vector.load %arg2[%get3A_22, %get3A_23, %get3A_24] : memref<1x1x1250xf32, #tpu.memory_space<vmem>>, vector<1x1x1250xf32>
    %get3A_26 = vector.shape_cast %get3A_25 : vector<1x1x1250xf32> to vector<1x1250xf32>
    %dot_general3A = arith.constant dense<0.000000e+00> : vector<1x128xf32>
    %dot_general3A_27 = tpu.matmul %get3A_26, %max3A, %dot_general3A {dimension_numbers = #tpu.dot_dimension_numbers<[1], [0], [0], [1], [0, 0, 1, 1], [], []>, transpose_lhs_hint = false} : vector<1x1250xf32>, vector<1250x128xf32>, vector<1x128xf32> -> vector<1x128xf32>
    %get3A_28 = arith.constant 0 : index
    %get3A_29 = arith.constant 0 : index
    %get3A_30 = vector.load %arg4[%get3A_28, %get3A_29] : memref<128x64xf32, #tpu.memory_space<vmem>>, vector<128x64xf32>
    %dot_general3A_31 = arith.constant dense<0.000000e+00> : vector<1x64xf32>
    %dot_general3A_32 = tpu.matmul %dot_general3A_27, %get3A_30, %dot_general3A_31 {dimension_numbers = #tpu.dot_dimension_numbers<[1], [0], [0], [1], [0, 0, 1, 1], [], []>, transpose_lhs_hint = false} : vector<1x128xf32>, vector<128x64xf32>, vector<1x64xf32> -> vector<1x64xf32>
    %get3A_33 = arith.constant 0 : index
    %get3A_34 = arith.constant 0 : index
    %get3A_35 = vector.load %arg5[%get3A_33, %get3A_34] : memref<1x64xf32, #tpu.memory_space<vmem>>, vector<1x64xf32>
    %add3A_36 = arith.addf %dot_general3A_32, %get3A_35 : vector<1x64xf32>
    %mul3A_37 = arith.constant 0.00999999977 : f32
    %mul3A_38 = vector.broadcast %mul3A_37 : f32 to vector<1x64xf32>
    %mul3A_39 = arith.mulf %mul3A_38, %add3A_36 : vector<1x64xf32>
    %max3A_40 = arith.maximumf %add3A_36, %mul3A_39 : vector<1x64xf32>
    %get3A_41 = arith.constant 0 : index
    %get3A_42 = arith.constant 0 : index
    %get3A_43 = vector.load %arg6[%get3A_41, %get3A_42] : memref<64x128xf32, #tpu.memory_space<vmem>>, vector<64x128xf32>
    %dot_general3A_44 = arith.constant dense<0.000000e+00> : vector<1x128xf32>
    %dot_general3A_45 = tpu.matmul %max3A_40, %get3A_43, %dot_general3A_44 {dimension_numbers = #tpu.dot_dimension_numbers<[1], [0], [0], [1], [0, 0, 1, 1], [], []>, transpose_lhs_hint = false} : vector<1x64xf32>, vector<64x128xf32>, vector<1x128xf32> -> vector<1x128xf32>
    %get3A_46 = arith.constant 0 : index
    %get3A_47 = arith.constant 0 : index
    %get3A_48 = vector.load %arg7[%get3A_46, %get3A_47] : memref<1x128xf32, #tpu.memory_space<vmem>>, vector<1x128xf32>
    %add3A_49 = arith.addf %dot_general3A_45, %get3A_48 : vector<1x128xf32>
    %swap3A = arith.constant 0 : index
    %swap3A_50 = arith.constant 0 : index
    %swap3A_51 = arith.constant 0 : index
    %swap3A_52 = vector.load %arg8[%swap3A, %swap3A_50, %swap3A_51] : memref<1x1x128xf32, #tpu.memory_space<vmem>>, vector<1x1x128xf32>
    %swap3A_53 = vector.shape_cast %swap3A_52 : vector<1x1x128xf32> to vector<1x128xf32>
    %swap3A_54 = vector.shape_cast %add3A_49 : vector<1x128xf32> to vector<1x1x128xf32>
    tpu.vector_store %arg8[%swap3A, %swap3A_50, %swap3A_51], %swap3A_54 {strides = array<i32>} : memref<1x1x128xf32, #tpu.memory_space<vmem>>, vector<1x1x128xf32>,
    return
  }
  func.func @transform_0(%arg0: i32) -> (i32, i32, i32, i32) {
    %c0_i32 = arith.constant 0 : i32
    %c0_i32_0 = arith.constant 0 : i32
    %c0_i32_1 = arith.constant 0 : i32
    %c0_i32_2 = arith.constant 0 : i32
    return %c0_i32, %arg0, %c0_i32_0, %c0_i32_1 : i32, i32, i32, i32
  }
  func.func @transform_1(%arg0: i32) -> (i32, i32, i32) {
    %c0_i32 = arith.constant 0 : i32
    %c0_i32_0 = arith.constant 0 : i32
    %c0_i32_1 = arith.constant 0 : i32
    return %arg0, %c0_i32, %c0_i32_0 : i32, i32, i32
  }
  func.func @transform_2(%arg0: i32) -> (i32, i32) {
    %c0_i32 = arith.constant 0 : i32
    %c0_i32_0 = arith.constant 0 : i32
    %c0_i32_1 = arith.constant 0 : i32
    return %c0_i32, %c0_i32_0 : i32, i32
  }
  func.func @transform_3(%arg0: i32) -> (i32, i32) {
    %c0_i32 = arith.constant 0 : i32
    %c0_i32_0 = arith.constant 0 : i32
    %c0_i32_1 = arith.constant 0 : i32
    return %c0_i32, %c0_i32_0 : i32, i32
  }
  func.func @transform_4(%arg0: i32) -> (i32, i32) {
    %c0_i32 = arith.constant 0 : i32
    %c0_i32_0 = arith.constant 0 : i32
    %c0_i32_1 = arith.constant 0 : i32
    return %c0_i32, %c0_i32_0 : i32, i32
  }
  func.func @transform_5(%arg0: i32) -> (i32, i32) {
    %c0_i32 = arith.constant 0 : i32
    %c0_i32_0 = arith.constant 0 : i32
    %c0_i32_1 = arith.constant 0 : i32
    return %c0_i32, %c0_i32_0 : i32, i32
  }
  func.func @transform_6(%arg0: i32) -> (i32, i32) {
    %c0_i32 = arith.constant 0 : i32
    %c0_i32_0 = arith.constant 0 : i32
    %c0_i32_1 = arith.constant 0 : i32
    return %c0_i32, %c0_i32_0 : i32, i32
  }
  func.func @transform_7(%arg0: i32) -> (i32, i32, i32) {
    %c0_i32 = arith.constant 0 : i32
    %c0_i32_0 = arith.constant 0 : i32
    %c0_i32_1 = arith.constant 0 : i32
    return %arg0, %c0_i32, %c0_i32_0 : i32, i32, i32
  }
}

</mosaic_0001>

<sc_bundles>
// kernel: kernel.5.cloned.1.call-start
scs
__scs_entry_jumppad:
0x0: {  	(pc) =	sbr.rel $0x88, $3  }
0x1: {  	(tag) =	ssettag $0x0;
	lr =	simm.s32 $0x1  }
0x2: {  	[smem:$0x3F94] =	sst lr;
	_ =	strace $0xD0000000  }
0x3: {  	_ = 	snop  }
0x4: {  	_ = 	snop  }
0x5: {  	_ = 	snop  }
0x6: {  	_ = 	snop  }
0x7: {  	_ = 	snop  }
__scs_overlays_trampoline_lowered:
0x8: {  	[smem:$0x3FA3] =	sst s0  }
0x9: {  	[smem:$0x3FA4] =	sst s1  }
0xa: {  	[smem:$0x3FA5] =	sst s2  }
0xb: {  	[smem:$0x3FA6] =	sst s3  }
0xc: {  	[smem:$0x3FA7] =	sst s4  }
0xd: {  	[smem:$0x3FA8] =	sst s5  }
0xe: {  	[smem:$0x3FA9] =	sst s6  }
0xf: {  	[smem:$0x3FAA] =	sst s7  }
0x10: {  	[smem:$0x3FAB] =	sst s8  }
0x11: {  	[smem:$0x3FAC] =	sst s9;
	s0 =	simm.s32 @!p0 $0x0  }
0x12: {  	s1 =	sld [smem:$0x3F92];
	s0 =	simm.s32 @p0 $0x1  }
0x13: {  	[smem:$0x3FAD] =	sst s0;
	s0 =	simm.s32 @!p1 $0x0  }
0x14: {  	s2 =	sld [smem:$0x3F91];
	s0 =	simm.s32 @p1 $0x1  }
0x15: {  	[smem:$0x3FAE] =	sst s0;
	s0 =	simm.s32 @!p2 $0x0  }
0x16: {  	s3 =	sld [smem:$0x3FDB];
	s0 =	simm.s32 @p2 $0x1  }
0x17: {  	s4 =	simm.s32 $0x1BF5;
	[smem:$0x3FB0] =	sst s0  }
0x18: {  	s0 =	sld [smem:$0x3F93];
	_ =	swait.ge [sflag:s4], $0x0  }
0x19: {  	s7 =	sld [smem:$0x3F94]  }
0x1a: {  	s8 =	sadd.s32 $0xFFFFE003, lr  }
0x1b: {  	s9 =	sadd.s32 $0xFFFFFEF7, lr;
	s5 =	simm.s32 $0xFFFFFFFF;
	p2 =	slt.u32 s8, $0xFFFFF086  }
0x1c: {  	p1 =	slt.u32 s9, $0xF7A;
	s5 =	simm.s32 @!p2 $0x0  }
0x1d: {  	s5 =	simm.s32 @p1 $0x1;
	p0 =	seq.s32 s7, s2  }
0x1e: {  	s7 =	smul.u32 @!p0 $0xF7A, s2;
	p2 =	seq.s32 @!p0 s5, $0x0  }
0x1f: {  	s9 =	smul.u32 $0xF7A, s1;
	s8 =	simm.s32 @!p0 $0x1BF5;
	p2 =	por !p2, p0  }
0x20: {  	[sflag:s8] =	ssyncset.s32 @!p0 $0xFFFFF086;
	s6 =	sadd.s32 @!p0 s3, s7;
	s7 =	simm.s32 @!p0 $0x108  }
0x21: {  	s3 =	sadd.s32 s3, s9;
	s6 =	sadd.s32 @!p0 $0x88, s6;
	s7 =	simm.s32 @p2 $0x1082  }
0x22: {  	[simem:s7], [sflag:s8] =	dma.local @!p0 [hbm:s6], $0xF7A  }
0x23: {  	s9 =	sor.u32 $0xD0000000, s2;
	s6 =	simm.s32 $0x108;
	_ =	swait.ge @!p0 [sflag:s8], $0x0  }
0x24: {  	s3 =	sadd.s32 $0x88, s3;
	s6 =	simm.s32 @!p1 $0x1082;
	[sflag:s4] =	ssyncset.s32 $0xFFFFF086  }
0x25: {  	[simem:s6], [sflag:s4] =	dma.local [hbm:s3], $0xF7A  }
0x26: {  	[smem:$0x3F94] =	sst s1;
	(tag) =	ssettag s2;
	_ =	strace s9  }
0x27: {  	s1 =	sld [smem:$0x3FA4]  }
0x28: {  	s2 =	sld [smem:$0x3FA5]  }
0x29: {  	s4 =	sld [smem:$0x3FA7]  }
0x2a: {  	p0 =	seq.s32 s5, $0x0;
	s5 =	sld [smem:$0x3FA8]  }
0x2b: {  	s6 =	sld [smem:$0x3FA9]  }
0x2c: {  	s7 =	sld [smem:$0x3FAA]  }
0x2d: {  	s3 =	simm.s32 $0x108;
	s8 =	sld [smem:$0x3FAB]  }
0x2e: {  	s3 =	simm.s32 @!p0 $0x1082;
	s9 =	sld [smem:$0x3FAC]  }
0x2f: {  	lr =	sadd.s32 s0, s3;
	s0 =	sld [smem:$0x3FA3]  }
0x30: {  	s3 =	sld [smem:$0x3FA6]  }
0x31: {  	[smem:$0x3FAF] =	sst s10  }
0x32: {  	s10 =	sld [smem:$0x3FAD];
	_ =	sdelay $0x3  }
0x33: {  	p0 =	seq.s32 s10, $0x1;
	s10 =	sld [smem:$0x3FAF];
	_ =	sdelay $0x3  }
0x34: {  	[smem:$0x3FAF] =	sst s10  }
0x35: {  	s10 =	sld [smem:$0x3FAE];
	_ =	sdelay $0x3  }
0x36: {  	p1 =	seq.s32 s10, $0x1;
	s10 =	sld [smem:$0x3FAF];
	_ =	sdelay $0x3  }
0x37: {  	[smem:$0x3FAF] =	sst s10  }
0x38: {  	s10 =	sld [smem:$0x3FB0]  }
0x39: {  	_ = 	snop;
	(pc) =	sbr.ind lr, $3  }
0x3a: {  	_ = 	snop  }
0x3b: {  	_ = 	snop  }
0x3c: {  	p2 =	seq.s32 s10, $0x1;
	s10 =	sld [smem:$0x3FAF]  }
0x3d: {  	_ =	shalt  }
0x3e: {  	_ =	shalt  }
0x3f: {  	_ =	shalt  }
0x40: {  	_ =	shalt  }
0x41: {  	_ =	shalt  }
0x42: {  	_ =	shalt  }
0x43: {  	_ =	shalt  }
0x44: {  	_ =	shalt  }
0x45: {  	_ =	shalt  }
0x46: {  	_ =	shalt  }
0x47: {  	_ =	shalt  }
0x48: {  	_ =	shalt  }
0x49: {  	_ =	shalt  }
0x4a: {  	_ =	shalt  }
0x4b: {  	_ =	shalt  }
0x4c: {  	_ =	shalt  }
0x4d: {  	_ =	shalt  }
0x4e: {  	_ =	shalt  }
0x4f: {  	_ =	shalt  }
0x50: {  	_ =	shalt  }
0x51: {  	_ =	shalt  }
0x52: {  	_ =	shalt  }
0x53: {  	_ =	shalt  }
0x54: {  	_ =	shalt  }
0x55: {  	_ =	shalt  }
0x56: {  	_ =	shalt  }
0x57: {  	_ =	shalt  }
0x58: {  	_ =	shalt  }
0x59: {  	_ =	shalt  }
0x5a: {  	_ =	shalt  }
0x5b: {  	_ =	shalt  }
0x5c: {  	_ =	shalt  }
0x5d: {  	_ =	shalt  }
0x5e: {  	_ =	shalt  }
0x5f: {  	_ =	shalt  }
0x60: {  	_ =	shalt  }
0x61: {  	_ =	shalt  }
0x62: {  	_ =	shalt  }
0x63: {  	_ =	shalt  }
0x64: {  	_ =	shalt  }
0x65: {  	_ =	shalt  }
0x66: {  	_ =	shalt  }
0x67: {  	_ =	shalt  }
0x68: {  	_ =	shalt  }
0x69: {  	_ =	shalt  }
0x6a: {  	_ =	shalt  }
0x6b: {  	_ =	shalt  }
0x6c: {  	_ =	shalt  }
0x6d: {  	_ =	shalt  }
0x6e: {  	_ =	shalt  }
0x6f: {  	_ =	shalt  }
0x70: {  	_ =	shalt  }
0x71: {  	_ =	shalt  }
0x72: {  	_ =	shalt  }
0x73: {  	_ =	shalt  }
0x74: {  	_ =	shalt  }
0x75: {  	_ =	shalt  }
0x76: {  	_ =	shalt  }
0x77: {  	_ =	shalt  }
0x78: {  	_ =	shalt  }
0x79: {  	_ =	shalt  }
0x7a: {  	_ =	shalt  }
0x7b: {  	_ =	shalt  }
0x7c: {  	_ =	shalt  }
0x7d: {  	_ =	shalt  }
0x7e: {  	_ =	shalt  }
0x7f: {  	_ =	shalt  }
0x80: {  	_ =	shalt  }
0x81: {  	_ =	shalt  }
0x82: {  	_ =	shalt  }
0x83: {  	_ =	shalt  }
0x84: {  	_ =	shalt  }
0x85: {  	_ =	shalt  }
0x86: {  	_ =	shalt  }
0x87: {  	_ =	shalt  }
.Lfunc_end0:
.L_simem_size_0:
called_computation_lowered:
.L_overlay_start_0:
0x88: {  	s2 =	sld [smem:$0x3FD9]  }
0x89: {  	s3 =	sld [smem:$0x3FFE];
	_ =	sdelay $0x1  }
0x8a: {  	s1 =	srdreg.scid  }
0x8b: {  	s0 =	sand.u32 $0x1, s1  }
0x8c: {  	s17 =	sshll.u32 s0, $0xA;
	s2 =	sadd.s32 s3, s2  }
0x8d: {  	s2 =	sadd.s32 s2, s17  }
0x8e: {  	[smem:$0x3FBB] =	sst s2  }
0x8f: {  	_ = 	snop  }
0x90: {  	s2 =	sld [smem:$0x3FC2];
	(tm) =	ssettm $0x1  }
0x91: {  	s18 =	sld [smem:$0x3FFB];
	_ =	sdelay $0x3  }
0x92: {  	_ =	strace s18  }
0x93: {  	s3 =	sld [smem:$0x3FFC];
	_ =	sdelay $0x3  }
0x94: {  	_ =	strace s3  }
0x95: {  	s3 =	sld [smem:$0x3FFD];
	_ =	sdelay $0x3  }
0x96: {  	_ =	strace s3  }
0x97: {  	_ =	strace $0x8FFFFFFF  }
0x98: {  	s19 =	sld [smem:$0x3FDB];
	_ =	sdelay $0x1  }
0x99: {  	s4 =	simm.s32 $_scs_section_size  }
0x9a: {  	s5 =	simm.s32 $_size__tile_overlayer_lowered;
	s6 =	simm.s32 $_tile_overlayer_lowered  }
0x9b: {  	s22 =	simm.s32 $0x1BFF;
	s21 =	sshll.u32 s6, $0x1;
	s3 =	sadd.s32 s4, s19  }
0x9c: {  	s7 =	simm.s32 $0x0;
	s20 =	sshll.u32 s5, $0x1;
	s5 =	sadd.s32 s21, s3  }
0x9d: {  	[timem:s7], [sflag:s22] =	dma.local [hbm:s5], s20  }
0x9e: {  	_ =	swait.ge [sflag:s22], s20  }
0x9f: {  	s4 =	ssub.s32 $0x0, s20;
	[sflag:s22] =	ssyncset.done $0x0  }
0xa0: {  	[sflag:s22] =	ssyncadd.s32 s4;
	_ =	sdelay $0x1  }
0xa1: {  	s23 =	simm.s32 $0x1B8B  }
0xa2: {  	_ =	swait.ge [sflag:s23], $0x1  }
0xa3: {  	[sflag:s23] =	ssyncset.done $0x0  }
0xa4: {  	s25 =	simm.s32 $0x1B8E;
	s24 =	sld [smem:$0x3FFE];
	[sflag:s23] =	ssyncadd.s32 $0xFFFFFFFF  }
0xa5: {  	s26 =	simm.s32 $execute0_lowered;
	[smem:$0x3FD2] =	sst s25  }
0xa6: {  	s5 =	sshll.u32 s26, $0x1;
	_ =	strace $0x80000046;
	[dreg:$0x1] =	wrdreg $0xFFFFFFFF  }
0xa7: {  	s28 =	simm.s32 $_size_execute0_lowered;
	s3 =	sadd.s32 s3, s5;
	[dreg:$0x0] =	wrdreg $0x0  }
0xa8: {  	s5 =	sshll.u32 s28, $0x1;
	[dreg:$0x2] =	wrdreg s3  }
0xa9: {  	[dreg:$0x3] =	wrdreg s5  }
0xaa: {  	[dreg:$0x4] =	wrdreg $0xC0  }
0xab: {  	_ =	task [dreg:s7], $0x5FFFF  }
0xac: {  	[dreg:$0x1] =	wrdreg $0xFFFFFFFF  }
0xad: {  	[dreg:$0x0] =	wrdreg $0x60  }
0xae: {  	[dreg:$0x2] =	wrdreg s24  }
0xaf: {  	[dreg:$0x3] =	wrdreg s2  }
0xb0: {  	[dreg:$0x4] =	wrdreg $0xC2800  }
0xb1: {  	[dreg:$0x5] =	wrdreg $0x9  }
0xb2: {  	_ =	task.clear_ibuf [dreg:s7], $0x6FFFF;
	_ =	strace $0x90000046  }
0xb3: {  	s29 =	simm.s32 $0x9;
	_ =	strace $0x80000048  }
0xb4: {  	_ =	swait.ge [sflag:s29], $0x1  }
0xb5: {  	[sflag:s29] =	ssyncadd.s32 $0xFFFFFFFF  }
0xb6: {  	_ =	strace $0x90000048  }
0xb7: {  	_ =	sfence  }
0xb8: {  	s30 =	sld [smem:$0x0];
	_ =	sdelay $0x2  }
0xb9: {  	s31 =	sshll.u32 s1, $0xD;
	s1 =	sshrl.u32 s1, $0x2  }
0xba: {  	s3 =	sand.u32 $0x4000, s31;
	s1 =	sadd.s32 s1, s30  }
0xbb: {  	s0 =	sor.u32 s3, s0;
	s1 =	sshll.u32 s1, $0x11  }
0xbc: {  	s0 =	sor.u32 s1, s0  }
0xbd: {  	s0 =	sadd.s32 $0x8F2B, s0  }
0xbe: {  	[sflag:s0] =	ssyncadd.remote.s32 $0x1  }
0xbf: {  	_ =	sfence.sel $0xFFFF  }
0xc0: {  	[dreg:$0x0] =	wrdreg $0xFFFFFFFF;
	(pc) =	sbr.abs _section_cstart, $3  }
0xc1: {  	[dreg:$0x1] =	wrdreg $0xFFFFFFFF  }
0xc2: {  	_ =	task.clear_ibuf [dreg:s7], $0x2FFFF;
	_ =	strace $0x9FFFFFFF  }
0xc3: {  	(tm) =	ssettm $0x7FFFFFFF  }
tec
execute0_lowered:
.L_overlay_start_1:
0x0: {  	(tag) =	ssettag $0x1  }
0x1: {  	s0 =	rddreg [dreg:$0x0]  }
0x2: {  	s3 =	rddreg [dreg:$0x2]  }
0x3: {  	s4 =	simm.s32 $0x0;
	s12 =	stileid.u32;
	s1 =	srdreg.scid  }
0x4: {  	s29 =	simm.s32 $0x80;
	s30 =	simm.s32 $0x40;
	s31 =	simm.s32 $0x200  }
0x5: {  	s28 =	simm.s32 $0x180;
	[smem:$0x7FF] =	sst s4;
	s2 =	smul.u32 $0x2780, s12  }
0x6: {  	s5 =	sadd.s32 $0x20000, s0;
	s1 =	sand.u32 $0x1, s1;
	s9 =	smul.u32 $0x4F000, s12  }
0x7: {  	s6 =	sadd.s32 $0x47200, s0;
	s7 =	sadd.s32 $0x1A00, s0;
	s8 =	sadd.s32 $0x15E00, s0  }
0x8: {  	s20 =	smul.u32 $0x1440, s12;
	_ =	strace $0x80000047;
	s9 =	sshrl.u32 s9, $0x2  }
0x9: {  	s10 =	smul.u32 $0x27800, s1;
	s11 =	ssub.s32 $0x2, s1;
	s19 =	sadd.s32 s9, s3  }
0xa: {  	p0 =	sne.s32 s1, $0x0;
	s9 =	sadd.s32 $0x2000, s19;
	[dreg:$0x4] =	wrdreg s19  }
0xb: {  	s1 =	simm.s32 $0x100;
	s13 =	sadd.s32 $0x4000, s19;
	[dreg:$0x5] =	wrdreg s9  }
0xc: {  	s26 =	sshrl.u32 s11, $0x1;
	s14 =	sadd.s32 $0x6000, s19;
	[dreg:$0x6] =	wrdreg s13  }
0xd: {  	v0 =	vimm.s32 $0xFEDCBA98;
	v1 =	vimm.s32 $0x76543210;
	s2 =	sadd.s32 s2, s10;
	s15 =	sadd.s32 $0x8000, s19;
	[dreg:$0x7] =	wrdreg s14  }
0xe: {  	v2 =	vimm.s32 $0xBA98FEDC;
	v3 =	vimm.s32 $0x32107654;
	s21 =	ssub.s32 s11, s26;
	s16 =	sadd.s32 $0xA000, s19;
	[dreg:$0x8] =	wrdreg s15  }
0xf: {  	v4 =	vimm.s32 $0xDCFE98BA;
	v5 =	vimm.s32 $0x54761032;
	s10 =	simm.s32 $0x140;
	s17 =	sadd.s32 $0xC000, s19;
	[dreg:$0x9] =	wrdreg s16  }
0x10: {  	v6 =	vimm.s32 $0xEFCDAB89;
	v7 =	vimm.s32 $0x67452301;
	s11 =	simm.s32 $0x6200;
	s18 =	sadd.s32 $0xE000, s19;
	[dreg:$0xa] =	wrdreg s17  }
0x11: {  	v0 =	vunpack.c.l.s4.s8 v0;
	v1 =	vunpack.c.l.s4.s8 v1;
	v2 =	vunpack.c.l.s4.s8 v2;
	s0 =	sadd.s32 s2, s0;
	s22 =	sadd.s32 $0x10000, s19;
	[dreg:$0xb] =	wrdreg s18  }
0x12: {  	v3 =	vunpack.c.l.s4.s8 v3;
	v4 =	vunpack.c.l.s4.s8 v4;
	v5 =	vunpack.c.l.s4.s8 v5;
	s23 =	sadd.s32 $0x12000, s19;
	s26 =	smax.u32 s21, $0x1;
	[dreg:$0xc] =	wrdreg s22  }
0x13: {  	v6 =	vunpack.c.l.s4.s8 v6;
	v7 =	vunpack.c.l.s4.s8 v7;
	v0 =	vunpack.c.0.s8.s32 v0;
	s2 =	simm.s32 $0x4200;
	s15 =	smul.u32 $0x5100, s12;
	[dreg:$0xd] =	wrdreg s23  }
0x14: {  	v2 =	vunpack.c.0.s8.s32 v2;
	v3 =	vunpack.c.0.s8.s32 v3;
	v4 =	vunpack.c.0.s8.s32 v4;
	s9 =	sadd.s32 s7, s20;
	s0 =	sadd.s32 $0x6E400, s0;
	[dreg:$0x11] =	wrdreg s26  }
.Ltmp0:
0x15: {  	v5 =	vunpack.c.0.s8.s32 v5;
	v6 =	vunpack.c.0.s8.s32 v6;
	v7 =	vunpack.c.0.s8.s32 v7;
	s26 =	simm.s32 $0x5;
	s12 =	simm.s32 $0x1;
	(pc) =	sbr.rel .LBB2_1-.Ltmp0, $4  }
0x16: {  	v1 =	vunpack.c.0.s8.s32 v1;
	v2 =	vcombine.low v3, v2;
	s13 =	simm.s32 $0x2;
	s14 =	simm.s32 $0xA200;
	s16 =	simm.s32 $0x3  }
0x17: {  	v3 =	vcombine.low v5, v4;
	v4 =	vand.u32 $0xF, v0;
	v5 =	vcombine.low v7, v6;
	s18 =	simm.s32 $0x0;
	[dreg:$0xe] =	wrdreg s9;
	s24 =	sshrl.u32 s15, $0x3  }
0x18: {  	v0 =	vimm.f32 $0.0e+00;
	v1 =	vcombine.low v4, v1;
	[dreg:$0x10] =	wrdreg s0;
	s0 =	simm.s32 $0x2200;
	s25 =	sadd.s32 s8, s24  }
0x19: {  	v2 =	vand.u32 $0xF, v2;
	v3 =	vand.u32 $0xF, v3;
	v4 =	vand.u32 $0xF, v5;
	s22 =	sor.u32 $0x80, s15;
	[dreg:$0xf] =	wrdreg s25;
	s25 =	simm.s32 $0x8200  }
.LBB2_17:
0x1a: {  	s9 =	simm.s32 $0x4  }
0x1b: {  	_ =	swait.ge [sflag:s9], $0x2000  }
0x1c: {  	[sflag:s9] =	ssyncset.done $0x0  }
0x1d: {  	[sflag:s9] =	ssyncadd.s32 $0xFFFFE000  }
0x1e: {  	s23 =	stileid.u32;
	[bflag:$0x0] =	sbarrier.arrive $0xFFFF  }
0x1f: {  	s9 =	sshll.u32 s23, $0x6;
	s19 =	rddreg [dreg:$0x4]  }
0x20: {  	s9 =	sor.u32 $0x1C05, s9;
	s20 =	rddreg [dreg:$0x10];
	s17 =	sshrl.u32 s19, $0x3  }
0x21: {  	[hbm:s20], [sflag:s9] =	dma.local [spmem:s17], $0x2780  }
0x22: {  	_ =	swait.ge [sflag:s26], $0x2780  }
0x23: {  	s18 =	sadd.s32 $0x1, s18;
	s24 =	rddreg [dreg:$0x11]  }
0x24: {  	p1 =	sne.s32 s18, s24  }
.Ltmp1:
0x25: {  	_ = 	snop;
	(pc) =	sbr.rel @!p1 .LBB2_18-.Ltmp1, $3  }
0x26: {  	_ =	sdelay $0x1  }
0x27: {  	[sflag:s26] =	ssyncset.done $0x0  }
0x28: {  	[sflag:s26] =	ssyncadd.s32 $0xFFFFD880  }
.LBB2_1:
0x29: {  	s9 =	simm.s32 $0x0;
	s17 =	simm.s32 $0x200  }
.LBB2_2:
0x2a: {  	p1 =	sne.s32 s17, $0x7E00;
	[tilespmem:s9+$0x8270] =	vst v0  }
0x2b: {  	[tilespmem:s9+$0x8200] =	vst v0  }
0x2c: {  	[tilespmem:s9+$0x8210] =	vst v0  }
.Ltmp2:
0x2d: {  	[tilespmem:s9+$0x8220] =	vst v0;
	(pc) =	sbr.rel @p1 .LBB2_2-.Ltmp2, $4  }
0x2e: {  	[tilespmem:s9+$0x8230] =	vst v0  }
0x2f: {  	[tilespmem:s9+$0x8240] =	vst v0  }
0x30: {  	[tilespmem:s9+$0x8250] =	vst v0  }
0x31: {  	[tilespmem:s9+$0x8260] =	vst v0;
	s9 =	sshra.s32 s17, $0x2;
	s17 =	sadd.s32 $0x200, s17  }
0x32: {  	[tilespmem:s9+$0x8270] =	vst v0  }
0x33: {  	[tilespmem:s9+$0x8200] =	vst v0  }
0x34: {  	[tilespmem:s9+$0x8210] =	vst v0  }
0x35: {  	[tilespmem:s9+$0x8220] =	vst v0  }
0x36: {  	[tilespmem:s9+$0x8230] =	vst v0  }
0x37: {  	[tilespmem:s9+$0x8240] =	vst v0  }
0x38: {  	[tilespmem:s9+$0x8250] =	vst v0  }
0x39: {  	[tilespmem:s9+$0x8260] =	vst v0  }
0x3a: {  	[spmem:s19] =	stream.linear.scatter [tilespmem:s25], [sflag:$0x5], $0x2000, $0x38;
	[tilespmem:$0x1FE80] =	vst v63  }
0x3b: {  	_ =	swait.ge [sflag:s26], $0x2000  }
0x3c: {  	[sflag:s26] =	ssyncset.done $0x0  }
0x3d: {  	s17 =	rddreg [dreg:$0x5];
	[sflag:s26] =	ssyncadd.s32 $0xFFFFE000  }
0x3e: {  	[spmem:s17] =	stream.linear.scatter [tilespmem:s25], [sflag:$0x5], $0x2000, $0x38;
	[tilespmem:$0x1FE80] =	vst v63  }
0x3f: {  	_ =	swait.ge [sflag:s26], $0x2000  }
0x40: {  	[sflag:s26] =	ssyncset.done $0x0  }
0x41: {  	s19 =	rddreg [dreg:$0x6];
	[sflag:s26] =	ssyncadd.s32 $0xFFFFE000  }
0x42: {  	[spmem:s19] =	stream.linear.scatter [tilespmem:s25], [sflag:$0x5], $0x2000, $0x38;
	[tilespmem:$0x1FE80] =	vst v63  }
0x43: {  	_ =	swait.ge [sflag:s26], $0x2000  }
0x44: {  	[sflag:s26] =	ssyncset.done $0x0  }
0x45: {  	s20 =	rddreg [dreg:$0x7];
	[sflag:s26] =	ssyncadd.s32 $0xFFFFE000  }
0x46: {  	[spmem:s20] =	stream.linear.scatter [tilespmem:s25], [sflag:$0x5], $0x2000, $0x38;
	[tilespmem:$0x1FE80] =	vst v63  }
0x47: {  	_ =	swait.ge [sflag:s26], $0x2000  }
0x48: {  	[sflag:s26] =	ssyncset.done $0x0  }
0x49: {  	s21 =	rddreg [dreg:$0x8];
	[sflag:s26] =	ssyncadd.s32 $0xFFFFE000  }
0x4a: {  	[spmem:s21] =	stream.linear.scatter [tilespmem:s25], [sflag:$0x5], $0x2000, $0x38;
	[tilespmem:$0x1FE80] =	vst v63  }
0x4b: {  	_ =	swait.ge [sflag:s26], $0x2000  }
0x4c: {  	[sflag:s26] =	ssyncset.done $0x0  }
0x4d: {  	s23 =	rddreg [dreg:$0x9];
	[sflag:s26] =	ssyncadd.s32 $0xFFFFE000  }
0x4e: {  	[spmem:s23] =	stream.linear.scatter [tilespmem:s25], [sflag:$0x5], $0x2000, $0x38;
	[tilespmem:$0x1FE80] =	vst v63  }
0x4f: {  	_ =	swait.ge [sflag:s26], $0x2000  }
0x50: {  	[sflag:s26] =	ssyncset.done $0x0  }
0x51: {  	s24 =	rddreg [dreg:$0xa];
	[sflag:s26] =	ssyncadd.s32 $0xFFFFE000  }
0x52: {  	[spmem:s24] =	stream.linear.scatter [tilespmem:s25], [sflag:$0x5], $0x2000, $0x38;
	[tilespmem:$0x1FE80] =	vst v63  }
0x53: {  	_ =	swait.ge [sflag:s26], $0x2000  }
0x54: {  	[sflag:s26] =	ssyncset.done $0x0  }
0x55: {  	s17 =	rddreg [dreg:$0xb];
	[sflag:s26] =	ssyncadd.s32 $0xFFFFE000  }
0x56: {  	[spmem:s17] =	stream.linear.scatter [tilespmem:s25], [sflag:$0x5], $0x2000, $0x38;
	[tilespmem:$0x1FE80] =	vst v63  }
0x57: {  	_ =	swait.ge [sflag:s26], $0x2000  }
0x58: {  	[sflag:s26] =	ssyncset.done $0x0  }
0x59: {  	s19 =	rddreg [dreg:$0xc];
	[sflag:s26] =	ssyncadd.s32 $0xFFFFE000  }
0x5a: {  	[spmem:s19] =	stream.linear.scatter [tilespmem:s25], [sflag:$0x5], $0x2000, $0x38;
	[tilespmem:$0x1FE80] =	vst v63  }
0x5b: {  	_ =	swait.ge [sflag:s26], $0x2000  }
0x5c: {  	[sflag:s26] =	ssyncset.done $0x0  }
0x5d: {  	s20 =	rddreg [dreg:$0xd];
	[sflag:s26] =	ssyncadd.s32 $0xFFFFE000  }
0x5e: {  	[spmem:s20] =	stream.linear.scatter [tilespmem:s25], [sflag:$0x5], $0x1C00, $0x38;
	[tilespmem:$0x1FE80] =	vst v63  }
0x5f: {  	_ =	swait.ge [sflag:s26], $0x1C00  }
0x60: {  	[sflag:s26] =	ssyncset.done $0x0  }
0x61: {  	[sflag:s26] =	ssyncadd.s32 $0xFFFFE400  }
0x62: {  	[bflag:$0x0] =	sbarrier.arrive $0xFFFF  }
0x63: {  	s17 =	simm.s32 $0xC200;
	s19 =	simm.s32 $0x0;
	s21 =	rddreg [dreg:$0x1]  }
0x64: {  	[tilespmem:s17], [sflag:$0x5] =	stream.linear.gather [hbm4b:s21+s19], $0x80, $0x38;
	[tilespmem:$0x1FE80] =	vst v63  }
0x65: {  	_ =	swait.ge [sflag:s26], $0x80  }
0x66: {  	[sflag:s26] =	ssyncset.done $0x0  }
0x67: {  	[sflag:s26] =	ssyncadd.s32 $0xFFFFFF80  }
0x68: {  	v5 =	vld [tilespmem:$0xC200]  }
0x69: {  	v6 =	vld [tilespmem:$0xC210]  }
0x6a: {  	v7 =	vld [tilespmem:$0xC220]  }
0x6b: {  	v8 =	vld [tilespmem:$0xC230]  }
0x6c: {  	v9 =	vld [tilespmem:$0xC240]  }
0x6d: {  	v10 =	vld [tilespmem:$0xC250]  }
0x6e: {  	s23 =	rddreg [dreg:$0xe];
	v11 =	vld [tilespmem:$0xC260]  }
0x6f: {  	v12 =	vld [tilespmem:$0xC270];
	[tilespmem:s19], [sflag:$0x5] =	stream.linear.gather [hbm4b:s23+s19], $0x80, $0x38  }
0x70: {  	_ =	swait.ge [sflag:s26], $0x80  }
0x71: {  	[sflag:s26] =	ssyncset.done $0x0  }
0x72: {  	s24 =	rddreg [dreg:$0xf];
	[sflag:s26] =	ssyncadd.s32 $0xFFFFFF80  }
0x73: {  	[tilespmem:s29], [sflag:$0x5] =	stream.linear.gather [hbm4b:s24+s19], $0x40, $0x38;
	[tilespmem:$0x1FE80] =	vst v63  }
0x74: {  	_ =	swait.ge [sflag:s26], $0x40  }
0x75: {  	[sflag:s26] =	ssyncset.done $0x0  }
0x76: {  	[sflag:s26] =	ssyncadd.s32 $0xFFFFFFC0  }
0x77: {  	[tilespmem:s31], [sflag:$0x1] =	stream.indirect.gather [hbm4b:s5+s30], $0x80, s19, s30, $0xb8;
	[tilespmem:$0x1FE80] =	vst v63  }
0x78: {  	s20 =	simm.s32 $0x0  }
0x79: {  	[tilespmem:s0], [sflag:$0x1] =	stream.indirect.gather [hbm4b:s6+s30], $0x80, s30, s30, $0xb8;
	[tilespmem:$0x1FE80] =	vst v63  }
.LBB2_4:
0x7a: {  	s21 =	sshll.u32 s20, $0x7;
	p1 =	seq.s32 s20, $0x0  }
0x7b: {  	s9 =	simm.s32 @!p1 $0x4;
	s17 =	sadd.s32 s21, s15  }
0x7c: {  	_ =	swait.ge @!p1 [sflag:s9], $0x2000;
	s17 =	sadd.s32 $0x40, s17  }
0x7d: {  	[sflag:s9] =	ssyncset.done @!p1 $0x0;
	s23 =	sshrl.u32 s17, $0x2  }
0x7e: {  	[sflag:s9] =	ssyncadd.s32 @!p1 $0xFFFFE000;
	s23 =	sadd.s32 s7, s23  }
0x7f: {  	[tilespmem:s1], [sflag:$0x5] =	stream.linear.gather [hbm4b:s23+s19], $0x80, $0x38;
	[tilespmem:$0x1FE80] =	vst v63  }
0x80: {  	_ =	swait.ge [sflag:s26], $0x80  }
0x81: {  	s24 =	sshrl.u32 s17, $0x3;
	[sflag:s26] =	ssyncset.done $0x0  }
0x82: {  	s9 =	sadd.s32 s8, s24;
	[sflag:s26] =	ssyncadd.s32 $0xFFFFFF80  }
0x83: {  	[tilespmem:s28], [sflag:$0x5] =	stream.linear.gather [hbm4b:s9+s19], $0x40, $0x38;
	[tilespmem:$0x1FE80] =	vst v63  }
0x84: {  	_ =	swait.ge [sflag:s26], $0x40  }
0x85: {  	[sflag:s26] =	ssyncset.done $0x0  }
0x86: {  	[sflag:s26] =	ssyncadd.s32 $0xFFFFFFC0  }
0x87: {  	[tilespmem:s2], [sflag:$0x2] =	stream.indirect.gather [hbm4b:s5+s30], $0x80, s1, s30, $0xb8;
	[tilespmem:$0x1FE80] =	vst v63  }
0x88: {  	_ = 	snop  }
0x89: {  	[tilespmem:s11], [sflag:$0x2] =	stream.indirect.gather [hbm4b:s6+s30], $0x80, s10, s30, $0xb8;
	[tilespmem:$0x1FE80] =	vst v63  }
0x8a: {  	_ =	swait.ge [sflag:s12], $0x2000  }
.Ltmp3:
0x8b: {  	[sflag:s12] =	ssyncset.done $0x0;
	(pc) =	sbr.rel @p0 .LBB2_10-.Ltmp3, $4  }
0x8c: {  	[sflag:s12] =	ssyncadd.s32 $0xFFFFE000  }
0x8d: {  	_ =	swait.ge [sflag:s12], $0x2000  }
0x8e: {  	[sflag:s12] =	ssyncset.done $0x0  }
0x8f: {  	s24 =	simm.s32 $0x0;
	[sflag:s12] =	ssyncadd.s32 $0xFFFFE000  }
0x90: {  	v40 =	vld [tilespmem:s24+$0x280]  }
0x91: {  	v13 =	vld [tilespmem:s24+$0x2280]  }
0x92: {  	v20 =	vld [tilespmem:s24+$0x290]  }
0x93: {  	v14 =	vld [tilespmem:s24+$0x2290]  }
0x94: {  	v21 =	vld [tilespmem:s24+$0x2A0]  }
0x95: {  	v15 =	vld [tilespmem:s24+$0x22A0]  }
0x96: {  	v22 =	vld [tilespmem:s24+$0x2B0];
	v13 =	vadd.f32 v13, v40  }
0x97: {  	v16 =	vld [tilespmem:s24+$0x22B0]  }
0x98: {  	v24 =	vld [tilespmem:s24+$0x2C0];
	v14 =	vadd.f32 v14, v20;
	v17 =	vmul.f32 $2.000000030e-01, v13  }
0x99: {  	v18 =	vld [tilespmem:s24+$0x22C0]  }
0x9a: {  	v25 =	vld [tilespmem:s24+$0x2D0];
	v15 =	vadd.f32 v15, v21;
	v13 =	vmax.f32 v13, v17;
	v17 =	vmul.f32 $2.000000030e-01, v14  }
0x9b: {  	v19 =	vld [tilespmem:s24+$0x22D0];
	v13 =	vmul.f32 v13, v5  }
0x9c: {  	v26 =	vld [tilespmem:s24+$0x2E0];
	v16 =	vadd.f32 v16, v22;
	v14 =	vmax.f32 v14, v17;
	v17 =	vmul.f32 $2.000000030e-01, v15  }
0x9d: {  	v23 =	vld [tilespmem:s24+$0x22E0];
	v13 =	vadd.f32 $0.0e+00, v13;
	v14 =	vmul.f32 v14, v6  }
0x9e: {  	v32 =	vld [tilespmem:s24+$0x2F0];
	v18 =	vadd.f32 v18, v24;
	v15 =	vmax.f32 v15, v17;
	v17 =	vmul.f32 $2.000000030e-01, v16  }
0x9f: {  	v13 =	vadd.f32 v14, v13;
	v14 =	vmul.f32 v15, v7;
	v15 =	vld [tilespmem:s24+$0x22F0]  }
0xa0: {  	v33 =	vld [tilespmem:s24+$0x200];
	v19 =	vadd.f32 v19, v25;
	v16 =	vmax.f32 v16, v17;
	v17 =	vmul.f32 $2.000000030e-01, v18  }
0xa1: {  	v27 =	vld [tilespmem:s24+$0x2200];
	v13 =	vadd.f32 v14, v13;
	v14 =	vmul.f32 v16, v8  }
0xa2: {  	v42 =	vld [tilespmem:s24+$0x210];
	v16 =	vmax.f32 v18, v17;
	v17 =	vmul.f32 $2.000000030e-01, v19;
	v18 =	vadd.f32 v23, v26  }
0xa3: {  	v43 =	vld [tilespmem:s24+$0x220];
	v13 =	vadd.f32 v14, v13;
	v14 =	vmul.f32 v16, v9  }
0xa4: {  	v23 =	vld [tilespmem:s24+$0x2210];
	v16 =	vmax.f32 v19, v17;
	v17 =	vmul.f32 $2.000000030e-01, v18;
	v15 =	vadd.f32 v15, v32  }
0xa5: {  	v19 =	vld [tilespmem:s24+$0x2220];
	v13 =	vadd.f32 v14, v13;
	v14 =	vmul.f32 v16, v10  }
0xa6: {  	v30 =	vld [tilespmem:s24+$0x2230];
	v16 =	vadd.f32 v27, v33;
	v17 =	vmax.f32 v18, v17;
	v18 =	vmul.f32 $2.000000030e-01, v15  }
0xa7: {  	v29 =	vld [tilespmem:s24+$0x240];
	v13 =	vadd.f32 v14, v13;
	v14 =	vmul.f32 v17, v11  }
0xa8: {  	v27 =	vld [tilespmem:s24+$0x230];
	v17 =	vmul.f32 $2.000000030e-01, v16;
	v15 =	vmax.f32 v15, v18  }
0xa9: {  	v28 =	vld [tilespmem:s24+$0x250];
	v18 =	vadd.f32 v23, v42;
	v13 =	vadd.f32 v14, v13;
	v14 =	vmul.f32 v15, v12  }
0xaa: {  	v23 =	vld [tilespmem:s24+$0x2240];
	v15 =	vadd.f32 v19, v43  }
0xab: {  	v16 =	vmax.f32 v16, v17;
	v19 =	vld [tilespmem:s24+$0x2250];
	v17 =	vmul.f32 $2.000000030e-01, v18;
	v13 =	vadd.f32 v14, v13  }
0xac: {  	v14 =	vmul.f32 v16, v5;
	v16 =	vmul.f32 $2.000000030e-01, v15  }
0xad: {  	v35 =	vld [tilespmem:s24+$0x2260];
	v17 =	vmax.f32 v18, v17;
	v18 =	vadd.f32 v30, v27;
	v34 =	vperm.xlane v13, v1  }
0xae: {  	v30 =	vld [tilespmem:s24+$0x260];
	v14 =	vadd.f32 $0.0e+00, v14;
	v17 =	vmul.f32 v17, v6;
	v15 =	vmax.f32 v15, v16  }
0xaf: {  	v31 =	vld [tilespmem:s24+$0x270];
	v23 =	vadd.f32 v23, v29;
	v16 =	vmul.f32 $2.000000030e-01, v18;
	v13 =	vadd.f32 v13, v34  }
0xb0: {  	v15 =	vmul.f32 v15, v7;
	v19 =	vadd.f32 v19, v28;
	v14 =	vadd.f32 v17, v14;
	v17 =	vld [tilespmem:s24+$0x2270]  }
0xb1: {  	v16 =	vmax.f32 v18, v16;
	v18 =	vmul.f32 $2.000000030e-01, v23;
	v34 =	vperm.xlane v13, v2  }
0xb2: {  	v14 =	vadd.f32 v15, v14;
	v15 =	vmul.f32 v16, v8;
	v16 =	vmul.f32 $2.000000030e-01, v19  }
0xb3: {  	v18 =	vmax.f32 v23, v18;
	v23 =	vadd.f32 v35, v30;
	v13 =	vadd.f32 v13, v34  }
0xb4: {  	s23 =	simm.s32 $0x100;
	v14 =	vadd.f32 v15, v14;
	v15 =	vmul.f32 v18, v9;
	v16 =	vmax.f32 v19, v16  }
0xb5: {  	v56 =	vld [tilespmem:s23+$0x2290];
	v18 =	vmul.f32 $2.000000030e-01, v23;
	v17 =	vadd.f32 v17, v31;
	v19 =	vperm.xlane v13, v3  }
0xb6: {  	v57 =	vld [tilespmem:s23+$0x22A0];
	v14 =	vadd.f32 v15, v14;
	v15 =	vmul.f32 v16, v10  }
0xb7: {  	v16 =	vmax.f32 v23, v18;
	v18 =	vmul.f32 $2.000000030e-01, v17;
	v23 =	vld [tilespmem:s23+$0x280];
	v13 =	vadd.f32 v13, v19  }
0xb8: {  	v15 =	vadd.f32 v15, v14;
	v16 =	vmul.f32 v16, v11;
	v19 =	vld [tilespmem:s23+$0x2280]  }
0xb9: {  	v14 =	vld [tilespmem:s23+$0x290];
	v17 =	vmax.f32 v17, v18;
	v18 =	vperm.xlane v13, v4  }
0xba: {  	v36 =	vld [tilespmem:s23+$0x22B0];
	v15 =	vadd.f32 v16, v15;
	v16 =	vmul.f32 v17, v12  }
0xbb: {  	v38 =	vld [tilespmem:s23+$0x22C0];
	v17 =	vadd.f32 v13, v18  }
0xbc: {  	v13 =	vld [tilespmem:s23+$0x2A0];
	v16 =	vadd.f32 v16, v15  }
0xbd: {  	v41 =	vld [tilespmem:s23+$0x22D0];
	v15 =	vmul.f32 $1.442695020e+00, v17  }
0xbe: {  	v19 =	vadd.f32 v19, v23;
	v34 =	vadd.f32 v56, v14;
	v17 =	vld [tilespmem:s23+$0x2B0];
	v18 =	vperm.xlane v16, v1  }
0xbf: {  	v48 =	vld [tilespmem:s23+$0x22F0];
	(erf) = vpow2.f32 v15  }
0xc0: {  	v44 =	vmul.f32 $2.000000030e-01, v34;
	v15 =	vld [tilespmem:s23+$0x2C0];
	v37 =	vadd.f32 v16, v18;
	v16 =	vmul.f32 $2.000000030e-01, v19  }
0xc1: {  	v18 =	vld [tilespmem:s23+$0x2D0];
	v35 =	vadd.f32 v57, v13  }
0xc2: {  	v58 =	vmax.f32 v34, v44;
	v34 =	vld [tilespmem:s23+$0x2F0];
	v39 =	vperm.xlane v37, v2;
	v19 =	vmax.f32 v19, v16  }
0xc3: {  	v19 =	vmul.f32 v19, v5;
	v36 =	vadd.f32 v36, v17;
	v59 =	vmul.f32 $2.000000030e-01, v35  }
0xc4: {  	v45 =	vld [tilespmem:s23+$0x22E0];
	v37 =	vadd.f32 v37, v39;
	v39 =	vmul.f32 v58, v6  }
0xc5: {  	v16 =	vld [tilespmem:s23+$0x2E0];
	v46 =	vadd.f32 $0.0e+00, v19;
	v47 =	vmul.f32 $2.000000030e-01, v36;
	v35 =	vmax.f32 v35, v59  }
0xc6: {  	v38 =	vadd.f32 v38, v15;
	v41 =	vadd.f32 v41, v18;
	v49 =	vperm.xlane v37, v3  }
0xc7: {  	v61 =	vld [tilespmem:s23+$0x2200];
	v35 =	vmul.f32 v35, v7;
	v48 =	vadd.f32 v48, v34;
	v60 =	vadd.f32 v39, v46  }
0xc8: {  	v19 =	vld [tilespmem:s23+$0x200];
	v36 =	vmax.f32 v36, v47;
	v62 =	vmul.f32 $2.000000030e-01, v38;
	v52 =	vmul.f32 $2.000000030e-01, v41;
	v39 =	vpop (erf)  }
0xc9: {  	v36 =	vmul.f32 v36, v8;
	v35 =	vadd.f32 v35, v60;
	v50 =	vmul.f32 v39, v32  }
0xca: {  	v63 =	vld [tilespmem:s23+$0x2210];
	v45 =	vadd.f32 v45, v16;
	v37 =	vadd.f32 v37, v49;
	v38 =	vmax.f32 v38, v62  }
0xcb: {  	v54 =	vmul.f32 $2.000000030e-01, v48;
	v32 =	vld [tilespmem:s23+$0x210];
	v38 =	vmul.f32 v38, v9;
	v36 =	vadd.f32 v36, v35;
	[tilespmem:s24+$0x82F0] =	vst v50  }
0xcc: {  	v41 =	vmax.f32 v41, v52;
	v53 =	vmul.f32 $2.000000030e-01, v45;
	v49 =	vperm.xlane v37, v4;
	v35 =	vld [tilespmem:s23+$0x220]  }
0xcd: {  	v41 =	vmul.f32 v41, v10;
	v46 =	vadd.f32 v61, v19;
	v50 =	vld [tilespmem:s23+$0x2220];
	v38 =	vadd.f32 v38, v36  }
0xce: {  	v47 =	vmax.f32 v48, v54;
	v45 =	vmax.f32 v45, v53;
	v37 =	vadd.f32 v37, v49;
	v36 =	vld [tilespmem:s23+$0x230]  }
0xcf: {  	v57 =	vmul.f32 v45, v11;
	v51 =	vmul.f32 $2.000000030e-01, v46;
	v55 =	vld [tilespmem:s23+$0x2230];
	v38 =	vadd.f32 v41, v38  }
0xd0: {  	v47 =	vmul.f32 v47, v12;
	v59 =	vld [tilespmem:s23+$0x2240];
	v44 =	vadd.f32 v63, v32  }
0xd1: {  	v58 =	vmul.f32 $1.442695020e+00, v37;
	v37 =	vld [tilespmem:s23+$0x240];
	v60 =	vmax.f32 v46, v51;
	v41 =	vadd.f32 v57, v38  }
0xd2: {  	v62 =	vld [tilespmem:s23+$0x2250];
	v45 =	vmul.f32 v60, v5;
	v61 =	vmul.f32 $2.000000030e-01, v44;
	v50 =	vadd.f32 v50, v35  }
0xd3: {  	v63 =	vmul.f32 v39, v40;
	(erf) = vpow2.f32 v58;
	v38 =	vld [tilespmem:s23+$0x250];
	v47 =	vadd.f32 v47, v41  }
0xd4: {  	v52 =	vld [tilespmem:s23+$0x2260];
	v49 =	vadd.f32 v55, v36;
	v44 =	vmax.f32 v44, v61;
	v56 =	vmul.f32 $2.000000030e-01, v50  }
0xd5: {  	v40 =	vld [tilespmem:s23+$0x260];
	v45 =	vadd.f32 $0.0e+00, v45;
	[tilespmem:s24+$0x8280] =	vst v63;
	v44 =	vmul.f32 v44, v6;
	v53 =	vperm.xlane v47, v1  }
0xd6: {  	v48 =	vadd.f32 v59, v37;
	v41 =	vld [tilespmem:s23+$0x270];
	v57 =	vmul.f32 $2.000000030e-01, v49;
	v46 =	vmax.f32 v50, v56  }
0xd7: {  	v59 =	vld [tilespmem:s23+$0x2270];
	v44 =	vadd.f32 v44, v45;
	v58 =	vmul.f32 v46, v7;
	v47 =	vadd.f32 v47, v53  }
0xd8: {  	v60 =	vmul.f32 $2.000000030e-01, v48;
	v49 =	vmax.f32 v49, v57;
	v51 =	vadd.f32 v62, v38  }
0xd9: {  	v61 =	vmul.f32 v49, v8;
	v44 =	vadd.f32 v58, v44;
	v62 =	vperm.xlane v47, v2  }
0xda: {  	v52 =	vadd.f32 v52, v40;
	v48 =	vmax.f32 v48, v60;
	v63 =	vmul.f32 $2.000000030e-01, v51  }
0xdb: {  	v48 =	vmul.f32 v48, v9;
	v45 =	vadd.f32 v61, v44;
	v49 =	vadd.f32 v47, v62  }
0xdc: {  	v57 =	vmul.f32 $2.000000030e-01, v52;
	v58 =	vadd.f32 v59, v41;
	v56 =	vmax.f32 v51, v63  }
0xdd: {  	v59 =	vmul.f32 v56, v10;
	v44 =	vpop (erf);
	v45 =	vadd.f32 v48, v45;
	v60 =	vperm.xlane v49, v3  }
0xde: {  	v61 =	vmax.f32 v52, v57;
	v62 =	vmul.f32 $2.000000030e-01, v58;
	v63 =	vmul.f32 v44, v33  }
0xdf: {  	s17 =	simm.s32 $0x200;
	v47 =	vmul.f32 v61, v11;
	v45 =	vadd.f32 v59, v45;
	v46 =	vadd.f32 v49, v60  }
0xe0: {  	s9 =	simm.s32 $0xC00;
	v48 =	vmax.f32 v58, v62;
	v33 =	vld [tilespmem:s17+$0x280];
	v50 =	vmul.f32 v44, v42;
	v49 =	vmul.f32 v44, v43;
	[tilespmem:s24+$0x8200] =	vst v63  }
.LBB2_6:
0xe1: {  	p1 =	seq.s32 s9, $0x7C00;
	v51 =	vld [tilespmem:s17+$0x2280];
	v45 =	vadd.f32 v47, v45;
	v47 =	vmul.f32 v48, v12;
	v48 =	vperm.xlane v46, v4;
	v42 =	vmovc v32  }
0xe2: {  	v52 =	vmul.f32 v44, v29;
	v43 =	vmovc v35;
	v32 =	vld [tilespmem:s17+$0x290];
	[tilespmem:s24+$0x8210] =	vst v50;
	v50 =	vmul.f32 v44, v27;
	v27 =	vmov v36  }
0xe3: {  	v35 =	vld [tilespmem:s17+$0x2290];
	v36 =	vadd.f32 v47, v45;
	v45 =	vadd.f32 v46, v48;
	[tilespmem:s24+$0x8220] =	vst v49;
	v46 =	vmul.f32 v44, v28  }
0xe4: {  	v29 =	vmovc v37;
	v48 =	vmul.f32 v44, v30;
	v44 =	vmul.f32 v44, v31;
	v28 =	vmov v38;
	v47 =	vld [tilespmem:s17+$0x2A0];
	[tilespmem:s24+$0x8230] =	vst v50  }
0xe5: {  	v30 =	vmovc v40;
	v31 =	vmov v41;
	v37 =	vld [tilespmem:s17+$0x22A0];
	v38 =	vperm.xlane v36, v1;
	v45 =	vmul.f32 $1.442695020e+00, v45;
	[tilespmem:s24+$0x8240] =	vst v52  }
0xe6: {  	v49 =	vmul.f32 v39, v21;
	v40 =	vadd.f32 v51, v33;
	v41 =	vld [tilespmem:s17+$0x2B0];
	[tilespmem:s24+$0x8250] =	vst v46;
	v46 =	vmul.f32 v39, v20  }
0xe7: {  	v20 =	vmovc v14;
	v50 =	vld [tilespmem:s17+$0x22B0];
	v36 =	vadd.f32 v36, v38;
	(erf) = vpow2.f32 v45;
	[tilespmem:s24+$0x8260] =	vst v48;
	v38 =	vmul.f32 v39, v22  }
0xe8: {  	v24 =	vmul.f32 v39, v24;
	v14 =	vmovc v32;
	v48 =	vmul.f32 $2.000000030e-01, v40;
	v35 =	vadd.f32 v35, v32;
	v45 =	vld [tilespmem:s17+$0x2C0];
	[tilespmem:s24+$0x8270] =	vst v44  }
0xe9: {  	v25 =	vmul.f32 v39, v25;
	v21 =	vmovc v13;
	v32 =	vld [tilespmem:s17+$0x22C0];
	v44 =	vperm.xlane v36, v2;
	[tilespmem:s24+$0x8290] =	vst v46;
	v13 =	vmov v47  }
0xea: {  	v22 =	vmovc v17;
	v40 =	vmax.f32 v40, v48;
	v46 =	vmul.f32 $2.000000030e-01, v35;
	v37 =	vadd.f32 v37, v13;
	v47 =	vld [tilespmem:s17+$0x2D0];
	[tilespmem:s24+$0x82A0] =	vst v49  }
0xeb: {  	v26 =	vmul.f32 v39, v26;
	v40 =	vmul.f32 v40, v5;
	v48 =	vld [tilespmem:s17+$0x22D0];
	v36 =	vadd.f32 v36, v44;
	[tilespmem:s24+$0x82B0] =	vst v38  }
0xec: {  	v17 =	vmovc v41;
	v35 =	vmax.f32 v35, v46;
	v38 =	vmul.f32 $2.000000030e-01, v37;
	v39 =	vadd.f32 v50, v41;
	v44 =	vld [tilespmem:s17+$0x2E0];
	[tilespmem:s24+$0x82C0] =	vst v24  }
0xed: {  	v24 =	vmovc v15;
	v40 =	vadd.f32 $0.0e+00, v40;
	v35 =	vmul.f32 v35, v6;
	v41 =	vld [tilespmem:s17+$0x22E0];
	v46 =	vperm.xlane v36, v3;
	[tilespmem:s24+$0x82D0] =	vst v25  }
0xee: {  	v15 =	vmovc v45;
	v50 =	vmax.f32 v37, v38;
	v37 =	vmul.f32 $2.000000030e-01, v39;
	v38 =	vadd.f32 v32, v45;
	v49 =	vld [tilespmem:s17+$0x2F0];
	[tilespmem:s24+$0x82E0] =	vst v26;
	s24 =	smov.u32 s23;
	s23 =	smov.u32 s17  }
0xef: {  	v25 =	vmovc v18;
	v52 =	vadd.f32 v35, v40;
	v32 =	vmul.f32 v50, v7;
	v40 =	vld [tilespmem:s23+$0x22F0];
	v36 =	vadd.f32 v36, v46  }
0xf0: {  	v45 =	vld [tilespmem:s23+$0x200];
	v51 =	vmax.f32 v39, v37;
	v35 =	vmul.f32 $2.000000030e-01, v38;
	v37 =	vadd.f32 v48, v47;
	v39 =	vpop (erf)  }
0xf1: {  	v18 =	vmovc v47;
	v46 =	vld [tilespmem:s23+$0x2200];
	v48 =	vadd.f32 v32, v52;
	v50 =	vmul.f32 v51, v8;
	v51 =	vmul.f32 v39, v34  }
0xf2: {  	v26 =	vmovc v16;
	v16 =	vmovc v44;
	v32 =	vld [tilespmem:s23+$0x210];
	v35 =	vmax.f32 v38, v35;
	v38 =	vmul.f32 $2.000000030e-01, v37;
	v41 =	vadd.f32 v41, v44  }
0xf3: {  	v44 =	vld [tilespmem:s23+$0x2210];
	v47 =	vadd.f32 v50, v48;
	v48 =	vmul.f32 v35, v9;
	v50 =	vperm.xlane v36, v4;
	[tilespmem:s24+$0x82F0] =	vst v51  }
0xf4: {  	v34 =	vmovc v49;
	v35 =	vld [tilespmem:s23+$0x220];
	v37 =	vmax.f32 v37, v38;
	v38 =	vmul.f32 $2.000000030e-01, v41;
	v40 =	vadd.f32 v40, v49  }
0xf5: {  	v49 =	vld [tilespmem:s23+$0x2220];
	v47 =	vadd.f32 v48, v47;
	v37 =	vmul.f32 v37, v10;
	v48 =	vadd.f32 v36, v50  }
0xf6: {  	v46 =	vadd.f32 v46, v45;
	v36 =	vld [tilespmem:s23+$0x230];
	v38 =	vmax.f32 v41, v38;
	v41 =	vmul.f32 $2.000000030e-01, v40  }
0xf7: {  	v50 =	vld [tilespmem:s23+$0x2230];
	v47 =	vadd.f32 v37, v47;
	v38 =	vmul.f32 v38, v11;
	v48 =	vmul.f32 $1.442695020e+00, v48  }
0xf8: {  	v51 =	vmul.f32 $2.000000030e-01, v46;
	v44 =	vadd.f32 v44, v32;
	v37 =	vld [tilespmem:s23+$0x240];
	v40 =	vmax.f32 v40, v41  }
0xf9: {  	v41 =	vld [tilespmem:s23+$0x2240];
	v47 =	vadd.f32 v38, v47;
	v40 =	vmul.f32 v40, v12;
	(erf) = vpow2.f32 v48  }
0xfa: {  	v46 =	vmax.f32 v46, v51;
	v48 =	vmul.f32 $2.000000030e-01, v44;
	v49 =	vadd.f32 v49, v35;
	v38 =	vld [tilespmem:s23+$0x250]  }
0xfb: {  	v52 =	vmul.f32 v39, v23;
	v23 =	vmovc v33;
	v46 =	vmul.f32 v46, v5;
	v51 =	vld [tilespmem:s23+$0x2250];
	v47 =	vadd.f32 v40, v47  }
0xfc: {  	v33 =	vmax.f32 v44, v48;
	v44 =	vmul.f32 $2.000000030e-01, v49;
	v48 =	vadd.f32 v50, v36;
	v40 =	vld [tilespmem:s23+$0x260]  }
0xfd: {  	v46 =	vadd.f32 $0.0e+00, v46;
	v33 =	vmul.f32 v33, v6;
	v50 =	vld [tilespmem:s23+$0x2260];
	v53 =	vperm.xlane v47, v1;
	[tilespmem:s24+$0x8280] =	vst v52  }
0xfe: {  	v44 =	vmax.f32 v49, v44;
	v49 =	vmul.f32 $2.000000030e-01, v48;
	v52 =	vadd.f32 v41, v37;
	v41 =	vld [tilespmem:s23+$0x270]  }
0xff: {  	v33 =	vadd.f32 v33, v46;
	v54 =	vmul.f32 v44, v7;
	v46 =	vld [tilespmem:s23+$0x2270];
	v47 =	vadd.f32 v47, v53  }
0x100: {  	v48 =	vmax.f32 v48, v49;
	v49 =	vmul.f32 $2.000000030e-01, v52;
	v51 =	vadd.f32 v51, v38  }
0x101: {  	v33 =	vadd.f32 v54, v33;
	v48 =	vmul.f32 v48, v8;
	v53 =	vperm.xlane v47, v2  }
0x102: {  	v49 =	vmax.f32 v52, v49;
	v52 =	vmul.f32 $2.000000030e-01, v51;
	v50 =	vadd.f32 v50, v40;
	v44 =	vpop (erf)  }
0x103: {  	v33 =	vadd.f32 v48, v33;
	v48 =	vmul.f32 v49, v9;
	v49 =	vadd.f32 v47, v53  }
.Ltmp4:
0x104: {  	v47 =	vmax.f32 v51, v52;
	v51 =	vmul.f32 $2.000000030e-01, v50;
	v52 =	vadd.f32 v46, v41;
	(pc) =	sbr.rel @!p1 .LBB2_6-.Ltmp4, $4  }
0x105: {  	v33 =	vadd.f32 v48, v33;
	v46 =	vmul.f32 v47, v10;
	v48 =	vperm.xlane v49, v3  }
0x106: {  	v47 =	vmax.f32 v50, v51;
	v50 =	vmul.f32 $2.000000030e-01, v52;
	v51 =	vmul.f32 v44, v19;
	v19 =	vmovc v45  }
0x107: {  	s17 =	sshra.s32 s9, $0x2;
	v45 =	vadd.f32 v46, v33;
	v47 =	vmul.f32 v47, v11;
	v46 =	vadd.f32 v49, v48  }
0x108: {  	s9 =	sadd.s32 $0x400, s9;
	v49 =	vmul.f32 v44, v43;
	v33 =	vld [tilespmem:s17+$0x280];
	v48 =	vmax.f32 v52, v50;
	[tilespmem:s24+$0x8200] =	vst v51;
	v50 =	vmul.f32 v44, v42  }
0x109: {  	v43 =	vld [tilespmem:s17+$0x2280]  }
0x10a: {  	v42 =	vld [tilespmem:s17+$0x290];
	v51 =	vmul.f32 v44, v27;
	[tilespmem:s24+$0x8210] =	vst v50  }
0x10b: {  	v29 =	vmul.f32 v44, v29;
	v56 =	vperm.xlane v46, v4;
	v50 =	vld [tilespmem:s17+$0x2290];
	[tilespmem:s24+$0x8220] =	vst v49  }
0x10c: {  	v55 =	vmul.f32 v44, v28;
	v27 =	vld [tilespmem:s17+$0x2A0];
	[tilespmem:s24+$0x8230] =	vst v51  }
0x10d: {  	v31 =	vmul.f32 v44, v31;
	v49 =	vld [tilespmem:s17+$0x22A0];
	[tilespmem:s24+$0x8240] =	vst v29;
	v29 =	vmul.f32 v44, v30;
	v44 =	vadd.f32 v46, v56;
	_ =	sdelay $0x1  }
0x10e: {  	v28 =	vld [tilespmem:s17+$0x2B0];
	[tilespmem:s24+$0x8250] =	vst v55;
	v44 =	vmul.f32 $1.442695020e+00, v44  }
0x10f: {  	v20 =	vmul.f32 v39, v20;
	v30 =	vld [tilespmem:s17+$0x22B0];
	[tilespmem:s24+$0x8260] =	vst v29  }
0x110: {  	v21 =	vmul.f32 v39, v21;
	v29 =	vld [tilespmem:s17+$0x2C0];
	[tilespmem:s24+$0x8270] =	vst v31;
	(erf) = vpow2.f32 v44  }
0x111: {  	v22 =	vmul.f32 v39, v22;
	v31 =	vld [tilespmem:s17+$0x22C0];
	[tilespmem:s24+$0x8290] =	vst v20  }
0x112: {  	v24 =	vmul.f32 v39, v24;
	v43 =	vadd.f32 v43, v33;
	v20 =	vld [tilespmem:s17+$0x2D0];
	[tilespmem:s24+$0x82A0] =	vst v21  }
0x113: {  	v57 =	vmul.f32 v48, v12;
	v25 =	vmul.f32 v39, v25;
	v46 =	vld [tilespmem:s17+$0x22D0];
	[tilespmem:s24+$0x82B0] =	vst v22;
	v22 =	vadd.f32 v47, v45  }
0x114: {  	v26 =	vmul.f32 v39, v26;
	v59 =	vmul.f32 $2.000000030e-01, v43;
	v21 =	vld [tilespmem:s17+$0x2E0];
	[tilespmem:s24+$0x82C0] =	vst v24  }
0x115: {  	v24 =	vadd.f32 v57, v22;
	v44 =	vld [tilespmem:s17+$0x22E0];
	[tilespmem:s24+$0x82D0] =	vst v25  }
0x116: {  	v61 =	vadd.f32 v49, v27;
	v22 =	vld [tilespmem:s17+$0x2F0];
	[tilespmem:s24+$0x82E0] =	vst v26;
	v26 =	vmax.f32 v43, v59  }
0x117: {  	v58 =	vadd.f32 v50, v42;
	v25 =	vperm.xlane v24, v1  }
0x118: {  	v56 =	vmul.f32 $2.000000030e-01, v61;
	v52 =	vadd.f32 v30, v28;
	v48 =	vld [tilespmem:s17+$0x22F0]  }
0x119: {  	v63 =	vmul.f32 v26, v5;
	v50 =	vld [tilespmem:s17+$0x2200];
	v60 =	vadd.f32 v24, v25;
	v25 =	vmul.f32 $2.000000030e-01, v58;
	v26 =	vpop (erf)  }
0x11a: {  	v43 =	vmax.f32 v61, v56;
	v59 =	vmul.f32 $2.000000030e-01, v52;
	v47 =	vld [tilespmem:s17+$0x2210];
	v30 =	vmul.f32 v26, v34  }
0x11b: {  	v43 =	vmul.f32 v43, v7;
	v24 =	vld [tilespmem:s17+$0x200];
	v62 =	vperm.xlane v60, v2;
	v39 =	vmax.f32 v58, v25  }
0x11c: {  	v61 =	vmax.f32 v52, v59;
	v25 =	vld [tilespmem:s17+$0x210];
	v58 =	vadd.f32 $0.0e+00, v63;
	v39 =	vmul.f32 v39, v6;
	[tilespmem:s23+$0x82F0] =	vst v30  }
0x11d: {  	v55 =	vmul.f32 v61, v8;
	v44 =	vadd.f32 v44, v21;
	v57 =	vadd.f32 v60, v62;
	v30 =	vld [tilespmem:s17+$0x220]  }
0x11e: {  	v23 =	vmul.f32 v26, v23;
	v60 =	vadd.f32 v31, v29;
	v39 =	vadd.f32 v39, v58;
	v63 =	vld [tilespmem:s17+$0x2220]  }
0x11f: {  	v46 =	vadd.f32 v46, v20;
	v54 =	vmul.f32 $2.000000030e-01, v44;
	v58 =	vld [tilespmem:s17+$0x2230];
	v31 =	vperm.xlane v57, v3  }
0x120: {  	v50 =	vadd.f32 v50, v24;
	v45 =	vld [tilespmem:s17+$0x240];
	v62 =	vmul.f32 $2.000000030e-01, v60;
	v39 =	vadd.f32 v43, v39  }
0x121: {  	v44 =	vmax.f32 v44, v54;
	v47 =	vadd.f32 v47, v25;
	v34 =	vadd.f32 v57, v31;
	v31 =	vld [tilespmem:s17+$0x230]  }
0x122: {  	v53 =	vld [tilespmem:s17+$0x2240];
	v56 =	vmax.f32 v60, v62;
	v57 =	vmul.f32 $2.000000030e-01, v46;
	v60 =	vmul.f32 $2.000000030e-01, v50  }
0x123: {  	v39 =	vadd.f32 v55, v39;
	v59 =	vmul.f32 v56, v9;
	v62 =	vmul.f32 $2.000000030e-01, v47  }
0x124: {  	v55 =	vld [tilespmem:s17+$0x2250];
	v46 =	vmax.f32 v46, v57;
	v49 =	vmax.f32 v50, v60;
	v52 =	vadd.f32 v63, v30  }
0x125: {  	v39 =	vadd.f32 v59, v39;
	v61 =	vmul.f32 v46, v10;
	v46 =	vld [tilespmem:s17+$0x250];
	v49 =	vmul.f32 v49, v5  }
0x126: {  	v54 =	vld [tilespmem:s17+$0x260];
	v47 =	vmax.f32 v47, v62;
	v63 =	vmul.f32 $2.000000030e-01, v52;
	v51 =	vadd.f32 v58, v31  }
0x127: {  	v56 =	vld [tilespmem:s17+$0x2260];
	[tilespmem:s23+$0x8280] =	vst v23;
	v62 =	vadd.f32 v53, v45;
	v47 =	vmul.f32 v47, v6;
	v60 =	vadd.f32 $0.0e+00, v49  }
0x128: {  	v39 =	vadd.f32 v61, v39;
	v23 =	vmax.f32 v52, v63;
	v52 =	vld [tilespmem:s17+$0x270];
	v61 =	vmul.f32 $2.000000030e-01, v51  }
0x129: {  	v48 =	vadd.f32 v48, v22;
	v43 =	vadd.f32 v47, v60;
	v23 =	vmul.f32 v23, v7;
	v47 =	vld [tilespmem:s17+$0x2270]  }
0x12a: {  	v63 =	vmul.f32 $2.000000030e-01, v62;
	v57 =	vadd.f32 v55, v46;
	v49 =	vmax.f32 v51, v61  }
0x12b: {  	v44 =	vmul.f32 v44, v11;
	v23 =	vadd.f32 v23, v43;
	v49 =	vmul.f32 v49, v8  }
0x12c: {  	v60 =	vadd.f32 v56, v54;
	v50 =	vmax.f32 v62, v63;
	v59 =	vmul.f32 $2.000000030e-01, v57  }
0x12d: {  	v58 =	vmul.f32 $2.000000030e-01, v48;
	v61 =	vmul.f32 v50, v9;
	v23 =	vadd.f32 v49, v23  }
0x12e: {  	v63 =	vmul.f32 $2.000000030e-01, v60;
	v62 =	vmax.f32 v57, v59;
	v47 =	vadd.f32 v47, v52  }
0x12f: {  	v39 =	vadd.f32 v44, v39;
	v53 =	vmul.f32 v62, v10;
	v23 =	vadd.f32 v61, v23  }
0x130: {  	v43 =	vmax.f32 v48, v58;
	v56 =	vmax.f32 v60, v63;
	v57 =	vmul.f32 $2.000000030e-01, v47  }
0x131: {  	v43 =	vmul.f32 v43, v12;
	v44 =	vmul.f32 v56, v11;
	v23 =	vadd.f32 v53, v23  }
0x132: {  	v58 =	vperm.xlane v34, v4;
	v47 =	vmax.f32 v47, v57  }
0x133: {  	v39 =	vadd.f32 v43, v39;
	v59 =	vmul.f32 v47, v12;
	v23 =	vadd.f32 v44, v23;
	_ =	sdelay $0x1  }
0x134: {  	v34 =	vadd.f32 v34, v58;
	v60 =	vperm.xlane v39, v1;
	v23 =	vadd.f32 v59, v23;
	_ =	sdelay $0x1  }
0x135: {  	v34 =	vmul.f32 $1.442695020e+00, v34;
	v39 =	vadd.f32 v39, v60;
	v43 =	vperm.xlane v23, v1;
	_ =	sdelay $0x1  }
0x136: {  	(erf) = vpow2.f32 v34;
	v61 =	vperm.xlane v39, v2;
	v23 =	vadd.f32 v23, v43;
	_ =	sdelay $0x1  }
0x137: {  	v34 =	vadd.f32 v39, v61;
	v62 =	vperm.xlane v23, v2;
	_ =	sdelay $0x1  }
0x138: {  	v63 =	vperm.xlane v34, v3;
	v23 =	vadd.f32 v23, v62;
	_ =	sdelay $0x1  }
0x139: {  	v34 =	vadd.f32 v34, v63;
	v39 =	vperm.xlane v23, v3;
	_ =	sdelay $0x1  }
0x13a: {  	v43 =	vperm.xlane v34, v4;
	v23 =	vadd.f32 v23, v39  }
0x13b: {  	v47 =	vpop (erf)  }
0x13c: {  	v19 =	vmul.f32 v47, v19;
	v34 =	vadd.f32 v34, v43;
	v48 =	vperm.xlane v23, v4  }
0x13d: {  	v14 =	vmul.f32 v26, v14  }
0x13e: {  	[tilespmem:s23+$0x8200] =	vst v19;
	v19 =	vmul.f32 v47, v35;
	v34 =	vmul.f32 $1.442695020e+00, v34;
	v23 =	vadd.f32 v23, v48  }
0x13f: {  	v13 =	vmul.f32 v26, v13;
	v17 =	vmul.f32 v26, v17;
	[tilespmem:s23+$0x8290] =	vst v14  }
0x140: {  	[tilespmem:s23+$0x8220] =	vst v19;
	(erf) = vpow2.f32 v34;
	v19 =	vmul.f32 $1.442695020e+00, v23  }
0x141: {  	v16 =	vmul.f32 v26, v16;
	[tilespmem:s23+$0x82A0] =	vst v13  }
0x142: {  	v14 =	vmul.f32 v26, v15;
	[tilespmem:s23+$0x82B0] =	vst v17;
	(erf) = vpow2.f32 v19  }
0x143: {  	v13 =	vmul.f32 v26, v18;
	[tilespmem:s23+$0x82E0] =	vst v16  }
0x144: {  	[tilespmem:s23+$0x82C0] =	vst v14;
	v32 =	vmul.f32 v47, v32  }
0x145: {  	[tilespmem:s23+$0x82D0] =	vst v13;
	v49 =	vmul.f32 v47, v36  }
0x146: {  	v50 =	vmul.f32 v47, v37;
	[tilespmem:s23+$0x8210] =	vst v32  }
0x147: {  	v51 =	vmul.f32 v47, v40;
	[tilespmem:s23+$0x8230] =	vst v49  }
0x148: {  	[tilespmem:s23+$0x8240] =	vst v50;
	v23 =	vmul.f32 v47, v38  }
0x149: {  	[tilespmem:s23+$0x8260] =	vst v51;
	v19 =	vmul.f32 v47, v41;
	v15 =	vpop (erf)  }
0x14a: {  	[tilespmem:s23+$0x8250] =	vst v23;
	v13 =	vmul.f32 v15, v22  }
0x14b: {  	[tilespmem:s23+$0x8270] =	vst v19;
	v14 =	vmul.f32 v15, v33;
	v16 =	vpop (erf)  }
0x14c: {  	[tilespmem:s17+$0x82F0] =	vst v13;
	v13 =	vmul.f32 v16, v24  }
0x14d: {  	[tilespmem:s17+$0x8280] =	vst v14;
	v14 =	vmul.f32 v16, v25  }
0x14e: {  	v17 =	vmul.f32 v16, v45;
	[tilespmem:s17+$0x8200] =	vst v13  }
0x14f: {  	v13 =	vmul.f32 v16, v30;
	[tilespmem:s17+$0x8210] =	vst v14  }
0x150: {  	v14 =	vmul.f32 v16, v31;
	[tilespmem:s17+$0x8240] =	vst v17  }
0x151: {  	[tilespmem:s17+$0x8220] =	vst v13;
	v13 =	vmul.f32 v16, v46  }
0x152: {  	[tilespmem:s17+$0x8230] =	vst v14;
	v14 =	vmul.f32 v16, v54  }
0x153: {  	v16 =	vmul.f32 v16, v52;
	[tilespmem:s17+$0x8250] =	vst v13  }
0x154: {  	v13 =	vmul.f32 v15, v42;
	[tilespmem:s17+$0x8260] =	vst v14  }
0x155: {  	v14 =	vmul.f32 v15, v27;
	[tilespmem:s17+$0x8270] =	vst v16  }
0x156: {  	v16 =	vmul.f32 v15, v28;
	[tilespmem:s17+$0x8290] =	vst v13  }
0x157: {  	v13 =	vmul.f32 v15, v29;
	[tilespmem:s17+$0x82A0] =	vst v14  }
0x158: {  	v14 =	vmul.f32 v15, v20;
	[tilespmem:s17+$0x82B0] =	vst v16  }
0x159: {  	v15 =	vmul.f32 v15, v21;
	[tilespmem:s17+$0x82C0] =	vst v13  }
0x15a: {  	[tilespmem:s17+$0x82D0] =	vst v14  }
0x15b: {  	[tilespmem:s17+$0x82E0] =	vst v15  }
0x15c: {  	[spmem:s3] =	stream.indirect.scatter.add.f32 [tilespmem:s25], [sflag:$0x3], $0x80, s29, s30, $0xb8;
	[tilespmem:$0x1FE80] =	vst v63  }
0x15d: {  	_ =	swait.ge [sflag:s13], $0x2000  }
0x15e: {  	[sflag:s13] =	ssyncset.done $0x0  }
0x15f: {  	[sflag:s13] =	ssyncadd.s32 $0xFFFFE000  }
0x160: {  	_ =	swait.ge [sflag:s13], $0x2000  }
0x161: {  	[sflag:s13] =	ssyncset.done $0x0  }
0x162: {  	s24 =	simm.s32 $0x0;
	[sflag:s13] =	ssyncadd.s32 $0xFFFFE000  }
0x163: {  	v40 =	vld [tilespmem:s24+$0x4280]  }
0x164: {  	v13 =	vld [tilespmem:s24+$0x6280]  }
0x165: {  	v20 =	vld [tilespmem:s24+$0x4290]  }
0x166: {  	v14 =	vld [tilespmem:s24+$0x6290]  }
0x167: {  	v21 =	vld [tilespmem:s24+$0x42A0]  }
0x168: {  	v15 =	vld [tilespmem:s24+$0x62A0]  }
0x169: {  	v22 =	vld [tilespmem:s24+$0x42B0];
	v13 =	vadd.f32 v13, v40  }
0x16a: {  	v16 =	vld [tilespmem:s24+$0x62B0]  }
0x16b: {  	v24 =	vld [tilespmem:s24+$0x42C0];
	v14 =	vadd.f32 v14, v20;
	v17 =	vmul.f32 $2.000000030e-01, v13  }
0x16c: {  	v18 =	vld [tilespmem:s24+$0x62C0]  }
0x16d: {  	v25 =	vld [tilespmem:s24+$0x42D0];
	v15 =	vadd.f32 v15, v21;
	v13 =	vmax.f32 v13, v17;
	v17 =	vmul.f32 $2.000000030e-01, v14  }
0x16e: {  	v19 =	vld [tilespmem:s24+$0x62D0];
	v13 =	vmul.f32 v13, v5  }
0x16f: {  	v26 =	vld [tilespmem:s24+$0x42E0];
	v16 =	vadd.f32 v16, v22;
	v14 =	vmax.f32 v14, v17;
	v17 =	vmul.f32 $2.000000030e-01, v15  }
0x170: {  	v23 =	vld [tilespmem:s24+$0x62E0];
	v13 =	vadd.f32 $0.0e+00, v13;
	v14 =	vmul.f32 v14, v6  }
0x171: {  	v32 =	vld [tilespmem:s24+$0x42F0];
	v18 =	vadd.f32 v18, v24;
	v15 =	vmax.f32 v15, v17;
	v17 =	vmul.f32 $2.000000030e-01, v16  }
0x172: {  	v13 =	vadd.f32 v14, v13;
	v14 =	vmul.f32 v15, v7;
	v15 =	vld [tilespmem:s24+$0x62F0]  }
0x173: {  	v33 =	vld [tilespmem:s24+$0x4200];
	v19 =	vadd.f32 v19, v25;
	v16 =	vmax.f32 v16, v17;
	v17 =	vmul.f32 $2.000000030e-01, v18  }
0x174: {  	v27 =	vld [tilespmem:s24+$0x6200];
	v13 =	vadd.f32 v14, v13;
	v14 =	vmul.f32 v16, v8  }
0x175: {  	v42 =	vld [tilespmem:s24+$0x4210];
	v16 =	vmax.f32 v18, v17;
	v17 =	vmul.f32 $2.000000030e-01, v19;
	v18 =	vadd.f32 v23, v26  }
0x176: {  	v43 =	vld [tilespmem:s24+$0x4220];
	v13 =	vadd.f32 v14, v13;
	v14 =	vmul.f32 v16, v9  }
0x177: {  	v23 =	vld [tilespmem:s24+$0x6210];
	v16 =	vmax.f32 v19, v17;
	v17 =	vmul.f32 $2.000000030e-01, v18;
	v15 =	vadd.f32 v15, v32  }
0x178: {  	v19 =	vld [tilespmem:s24+$0x6220];
	v13 =	vadd.f32 v14, v13;
	v14 =	vmul.f32 v16, v10  }
0x179: {  	v30 =	vld [tilespmem:s24+$0x6230];
	v16 =	vadd.f32 v27, v33;
	v17 =	vmax.f32 v18, v17;
	v18 =	vmul.f32 $2.000000030e-01, v15  }
0x17a: {  	v29 =	vld [tilespmem:s24+$0x4240];
	v13 =	vadd.f32 v14, v13;
	v14 =	vmul.f32 v17, v11  }
0x17b: {  	v27 =	vld [tilespmem:s24+$0x4230];
	v17 =	vmul.f32 $2.000000030e-01, v16;
	v15 =	vmax.f32 v15, v18  }
0x17c: {  	v28 =	vld [tilespmem:s24+$0x4250];
	v18 =	vadd.f32 v23, v42;
	v13 =	vadd.f32 v14, v13;
	v14 =	vmul.f32 v15, v12  }
0x17d: {  	v23 =	vld [tilespmem:s24+$0x6240];
	v15 =	vadd.f32 v19, v43  }
0x17e: {  	v16 =	vmax.f32 v16, v17;
	v19 =	vld [tilespmem:s24+$0x6250];
	v17 =	vmul.f32 $2.000000030e-01, v18;
	v13 =	vadd.f32 v14, v13  }
0x17f: {  	v14 =	vmul.f32 v16, v5;
	v16 =	vmul.f32 $2.000000030e-01, v15  }
0x180: {  	v53 =	vld [tilespmem:s24+$0x6260];
	v17 =	vmax.f32 v18, v17;
	v18 =	vadd.f32 v30, v27;
	v52 =	vperm.xlane v13, v1  }
0x181: {  	v30 =	vld [tilespmem:s24+$0x4260];
	v14 =	vadd.f32 $0.0e+00, v14;
	v17 =	vmul.f32 v17, v6;
	v15 =	vmax.f32 v15, v16  }
0x182: {  	v31 =	vld [tilespmem:s24+$0x4270];
	v23 =	vadd.f32 v23, v29;
	v16 =	vmul.f32 $2.000000030e-01, v18;
	v13 =	vadd.f32 v13, v52  }
0x183: {  	v15 =	vmul.f32 v15, v7;
	v19 =	vadd.f32 v19, v28;
	v14 =	vadd.f32 v17, v14;
	v17 =	vld [tilespmem:s24+$0x6270]  }
0x184: {  	v16 =	vmax.f32 v18, v16;
	v18 =	vmul.f32 $2.000000030e-01, v23;
	v34 =	vperm.xlane v13, v2  }
0x185: {  	v14 =	vadd.f32 v15, v14;
	v15 =	vmul.f32 v16, v8;
	v16 =	vmul.f32 $2.000000030e-01, v19  }
0x186: {  	v18 =	vmax.f32 v23, v18;
	v23 =	vadd.f32 v53, v30;
	v13 =	vadd.f32 v13, v34  }
0x187: {  	v14 =	vadd.f32 v15, v14;
	v15 =	vmul.f32 v18, v9;
	v16 =	vmax.f32 v19, v16  }
0x188: {  	s23 =	simm.s32 $0x100;
	v18 =	vmul.f32 $2.000000030e-01, v23;
	v17 =	vadd.f32 v17, v31;
	v19 =	vperm.xlane v13, v3  }
0x189: {  	v54 =	vld [tilespmem:s23+$0x6290];
	v14 =	vadd.f32 v15, v14;
	v15 =	vmul.f32 v16, v10  }
0x18a: {  	v16 =	vmax.f32 v23, v18;
	v18 =	vmul.f32 $2.000000030e-01, v17;
	v23 =	vld [tilespmem:s23+$0x4280];
	v13 =	vadd.f32 v13, v19  }
0x18b: {  	v15 =	vadd.f32 v15, v14;
	v16 =	vmul.f32 v16, v11;
	v19 =	vld [tilespmem:s23+$0x6280]  }
0x18c: {  	v14 =	vld [tilespmem:s23+$0x4290];
	v17 =	vmax.f32 v17, v18;
	v18 =	vperm.xlane v13, v4  }
0x18d: {  	v55 =	vld [tilespmem:s23+$0x62A0];
	v15 =	vadd.f32 v16, v15;
	v16 =	vmul.f32 v17, v12  }
0x18e: {  	v56 =	vld [tilespmem:s23+$0x62B0];
	v17 =	vadd.f32 v13, v18  }
0x18f: {  	v58 =	vld [tilespmem:s23+$0x62C0];
	v16 =	vadd.f32 v16, v15  }
0x190: {  	v13 =	vld [tilespmem:s23+$0x42A0];
	v15 =	vmul.f32 $1.442695020e+00, v17  }
0x191: {  	v19 =	vadd.f32 v19, v23;
	v34 =	vadd.f32 v54, v14;
	v17 =	vld [tilespmem:s23+$0x42B0];
	v18 =	vperm.xlane v16, v1  }
0x192: {  	v60 =	vld [tilespmem:s23+$0x62D0];
	(erf) = vpow2.f32 v15  }
0x193: {  	v61 =	vmul.f32 $2.000000030e-01, v34;
	v15 =	vld [tilespmem:s23+$0x42C0];
	v57 =	vadd.f32 v16, v18;
	v16 =	vmul.f32 $2.000000030e-01, v19  }
0x194: {  	v18 =	vld [tilespmem:s23+$0x42D0]  }
0x195: {  	v54 =	vld [tilespmem:s23+$0x62F0];
	v35 =	vadd.f32 v55, v13;
	v62 =	vmax.f32 v34, v61;
	v19 =	vmax.f32 v19, v16  }
0x196: {  	v34 =	vld [tilespmem:s23+$0x42F0];
	v59 =	vperm.xlane v57, v2;
	v19 =	vmul.f32 v19, v5;
	v36 =	vadd.f32 v56, v17  }
0x197: {  	v45 =	vld [tilespmem:s23+$0x62E0];
	v39 =	vmul.f32 v62, v6;
	v63 =	vmul.f32 $2.000000030e-01, v35  }
0x198: {  	v16 =	vld [tilespmem:s23+$0x42E0];
	v37 =	vadd.f32 v57, v59;
	v52 =	vadd.f32 $0.0e+00, v19;
	v53 =	vmul.f32 $2.000000030e-01, v36  }
0x199: {  	v35 =	vmax.f32 v35, v63;
	v38 =	vadd.f32 v58, v15;
	v41 =	vadd.f32 v60, v18  }
0x19a: {  	v55 =	vperm.xlane v37, v3;
	v35 =	vmul.f32 v35, v7;
	v56 =	vadd.f32 v39, v52  }
0x19b: {  	v57 =	vld [tilespmem:s23+$0x6200];
	v48 =	vadd.f32 v54, v34;
	v36 =	vmax.f32 v36, v53;
	v58 =	vmul.f32 $2.000000030e-01, v38;
	v39 =	vpop (erf)  }
0x19c: {  	v19 =	vld [tilespmem:s23+$0x4200];
	v36 =	vmul.f32 v36, v8;
	v35 =	vadd.f32 v35, v56;
	v59 =	vmul.f32 v39, v32  }
0x19d: {  	v60 =	vld [tilespmem:s23+$0x6210];
	v61 =	vmul.f32 $2.000000030e-01, v41;
	v45 =	vadd.f32 v45, v16;
	v38 =	vmax.f32 v38, v58  }
0x19e: {  	v37 =	vadd.f32 v37, v55;
	v32 =	vld [tilespmem:s23+$0x4210];
	v38 =	vmul.f32 v38, v9;
	v36 =	vadd.f32 v36, v35;
	[tilespmem:s24+$0xA2F0] =	vst v59  }
0x19f: {  	v63 =	vmul.f32 $2.000000030e-01, v48;
	v41 =	vmax.f32 v41, v61;
	v62 =	vmul.f32 $2.000000030e-01, v45;
	v35 =	vld [tilespmem:s23+$0x4220]  }
0x1a0: {  	v49 =	vperm.xlane v37, v4;
	v41 =	vmul.f32 v41, v10;
	v50 =	vld [tilespmem:s23+$0x6220];
	v38 =	vadd.f32 v38, v36  }
0x1a1: {  	v46 =	vadd.f32 v57, v19;
	v47 =	vmax.f32 v48, v63;
	v45 =	vmax.f32 v45, v62;
	v36 =	vld [tilespmem:s23+$0x4230]  }
0x1a2: {  	v37 =	vadd.f32 v37, v49;
	v55 =	vmul.f32 v45, v11;
	v54 =	vld [tilespmem:s23+$0x6230];
	v38 =	vadd.f32 v41, v38  }
0x1a3: {  	v47 =	vmul.f32 v47, v12;
	v57 =	vmul.f32 $2.000000030e-01, v46;
	v58 =	vld [tilespmem:s23+$0x6240];
	v44 =	vadd.f32 v60, v32  }
0x1a4: {  	v62 =	vmul.f32 v39, v40;
	v56 =	vmul.f32 $1.442695020e+00, v37;
	v37 =	vld [tilespmem:s23+$0x4240];
	v41 =	vadd.f32 v55, v38  }
0x1a5: {  	v61 =	vld [tilespmem:s23+$0x6250];
	v59 =	vmax.f32 v46, v57;
	v60 =	vmul.f32 $2.000000030e-01, v44;
	v50 =	vadd.f32 v50, v35  }
0x1a6: {  	v45 =	vmul.f32 v59, v5;
	(erf) = vpow2.f32 v56;
	v38 =	vld [tilespmem:s23+$0x4250];
	v47 =	vadd.f32 v47, v41  }
0x1a7: {  	v40 =	vld [tilespmem:s23+$0x4260];
	v49 =	vadd.f32 v54, v36;
	v44 =	vmax.f32 v44, v60;
	v63 =	vmul.f32 $2.000000030e-01, v50  }
0x1a8: {  	v52 =	vld [tilespmem:s23+$0x6260];
	v45 =	vadd.f32 $0.0e+00, v45;
	[tilespmem:s24+$0xA280] =	vst v62;
	v44 =	vmul.f32 v44, v6;
	v56 =	vperm.xlane v47, v1  }
0x1a9: {  	v59 =	vld [tilespmem:s23+$0x6270];
	v48 =	vadd.f32 v58, v37;
	v57 =	vmul.f32 $2.000000030e-01, v49;
	v46 =	vmax.f32 v50, v63  }
0x1aa: {  	v41 =	vld [tilespmem:s23+$0x4270];
	v44 =	vadd.f32 v44, v45;
	v58 =	vmul.f32 v46, v7;
	v47 =	vadd.f32 v47, v56  }
0x1ab: {  	v60 =	vmul.f32 $2.000000030e-01, v48;
	v49 =	vmax.f32 v49, v57;
	v51 =	vadd.f32 v61, v38  }
0x1ac: {  	v61 =	vmul.f32 v49, v8;
	v44 =	vadd.f32 v58, v44;
	v62 =	vperm.xlane v47, v2  }
0x1ad: {  	v52 =	vadd.f32 v52, v40;
	v48 =	vmax.f32 v48, v60;
	v63 =	vmul.f32 $2.000000030e-01, v51  }
0x1ae: {  	v48 =	vmul.f32 v48, v9;
	v45 =	vadd.f32 v61, v44;
	v49 =	vadd.f32 v47, v62  }
0x1af: {  	v57 =	vmul.f32 $2.000000030e-01, v52;
	v58 =	vadd.f32 v59, v41;
	v56 =	vmax.f32 v51, v63  }
0x1b0: {  	v59 =	vmul.f32 v56, v10;
	v44 =	vpop (erf);
	v45 =	vadd.f32 v48, v45;
	v60 =	vperm.xlane v49, v3  }
0x1b1: {  	v61 =	vmax.f32 v52, v57;
	v62 =	vmul.f32 $2.000000030e-01, v58;
	v63 =	vmul.f32 v44, v33  }
0x1b2: {  	s17 =	simm.s32 $0x200;
	v47 =	vmul.f32 v61, v11;
	v45 =	vadd.f32 v59, v45;
	v46 =	vadd.f32 v49, v60  }
0x1b3: {  	s9 =	simm.s32 $0xC00;
	v48 =	vmax.f32 v58, v62;
	v33 =	vld [tilespmem:s17+$0x4280];
	v50 =	vmul.f32 v44, v42;
	v49 =	vmul.f32 v44, v43;
	[tilespmem:s24+$0xA200] =	vst v63  }
.LBB2_8:
0x1b4: {  	p1 =	seq.s32 s9, $0x7C00;
	v51 =	vld [tilespmem:s17+$0x6280];
	v45 =	vadd.f32 v47, v45;
	v47 =	vmul.f32 v48, v12;
	v48 =	vperm.xlane v46, v4;
	v42 =	vmovc v32  }
0x1b5: {  	v52 =	vmul.f32 v44, v29;
	v43 =	vmovc v35;
	v32 =	vld [tilespmem:s17+$0x4290];
	[tilespmem:s24+$0xA210] =	vst v50;
	v50 =	vmul.f32 v44, v27;
	v27 =	vmov v36  }
0x1b6: {  	v35 =	vld [tilespmem:s17+$0x6290];
	v36 =	vadd.f32 v47, v45;
	v45 =	vadd.f32 v46, v48;
	[tilespmem:s24+$0xA220] =	vst v49;
	v46 =	vmul.f32 v44, v28  }
0x1b7: {  	v29 =	vmovc v37;
	v48 =	vmul.f32 v44, v30;
	v44 =	vmul.f32 v44, v31;
	v28 =	vmov v38;
	v47 =	vld [tilespmem:s17+$0x42A0];
	[tilespmem:s24+$0xA230] =	vst v50  }
0x1b8: {  	v30 =	vmovc v40;
	v31 =	vmov v41;
	v37 =	vld [tilespmem:s17+$0x62A0];
	v38 =	vperm.xlane v36, v1;
	v45 =	vmul.f32 $1.442695020e+00, v45;
	[tilespmem:s24+$0xA240] =	vst v52  }
0x1b9: {  	v49 =	vmul.f32 v39, v21;
	v40 =	vadd.f32 v51, v33;
	v41 =	vld [tilespmem:s17+$0x42B0];
	[tilespmem:s24+$0xA250] =	vst v46;
	v46 =	vmul.f32 v39, v20  }
0x1ba: {  	v20 =	vmovc v14;
	v50 =	vld [tilespmem:s17+$0x62B0];
	v36 =	vadd.f32 v36, v38;
	(erf) = vpow2.f32 v45;
	[tilespmem:s24+$0xA260] =	vst v48;
	v38 =	vmul.f32 v39, v22  }
0x1bb: {  	v24 =	vmul.f32 v39, v24;
	v14 =	vmovc v32;
	v48 =	vmul.f32 $2.000000030e-01, v40;
	v35 =	vadd.f32 v35, v32;
	v45 =	vld [tilespmem:s17+$0x42C0];
	[tilespmem:s24+$0xA270] =	vst v44  }
0x1bc: {  	v25 =	vmul.f32 v39, v25;
	v21 =	vmovc v13;
	v32 =	vld [tilespmem:s17+$0x62C0];
	v44 =	vperm.xlane v36, v2;
	[tilespmem:s24+$0xA290] =	vst v46;
	v13 =	vmov v47  }
0x1bd: {  	v22 =	vmovc v17;
	v40 =	vmax.f32 v40, v48;
	v46 =	vmul.f32 $2.000000030e-01, v35;
	v37 =	vadd.f32 v37, v13;
	v47 =	vld [tilespmem:s17+$0x42D0];
	[tilespmem:s24+$0xA2A0] =	vst v49  }
0x1be: {  	v26 =	vmul.f32 v39, v26;
	v40 =	vmul.f32 v40, v5;
	v48 =	vld [tilespmem:s17+$0x62D0];
	v36 =	vadd.f32 v36, v44;
	[tilespmem:s24+$0xA2B0] =	vst v38  }
0x1bf: {  	v17 =	vmovc v41;
	v35 =	vmax.f32 v35, v46;
	v38 =	vmul.f32 $2.000000030e-01, v37;
	v39 =	vadd.f32 v50, v41;
	v44 =	vld [tilespmem:s17+$0x42E0];
	[tilespmem:s24+$0xA2C0] =	vst v24  }
0x1c0: {  	v24 =	vmovc v15;
	v40 =	vadd.f32 $0.0e+00, v40;
	v35 =	vmul.f32 v35, v6;
	v41 =	vld [tilespmem:s17+$0x62E0];
	v46 =	vperm.xlane v36, v3;
	[tilespmem:s24+$0xA2D0] =	vst v25  }
0x1c1: {  	v15 =	vmovc v45;
	v50 =	vmax.f32 v37, v38;
	v37 =	vmul.f32 $2.000000030e-01, v39;
	v38 =	vadd.f32 v32, v45;
	v49 =	vld [tilespmem:s17+$0x42F0];
	[tilespmem:s24+$0xA2E0] =	vst v26;
	s24 =	smov.u32 s23;
	s23 =	smov.u32 s17  }
0x1c2: {  	v25 =	vmovc v18;
	v52 =	vadd.f32 v35, v40;
	v32 =	vmul.f32 v50, v7;
	v40 =	vld [tilespmem:s23+$0x62F0];
	v36 =	vadd.f32 v36, v46  }
0x1c3: {  	v45 =	vld [tilespmem:s23+$0x4200];
	v51 =	vmax.f32 v39, v37;
	v35 =	vmul.f32 $2.000000030e-01, v38;
	v37 =	vadd.f32 v48, v47;
	v39 =	vpop (erf)  }
0x1c4: {  	v18 =	vmovc v47;
	v46 =	vld [tilespmem:s23+$0x6200];
	v48 =	vadd.f32 v32, v52;
	v50 =	vmul.f32 v51, v8;
	v51 =	vmul.f32 v39, v34  }
0x1c5: {  	v26 =	vmovc v16;
	v16 =	vmovc v44;
	v32 =	vld [tilespmem:s23+$0x4210];
	v35 =	vmax.f32 v38, v35;
	v38 =	vmul.f32 $2.000000030e-01, v37;
	v41 =	vadd.f32 v41, v44  }
0x1c6: {  	v44 =	vld [tilespmem:s23+$0x6210];
	v47 =	vadd.f32 v50, v48;
	v48 =	vmul.f32 v35, v9;
	v50 =	vperm.xlane v36, v4;
	[tilespmem:s24+$0xA2F0] =	vst v51  }
0x1c7: {  	v34 =	vmovc v49;
	v35 =	vld [tilespmem:s23+$0x4220];
	v37 =	vmax.f32 v37, v38;
	v38 =	vmul.f32 $2.000000030e-01, v41;
	v40 =	vadd.f32 v40, v49  }
0x1c8: {  	v49 =	vld [tilespmem:s23+$0x6220];
	v47 =	vadd.f32 v48, v47;
	v37 =	vmul.f32 v37, v10;
	v48 =	vadd.f32 v36, v50  }
0x1c9: {  	v46 =	vadd.f32 v46, v45;
	v36 =	vld [tilespmem:s23+$0x4230];
	v38 =	vmax.f32 v41, v38;
	v41 =	vmul.f32 $2.000000030e-01, v40  }
0x1ca: {  	v50 =	vld [tilespmem:s23+$0x6230];
	v47 =	vadd.f32 v37, v47;
	v38 =	vmul.f32 v38, v11;
	v48 =	vmul.f32 $1.442695020e+00, v48  }
0x1cb: {  	v51 =	vmul.f32 $2.000000030e-01, v46;
	v44 =	vadd.f32 v44, v32;
	v37 =	vld [tilespmem:s23+$0x4240];
	v40 =	vmax.f32 v40, v41  }
0x1cc: {  	v41 =	vld [tilespmem:s23+$0x6240];
	v47 =	vadd.f32 v38, v47;
	v40 =	vmul.f32 v40, v12;
	(erf) = vpow2.f32 v48  }
0x1cd: {  	v46 =	vmax.f32 v46, v51;
	v48 =	vmul.f32 $2.000000030e-01, v44;
	v49 =	vadd.f32 v49, v35;
	v38 =	vld [tilespmem:s23+$0x4250]  }
0x1ce: {  	v52 =	vmul.f32 v39, v23;
	v23 =	vmovc v33;
	v46 =	vmul.f32 v46, v5;
	v51 =	vld [tilespmem:s23+$0x6250];
	v47 =	vadd.f32 v40, v47  }
0x1cf: {  	v33 =	vmax.f32 v44, v48;
	v44 =	vmul.f32 $2.000000030e-01, v49;
	v48 =	vadd.f32 v50, v36;
	v40 =	vld [tilespmem:s23+$0x4260]  }
0x1d0: {  	v46 =	vadd.f32 $0.0e+00, v46;
	v33 =	vmul.f32 v33, v6;
	v50 =	vld [tilespmem:s23+$0x6260];
	v53 =	vperm.xlane v47, v1;
	[tilespmem:s24+$0xA280] =	vst v52  }
0x1d1: {  	v44 =	vmax.f32 v49, v44;
	v49 =	vmul.f32 $2.000000030e-01, v48;
	v52 =	vadd.f32 v41, v37;
	v41 =	vld [tilespmem:s23+$0x4270]  }
0x1d2: {  	v33 =	vadd.f32 v33, v46;
	v54 =	vmul.f32 v44, v7;
	v46 =	vld [tilespmem:s23+$0x6270];
	v47 =	vadd.f32 v47, v53  }
0x1d3: {  	v48 =	vmax.f32 v48, v49;
	v49 =	vmul.f32 $2.000000030e-01, v52;
	v51 =	vadd.f32 v51, v38  }
0x1d4: {  	v33 =	vadd.f32 v54, v33;
	v48 =	vmul.f32 v48, v8;
	v53 =	vperm.xlane v47, v2  }
0x1d5: {  	v49 =	vmax.f32 v52, v49;
	v52 =	vmul.f32 $2.000000030e-01, v51;
	v50 =	vadd.f32 v50, v40;
	v44 =	vpop (erf)  }
0x1d6: {  	v33 =	vadd.f32 v48, v33;
	v48 =	vmul.f32 v49, v9;
	v49 =	vadd.f32 v47, v53  }
.Ltmp5:
0x1d7: {  	v47 =	vmax.f32 v51, v52;
	v51 =	vmul.f32 $2.000000030e-01, v50;
	v52 =	vadd.f32 v46, v41;
	(pc) =	sbr.rel @!p1 .LBB2_8-.Ltmp5, $4  }
0x1d8: {  	v33 =	vadd.f32 v48, v33;
	v46 =	vmul.f32 v47, v10;
	v48 =	vperm.xlane v49, v3  }
0x1d9: {  	v47 =	vmax.f32 v50, v51;
	v50 =	vmul.f32 $2.000000030e-01, v52;
	v51 =	vmul.f32 v44, v19;
	v19 =	vmovc v45  }
0x1da: {  	s17 =	sshra.s32 s9, $0x2;
	v45 =	vadd.f32 v46, v33;
	v47 =	vmul.f32 v47, v11;
	v46 =	vadd.f32 v49, v48  }
0x1db: {  	s9 =	sadd.s32 $0x400, s9;
	v49 =	vmul.f32 v44, v43;
	v33 =	vld [tilespmem:s17+$0x4280];
	v48 =	vmax.f32 v52, v50;
	[tilespmem:s24+$0xA200] =	vst v51;
	v50 =	vmul.f32 v44, v42  }
0x1dc: {  	v43 =	vld [tilespmem:s17+$0x6280];
	v51 =	vmul.f32 v44, v27;
	v56 =	vperm.xlane v46, v4  }
0x1dd: {  	v42 =	vld [tilespmem:s17+$0x4290];
	v29 =	vmul.f32 v44, v29;
	v54 =	vmul.f32 v44, v28;
	[tilespmem:s24+$0xA210] =	vst v50  }
0x1de: {  	v55 =	vmul.f32 v44, v30;
	v31 =	vmul.f32 v44, v31;
	v50 =	vld [tilespmem:s17+$0x6290];
	[tilespmem:s24+$0xA220] =	vst v49;
	v44 =	vadd.f32 v46, v56  }
0x1df: {  	v27 =	vld [tilespmem:s17+$0x42A0];
	[tilespmem:s24+$0xA230] =	vst v51  }
0x1e0: {  	v49 =	vld [tilespmem:s17+$0x62A0];
	[tilespmem:s24+$0xA240] =	vst v29;
	v44 =	vmul.f32 $1.442695020e+00, v44  }
0x1e1: {  	v57 =	vadd.f32 v47, v45;
	v58 =	vmul.f32 v48, v12;
	v28 =	vld [tilespmem:s17+$0x42B0];
	[tilespmem:s24+$0xA250] =	vst v54  }
0x1e2: {  	v20 =	vmul.f32 v39, v20;
	v30 =	vld [tilespmem:s17+$0x62B0];
	[tilespmem:s24+$0xA260] =	vst v55;
	(erf) = vpow2.f32 v44  }
0x1e3: {  	v21 =	vmul.f32 v39, v21;
	v59 =	vadd.f32 v58, v57;
	v29 =	vld [tilespmem:s17+$0x42C0];
	[tilespmem:s24+$0xA270] =	vst v31  }
0x1e4: {  	v22 =	vmul.f32 v39, v22;
	v31 =	vld [tilespmem:s17+$0x62C0];
	[tilespmem:s24+$0xA290] =	vst v20  }
0x1e5: {  	v24 =	vmul.f32 v39, v24;
	v60 =	vperm.xlane v59, v1;
	v43 =	vadd.f32 v43, v33;
	v20 =	vld [tilespmem:s17+$0x42D0];
	[tilespmem:s24+$0xA2A0] =	vst v21  }
0x1e6: {  	v25 =	vmul.f32 v39, v25;
	v61 =	vadd.f32 v50, v42;
	v46 =	vld [tilespmem:s17+$0x62D0];
	[tilespmem:s24+$0xA2B0] =	vst v22  }
0x1e7: {  	v26 =	vmul.f32 v39, v26;
	v63 =	vadd.f32 v59, v60;
	v62 =	vmul.f32 $2.000000030e-01, v43;
	v21 =	vld [tilespmem:s17+$0x42E0];
	[tilespmem:s24+$0xA2C0] =	vst v24  }
0x1e8: {  	v54 =	vmul.f32 $2.000000030e-01, v61;
	v44 =	vld [tilespmem:s17+$0x62E0];
	[tilespmem:s24+$0xA2D0] =	vst v25  }
0x1e9: {  	v57 =	vperm.xlane v63, v2;
	v55 =	vmax.f32 v43, v62;
	v56 =	vadd.f32 v49, v27;
	v22 =	vld [tilespmem:s17+$0x42F0];
	[tilespmem:s24+$0xA2E0] =	vst v26  }
0x1ea: {  	v58 =	vmul.f32 v55, v5;
	v39 =	vmax.f32 v61, v54;
	v52 =	vadd.f32 v30, v28;
	v48 =	vld [tilespmem:s17+$0x62F0]  }
0x1eb: {  	v59 =	vmul.f32 $2.000000030e-01, v56;
	v61 =	vadd.f32 v63, v57;
	v39 =	vmul.f32 v39, v6;
	v24 =	vld [tilespmem:s17+$0x4200];
	v26 =	vpop (erf)  }
0x1ec: {  	v62 =	vadd.f32 $0.0e+00, v58;
	v55 =	vmul.f32 $2.000000030e-01, v52;
	v50 =	vld [tilespmem:s17+$0x6200];
	v60 =	vmul.f32 v26, v34  }
0x1ed: {  	v43 =	vmax.f32 v56, v59;
	v56 =	vadd.f32 v31, v29;
	v57 =	vperm.xlane v61, v3;
	v25 =	vld [tilespmem:s17+$0x4210]  }
0x1ee: {  	v63 =	vld [tilespmem:s17+$0x6210];
	v39 =	vadd.f32 v39, v62;
	v43 =	vmul.f32 v43, v7;
	v58 =	vmax.f32 v52, v55;
	[tilespmem:s23+$0xA2F0] =	vst v60  }
0x1ef: {  	v59 =	vmul.f32 $2.000000030e-01, v56;
	v46 =	vadd.f32 v46, v20;
	v34 =	vadd.f32 v61, v57;
	v30 =	vld [tilespmem:s17+$0x4220]  }
0x1f0: {  	v39 =	vadd.f32 v43, v39;
	v55 =	vmul.f32 v58, v8;
	v23 =	vmul.f32 v26, v23;
	v60 =	vld [tilespmem:s17+$0x6220]  }
0x1f1: {  	v56 =	vmax.f32 v56, v59;
	v57 =	vmul.f32 $2.000000030e-01, v46;
	v31 =	vld [tilespmem:s17+$0x4230];
	v50 =	vadd.f32 v50, v24  }
0x1f2: {  	v44 =	vadd.f32 v44, v21;
	v39 =	vadd.f32 v55, v39;
	v61 =	vmul.f32 v56, v9;
	v58 =	vld [tilespmem:s17+$0x6230]  }
0x1f3: {  	v45 =	vld [tilespmem:s17+$0x4240];
	v46 =	vmax.f32 v46, v57;
	v47 =	vadd.f32 v63, v25;
	v62 =	vmul.f32 $2.000000030e-01, v50  }
0x1f4: {  	v53 =	vld [tilespmem:s17+$0x6240];
	v54 =	vmul.f32 $2.000000030e-01, v44;
	v48 =	vadd.f32 v48, v22;
	v39 =	vadd.f32 v61, v39  }
0x1f5: {  	v55 =	vld [tilespmem:s17+$0x6250];
	v59 =	vmul.f32 $2.000000030e-01, v47;
	v49 =	vmax.f32 v50, v62;
	v52 =	vadd.f32 v60, v30  }
0x1f6: {  	v63 =	vmul.f32 v46, v10;
	v46 =	vld [tilespmem:s17+$0x4250];
	v44 =	vmax.f32 v44, v54;
	v49 =	vmul.f32 v49, v5  }
0x1f7: {  	v56 =	vld [tilespmem:s17+$0x6260];
	v47 =	vmax.f32 v47, v59;
	v51 =	vadd.f32 v58, v31;
	v60 =	vmul.f32 $2.000000030e-01, v52  }
0x1f8: {  	v54 =	vld [tilespmem:s17+$0x4260];
	[tilespmem:s23+$0xA280] =	vst v23;
	v39 =	vadd.f32 v63, v39;
	v47 =	vmul.f32 v47, v6;
	v61 =	vadd.f32 $0.0e+00, v49  }
0x1f9: {  	v57 =	vadd.f32 v53, v45;
	v63 =	vmul.f32 $2.000000030e-01, v51;
	v62 =	vmax.f32 v52, v60;
	v52 =	vld [tilespmem:s17+$0x4270]  }
0x1fa: {  	v44 =	vmul.f32 v44, v11;
	v43 =	vadd.f32 v47, v61;
	v47 =	vld [tilespmem:s17+$0x6270];
	v23 =	vmul.f32 v62, v7  }
0x1fb: {  	v59 =	vadd.f32 v55, v46;
	v58 =	vmul.f32 $2.000000030e-01, v57;
	v49 =	vmax.f32 v51, v63  }
0x1fc: {  	v39 =	vadd.f32 v44, v39;
	v49 =	vmul.f32 v49, v8;
	v23 =	vadd.f32 v23, v43  }
0x1fd: {  	v50 =	vmax.f32 v57, v58;
	v61 =	vmul.f32 $2.000000030e-01, v59;
	v62 =	vadd.f32 v56, v54  }
0x1fe: {  	v60 =	vmul.f32 $2.000000030e-01, v48;
	v63 =	vmul.f32 v50, v9;
	v23 =	vadd.f32 v49, v23  }
0x1ff: {  	v56 =	vmax.f32 v59, v61;
	v57 =	vmul.f32 $2.000000030e-01, v62;
	v47 =	vadd.f32 v47, v52  }
0x200: {  	v43 =	vmax.f32 v48, v60;
	v58 =	vmul.f32 v56, v10;
	v23 =	vadd.f32 v63, v23  }
0x201: {  	v43 =	vmul.f32 v43, v12;
	v59 =	vmax.f32 v62, v57;
	v60 =	vmul.f32 $2.000000030e-01, v47  }
0x202: {  	v44 =	vmul.f32 v59, v11;
	v23 =	vadd.f32 v58, v23  }
0x203: {  	v39 =	vadd.f32 v43, v39;
	v47 =	vmax.f32 v47, v60  }
0x204: {  	v62 =	vmul.f32 v47, v12;
	v23 =	vadd.f32 v44, v23  }
0x205: {  	v61 =	vperm.xlane v34, v4;
	v63 =	vperm.xlane v39, v1  }
0x206: {  	v23 =	vadd.f32 v62, v23  }
0x207: {  	v34 =	vadd.f32 v34, v61;
	v39 =	vadd.f32 v39, v63  }
0x208: {  	v43 =	vperm.xlane v23, v1  }
0x209: {  	v34 =	vmul.f32 $1.442695020e+00, v34;
	v47 =	vperm.xlane v39, v2  }
0x20a: {  	v23 =	vadd.f32 v23, v43  }
0x20b: {  	(erf) = vpow2.f32 v34;
	v34 =	vadd.f32 v39, v47  }
0x20c: {  	v48 =	vperm.xlane v23, v2  }
0x20d: {  	v49 =	vperm.xlane v34, v3  }
0x20e: {  	v23 =	vadd.f32 v23, v48  }
0x20f: {  	v34 =	vadd.f32 v34, v49  }
0x210: {  	v39 =	vperm.xlane v23, v3  }
0x211: {  	v43 =	vperm.xlane v34, v4  }
0x212: {  	v23 =	vadd.f32 v23, v39  }
0x213: {  	v14 =	vmul.f32 v26, v14;
	v34 =	vadd.f32 v34, v43  }
0x214: {  	v13 =	vmul.f32 v26, v13;
	v51 =	vperm.xlane v23, v4  }
0x215: {  	v17 =	vmul.f32 v26, v17;
	[tilespmem:s23+$0xA290] =	vst v14;
	v34 =	vmul.f32 $1.442695020e+00, v34  }
0x216: {  	v16 =	vmul.f32 v26, v16;
	[tilespmem:s23+$0xA2A0] =	vst v13;
	v23 =	vadd.f32 v23, v51  }
0x217: {  	v14 =	vmul.f32 v26, v15;
	[tilespmem:s23+$0xA2B0] =	vst v17;
	(erf) = vpow2.f32 v34  }
0x218: {  	v13 =	vmul.f32 v26, v18;
	[tilespmem:s23+$0xA2E0] =	vst v16;
	v50 =	vpop (erf);
	v57 =	vmul.f32 $1.442695020e+00, v23  }
0x219: {  	[tilespmem:s23+$0xA2C0] =	vst v14;
	v19 =	vmul.f32 v50, v19  }
0x21a: {  	[tilespmem:s23+$0xA2D0] =	vst v13;
	v32 =	vmul.f32 v50, v32;
	(erf) = vpow2.f32 v57  }
0x21b: {  	v53 =	vmul.f32 v50, v35;
	[tilespmem:s23+$0xA200] =	vst v19  }
0x21c: {  	v55 =	vmul.f32 v50, v36;
	[tilespmem:s23+$0xA210] =	vst v32  }
0x21d: {  	v56 =	vmul.f32 v50, v37;
	[tilespmem:s23+$0xA220] =	vst v53  }
0x21e: {  	v58 =	vmul.f32 v50, v38;
	[tilespmem:s23+$0xA230] =	vst v55  }
0x21f: {  	v59 =	vmul.f32 v50, v40;
	[tilespmem:s23+$0xA240] =	vst v56  }
0x220: {  	v60 =	vmul.f32 v50, v41;
	[tilespmem:s23+$0xA250] =	vst v58;
	v15 =	vpop (erf)  }
0x221: {  	[tilespmem:s23+$0xA260] =	vst v59;
	v13 =	vmul.f32 v15, v22  }
0x222: {  	[tilespmem:s23+$0xA270] =	vst v60;
	v14 =	vmul.f32 v15, v33  }
0x223: {  	v63 =	vmul.f32 v15, v28;
	[tilespmem:s17+$0xA2F0] =	vst v13;
	v61 =	vpop (erf)  }
0x224: {  	[tilespmem:s17+$0xA280] =	vst v14;
	v13 =	vmul.f32 v61, v24  }
0x225: {  	[tilespmem:s17+$0xA2B0] =	vst v63;
	v14 =	vmul.f32 v61, v25  }
0x226: {  	v62 =	vmul.f32 v61, v45;
	[tilespmem:s17+$0xA200] =	vst v13  }
0x227: {  	v16 =	vmul.f32 v61, v52;
	[tilespmem:s17+$0xA210] =	vst v14  }
0x228: {  	v13 =	vmul.f32 v61, v30;
	[tilespmem:s17+$0xA240] =	vst v62  }
0x229: {  	v14 =	vmul.f32 v61, v31;
	[tilespmem:s17+$0xA270] =	vst v16  }
0x22a: {  	[tilespmem:s17+$0xA220] =	vst v13;
	v13 =	vmul.f32 v61, v46  }
0x22b: {  	[tilespmem:s17+$0xA230] =	vst v14;
	v14 =	vmul.f32 v61, v54  }
0x22c: {  	[tilespmem:s17+$0xA250] =	vst v13;
	v13 =	vmul.f32 v15, v42  }
0x22d: {  	[tilespmem:s17+$0xA260] =	vst v14;
	v14 =	vmul.f32 v15, v27  }
.Ltmp6:
0x22e: {  	[tilespmem:s17+$0xA290] =	vst v13;
	v13 =	vmul.f32 v15, v29;
	(pc) =	sbr.rel .LBB2_15-.Ltmp6, $4  }
0x22f: {  	[tilespmem:s17+$0xA2A0] =	vst v14;
	v14 =	vmul.f32 v15, v20  }
0x230: {  	v15 =	vmul.f32 v15, v21;
	[tilespmem:s17+$0xA2C0] =	vst v13  }
0x231: {  	[tilespmem:s17+$0xA2D0] =	vst v14  }
0x232: {  	[tilespmem:s17+$0xA2E0] =	vst v15  }
.LBB2_10:
0x233: {  	v13 =	vld [tilespmem:s24+$0x280]  }
0x234: {  	v14 =	vld [tilespmem:s24+$0x2280]  }
0x235: {  	v15 =	vld [tilespmem:s24+$0x290]  }
0x236: {  	v16 =	vld [tilespmem:s24+$0x2290]  }
0x237: {  	v17 =	vld [tilespmem:s24+$0x2A0]  }
0x238: {  	v18 =	vld [tilespmem:s24+$0x22A0]  }
0x239: {  	v19 =	vld [tilespmem:s24+$0x22B0];
	v13 =	vadd.f32 v14, v13  }
0x23a: {  	v14 =	vld [tilespmem:s24+$0x2B0]  }
0x23b: {  	v21 =	vld [tilespmem:s24+$0x22C0];
	v15 =	vadd.f32 v16, v15;
	v20 =	vmul.f32 $2.000000030e-01, v13  }
0x23c: {  	v16 =	vld [tilespmem:s24+$0x2C0]  }
0x23d: {  	v22 =	vld [tilespmem:s24+$0x22D0];
	v17 =	vadd.f32 v18, v17;
	v13 =	vmax.f32 v13, v20;
	v20 =	vmul.f32 $2.000000030e-01, v15  }
0x23e: {  	v18 =	vld [tilespmem:s24+$0x2D0];
	v13 =	vmul.f32 v13, v5  }
0x23f: {  	v23 =	vld [tilespmem:s24+$0x22E0];
	v14 =	vadd.f32 v19, v14;
	v15 =	vmax.f32 v15, v20;
	v20 =	vmul.f32 $2.000000030e-01, v17  }
0x240: {  	v19 =	vld [tilespmem:s24+$0x2E0];
	v13 =	vadd.f32 $0.0e+00, v13;
	v15 =	vmul.f32 v15, v6  }
0x241: {  	v16 =	vadd.f32 v21, v16;
	v21 =	vld [tilespmem:s24+$0x2F0];
	v17 =	vmax.f32 v17, v20;
	v20 =	vmul.f32 $2.000000030e-01, v14  }
0x242: {  	v13 =	vadd.f32 v15, v13;
	v15 =	vmul.f32 v17, v7;
	v17 =	vld [tilespmem:s24+$0x22F0]  }
0x243: {  	v18 =	vadd.f32 v22, v18;
	v14 =	vmax.f32 v14, v20;
	v20 =	vmul.f32 $2.000000030e-01, v16  }
0x244: {  	v13 =	vadd.f32 v15, v13;
	v14 =	vmul.f32 v14, v8  }
0x245: {  	v24 =	vld [tilespmem:s24+$0x230];
	v19 =	vadd.f32 v23, v19;
	v16 =	vmax.f32 v16, v20;
	v20 =	vmul.f32 $2.000000030e-01, v18  }
0x246: {  	v25 =	vld [tilespmem:s24+$0x250];
	v13 =	vadd.f32 v14, v13;
	v14 =	vmul.f32 v16, v9  }
0x247: {  	v28 =	vld [tilespmem:s24+$0x270];
	v18 =	vmax.f32 v18, v20;
	v20 =	vmul.f32 $2.000000030e-01, v19;
	v17 =	vadd.f32 v17, v21  }
0x248: {  	v22 =	vld [tilespmem:s24+$0x200];
	v13 =	vadd.f32 v14, v13;
	v14 =	vmul.f32 v18, v10  }
0x249: {  	v15 =	vld [tilespmem:s24+$0x2200];
	v19 =	vmax.f32 v19, v20;
	v20 =	vmul.f32 $2.000000030e-01, v17  }
0x24a: {  	v23 =	vld [tilespmem:s24+$0x210];
	v13 =	vadd.f32 v14, v13;
	v14 =	vmul.f32 v19, v11  }
0x24b: {  	v16 =	vld [tilespmem:s24+$0x2210];
	v17 =	vmax.f32 v17, v20  }
0x24c: {  	v21 =	vld [tilespmem:s24+$0x220];
	v13 =	vadd.f32 v14, v13;
	v14 =	vmul.f32 v17, v12  }
0x24d: {  	v18 =	vld [tilespmem:s24+$0x2220]  }
0x24e: {  	v15 =	vadd.f32 v15, v22;
	v22 =	vld [tilespmem:s24+$0x260];
	v13 =	vadd.f32 v14, v13  }
0x24f: {  	v19 =	vld [tilespmem:s24+$0x2230]  }
0x250: {  	v16 =	vadd.f32 v16, v23;
	v23 =	vld [tilespmem:s24+$0x2260];
	v27 =	vmul.f32 $2.000000030e-01, v15;
	v26 =	vperm.xlane v13, v1  }
0x251: {  	v20 =	vld [tilespmem:s24+$0x240]  }
0x252: {  	v17 =	vld [tilespmem:s24+$0x2240];
	v15 =	vmax.f32 v15, v27;
	v18 =	vadd.f32 v18, v21;
	v13 =	vadd.f32 v13, v26  }
0x253: {  	v29 =	vld [tilespmem:s24+$0x2270];
	v15 =	vmul.f32 v15, v5;
	v26 =	vmul.f32 $2.000000030e-01, v16  }
0x254: {  	s23 =	simm.s32 $0x100;
	v14 =	vld [tilespmem:s24+$0x2250];
	v30 =	vmul.f32 $2.000000030e-01, v18;
	v19 =	vadd.f32 v19, v24;
	v21 =	vperm.xlane v13, v2  }
0x255: {  	v32 =	vld [tilespmem:s23+$0x2A0];
	v15 =	vadd.f32 $0.0e+00, v15;
	v22 =	vadd.f32 v23, v22;
	v16 =	vmax.f32 v16, v26  }
0x256: {  	v33 =	vld [tilespmem:s23+$0x2C0];
	v18 =	vmax.f32 v18, v30;
	v16 =	vmul.f32 v16, v6;
	v13 =	vadd.f32 v13, v21  }
0x257: {  	v27 =	vld [tilespmem:s23+$0x280];
	v50 =	vmul.f32 $2.000000030e-01, v19;
	v17 =	vadd.f32 v17, v20;
	v52 =	vmul.f32 $2.000000030e-01, v22  }
0x258: {  	v26 =	vld [tilespmem:s23+$0x2280];
	v15 =	vadd.f32 v16, v15;
	v16 =	vmul.f32 v18, v7;
	v31 =	vperm.xlane v13, v3  }
0x259: {  	v24 =	vld [tilespmem:s23+$0x2290];
	v19 =	vmax.f32 v19, v50;
	v14 =	vadd.f32 v14, v25;
	v25 =	vmul.f32 $2.000000030e-01, v17  }
0x25a: {  	v21 =	vld [tilespmem:s23+$0x290];
	v15 =	vadd.f32 v16, v15;
	v16 =	vmul.f32 v19, v8;
	v13 =	vadd.f32 v13, v31  }
0x25b: {  	v55 =	vld [tilespmem:s23+$0x22F0];
	v22 =	vmax.f32 v22, v52;
	v51 =	vmul.f32 $2.000000030e-01, v14;
	v17 =	vmax.f32 v17, v25  }
0x25c: {  	v17 =	vmul.f32 v17, v9;
	v18 =	vld [tilespmem:s23+$0x22A0];
	v15 =	vadd.f32 v16, v15;
	v31 =	vperm.xlane v13, v4  }
0x25d: {  	v20 =	vld [tilespmem:s23+$0x2B0];
	v25 =	vadd.f32 v29, v28;
	v14 =	vmax.f32 v14, v51;
	v26 =	vadd.f32 v26, v27  }
0x25e: {  	v14 =	vmul.f32 v14, v10;
	v19 =	vld [tilespmem:s23+$0x22B0];
	v15 =	vadd.f32 v17, v15;
	v13 =	vadd.f32 v13, v31  }
0x25f: {  	v58 =	vld [tilespmem:s23+$0x2210];
	v22 =	vmul.f32 v22, v11;
	v53 =	vmul.f32 $2.000000030e-01, v26;
	v21 =	vadd.f32 v24, v21  }
0x260: {  	v16 =	vld [tilespmem:s23+$0x22C0];
	v14 =	vadd.f32 v14, v15;
	v15 =	vmul.f32 $2.000000030e-01, v25;
	v13 =	vmul.f32 $1.442695020e+00, v13  }
0x261: {  	v23 =	vld [tilespmem:s23+$0x2D0];
	v18 =	vadd.f32 v18, v32;
	v26 =	vmax.f32 v26, v53;
	v54 =	vmul.f32 $2.000000030e-01, v21  }
0x262: {  	v27 =	vld [tilespmem:s23+$0x22D0];
	v15 =	vmax.f32 v25, v15;
	v25 =	vmul.f32 v26, v5;
	(erf) = vpow2.f32 v13  }
0x263: {  	v24 =	vld [tilespmem:s23+$0x22E0];
	v56 =	vmul.f32 $2.000000030e-01, v18;
	v19 =	vadd.f32 v19, v20;
	v21 =	vmax.f32 v21, v54  }
0x264: {  	v17 =	vld [tilespmem:s23+$0x2E0];
	v21 =	vmul.f32 v21, v6;
	v14 =	vadd.f32 v22, v14;
	v22 =	vadd.f32 $0.0e+00, v25  }
0x265: {  	v20 =	vld [tilespmem:s23+$0x2200];
	v18 =	vmax.f32 v18, v56;
	v57 =	vmul.f32 $2.000000030e-01, v19;
	v16 =	vadd.f32 v16, v33  }
0x266: {  	v18 =	vmul.f32 v18, v7;
	v13 =	vld [tilespmem:s23+$0x2F0];
	v15 =	vmul.f32 v15, v12;
	v21 =	vadd.f32 v21, v22  }
0x267: {  	v23 =	vadd.f32 v27, v23;
	v26 =	vld [tilespmem:s23+$0x200];
	v19 =	vmax.f32 v19, v57;
	v59 =	vmul.f32 $2.000000030e-01, v16  }
0x268: {  	v25 =	vld [tilespmem:s23+$0x210];
	v14 =	vadd.f32 v15, v14;
	v15 =	vadd.f32 v18, v21;
	v18 =	vmul.f32 v19, v8  }
0x269: {  	v60 =	vld [tilespmem:s23+$0x2230];
	v17 =	vadd.f32 v24, v17;
	v16 =	vmax.f32 v16, v59;
	v21 =	vmul.f32 $2.000000030e-01, v23  }
0x26a: {  	v27 =	vld [tilespmem:s23+$0x2220];
	v16 =	vmul.f32 v16, v9;
	v15 =	vadd.f32 v18, v15;
	v18 =	vperm.xlane v14, v1  }
0x26b: {  	v22 =	vld [tilespmem:s23+$0x220];
	v13 =	vadd.f32 v55, v13;
	v21 =	vmax.f32 v23, v21;
	v23 =	vmul.f32 $2.000000030e-01, v17;
	v24 =	vpop (erf)  }
0x26c: {  	v19 =	vld [tilespmem:s23+$0x230];
	v14 =	vadd.f32 v14, v18;
	v15 =	vadd.f32 v16, v15;
	v16 =	vmul.f32 v21, v10;
	[tilespmem:s24+$0x82F0] =	vst v24  }
0x26d: {  	v20 =	vadd.f32 v20, v26;
	v25 =	vadd.f32 v58, v25;
	v21 =	vmul.f32 $2.000000030e-01, v13;
	v61 =	vld [tilespmem:s23+$0x240]  }
0x26e: {  	v17 =	vmax.f32 v17, v23;
	v18 =	vld [tilespmem:s23+$0x2240];
	v26 =	vperm.xlane v14, v2;
	v15 =	vadd.f32 v16, v15  }
0x26f: {  	v23 =	vld [tilespmem:s23+$0x250];
	v16 =	vmul.f32 v17, v11;
	v13 =	vmax.f32 v13, v21;
	v21 =	vmul.f32 $2.000000030e-01, v20  }
0x270: {  	v17 =	vld [tilespmem:s23+$0x2250];
	v13 =	vmul.f32 v13, v12;
	v26 =	vadd.f32 v14, v26  }
0x271: {  	v14 =	vadd.f32 v16, v15;
	v15 =	vmax.f32 v20, v21;
	v16 =	vmul.f32 $2.000000030e-01, v25  }
0x272: {  	v19 =	vadd.f32 v60, v19;
	v20 =	vadd.f32 v27, v22;
	v15 =	vmul.f32 v15, v5  }
0x273: {  	[tilespmem:s24+$0x8280] =	vst v24;
	v21 =	vadd.f32 v13, v14;
	v13 =	vperm.xlane v26, v3;
	v14 =	vmax.f32 v25, v16  }
0x274: {  	v62 =	vld [tilespmem:s23+$0x260];
	[tilespmem:s24+$0x8290] =	vst v24;
	v16 =	vmul.f32 $2.000000030e-01, v20;
	v15 =	vadd.f32 $0.0e+00, v15;
	v22 =	vmul.f32 v14, v6  }
0x275: {  	v27 =	vld [tilespmem:s23+$0x2260];
	[tilespmem:s24+$0x82A0] =	vst v24;
	v63 =	vadd.f32 v18, v61;
	v18 =	vadd.f32 v17, v23;
	v25 =	vperm.xlane v21, v1  }
0x276: {  	v14 =	vld [tilespmem:s23+$0x270];
	[tilespmem:s24+$0x82B0] =	vst v24;
	v13 =	vadd.f32 v26, v13;
	v20 =	vmax.f32 v20, v16;
	v26 =	vmul.f32 $2.000000030e-01, v19  }
0x277: {  	v16 =	vld [tilespmem:s23+$0x2270];
	[tilespmem:s24+$0x82C0] =	vst v24;
	v22 =	vadd.f32 v22, v15;
	v20 =	vmul.f32 v20, v7;
	v21 =	vadd.f32 v21, v25  }
0x278: {  	[tilespmem:s24+$0x82D0] =	vst v24;
	v23 =	vmul.f32 $2.000000030e-01, v18;
	v19 =	vmax.f32 v19, v26;
	v26 =	vmul.f32 $2.000000030e-01, v63  }
0x279: {  	s17 =	simm.s32 $0x200;
	[tilespmem:s24+$0x82E0] =	vst v24;
	v20 =	vadd.f32 v20, v22;
	v22 =	vmul.f32 v19, v8;
	v25 =	vperm.xlane v21, v2  }
0x27a: {  	s9 =	simm.s32 $0xC00;
	v17 =	vld [tilespmem:s17+$0x280];
	v15 =	vperm.xlane v13, v4;
	v19 =	vadd.f32 v27, v62;
	v24 =	vmax.f32 v63, v26  }
.LBB2_11:
0x27b: {  	p1 =	seq.s32 s9, $0x7C00;
	v26 =	vld [tilespmem:s17+$0x2280];
	v20 =	vadd.f32 v22, v20;
	v22 =	vmul.f32 v24, v9;
	v21 =	vadd.f32 v21, v25  }
0x27c: {  	v24 =	vld [tilespmem:s17+$0x290];
	v18 =	vmax.f32 v18, v23;
	v23 =	vmul.f32 $2.000000030e-01, v19;
	v14 =	vadd.f32 v16, v14  }
0x27d: {  	v16 =	vld [tilespmem:s17+$0x2290];
	v20 =	vadd.f32 v22, v20;
	v18 =	vmul.f32 v18, v10;
	v22 =	vperm.xlane v21, v3  }
0x27e: {  	v13 =	vadd.f32 v13, v15;
	v25 =	vld [tilespmem:s17+$0x2A0];
	v19 =	vmax.f32 v19, v23;
	v23 =	vmul.f32 $2.000000030e-01, v14  }
0x27f: {  	v15 =	vld [tilespmem:s17+$0x22A0];
	v18 =	vadd.f32 v18, v20;
	v19 =	vmul.f32 v19, v11;
	v20 =	vadd.f32 v21, v22  }
0x280: {  	v13 =	vmul.f32 $1.442695020e+00, v13;
	v17 =	vadd.f32 v26, v17;
	v21 =	vld [tilespmem:s17+$0x2B0];
	v14 =	vmax.f32 v14, v23  }
0x281: {  	v22 =	vld [tilespmem:s17+$0x22B0];
	v18 =	vadd.f32 v19, v18;
	v14 =	vmul.f32 v14, v12;
	v19 =	vperm.xlane v20, v4  }
0x282: {  	v23 =	vmul.f32 $2.000000030e-01, v17;
	v16 =	vadd.f32 v16, v24;
	v24 =	vld [tilespmem:s17+$0x2C0];
	(erf) = vpow2.f32 v13  }
0x283: {  	v13 =	vld [tilespmem:s17+$0x22C0];
	v14 =	vadd.f32 v14, v18;
	v18 =	vadd.f32 v20, v19  }
0x284: {  	v17 =	vmax.f32 v17, v23;
	v19 =	vmul.f32 $2.000000030e-01, v16;
	v15 =	vadd.f32 v15, v25;
	v20 =	vld [tilespmem:s17+$0x2D0]  }
0x285: {  	v17 =	vmul.f32 v17, v5;
	v23 =	vld [tilespmem:s17+$0x22D0];
	v18 =	vmul.f32 $1.442695020e+00, v18  }
0x286: {  	v16 =	vmax.f32 v16, v19;
	v19 =	vmul.f32 $2.000000030e-01, v15;
	v21 =	vadd.f32 v22, v21;
	v22 =	vld [tilespmem:s17+$0x2E0]  }
0x287: {  	v17 =	vadd.f32 $0.0e+00, v17;
	v16 =	vmul.f32 v16, v6;
	v25 =	vld [tilespmem:s17+$0x22E0];
	(erf) = vpow2.f32 v18  }
0x288: {  	v15 =	vmax.f32 v15, v19;
	v28 =	vmul.f32 $2.000000030e-01, v21;
	v13 =	vadd.f32 v13, v24;
	v19 =	vld [tilespmem:s17+$0x2F0]  }
0x289: {  	v24 =	vperm.xlane v14, v1;
	v16 =	vadd.f32 v16, v17;
	v15 =	vmul.f32 v15, v7;
	v17 =	vld [tilespmem:s17+$0x22F0]  }
0x28a: {  	v26 =	vld [tilespmem:s17+$0x200];
	v27 =	vmax.f32 v21, v28;
	v21 =	vmul.f32 $2.000000030e-01, v13;
	v20 =	vadd.f32 v23, v20  }
0x28b: {  	v14 =	vadd.f32 v14, v24;
	v23 =	vld [tilespmem:s17+$0x2200];
	v15 =	vadd.f32 v15, v16;
	v16 =	vmul.f32 v27, v8;
	v18 =	vpop (erf)  }
0x28c: {  	v24 =	vld [tilespmem:s17+$0x210];
	v13 =	vmax.f32 v13, v21;
	v21 =	vmul.f32 $2.000000030e-01, v20;
	v22 =	vadd.f32 v25, v22;
	[tilespmem:s24+$0x8200] =	vst v18  }
0x28d: {  	v25 =	vld [tilespmem:s17+$0x2210];
	v15 =	vadd.f32 v16, v15;
	v13 =	vmul.f32 v13, v9;
	v16 =	vperm.xlane v14, v2;
	[tilespmem:s24+$0x8210] =	vst v18  }
0x28e: {  	v27 =	vld [tilespmem:s17+$0x220];
	v20 =	vmax.f32 v20, v21;
	v21 =	vmul.f32 $2.000000030e-01, v22;
	v17 =	vadd.f32 v17, v19;
	[tilespmem:s24+$0x8220] =	vst v18  }
0x28f: {  	v19 =	vld [tilespmem:s17+$0x2220];
	v13 =	vadd.f32 v13, v15;
	v15 =	vmul.f32 v20, v10;
	v14 =	vadd.f32 v14, v16;
	[tilespmem:s24+$0x8230] =	vst v18  }
0x290: {  	v16 =	vadd.f32 v23, v26;
	v20 =	vld [tilespmem:s17+$0x230];
	v21 =	vmax.f32 v22, v21;
	v22 =	vmul.f32 $2.000000030e-01, v17;
	v23 =	vpop (erf);
	[tilespmem:s24+$0x8240] =	vst v18  }
0x291: {  	v26 =	vld [tilespmem:s17+$0x2230];
	v13 =	vadd.f32 v15, v13;
	v15 =	vmul.f32 v21, v11;
	v21 =	vperm.xlane v14, v3;
	[tilespmem:s23+$0x82F0] =	vst v23  }
0x292: {  	v28 =	vmul.f32 $2.000000030e-01, v16;
	v24 =	vadd.f32 v25, v24;
	v25 =	vld [tilespmem:s17+$0x240];
	v17 =	vmax.f32 v17, v22;
	[tilespmem:s24+$0x8250] =	vst v18  }
0x293: {  	v22 =	vld [tilespmem:s17+$0x2240];
	v15 =	vadd.f32 v15, v13;
	v17 =	vmul.f32 v17, v12;
	v13 =	vadd.f32 v14, v21;
	[tilespmem:s24+$0x8260] =	vst v18  }
0x294: {  	v14 =	vmax.f32 v16, v28;
	v16 =	vmul.f32 $2.000000030e-01, v24;
	v19 =	vadd.f32 v19, v27;
	v27 =	vld [tilespmem:s17+$0x250];
	[tilespmem:s24+$0x8270] =	vst v18;
	s24 =	smov.u32 s23;
	s23 =	smov.u32 s17  }
0x295: {  	v14 =	vmul.f32 v14, v5;
	v18 =	vld [tilespmem:s23+$0x2250];
	v17 =	vadd.f32 v17, v15;
	v15 =	vperm.xlane v13, v4;
	[tilespmem:s24+$0x8280] =	vst v23  }
0x296: {  	v16 =	vmax.f32 v24, v16;
	v21 =	vmul.f32 $2.000000030e-01, v19;
	v20 =	vadd.f32 v26, v20;
	v26 =	vld [tilespmem:s23+$0x260];
	[tilespmem:s24+$0x8290] =	vst v23  }
0x297: {  	v24 =	vadd.f32 $0.0e+00, v14;
	v16 =	vmul.f32 v16, v6;
	v28 =	vld [tilespmem:s23+$0x2260];
	v29 =	vperm.xlane v17, v1;
	[tilespmem:s24+$0x82A0] =	vst v23  }
.Ltmp7:
0x298: {  	v19 =	vmax.f32 v19, v21;
	v30 =	vmul.f32 $2.000000030e-01, v20;
	v31 =	vadd.f32 v22, v25;
	v14 =	vld [tilespmem:s23+$0x270];
	[tilespmem:s24+$0x82B0] =	vst v23;
	(pc) =	sbr.rel @!p1 .LBB2_11-.Ltmp7, $4  }
0x299: {  	v22 =	vadd.f32 v16, v24;
	v19 =	vmul.f32 v19, v7;
	v16 =	vld [tilespmem:s23+$0x2270];
	v21 =	vadd.f32 v17, v29;
	[tilespmem:s24+$0x82C0] =	vst v23  }
0x29a: {  	v17 =	vmax.f32 v20, v30;
	v24 =	vmul.f32 $2.000000030e-01, v31;
	v18 =	vadd.f32 v18, v27;
	[tilespmem:s24+$0x82D0] =	vst v23  }
0x29b: {  	s17 =	sshra.s32 s9, $0x2;
	v20 =	vadd.f32 v19, v22;
	v22 =	vmul.f32 v17, v8;
	v25 =	vperm.xlane v21, v2;
	[tilespmem:s24+$0x82E0] =	vst v23  }
0x29c: {  	s9 =	sadd.s32 $0x400, s9;
	v17 =	vld [tilespmem:s17+$0x280];
	v24 =	vmax.f32 v31, v24;
	v23 =	vmul.f32 $2.000000030e-01, v18;
	v19 =	vadd.f32 v28, v26  }
0x29d: {  	v21 =	vadd.f32 v21, v25  }
0x29e: {  	v26 =	vld [tilespmem:s17+$0x2280]  }
0x29f: {  	v27 =	vld [tilespmem:s17+$0x290];
	v32 =	vperm.xlane v21, v3  }
0x2a0: {  	v28 =	vld [tilespmem:s17+$0x2290]  }
0x2a1: {  	v29 =	vld [tilespmem:s17+$0x2A0];
	v13 =	vadd.f32 v13, v15;
	v21 =	vadd.f32 v21, v32  }
0x2a2: {  	v15 =	vld [tilespmem:s17+$0x22A0]  }
0x2a3: {  	v30 =	vld [tilespmem:s17+$0x2B0];
	v13 =	vmul.f32 $1.442695020e+00, v13;
	v35 =	vperm.xlane v21, v4  }
0x2a4: {  	v25 =	vld [tilespmem:s17+$0x22B0]  }
0x2a5: {  	v31 =	vld [tilespmem:s17+$0x2C0];
	(erf) = vpow2.f32 v13;
	v21 =	vadd.f32 v21, v35  }
0x2a6: {  	v34 =	vld [tilespmem:s17+$0x2E0];
	v20 =	vadd.f32 v22, v20;
	v14 =	vadd.f32 v16, v14;
	v16 =	vmul.f32 v24, v9  }
0x2a7: {  	v36 =	vld [tilespmem:s17+$0x22E0];
	v18 =	vmax.f32 v18, v23;
	v21 =	vmul.f32 $1.442695020e+00, v21  }
0x2a8: {  	v33 =	vld [tilespmem:s17+$0x2D0];
	v18 =	vmul.f32 v18, v10;
	v16 =	vadd.f32 v16, v20  }
0x2a9: {  	v62 =	vld [tilespmem:s17+$0x22D0];
	v17 =	vadd.f32 v26, v17;
	(erf) = vpow2.f32 v21;
	v21 =	vmul.f32 $2.000000030e-01, v19  }
0x2aa: {  	v37 =	vld [tilespmem:s17+$0x2F0];
	v20 =	vmul.f32 $2.000000030e-01, v14;
	v24 =	vadd.f32 v28, v27  }
0x2ab: {  	v13 =	vld [tilespmem:s17+$0x22C0];
	v16 =	vadd.f32 v18, v16;
	v19 =	vmax.f32 v19, v21;
	v21 =	vmul.f32 $2.000000030e-01, v17  }
0x2ac: {  	v63 =	vld [tilespmem:s17+$0x22F0];
	v14 =	vmax.f32 v14, v20;
	v15 =	vadd.f32 v15, v29;
	v36 =	vadd.f32 v36, v34  }
0x2ad: {  	v38 =	vld [tilespmem:s17+$0x200];
	v18 =	vmul.f32 v19, v11;
	v19 =	vmul.f32 $2.000000030e-01, v24;
	v17 =	vmax.f32 v17, v21  }
0x2ae: {  	v39 =	vld [tilespmem:s17+$0x2200];
	v14 =	vmul.f32 v14, v12;
	v22 =	vpop (erf);
	v21 =	vadd.f32 v25, v30;
	v17 =	vmul.f32 v17, v5  }
0x2af: {  	v40 =	vld [tilespmem:s17+$0x210];
	[tilespmem:s24+$0x8200] =	vst v22;
	v16 =	vadd.f32 v18, v16;
	v18 =	vmax.f32 v24, v19;
	v19 =	vmul.f32 $2.000000030e-01, v15  }
0x2b0: {  	v13 =	vadd.f32 v13, v31;
	v23 =	vld [tilespmem:s17+$0x2210];
	[tilespmem:s24+$0x8210] =	vst v22;
	v18 =	vmul.f32 v18, v6;
	v17 =	vadd.f32 $0.0e+00, v17  }
0x2b1: {  	v26 =	vld [tilespmem:s17+$0x220];
	[tilespmem:s24+$0x8220] =	vst v22;
	v14 =	vadd.f32 v14, v16;
	v15 =	vmax.f32 v15, v19;
	v16 =	vmul.f32 $2.000000030e-01, v21  }
0x2b2: {  	v37 =	vadd.f32 v63, v37;
	v20 =	vld [tilespmem:s17+$0x2220];
	[tilespmem:s24+$0x8230] =	vst v22;
	v15 =	vmul.f32 v15, v7;
	v17 =	vadd.f32 v18, v17  }
0x2b3: {  	v24 =	vld [tilespmem:s17+$0x230];
	[tilespmem:s24+$0x8240] =	vst v22;
	v19 =	vpop (erf);
	v16 =	vmax.f32 v21, v16;
	v21 =	vadd.f32 v62, v33;
	v33 =	vmul.f32 $2.000000030e-01, v13  }
0x2b4: {  	v25 =	vld [tilespmem:s17+$0x2230];
	v18 =	vperm.xlane v14, v1;
	[tilespmem:s23+$0x82F0] =	vst v19;
	v16 =	vmul.f32 v16, v8;
	v15 =	vadd.f32 v15, v17  }
0x2b5: {  	v42 =	vmul.f32 $2.000000030e-01, v37;
	v27 =	vld [tilespmem:s17+$0x240];
	[tilespmem:s24+$0x8250] =	vst v22;
	v17 =	vmul.f32 $2.000000030e-01, v21;
	v13 =	vmax.f32 v13, v33  }
0x2b6: {  	v14 =	vadd.f32 v14, v18;
	v18 =	vld [tilespmem:s17+$0x2240];
	[tilespmem:s24+$0x8260] =	vst v22;
	v13 =	vmul.f32 v13, v9;
	v15 =	vadd.f32 v16, v15  }
0x2b7: {  	v41 =	vadd.f32 v39, v38;
	v17 =	vmax.f32 v21, v17;
	v21 =	vld [tilespmem:s17+$0x250];
	[tilespmem:s24+$0x8270] =	vst v22;
	v22 =	vmul.f32 $2.000000030e-01, v36  }
0x2b8: {  	v28 =	vmax.f32 v37, v42;
	v13 =	vadd.f32 v13, v15;
	v15 =	vmul.f32 v17, v10  }
0x2b9: {  	v23 =	vadd.f32 v23, v40;
	v17 =	vmax.f32 v36, v22;
	v22 =	vmul.f32 $2.000000030e-01, v41  }
0x2ba: {  	v16 =	vperm.xlane v14, v2;
	v13 =	vadd.f32 v15, v13;
	v15 =	vmul.f32 v17, v11  }
0x2bb: {  	v20 =	vadd.f32 v20, v26;
	v26 =	vmul.f32 $2.000000030e-01, v23;
	v22 =	vmax.f32 v41, v22  }
0x2bc: {  	v14 =	vadd.f32 v14, v16;
	v16 =	vld [tilespmem:s17+$0x2250];
	[tilespmem:s23+$0x8280] =	vst v19;
	v13 =	vadd.f32 v15, v13;
	v15 =	vmul.f32 v22, v5  }
0x2bd: {  	v23 =	vmax.f32 v23, v26;
	v26 =	vmul.f32 $2.000000030e-01, v20;
	v24 =	vadd.f32 v25, v24;
	v17 =	vld [tilespmem:s17+$0x260];
	[tilespmem:s23+$0x8290] =	vst v19  }
0x2be: {  	v25 =	vmul.f32 v28, v12;
	v23 =	vmul.f32 v23, v6;
	v22 =	vld [tilespmem:s17+$0x2260];
	[tilespmem:s23+$0x82A0] =	vst v19;
	v15 =	vadd.f32 $0.0e+00, v15  }
0x2bf: {  	v20 =	vmax.f32 v20, v26;
	v26 =	vmul.f32 $2.000000030e-01, v24;
	v18 =	vadd.f32 v18, v27;
	v43 =	vld [tilespmem:s17+$0x270];
	[tilespmem:s23+$0x82B0] =	vst v19  }
0x2c0: {  	v20 =	vmul.f32 v20, v7;
	v13 =	vadd.f32 v25, v13;
	v15 =	vadd.f32 v23, v15;
	v23 =	vld [tilespmem:s17+$0x2270]  }
0x2c1: {  	v24 =	vmax.f32 v24, v26;
	v16 =	vadd.f32 v16, v21;
	v25 =	vmul.f32 $2.000000030e-01, v18  }
0x2c2: {  	v21 =	vperm.xlane v13, v1;
	v15 =	vadd.f32 v20, v15;
	v20 =	vmul.f32 v24, v8  }
0x2c3: {  	v18 =	vmax.f32 v18, v25;
	v17 =	vadd.f32 v22, v17;
	v24 =	vmul.f32 $2.000000030e-01, v16  }
0x2c4: {  	v18 =	vmul.f32 v18, v9;
	v13 =	vadd.f32 v13, v21;
	v15 =	vadd.f32 v20, v15  }
0x2c5: {  	v16 =	vmax.f32 v16, v24;
	v20 =	vmul.f32 $2.000000030e-01, v17;
	v21 =	vadd.f32 v23, v43  }
0x2c6: {  	v22 =	vperm.xlane v14, v3;
	v16 =	vmul.f32 v16, v10;
	v15 =	vadd.f32 v18, v15  }
0x2c7: {  	v18 =	vperm.xlane v13, v2;
	v17 =	vmax.f32 v17, v20;
	v20 =	vmul.f32 $2.000000030e-01, v21  }
0x2c8: {  	v14 =	vadd.f32 v14, v22;
	v15 =	vadd.f32 v16, v15;
	v16 =	vmul.f32 v17, v11  }
0x2c9: {  	v13 =	vadd.f32 v13, v18;
	v17 =	vmax.f32 v21, v20  }
0x2ca: {  	v18 =	vperm.xlane v14, v4;
	v15 =	vadd.f32 v16, v15;
	v16 =	vmul.f32 v17, v12  }
0x2cb: {  	v17 =	vperm.xlane v13, v3  }
0x2cc: {  	v14 =	vadd.f32 v14, v18;
	v15 =	vadd.f32 v16, v15  }
0x2cd: {  	v13 =	vadd.f32 v13, v17  }
0x2ce: {  	v14 =	vmul.f32 $1.442695020e+00, v14;
	v16 =	vperm.xlane v15, v1  }
0x2cf: {  	v17 =	vperm.xlane v13, v4  }
0x2d0: {  	(erf) = vpow2.f32 v14;
	v14 =	vadd.f32 v15, v16  }
0x2d1: {  	v13 =	vadd.f32 v13, v17  }
0x2d2: {  	v15 =	vperm.xlane v14, v2  }
0x2d3: {  	v13 =	vmul.f32 $1.442695020e+00, v13  }
0x2d4: {  	v14 =	vadd.f32 v14, v15  }
0x2d5: {  	(erf) = vpow2.f32 v13  }
0x2d6: {  	v13 =	vperm.xlane v14, v3  }
0x2d7: {  	[tilespmem:s23+$0x82C0] =	vst v19  }
0x2d8: {  	[tilespmem:s23+$0x82D0] =	vst v19;
	v13 =	vadd.f32 v14, v13  }
0x2d9: {  	[tilespmem:s23+$0x82E0] =	vst v19;
	v14 =	vpop (erf)  }
0x2da: {  	[tilespmem:s23+$0x8200] =	vst v14;
	v15 =	vperm.xlane v13, v4  }
0x2db: {  	[tilespmem:s23+$0x8210] =	vst v14  }
0x2dc: {  	[tilespmem:s23+$0x8220] =	vst v14;
	v13 =	vadd.f32 v13, v15  }
0x2dd: {  	[tilespmem:s23+$0x8230] =	vst v14  }
0x2de: {  	[tilespmem:s23+$0x8240] =	vst v14;
	v15 =	vpop (erf);
	v13 =	vmul.f32 $1.442695020e+00, v13  }
0x2df: {  	[tilespmem:s17+$0x82F0] =	vst v15  }
0x2e0: {  	[tilespmem:s23+$0x8250] =	vst v14;
	(erf) = vpow2.f32 v13  }
0x2e1: {  	[tilespmem:s23+$0x8260] =	vst v14  }
0x2e2: {  	[tilespmem:s23+$0x8270] =	vst v14  }
0x2e3: {  	[tilespmem:s17+$0x8280] =	vst v15  }
0x2e4: {  	[tilespmem:s17+$0x8290] =	vst v15  }
0x2e5: {  	[tilespmem:s17+$0x82A0] =	vst v15  }
0x2e6: {  	[tilespmem:s17+$0x82B0] =	vst v15  }
0x2e7: {  	[tilespmem:s17+$0x82C0] =	vst v15  }
0x2e8: {  	[tilespmem:s17+$0x82D0] =	vst v15  }
0x2e9: {  	[tilespmem:s17+$0x82E0] =	vst v15;
	v13 =	vpop (erf)  }
0x2ea: {  	[tilespmem:s17+$0x8200] =	vst v13  }
0x2eb: {  	[tilespmem:s17+$0x8210] =	vst v13  }
0x2ec: {  	[tilespmem:s17+$0x8220] =	vst v13  }
0x2ed: {  	[tilespmem:s17+$0x8230] =	vst v13  }
0x2ee: {  	[tilespmem:s17+$0x8240] =	vst v13  }
0x2ef: {  	[tilespmem:s17+$0x8250] =	vst v13  }
0x2f0: {  	[tilespmem:s17+$0x8260] =	vst v13  }
0x2f1: {  	[tilespmem:s17+$0x8270] =	vst v13  }
0x2f2: {  	[spmem:s3] =	stream.indirect.scatter.add.f32 [tilespmem:s25], [sflag:$0x3], $0x80, s29, s30, $0xb8;
	[tilespmem:$0x1FE80] =	vst v63  }
0x2f3: {  	_ =	swait.ge [sflag:s13], $0x2000  }
0x2f4: {  	[sflag:s13] =	ssyncset.done $0x0  }
0x2f5: {  	[sflag:s13] =	ssyncadd.s32 $0xFFFFE000  }
0x2f6: {  	_ =	swait.ge [sflag:s13], $0x2000  }
0x2f7: {  	[sflag:s13] =	ssyncset.done $0x0  }
0x2f8: {  	s24 =	simm.s32 $0x0;
	[sflag:s13] =	ssyncadd.s32 $0xFFFFE000  }
0x2f9: {  	v13 =	vld [tilespmem:s24+$0x4280]  }
0x2fa: {  	v14 =	vld [tilespmem:s24+$0x6280]  }
0x2fb: {  	v15 =	vld [tilespmem:s24+$0x4290]  }
0x2fc: {  	v16 =	vld [tilespmem:s24+$0x6290]  }
0x2fd: {  	v17 =	vld [tilespmem:s24+$0x42A0]  }
0x2fe: {  	v18 =	vld [tilespmem:s24+$0x62A0]  }
0x2ff: {  	v19 =	vld [tilespmem:s24+$0x62B0];
	v13 =	vadd.f32 v14, v13  }
0x300: {  	v14 =	vld [tilespmem:s24+$0x42B0]  }
0x301: {  	v21 =	vld [tilespmem:s24+$0x62C0];
	v15 =	vadd.f32 v16, v15;
	v20 =	vmul.f32 $2.000000030e-01, v13  }
0x302: {  	v16 =	vld [tilespmem:s24+$0x42C0]  }
0x303: {  	v22 =	vld [tilespmem:s24+$0x62D0];
	v17 =	vadd.f32 v18, v17;
	v13 =	vmax.f32 v13, v20;
	v20 =	vmul.f32 $2.000000030e-01, v15  }
0x304: {  	v18 =	vld [tilespmem:s24+$0x42D0];
	v13 =	vmul.f32 v13, v5  }
0x305: {  	v23 =	vld [tilespmem:s24+$0x62E0];
	v14 =	vadd.f32 v19, v14;
	v15 =	vmax.f32 v15, v20;
	v20 =	vmul.f32 $2.000000030e-01, v17  }
0x306: {  	v19 =	vld [tilespmem:s24+$0x42E0];
	v13 =	vadd.f32 $0.0e+00, v13;
	v15 =	vmul.f32 v15, v6  }
0x307: {  	v16 =	vadd.f32 v21, v16;
	v21 =	vld [tilespmem:s24+$0x42F0];
	v17 =	vmax.f32 v17, v20;
	v20 =	vmul.f32 $2.000000030e-01, v14  }
0x308: {  	v13 =	vadd.f32 v15, v13;
	v15 =	vmul.f32 v17, v7;
	v17 =	vld [tilespmem:s24+$0x62F0]  }
0x309: {  	v18 =	vadd.f32 v22, v18;
	v14 =	vmax.f32 v14, v20;
	v20 =	vmul.f32 $2.000000030e-01, v16  }
0x30a: {  	v13 =	vadd.f32 v15, v13;
	v14 =	vmul.f32 v14, v8  }
0x30b: {  	v24 =	vld [tilespmem:s24+$0x4230];
	v19 =	vadd.f32 v23, v19;
	v16 =	vmax.f32 v16, v20;
	v20 =	vmul.f32 $2.000000030e-01, v18  }
0x30c: {  	v25 =	vld [tilespmem:s24+$0x4250];
	v13 =	vadd.f32 v14, v13;
	v14 =	vmul.f32 v16, v9  }
0x30d: {  	v44 =	vld [tilespmem:s24+$0x4270];
	v18 =	vmax.f32 v18, v20;
	v20 =	vmul.f32 $2.000000030e-01, v19;
	v17 =	vadd.f32 v17, v21  }
0x30e: {  	v22 =	vld [tilespmem:s24+$0x4200];
	v13 =	vadd.f32 v14, v13;
	v14 =	vmul.f32 v18, v10  }
0x30f: {  	v15 =	vld [tilespmem:s24+$0x6200];
	v19 =	vmax.f32 v19, v20;
	v20 =	vmul.f32 $2.000000030e-01, v17  }
0x310: {  	v23 =	vld [tilespmem:s24+$0x4210];
	v13 =	vadd.f32 v14, v13;
	v14 =	vmul.f32 v19, v11  }
0x311: {  	v16 =	vld [tilespmem:s24+$0x6210];
	v17 =	vmax.f32 v17, v20  }
0x312: {  	v21 =	vld [tilespmem:s24+$0x4220];
	v13 =	vadd.f32 v14, v13;
	v14 =	vmul.f32 v17, v12  }
0x313: {  	v18 =	vld [tilespmem:s24+$0x6220]  }
0x314: {  	v15 =	vadd.f32 v15, v22;
	v22 =	vld [tilespmem:s24+$0x4260];
	v13 =	vadd.f32 v14, v13  }
0x315: {  	v19 =	vld [tilespmem:s24+$0x6230]  }
0x316: {  	v16 =	vadd.f32 v16, v23;
	v23 =	vld [tilespmem:s24+$0x6260];
	v27 =	vmul.f32 $2.000000030e-01, v15;
	v26 =	vperm.xlane v13, v1  }
0x317: {  	v20 =	vld [tilespmem:s24+$0x4240]  }
0x318: {  	v17 =	vld [tilespmem:s24+$0x6240];
	v15 =	vmax.f32 v15, v27;
	v18 =	vadd.f32 v18, v21;
	v13 =	vadd.f32 v13, v26  }
0x319: {  	v45 =	vld [tilespmem:s24+$0x6270];
	v15 =	vmul.f32 v15, v5;
	v26 =	vmul.f32 $2.000000030e-01, v16  }
0x31a: {  	s23 =	simm.s32 $0x100;
	v14 =	vld [tilespmem:s24+$0x6250];
	v46 =	vmul.f32 $2.000000030e-01, v18;
	v19 =	vadd.f32 v19, v24;
	v21 =	vperm.xlane v13, v2  }
0x31b: {  	v49 =	vld [tilespmem:s23+$0x42A0];
	v15 =	vadd.f32 $0.0e+00, v15;
	v22 =	vadd.f32 v23, v22;
	v16 =	vmax.f32 v16, v26  }
0x31c: {  	v51 =	vld [tilespmem:s23+$0x42C0];
	v18 =	vmax.f32 v18, v46;
	v16 =	vmul.f32 v16, v6;
	v13 =	vadd.f32 v13, v21  }
0x31d: {  	v27 =	vld [tilespmem:s23+$0x4280];
	v47 =	vmul.f32 $2.000000030e-01, v19;
	v17 =	vadd.f32 v17, v20;
	v52 =	vmul.f32 $2.000000030e-01, v22  }
0x31e: {  	v26 =	vld [tilespmem:s23+$0x6280];
	v15 =	vadd.f32 v16, v15;
	v16 =	vmul.f32 v18, v7;
	v48 =	vperm.xlane v13, v3  }
0x31f: {  	v24 =	vld [tilespmem:s23+$0x6290];
	v19 =	vmax.f32 v19, v47;
	v14 =	vadd.f32 v14, v25;
	v25 =	vmul.f32 $2.000000030e-01, v17  }
0x320: {  	v21 =	vld [tilespmem:s23+$0x4290];
	v15 =	vadd.f32 v16, v15;
	v16 =	vmul.f32 v19, v8;
	v13 =	vadd.f32 v13, v48  }
0x321: {  	v55 =	vld [tilespmem:s23+$0x62F0];
	v22 =	vmax.f32 v22, v52;
	v50 =	vmul.f32 $2.000000030e-01, v14;
	v17 =	vmax.f32 v17, v25  }
0x322: {  	v17 =	vmul.f32 v17, v9;
	v18 =	vld [tilespmem:s23+$0x62A0];
	v15 =	vadd.f32 v16, v15;
	v31 =	vperm.xlane v13, v4  }
0x323: {  	v20 =	vld [tilespmem:s23+$0x42B0];
	v25 =	vadd.f32 v45, v44;
	v14 =	vmax.f32 v14, v50;
	v26 =	vadd.f32 v26, v27  }
0x324: {  	v14 =	vmul.f32 v14, v10;
	v19 =	vld [tilespmem:s23+$0x62B0];
	v15 =	vadd.f32 v17, v15;
	v13 =	vadd.f32 v13, v31  }
0x325: {  	v58 =	vld [tilespmem:s23+$0x6210];
	v22 =	vmul.f32 v22, v11;
	v53 =	vmul.f32 $2.000000030e-01, v26;
	v21 =	vadd.f32 v24, v21  }
0x326: {  	v16 =	vld [tilespmem:s23+$0x62C0];
	v14 =	vadd.f32 v14, v15;
	v15 =	vmul.f32 $2.000000030e-01, v25;
	v13 =	vmul.f32 $1.442695020e+00, v13  }
0x327: {  	v23 =	vld [tilespmem:s23+$0x42D0];
	v18 =	vadd.f32 v18, v49;
	v26 =	vmax.f32 v26, v53;
	v54 =	vmul.f32 $2.000000030e-01, v21  }
0x328: {  	v27 =	vld [tilespmem:s23+$0x62D0];
	v15 =	vmax.f32 v25, v15;
	v25 =	vmul.f32 v26, v5;
	(erf) = vpow2.f32 v13  }
0x329: {  	v24 =	vld [tilespmem:s23+$0x62E0];
	v56 =	vmul.f32 $2.000000030e-01, v18;
	v19 =	vadd.f32 v19, v20;
	v21 =	vmax.f32 v21, v54  }
0x32a: {  	v17 =	vld [tilespmem:s23+$0x42E0];
	v21 =	vmul.f32 v21, v6;
	v14 =	vadd.f32 v22, v14;
	v22 =	vadd.f32 $0.0e+00, v25  }
0x32b: {  	v20 =	vld [tilespmem:s23+$0x6200];
	v18 =	vmax.f32 v18, v56;
	v57 =	vmul.f32 $2.000000030e-01, v19;
	v16 =	vadd.f32 v16, v51  }
0x32c: {  	v18 =	vmul.f32 v18, v7;
	v13 =	vld [tilespmem:s23+$0x42F0];
	v15 =	vmul.f32 v15, v12;
	v21 =	vadd.f32 v21, v22  }
0x32d: {  	v23 =	vadd.f32 v27, v23;
	v26 =	vld [tilespmem:s23+$0x4200];
	v19 =	vmax.f32 v19, v57;
	v59 =	vmul.f32 $2.000000030e-01, v16  }
0x32e: {  	v25 =	vld [tilespmem:s23+$0x4210];
	v14 =	vadd.f32 v15, v14;
	v15 =	vadd.f32 v18, v21;
	v18 =	vmul.f32 v19, v8  }
0x32f: {  	v60 =	vld [tilespmem:s23+$0x6230];
	v17 =	vadd.f32 v24, v17;
	v16 =	vmax.f32 v16, v59;
	v21 =	vmul.f32 $2.000000030e-01, v23  }
0x330: {  	v27 =	vld [tilespmem:s23+$0x6220];
	v16 =	vmul.f32 v16, v9;
	v15 =	vadd.f32 v18, v15;
	v18 =	vperm.xlane v14, v1  }
0x331: {  	v22 =	vld [tilespmem:s23+$0x4220];
	v13 =	vadd.f32 v55, v13;
	v21 =	vmax.f32 v23, v21;
	v23 =	vmul.f32 $2.000000030e-01, v17;
	v24 =	vpop (erf)  }
0x332: {  	v19 =	vld [tilespmem:s23+$0x4230];
	v14 =	vadd.f32 v14, v18;
	v15 =	vadd.f32 v16, v15;
	v16 =	vmul.f32 v21, v10;
	[tilespmem:s24+$0xA2F0] =	vst v24  }
0x333: {  	v20 =	vadd.f32 v20, v26;
	v25 =	vadd.f32 v58, v25;
	v21 =	vmul.f32 $2.000000030e-01, v13;
	v61 =	vld [tilespmem:s23+$0x4240]  }
0x334: {  	v17 =	vmax.f32 v17, v23;
	v18 =	vld [tilespmem:s23+$0x6240];
	v26 =	vperm.xlane v14, v2;
	v15 =	vadd.f32 v16, v15  }
0x335: {  	v23 =	vld [tilespmem:s23+$0x4250];
	v16 =	vmul.f32 v17, v11;
	v13 =	vmax.f32 v13, v21;
	v21 =	vmul.f32 $2.000000030e-01, v20  }
0x336: {  	v17 =	vld [tilespmem:s23+$0x6250];
	v13 =	vmul.f32 v13, v12;
	v26 =	vadd.f32 v14, v26  }
0x337: {  	v14 =	vadd.f32 v16, v15;
	v15 =	vmax.f32 v20, v21;
	v16 =	vmul.f32 $2.000000030e-01, v25  }
0x338: {  	v19 =	vadd.f32 v60, v19;
	v20 =	vadd.f32 v27, v22;
	v15 =	vmul.f32 v15, v5  }
0x339: {  	[tilespmem:s24+$0xA280] =	vst v24;
	v21 =	vadd.f32 v13, v14;
	v13 =	vperm.xlane v26, v3;
	v14 =	vmax.f32 v25, v16  }
0x33a: {  	v62 =	vld [tilespmem:s23+$0x4260];
	[tilespmem:s24+$0xA290] =	vst v24;
	v16 =	vmul.f32 $2.000000030e-01, v20;
	v15 =	vadd.f32 $0.0e+00, v15;
	v22 =	vmul.f32 v14, v6  }
0x33b: {  	v27 =	vld [tilespmem:s23+$0x6260];
	[tilespmem:s24+$0xA2A0] =	vst v24;
	v63 =	vadd.f32 v18, v61;
	v18 =	vadd.f32 v17, v23;
	v25 =	vperm.xlane v21, v1  }
0x33c: {  	v14 =	vld [tilespmem:s23+$0x4270];
	[tilespmem:s24+$0xA2B0] =	vst v24;
	v13 =	vadd.f32 v26, v13;
	v20 =	vmax.f32 v20, v16;
	v26 =	vmul.f32 $2.000000030e-01, v19  }
0x33d: {  	v16 =	vld [tilespmem:s23+$0x6270];
	[tilespmem:s24+$0xA2C0] =	vst v24;
	v22 =	vadd.f32 v22, v15;
	v20 =	vmul.f32 v20, v7;
	v21 =	vadd.f32 v21, v25  }
0x33e: {  	[tilespmem:s24+$0xA2D0] =	vst v24;
	v23 =	vmul.f32 $2.000000030e-01, v18;
	v19 =	vmax.f32 v19, v26;
	v26 =	vmul.f32 $2.000000030e-01, v63  }
0x33f: {  	s17 =	simm.s32 $0x200;
	[tilespmem:s24+$0xA2E0] =	vst v24;
	v20 =	vadd.f32 v20, v22;
	v22 =	vmul.f32 v19, v8;
	v25 =	vperm.xlane v21, v2  }
0x340: {  	s9 =	simm.s32 $0xC00;
	v17 =	vld [tilespmem:s17+$0x4280];
	v15 =	vperm.xlane v13, v4;
	v19 =	vadd.f32 v27, v62;
	v24 =	vmax.f32 v63, v26  }
.LBB2_13:
0x341: {  	p1 =	sne.s32 s9, $0x7C00;
	v26 =	vld [tilespmem:s17+$0x6280];
	v20 =	vadd.f32 v22, v20;
	v22 =	vmul.f32 v24, v9;
	v21 =	vadd.f32 v21, v25  }
0x342: {  	v24 =	vld [tilespmem:s17+$0x4290];
	v18 =	vmax.f32 v18, v23;
	v23 =	vmul.f32 $2.000000030e-01, v19;
	v14 =	vadd.f32 v16, v14  }
0x343: {  	v16 =	vld [tilespmem:s17+$0x6290];
	v20 =	vadd.f32 v22, v20;
	v18 =	vmul.f32 v18, v10;
	v22 =	vperm.xlane v21, v3  }
0x344: {  	v13 =	vadd.f32 v13, v15;
	v25 =	vld [tilespmem:s17+$0x42A0];
	v19 =	vmax.f32 v19, v23;
	v23 =	vmul.f32 $2.000000030e-01, v14  }
0x345: {  	v15 =	vld [tilespmem:s17+$0x62A0];
	v18 =	vadd.f32 v18, v20;
	v19 =	vmul.f32 v19, v11;
	v20 =	vadd.f32 v21, v22  }
0x346: {  	v13 =	vmul.f32 $1.442695020e+00, v13;
	v17 =	vadd.f32 v26, v17;
	v21 =	vld [tilespmem:s17+$0x42B0];
	v14 =	vmax.f32 v14, v23  }
0x347: {  	v22 =	vld [tilespmem:s17+$0x62B0];
	v18 =	vadd.f32 v19, v18;
	v14 =	vmul.f32 v14, v12;
	v19 =	vperm.xlane v20, v4  }
0x348: {  	v23 =	vmul.f32 $2.000000030e-01, v17;
	v16 =	vadd.f32 v16, v24;
	v24 =	vld [tilespmem:s17+$0x42C0];
	(erf) = vpow2.f32 v13  }
0x349: {  	v13 =	vld [tilespmem:s17+$0x62C0];
	v14 =	vadd.f32 v14, v18;
	v18 =	vadd.f32 v20, v19  }
0x34a: {  	v17 =	vmax.f32 v17, v23;
	v19 =	vmul.f32 $2.000000030e-01, v16;
	v15 =	vadd.f32 v15, v25;
	v20 =	vld [tilespmem:s17+$0x42D0]  }
0x34b: {  	v17 =	vmul.f32 v17, v5;
	v23 =	vld [tilespmem:s17+$0x62D0];
	v18 =	vmul.f32 $1.442695020e+00, v18  }
0x34c: {  	v16 =	vmax.f32 v16, v19;
	v19 =	vmul.f32 $2.000000030e-01, v15;
	v21 =	vadd.f32 v22, v21;
	v22 =	vld [tilespmem:s17+$0x42E0]  }
0x34d: {  	v17 =	vadd.f32 $0.0e+00, v17;
	v16 =	vmul.f32 v16, v6;
	v25 =	vld [tilespmem:s17+$0x62E0];
	(erf) = vpow2.f32 v18  }
0x34e: {  	v15 =	vmax.f32 v15, v19;
	v28 =	vmul.f32 $2.000000030e-01, v21;
	v13 =	vadd.f32 v13, v24;
	v19 =	vld [tilespmem:s17+$0x42F0]  }
0x34f: {  	v24 =	vperm.xlane v14, v1;
	v16 =	vadd.f32 v16, v17;
	v15 =	vmul.f32 v15, v7;
	v17 =	vld [tilespmem:s17+$0x62F0]  }
0x350: {  	v26 =	vld [tilespmem:s17+$0x4200];
	v27 =	vmax.f32 v21, v28;
	v21 =	vmul.f32 $2.000000030e-01, v13;
	v20 =	vadd.f32 v23, v20  }
0x351: {  	v14 =	vadd.f32 v14, v24;
	v23 =	vld [tilespmem:s17+$0x6200];
	v15 =	vadd.f32 v15, v16;
	v16 =	vmul.f32 v27, v8;
	v18 =	vpop (erf)  }
0x352: {  	v24 =	vld [tilespmem:s17+$0x4210];
	v13 =	vmax.f32 v13, v21;
	v21 =	vmul.f32 $2.000000030e-01, v20;
	v22 =	vadd.f32 v25, v22;
	[tilespmem:s24+$0xA200] =	vst v18  }
0x353: {  	v25 =	vld [tilespmem:s17+$0x6210];
	v15 =	vadd.f32 v16, v15;
	v13 =	vmul.f32 v13, v9;
	v16 =	vperm.xlane v14, v2;
	[tilespmem:s24+$0xA210] =	vst v18  }
0x354: {  	v27 =	vld [tilespmem:s17+$0x4220];
	v20 =	vmax.f32 v20, v21;
	v21 =	vmul.f32 $2.000000030e-01, v22;
	v17 =	vadd.f32 v17, v19;
	[tilespmem:s24+$0xA220] =	vst v18  }
0x355: {  	v19 =	vld [tilespmem:s17+$0x6220];
	v13 =	vadd.f32 v13, v15;
	v15 =	vmul.f32 v20, v10;
	v14 =	vadd.f32 v14, v16;
	[tilespmem:s24+$0xA230] =	vst v18  }
0x356: {  	v16 =	vadd.f32 v23, v26;
	v20 =	vld [tilespmem:s17+$0x4230];
	v21 =	vmax.f32 v22, v21;
	v22 =	vmul.f32 $2.000000030e-01, v17;
	v23 =	vpop (erf);
	[tilespmem:s24+$0xA240] =	vst v18  }
0x357: {  	v26 =	vld [tilespmem:s17+$0x6230];
	v13 =	vadd.f32 v15, v13;
	v15 =	vmul.f32 v21, v11;
	v21 =	vperm.xlane v14, v3;
	[tilespmem:s23+$0xA2F0] =	vst v23  }
0x358: {  	v28 =	vmul.f32 $2.000000030e-01, v16;
	v24 =	vadd.f32 v25, v24;
	v25 =	vld [tilespmem:s17+$0x4240];
	v17 =	vmax.f32 v17, v22;
	[tilespmem:s24+$0xA250] =	vst v18  }
0x359: {  	v22 =	vld [tilespmem:s17+$0x6240];
	v15 =	vadd.f32 v15, v13;
	v17 =	vmul.f32 v17, v12;
	v13 =	vadd.f32 v14, v21;
	[tilespmem:s24+$0xA260] =	vst v18  }
0x35a: {  	v14 =	vmax.f32 v16, v28;
	v16 =	vmul.f32 $2.000000030e-01, v24;
	v19 =	vadd.f32 v19, v27;
	v27 =	vld [tilespmem:s17+$0x4250];
	[tilespmem:s24+$0xA270] =	vst v18;
	s24 =	smov.u32 s23;
	s23 =	smov.u32 s17  }
0x35b: {  	v14 =	vmul.f32 v14, v5;
	v18 =	vld [tilespmem:s23+$0x6250];
	v17 =	vadd.f32 v17, v15;
	v15 =	vperm.xlane v13, v4;
	[tilespmem:s24+$0xA280] =	vst v23  }
0x35c: {  	v16 =	vmax.f32 v24, v16;
	v21 =	vmul.f32 $2.000000030e-01, v19;
	v20 =	vadd.f32 v26, v20;
	v26 =	vld [tilespmem:s23+$0x4260];
	[tilespmem:s24+$0xA290] =	vst v23  }
0x35d: {  	v24 =	vadd.f32 $0.0e+00, v14;
	v16 =	vmul.f32 v16, v6;
	v28 =	vld [tilespmem:s23+$0x6260];
	v29 =	vperm.xlane v17, v1;
	[tilespmem:s24+$0xA2A0] =	vst v23  }
.Ltmp8:
0x35e: {  	v19 =	vmax.f32 v19, v21;
	v30 =	vmul.f32 $2.000000030e-01, v20;
	v31 =	vadd.f32 v22, v25;
	v14 =	vld [tilespmem:s23+$0x4270];
	[tilespmem:s24+$0xA2B0] =	vst v23;
	(pc) =	sbr.rel @p1 .LBB2_13-.Ltmp8, $4  }
0x35f: {  	v22 =	vadd.f32 v16, v24;
	v19 =	vmul.f32 v19, v7;
	v16 =	vld [tilespmem:s23+$0x6270];
	v21 =	vadd.f32 v17, v29;
	[tilespmem:s24+$0xA2C0] =	vst v23  }
0x360: {  	v17 =	vmax.f32 v20, v30;
	v24 =	vmul.f32 $2.000000030e-01, v31;
	v18 =	vadd.f32 v18, v27;
	[tilespmem:s24+$0xA2D0] =	vst v23  }
0x361: {  	s17 =	sshra.s32 s9, $0x2;
	v20 =	vadd.f32 v19, v22;
	v22 =	vmul.f32 v17, v8;
	v25 =	vperm.xlane v21, v2;
	[tilespmem:s24+$0xA2E0] =	vst v23  }
0x362: {  	s9 =	sadd.s32 $0x400, s9;
	v17 =	vld [tilespmem:s17+$0x4280];
	v24 =	vmax.f32 v31, v24;
	v23 =	vmul.f32 $2.000000030e-01, v18;
	v19 =	vadd.f32 v28, v26  }
0x363: {  	v26 =	vld [tilespmem:s17+$0x6280]  }
0x364: {  	v27 =	vld [tilespmem:s17+$0x4290]  }
0x365: {  	v28 =	vld [tilespmem:s17+$0x6290];
	v21 =	vadd.f32 v21, v25  }
0x366: {  	v29 =	vld [tilespmem:s17+$0x42A0]  }
0x367: {  	v13 =	vadd.f32 v13, v15;
	v15 =	vld [tilespmem:s17+$0x62A0];
	v32 =	vperm.xlane v21, v3  }
0x368: {  	v30 =	vld [tilespmem:s17+$0x42B0];
	v20 =	vadd.f32 v22, v20;
	v24 =	vmul.f32 v24, v9;
	v14 =	vadd.f32 v16, v14  }
0x369: {  	v62 =	vld [tilespmem:s17+$0x62B0];
	v18 =	vmax.f32 v18, v23;
	v41 =	vmul.f32 $2.000000030e-01, v19;
	v21 =	vadd.f32 v21, v32  }
0x36a: {  	v33 =	vld [tilespmem:s17+$0x42D0];
	v13 =	vmul.f32 $1.442695020e+00, v13;
	v18 =	vmul.f32 v18, v10  }
0x36b: {  	v63 =	vld [tilespmem:s17+$0x62D0];
	v16 =	vadd.f32 v24, v20;
	v43 =	vmul.f32 $2.000000030e-01, v14;
	v35 =	vperm.xlane v21, v4  }
0x36c: {  	v19 =	vmax.f32 v19, v41;
	(erf) = vpow2.f32 v13;
	v17 =	vadd.f32 v26, v17  }
0x36d: {  	v31 =	vld [tilespmem:s17+$0x42C0];
	v16 =	vadd.f32 v18, v16;
	v47 =	vmul.f32 v19, v11;
	v21 =	vadd.f32 v21, v35  }
0x36e: {  	v34 =	vld [tilespmem:s17+$0x42E0];
	v45 =	vadd.f32 v28, v27;
	v14 =	vmax.f32 v14, v43;
	v44 =	vmul.f32 $2.000000030e-01, v17  }
0x36f: {  	v13 =	vld [tilespmem:s17+$0x62C0];
	v15 =	vadd.f32 v15, v29;
	v52 =	vadd.f32 v62, v30;
	v21 =	vmul.f32 $1.442695020e+00, v21  }
0x370: {  	v36 =	vld [tilespmem:s17+$0x62E0];
	v57 =	vadd.f32 v63, v33;
	v48 =	vmul.f32 $2.000000030e-01, v45;
	v17 =	vmax.f32 v17, v44  }
0x371: {  	v16 =	vadd.f32 v47, v16;
	v17 =	vmul.f32 v17, v5;
	(erf) = vpow2.f32 v21  }
0x372: {  	v37 =	vld [tilespmem:s17+$0x42F0];
	v14 =	vmul.f32 v14, v12;
	v51 =	vmul.f32 $2.000000030e-01, v15;
	v50 =	vmax.f32 v45, v48  }
0x373: {  	v38 =	vld [tilespmem:s17+$0x4200];
	v54 =	vmul.f32 $2.000000030e-01, v52;
	v18 =	vmul.f32 v50, v6;
	v17 =	vadd.f32 $0.0e+00, v17  }
0x374: {  	v35 =	vld [tilespmem:s17+$0x62F0];
	v14 =	vadd.f32 v14, v16;
	v15 =	vmax.f32 v15, v51;
	v13 =	vadd.f32 v13, v31  }
0x375: {  	v39 =	vld [tilespmem:s17+$0x6200];
	v62 =	vadd.f32 v36, v34;
	v15 =	vmul.f32 v15, v7;
	v22 =	vpop (erf);
	v17 =	vadd.f32 v18, v17  }
0x376: {  	v40 =	vld [tilespmem:s17+$0x4210];
	v16 =	vmax.f32 v52, v54;
	v56 =	vperm.xlane v14, v1;
	v59 =	vmul.f32 $2.000000030e-01, v13;
	[tilespmem:s24+$0xA200] =	vst v22  }
0x377: {  	v60 =	vmul.f32 $2.000000030e-01, v57;
	v16 =	vmul.f32 v16, v8;
	v42 =	vld [tilespmem:s17+$0x6210];
	[tilespmem:s24+$0xA210] =	vst v22;
	v15 =	vadd.f32 v15, v17  }
0x378: {  	v36 =	vmul.f32 $2.000000030e-01, v62;
	v14 =	vadd.f32 v14, v56;
	v13 =	vmax.f32 v13, v59;
	v46 =	vld [tilespmem:s17+$0x4220];
	[tilespmem:s24+$0xA220] =	vst v22  }
0x379: {  	v34 =	vadd.f32 v35, v37;
	v13 =	vmul.f32 v13, v9;
	v49 =	vld [tilespmem:s17+$0x6220];
	[tilespmem:s24+$0xA230] =	vst v22;
	v15 =	vadd.f32 v16, v15  }
0x37a: {  	v35 =	vadd.f32 v39, v38;
	v38 =	vmax.f32 v62, v36;
	v17 =	vmax.f32 v57, v60;
	v53 =	vld [tilespmem:s17+$0x4230];
	[tilespmem:s24+$0xA240] =	vst v22;
	v19 =	vpop (erf)  }
0x37b: {  	v63 =	vperm.xlane v14, v2;
	v55 =	vld [tilespmem:s17+$0x6230];
	v13 =	vadd.f32 v13, v15;
	v15 =	vmul.f32 v17, v10;
	[tilespmem:s23+$0xA2F0] =	vst v19  }
0x37c: {  	v39 =	vmul.f32 $2.000000030e-01, v35;
	v41 =	vmul.f32 $2.000000030e-01, v34;
	v23 =	vadd.f32 v42, v40;
	v58 =	vld [tilespmem:s17+$0x4240];
	[tilespmem:s24+$0xA250] =	vst v22  }
0x37d: {  	v14 =	vadd.f32 v14, v63;
	v13 =	vadd.f32 v15, v13;
	v15 =	vmul.f32 v38, v11;
	v61 =	vld [tilespmem:s17+$0x6240];
	[tilespmem:s24+$0xA260] =	vst v22  }
0x37e: {  	v20 =	vadd.f32 v49, v46;
	v43 =	vmul.f32 $2.000000030e-01, v23;
	v33 =	vld [tilespmem:s17+$0x4250];
	[tilespmem:s24+$0xA270] =	vst v22;
	v22 =	vmax.f32 v35, v39  }
0x37f: {  	v28 =	vmax.f32 v34, v41;
	v13 =	vadd.f32 v15, v13;
	v37 =	vld [tilespmem:s17+$0x6250];
	[tilespmem:s23+$0xA280] =	vst v19;
	v15 =	vmul.f32 v22, v5  }
0x380: {  	v23 =	vmax.f32 v23, v43;
	v45 =	vmul.f32 $2.000000030e-01, v20;
	v24 =	vadd.f32 v55, v53;
	v42 =	vld [tilespmem:s17+$0x4260];
	[tilespmem:s23+$0xA290] =	vst v19  }
0x381: {  	v46 =	vmul.f32 v28, v12;
	v23 =	vmul.f32 v23, v6;
	v44 =	vld [tilespmem:s17+$0x6260];
	[tilespmem:s23+$0xA2A0] =	vst v19;
	v15 =	vadd.f32 $0.0e+00, v15  }
0x382: {  	v20 =	vmax.f32 v20, v45;
	v48 =	vmul.f32 $2.000000030e-01, v24;
	v47 =	vld [tilespmem:s17+$0x4270];
	v18 =	vadd.f32 v61, v58;
	[tilespmem:s23+$0xA2B0] =	vst v19  }
0x383: {  	v13 =	vadd.f32 v46, v13;
	v20 =	vmul.f32 v20, v7;
	v15 =	vadd.f32 v23, v15;
	v49 =	vld [tilespmem:s17+$0x6270]  }
0x384: {  	v24 =	vmax.f32 v24, v48;
	v50 =	vmul.f32 $2.000000030e-01, v18;
	v16 =	vadd.f32 v37, v33  }
0x385: {  	v51 =	vperm.xlane v13, v1;
	v52 =	vmul.f32 v24, v8;
	v15 =	vadd.f32 v20, v15  }
0x386: {  	v18 =	vmax.f32 v18, v50;
	v53 =	vmul.f32 $2.000000030e-01, v16;
	v17 =	vadd.f32 v44, v42  }
0x387: {  	v13 =	vadd.f32 v13, v51;
	v15 =	vadd.f32 v52, v15;
	v18 =	vmul.f32 v18, v9  }
0x388: {  	v16 =	vmax.f32 v16, v53;
	v54 =	vmul.f32 $2.000000030e-01, v17;
	v55 =	vadd.f32 v49, v47  }
0x389: {  	v56 =	vperm.xlane v14, v3;
	v15 =	vadd.f32 v18, v15;
	v16 =	vmul.f32 v16, v10  }
0x38a: {  	v57 =	vperm.xlane v13, v2;
	v17 =	vmax.f32 v17, v54;
	v58 =	vmul.f32 $2.000000030e-01, v55  }
0x38b: {  	v14 =	vadd.f32 v14, v56;
	v15 =	vadd.f32 v16, v15;
	v59 =	vmul.f32 v17, v11  }
0x38c: {  	v13 =	vadd.f32 v13, v57;
	v60 =	vmax.f32 v55, v58  }
0x38d: {  	v61 =	vperm.xlane v14, v4;
	v15 =	vadd.f32 v59, v15;
	v62 =	vmul.f32 v60, v12  }
0x38e: {  	v63 =	vperm.xlane v13, v3  }
0x38f: {  	v14 =	vadd.f32 v14, v61;
	v15 =	vadd.f32 v62, v15  }
0x390: {  	v13 =	vadd.f32 v13, v63  }
0x391: {  	v14 =	vmul.f32 $1.442695020e+00, v14;
	v16 =	vperm.xlane v15, v1  }
0x392: {  	v17 =	vperm.xlane v13, v4  }
0x393: {  	(erf) = vpow2.f32 v14;
	v14 =	vadd.f32 v15, v16  }
0x394: {  	v13 =	vadd.f32 v13, v17  }
0x395: {  	v15 =	vperm.xlane v14, v2  }
0x396: {  	v13 =	vmul.f32 $1.442695020e+00, v13  }
0x397: {  	v14 =	vadd.f32 v14, v15  }
0x398: {  	(erf) = vpow2.f32 v13  }
0x399: {  	v13 =	vperm.xlane v14, v3  }
0x39a: {  	[tilespmem:s23+$0xA2C0] =	vst v19  }
0x39b: {  	[tilespmem:s23+$0xA2D0] =	vst v19;
	v13 =	vadd.f32 v14, v13  }
0x39c: {  	[tilespmem:s23+$0xA2E0] =	vst v19;
	v14 =	vpop (erf)  }
0x39d: {  	[tilespmem:s23+$0xA200] =	vst v14;
	v15 =	vperm.xlane v13, v4  }
0x39e: {  	[tilespmem:s23+$0xA210] =	vst v14  }
0x39f: {  	[tilespmem:s23+$0xA220] =	vst v14;
	v13 =	vadd.f32 v13, v15  }
0x3a0: {  	[tilespmem:s23+$0xA230] =	vst v14  }
0x3a1: {  	[tilespmem:s23+$0xA240] =	vst v14;
	v15 =	vpop (erf);
	v13 =	vmul.f32 $1.442695020e+00, v13  }
0x3a2: {  	[tilespmem:s17+$0xA2F0] =	vst v15  }
0x3a3: {  	[tilespmem:s23+$0xA250] =	vst v14;
	(erf) = vpow2.f32 v13  }
0x3a4: {  	[tilespmem:s23+$0xA260] =	vst v14  }
0x3a5: {  	[tilespmem:s23+$0xA270] =	vst v14  }
0x3a6: {  	[tilespmem:s17+$0xA280] =	vst v15  }
0x3a7: {  	[tilespmem:s17+$0xA290] =	vst v15  }
0x3a8: {  	[tilespmem:s17+$0xA2A0] =	vst v15  }
0x3a9: {  	[tilespmem:s17+$0xA2B0] =	vst v15  }
0x3aa: {  	[tilespmem:s17+$0xA2C0] =	vst v15  }
0x3ab: {  	[tilespmem:s17+$0xA2D0] =	vst v15  }
0x3ac: {  	[tilespmem:s17+$0xA2E0] =	vst v15;
	v13 =	vpop (erf)  }
0x3ad: {  	[tilespmem:s17+$0xA200] =	vst v13  }
0x3ae: {  	[tilespmem:s17+$0xA210] =	vst v13  }
0x3af: {  	[tilespmem:s17+$0xA220] =	vst v13  }
0x3b0: {  	[tilespmem:s17+$0xA230] =	vst v13  }
0x3b1: {  	[tilespmem:s17+$0xA240] =	vst v13  }
0x3b2: {  	[tilespmem:s17+$0xA250] =	vst v13  }
0x3b3: {  	[tilespmem:s17+$0xA260] =	vst v13  }
0x3b4: {  	[tilespmem:s17+$0xA270] =	vst v13  }
.LBB2_15:
0x3b5: {  	p1 =	seq.s32 s20, $0xA1  }
.Ltmp9:
0x3b6: {  	_ = 	snop;
	(pc) =	sbr.rel @p1 .LBB2_17-.Ltmp9, $4  }
0x3b7: {  	[spmem:s3] =	stream.indirect.scatter.add.f32 [tilespmem:s14], [sflag:$0x4], $0x80, s28, s30, $0xb8;
	[tilespmem:$0x1FE80] =	vst v63  }
0x3b8: {  	_ =	swait.ge [sflag:s16], $0x2000  }
0x3b9: {  	[sflag:s16] =	ssyncset.done $0x0  }
0x3ba: {  	[sflag:s16] =	ssyncadd.s32 $0xFFFFE000  }
0x3bb: {  	s9 =	sadd.s32 s21, s22  }
0x3bc: {  	s17 =	sshrl.u32 s9, $0x2  }
0x3bd: {  	s17 =	sadd.s32 s7, s17  }
0x3be: {  	[tilespmem:s4], [sflag:$0x5] =	stream.linear.gather [hbm4b:s17+s4], $0x80, $0x38;
	[tilespmem:$0x1FE80] =	vst v63  }
0x3bf: {  	_ =	swait.ge [sflag:s26], $0x80  }
0x3c0: {  	s9 =	sshrl.u32 s9, $0x3;
	[sflag:s26] =	ssyncset.done $0x0  }
0x3c1: {  	s9 =	sadd.s32 s8, s9;
	[sflag:s26] =	ssyncadd.s32 $0xFFFFFF80  }
0x3c2: {  	[tilespmem:s29], [sflag:$0x5] =	stream.linear.gather [hbm4b:s9+s4], $0x40, $0x38;
	[tilespmem:$0x1FE80] =	vst v63  }
0x3c3: {  	_ =	swait.ge [sflag:s26], $0x40  }
.Ltmp10:
0x3c4: {  	[sflag:s26] =	ssyncset.done $0x0;
	(pc) =	sbr.rel .LBB2_4-.Ltmp10, $4  }
0x3c5: {  	[sflag:s26] =	ssyncadd.s32 $0xFFFFFFC0  }
0x3c6: {  	[tilespmem:s31], [sflag:$0x1] =	stream.indirect.gather [hbm4b:s5+s30], $0x80, s4, s30, $0xb8;
	[tilespmem:$0x1FE80] =	vst v63  }
0x3c7: {  	s20 =	sadd.s32 $0x1, s20  }
0x3c8: {  	[tilespmem:s0], [sflag:$0x1] =	stream.indirect.gather [hbm4b:s6+s30], $0x80, s30, s30, $0xb8;
	[tilespmem:$0x1FE80] =	vst v63  }
.LBB2_18:
0x3c9: {  	_ =	sfence.sel $0x180000  }
0x3ca: {  	[bflag:$0x0] =	sbarrier.arrive $0xFFFF  }
0x3cb: {  	_ =	strace $0x90000047  }
0x3cc: {  	s0 =	stileid.u32;
	[bflag:$0x2] =	sbarrier.arrive $0xFFFF  }
0x3cd: {  	p0 =	sne.s32 s0, $0x0;
	s0 =	rddreg [dreg:$0x3]  }
0x3ce: {  	s0 =	sadd.s32 @!p0 $0x100000, s0  }
0x3cf: {  	[sflag:s0] =	ssyncadd.tile.s32 @!p0 $0x1;
	_ =	shalt  }
.Lfunc_end2:
_tile_overlayer_lowered:
.L_overlay_start_2:
0x3d0: {  	(tag) =	ssettag $0x2  }
0x3d1: {  	s0 =	rddreg [dreg:$0x0];
	s2 =	stileid.u32  }
0x3d2: {  	s1 =	rddreg [dreg:$0x1];
	p0 =	sne.s32 s2, $0x0  }
0x3d3: {  	s3 =	rddreg [dreg:$0x2];
	[bflag:$0x3] =	sbarrier.arrive $0xFFFF;
	s2 =	simm.s32 @!p0 $0x1C05  }
0x3d4: {  	[timem:s3], [sflag:s2] =	dma.local @!p0 [hbm:s0], s1  }
0x3d5: {  	s0 =	simm.s32 @!p0 $0x5  }
0x3d6: {  	_ =	swait.ge @!p0 [sflag:s0], s1  }
0x3d7: {  	s1 =	ssub.s32 @!p0 $0x0, s1;
	[sflag:s0] =	ssyncset.done @!p0 $0x0  }
0x3d8: {  	[sflag:s0] =	ssyncadd.s32 @!p0 s1  }
0x3d9: {  	[bflag:$0x3] =	sbarrier.arrive $0xFFFF  }
0x3da: {  	_ =	shalt  }

</sc_bundles>
